<compile_context>
chip_gen: v7x
topology: tpu7x:2x2x1
jax: 0.10.2.dev20260603
libtpu: 0.0.44.dev20260713+nightly
codegen_flags: <defaults>
</compile_context>

<pallas_src>
import functools

import jax
import jax.numpy as jnp
from jax import lax
from jax.experimental import pallas as pl
from jax.experimental.pallas import tpu as pltpu
from jax.experimental.pallas import tpu_sc as plsc

_NUM_WORKERS = 32
_TABLE_SIZE = 65536
_LANES = 16
_COLS = 224


@functools.lru_cache(maxsize=None)
def _build_sc_kernel(m: int, rows: int):
    per_w = m // _NUM_WORKERS
    n_chunks = per_w // rows
    n_quads = n_chunks // 4
    vregs_per_row = _COLS // _LANES
    mesh = plsc.VectorSubcoreMesh(core_axis_name="c", subcore_axis_name="s")

    @functools.partial(
        pl.kernel,
        mesh=mesh,
        out_type=jax.ShapeDtypeStruct((m, _COLS), jnp.float32),
        scratch_types=[
            pltpu.VMEM((_TABLE_SIZE,), jnp.float32),
            [pltpu.VMEM((rows, _COLS), jnp.float32)] * 4,
            [pltpu.VMEM((rows, _COLS), jnp.float32)] * 4,
            [pltpu.SemaphoreType.DMA] * 4,
            [pltpu.SemaphoreType.DMA] * 4,
        ],
        compiler_params=pltpu.CompilerParams(
            needs_layout_passes=False, use_tc_tiling_on_sc=True),
    )
    def lut_kernel(x_hbm, tab_hbm, out_hbm, tab_v, xb, yb, si, so):
        wid = lax.axis_index("s") * 2 + lax.axis_index("c")
        base = wid * per_w
        pltpu.sync_copy(tab_hbm, tab_v)

        def in_copy(j, buf, sem):
            return pltpu.make_async_copy(
                x_hbm.at[pl.ds(base + j * rows, rows), :], buf, sem)

        def out_copy(j, buf, sem):
            return pltpu.make_async_copy(
                buf, out_hbm.at[pl.ds(base + j * rows, rows), :], sem)

        def compute(xv_ref, yv_ref):
            @plsc.parallel_loop(0, rows, step=1, unroll=2)
            def _(r):
                for c in range(vregs_per_row):
                    xv = xv_ref[r, pl.ds(c * _LANES, _LANES)]
                    t = jnp.minimum(jnp.maximum(xv * 4096.0, -32768.0), 32767.0)
                    idx = t.astype(jnp.int32) + 32768
                    yv_ref[r, pl.ds(c * _LANES, _LANES)] = plsc.load_gather(
                        tab_v, [idx])

        for b in range(3):
            in_copy(b, xb[b], si[b]).start()

        def body(jj, carry):
            for b in range(4):
                j = 4 * jj + b

                @pl.when(j + 3 < n_chunks)
                def _():
                    in_copy(j + 3, xb[(b + 3) % 4], si[(b + 3) % 4]).start()

                in_copy(j, xb[b], si[b]).wait()

                @pl.when(jj > 0)
                def _():
                    out_copy(j - 4, yb[b], so[b]).wait()

                compute(xb[b], yb[b])
                out_copy(j, yb[b], so[b]).start()
            return carry

        lax.fori_loop(0, n_quads, body, 0)
        for b in range(4):
            out_copy(n_chunks - 4 + b, yb[b], so[b]).wait()

    return lut_kernel


def kernel(x, table):
    tab_q = jnp.clip(jnp.round(table * 128.0), -128.0, 127.0) * (1.0 / 128.0)
    b, ch, h, w = x.shape
    m = b * ch * h
    x2 = x.reshape(m, w)
    out = _build_sc_kernel(m, 32)(x2, tab_q)
    return out.reshape(x.shape)

# --- scband reference (transcript-rebuilt; emitter-appended) ---
"""Pipeline reference for scband-quantized-sigmoid-12970801234620 (READ-ONLY COPY).

The authoritative reference and input builder live on the scoring server;
editing this copy changes nothing except your own understanding.
"""

import jax, jax.numpy as jnp
import numpy as np


def _build_table():
    # Simulates look_up_sigmoid read from sigmoid_sim_out.dat:
    # table[i] = round(sigmoid(i / 4096) * 32768) / 32768 for i in [-32768, 32767].
    # Stored as a flat array indexed by (i + 32768).
    idx = jnp.arange(-32768, 32768, dtype=jnp.float32)
    vals = jax.nn.sigmoid(idx / 4096.0)
    vals = jnp.round(vals * 32768.0) / 32768.0
    return vals.astype(jnp.float32)


def setup_inputs(seed: int = 0) -> dict:
    key = jax.random.key(seed)
    x = jax.random.normal(key, (8, 96, 224, 224), dtype=jnp.float32)
    table = _build_table()
    return {"x": x, "table": table}


def reference(x, table):
    # QuantizedSigmoidFunction.forward: index = clamp(int(x * 4096), -32768, 32767)
    # int() in Python truncates toward zero -> jnp.trunc
    index = jnp.trunc(x * 4096.0).astype(jnp.int32)
    index = jnp.clip(index, -32768, 32767)
    y = jnp.take(table, index + 32768, axis=0)
    # QuantizeFeature(bitwidth=8, frac_bits=7): round to 2^-7 grid, clamp to int8 range
    q = jnp.round(y * 128.0)
    q = jnp.clip(q, -128.0, 127.0) / 128.0
    return q

if __name__ == "__main__":
    import jax
    _d = setup_inputs()
    print(jax.jit(kernel)(*tuple(_d.values())))

</pallas_src>

<mosaic_0001>
#map = affine_map<(d0, d1) -> (0, 0)>
#map1 = affine_map<(d0, d1) -> (0)>
module attributes {stable_mosaic.version = 14 : i64} {
  func.func @lut_kernel(%arg0: i32, %arg1: i32, %arg2: memref<172032x224xf32, #tpu.memory_space<hbm>>, %arg3: memref<65536xf32, #tpu.memory_space<hbm>>, %arg4: memref<172032x224xf32, #tpu.memory_space<hbm>>, %arg5: memref<65536xf32, #tpu.memory_space<vmem>>, %arg6: memref<32x224xf32, #tpu.memory_space<vmem>>, %arg7: memref<32x224xf32, #tpu.memory_space<vmem>>, %arg8: memref<32x224xf32, #tpu.memory_space<vmem>>, %arg9: memref<32x224xf32, #tpu.memory_space<vmem>>, %arg10: memref<32x224xf32, #tpu.memory_space<vmem>>, %arg11: memref<32x224xf32, #tpu.memory_space<vmem>>, %arg12: memref<32x224xf32, #tpu.memory_space<vmem>>, %arg13: memref<32x224xf32, #tpu.memory_space<vmem>>, %arg14: memref<!tpu.dma_semaphore, #tpu.memory_space<semaphore_mem>>, %arg15: memref<!tpu.dma_semaphore, #tpu.memory_space<semaphore_mem>>, %arg16: memref<!tpu.dma_semaphore, #tpu.memory_space<semaphore_mem>>, %arg17: memref<!tpu.dma_semaphore, #tpu.memory_space<semaphore_mem>>, %arg18: memref<!tpu.dma_semaphore, #tpu.memory_space<semaphore_mem>>, %arg19: memref<!tpu.dma_semaphore, #tpu.memory_space<semaphore_mem>>, %arg20: memref<!tpu.dma_semaphore, #tpu.memory_space<semaphore_mem>>, %arg21: memref<!tpu.dma_semaphore, #tpu.memory_space<semaphore_mem>>) attributes {dimension_semantics = [#tpu.dimension_semantics<core_parallel>, #tpu.dimension_semantics<subcore_parallel>], iteration_bounds = array<i64: 2, 16>, scalar_prefetch = 0 : i64, scratch_operands = 17 : i64, tpu.core_type = #tpu.core_type<sc_vector_subcore>, window_params = [{transform_indices = #map}, {transform_indices = #map1}, {transform_indices = #map}]} {
    %mul3A = arith.constant 2 : i32
    %mul3A_0 = arith.muli %arg1, %mul3A : i32
    %add3A = arith.addi %mul3A_0, %arg0 : i32
    %mul3A_1 = arith.constant 5376 : i32
    %mul3A_2 = arith.muli %add3A, %mul3A_1 : i32
    "tpu.region"() ({
      %run_scoped3A = tpu.sem_alloc : memref<!tpu.dma_semaphore, #tpu.memory_space<semaphore_mem>>
      tpu.enqueue_dma source(%arg3 : memref<65536xf32, #tpu.memory_space<hbm>>) target(%arg5 : memref<65536xf32, #tpu.memory_space<vmem>>) target_semaphore(%run_scoped3A : memref<!tpu.dma_semaphore, #tpu.memory_space<semaphore_mem>>)
      tpu.wait_dma2 semaphore(%run_scoped3A : memref<!tpu.dma_semaphore, #tpu.memory_space<semaphore_mem>>) src(%arg3 : memref<65536xf32, #tpu.memory_space<hbm>>) dst(%arg5 : memref<65536xf32, #tpu.memory_space<vmem>>)
      tpu.yield
    }) : () -> ()
    %add3A_3 = arith.constant 0 : i32
    %add3A_4 = arith.addi %mul3A_2, %add3A_3 : i32
    %dma_start3A = arith.constant 0 : i32
    %dma_start3A_5 = tpu.memref_slice %arg2[%add3A_4, %dma_start3A] : memref<172032x224xf32, #tpu.memory_space<hbm>> -> memref<32x224xf32, #tpu.memory_space<hbm>>
    %dma_start3A_6 = arith.constant 0 : i32
    %dma_start3A_7 = tpu.memref_slice %arg2[%add3A_4, %dma_start3A_6] : memref<172032x224xf32, #tpu.memory_space<hbm>> -> memref<32x224xf32, #tpu.memory_space<hbm>>
    tpu.enqueue_dma source(%dma_start3A_7 : memref<32x224xf32, #tpu.memory_space<hbm>>) target(%arg6 : memref<32x224xf32, #tpu.memory_space<vmem>>) target_semaphore(%arg14 : memref<!tpu.dma_semaphore, #tpu.memory_space<semaphore_mem>>)
    %add3A_8 = arith.constant 32 : i32
    %add3A_9 = arith.addi %mul3A_2, %add3A_8 : i32
    %dma_start3A_10 = arith.constant 0 : i32
    %dma_start3A_11 = tpu.memref_slice %arg2[%add3A_9, %dma_start3A_10] : memref<172032x224xf32, #tpu.memory_space<hbm>> -> memref<32x224xf32, #tpu.memory_space<hbm>>
    %dma_start3A_12 = arith.constant 0 : i32
    %dma_start3A_13 = tpu.memref_slice %arg2[%add3A_9, %dma_start3A_12] : memref<172032x224xf32, #tpu.memory_space<hbm>> -> memref<32x224xf32, #tpu.memory_space<hbm>>
    tpu.enqueue_dma source(%dma_start3A_13 : memref<32x224xf32, #tpu.memory_space<hbm>>) target(%arg7 : memref<32x224xf32, #tpu.memory_space<vmem>>) target_semaphore(%arg15 : memref<!tpu.dma_semaphore, #tpu.memory_space<semaphore_mem>>)
    %add3A_14 = arith.constant 64 : i32
    %add3A_15 = arith.addi %mul3A_2, %add3A_14 : i32
    %dma_start3A_16 = arith.constant 0 : i32
    %dma_start3A_17 = tpu.memref_slice %arg2[%add3A_15, %dma_start3A_16] : memref<172032x224xf32, #tpu.memory_space<hbm>> -> memref<32x224xf32, #tpu.memory_space<hbm>>
    %dma_start3A_18 = arith.constant 0 : i32
    %dma_start3A_19 = tpu.memref_slice %arg2[%add3A_15, %dma_start3A_18] : memref<172032x224xf32, #tpu.memory_space<hbm>> -> memref<32x224xf32, #tpu.memory_space<hbm>>
    tpu.enqueue_dma source(%dma_start3A_19 : memref<32x224xf32, #tpu.memory_space<hbm>>) target(%arg8 : memref<32x224xf32, #tpu.memory_space<vmem>>) target_semaphore(%arg16 : memref<!tpu.dma_semaphore, #tpu.memory_space<semaphore_mem>>)
    %scan3A = arith.constant 0 : i32
    %scan3A_20 = arith.constant 0 : i32
    %scan3A_21 = arith.constant 42 : i32
    %scan3A_22 = arith.addi %scan3A_20, %scan3A_21 : i32
    %scan3A_23 = arith.constant 1 : i32
    scf.for %scan3A_48 = %scan3A_20 to %scan3A_22 step %scan3A_23  : i32 {
      %mul3A_49 = arith.constant 4 : i32
      %mul3A_50 = arith.muli %mul3A_49, %scan3A_48 : i32
      %add3A_51 = arith.constant 0 : i32
      %add3A_52 = arith.addi %mul3A_50, %add3A_51 : i32
      %add3A_53 = arith.constant 3 : i32
      %add3A_54 = arith.addi %add3A_52, %add3A_53 : i32
      %lt3A = arith.constant 168 : i32
      %lt3A_55 = arith.cmpi slt, %add3A_54, %lt3A : i32
      %convert_element_type3A = arith.extui %lt3A_55 : i1 to i32
      %cond3A = arith.constant 0 : i32
      %cond3A_56 = arith.cmpi ne, %convert_element_type3A, %cond3A : i32
      scf.if %cond3A_56 {
        %add3A_176 = arith.constant 3 : i32
        %add3A_177 = arith.addi %add3A_52, %add3A_176 : i32
        %mul3A_178 = arith.constant 32 : i32
        %mul3A_179 = arith.muli %add3A_177, %mul3A_178 : i32
        %add3A_180 = arith.addi %mul3A_2, %mul3A_179 : i32
        %dma_start3A_181 = arith.constant 0 : i32
        %dma_start3A_182 = tpu.memref_slice %arg2[%add3A_180, %dma_start3A_181] : memref<172032x224xf32, #tpu.memory_space<hbm>> -> memref<32x224xf32, #tpu.memory_space<hbm>>
        %dma_start3A_183 = arith.constant 0 : i32
        %dma_start3A_184 = tpu.memref_slice %arg2[%add3A_180, %dma_start3A_183] : memref<172032x224xf32, #tpu.memory_space<hbm>> -> memref<32x224xf32, #tpu.memory_space<hbm>>
        tpu.enqueue_dma source(%dma_start3A_184 : memref<32x224xf32, #tpu.memory_space<hbm>>) target(%arg9 : memref<32x224xf32, #tpu.memory_space<vmem>>) target_semaphore(%arg17 : memref<!tpu.dma_semaphore, #tpu.memory_space<semaphore_mem>>)
      } else {
      }
      %mul3A_57 = arith.constant 32 : i32
      %mul3A_58 = arith.muli %add3A_52, %mul3A_57 : i32
      %add3A_59 = arith.addi %mul3A_2, %mul3A_58 : i32
      %dma_wait3A_60 = arith.constant 0 : i32
      %dma_wait3A_61 = tpu.memref_slice %arg2[%add3A_59, %dma_wait3A_60] : memref<172032x224xf32, #tpu.memory_space<hbm>> -> memref<32x224xf32, #tpu.memory_space<hbm>>
      %dma_wait3A_62 = arith.constant 0 : i32
      %dma_wait3A_63 = tpu.memref_slice %arg2[%add3A_59, %dma_wait3A_62] : memref<172032x224xf32, #tpu.memory_space<hbm>> -> memref<32x224xf32, #tpu.memory_space<hbm>>
      tpu.wait_dma2 semaphore(%arg14 : memref<!tpu.dma_semaphore, #tpu.memory_space<semaphore_mem>>) src(%dma_wait3A_63 : memref<32x224xf32, #tpu.memory_space<hbm>>) dst(%arg6 : memref<32x224xf32, #tpu.memory_space<vmem>>)
      %gt3A = arith.constant 0 : i32
      %gt3A_64 = arith.cmpi sgt, %scan3A_48, %gt3A : i32
      %convert_element_type3A_65 = arith.extui %gt3A_64 : i1 to i32
      %cond3A_66 = arith.constant 0 : i32
      %cond3A_67 = arith.cmpi ne, %convert_element_type3A_65, %cond3A_66 : i32
      scf.if %cond3A_67 {
        %sub3A = arith.constant 4 : i32
        %sub3A_176 = arith.subi %add3A_52, %sub3A : i32
        %mul3A_177 = arith.constant 32 : i32
        %mul3A_178 = arith.muli %sub3A_176, %mul3A_177 : i32
        %add3A_179 = arith.addi %mul3A_2, %mul3A_178 : i32
        %dma_wait3A_180 = arith.constant 0 : i32
        %dma_wait3A_181 = tpu.memref_slice %arg4[%add3A_179, %dma_wait3A_180] : memref<172032x224xf32, #tpu.memory_space<hbm>> -> memref<32x224xf32, #tpu.memory_space<hbm>>
        %dma_wait3A_182 = arith.constant 0 : i32
        %dma_wait3A_183 = tpu.memref_slice %arg4[%add3A_179, %dma_wait3A_182] : memref<172032x224xf32, #tpu.memory_space<hbm>> -> memref<32x224xf32, #tpu.memory_space<hbm>>
        tpu.wait_dma2 semaphore(%arg18 : memref<!tpu.dma_semaphore, #tpu.memory_space<semaphore_mem>>) src(%arg10 : memref<32x224xf32, #tpu.memory_space<vmem>>) dst(%dma_wait3A_183 : memref<32x224xf32, #tpu.memory_space<hbm>>)
      } else {
      }
      %parallel_loop3A = arith.constant 0 : i32
      %parallel_loop3A_68 = arith.constant 32 : i32
      %parallel_loop3A_69 = arith.constant 1 : i32
      scf.for %parallel_loop3A_176 = %parallel_loop3A to %parallel_loop3A_68 step %parallel_loop3A_69  : i32 {
        %parallel_loop3A_177 = arith.index_cast %parallel_loop3A_176 : i32 to index
        %parallel_loop3A_178 = arith.constant 0 : index
        %parallel_loop3A_179 = tpu.vector_load %arg6[%parallel_loop3A_177, %parallel_loop3A_178] {strides = array<i32>} : memref<32x224xf32, #tpu.memory_space<vmem>>, vector<16xf32>,
        %parallel_loop3A_180 = arith.constant 4.096000e+03 : f32
        %parallel_loop3A_181 = vector.broadcast %parallel_loop3A_180 : f32 to vector<16xf32>
        %parallel_loop3A_182 = arith.mulf %parallel_loop3A_179, %parallel_loop3A_181 : vector<16xf32>
        %parallel_loop3A_183 = arith.constant -3.276800e+04 : f32
        %parallel_loop3A_184 = vector.broadcast %parallel_loop3A_183 : f32 to vector<16xf32>
        %parallel_loop3A_185 = arith.maximumf %parallel_loop3A_182, %parallel_loop3A_184 : vector<16xf32>
        %parallel_loop3A_186 = arith.constant 3.276700e+04 : f32
        %parallel_loop3A_187 = vector.broadcast %parallel_loop3A_186 : f32 to vector<16xf32>
        %parallel_loop3A_188 = arith.minimumf %parallel_loop3A_185, %parallel_loop3A_187 : vector<16xf32>
        %parallel_loop3A_189 = arith.fptosi %parallel_loop3A_188 : vector<16xf32> to vector<16xi32>
        %parallel_loop3A_190 = arith.constant 32768 : i32
        %parallel_loop3A_191 = vector.broadcast %parallel_loop3A_190 : i32 to vector<16xi32>
        %parallel_loop3A_192 = arith.addi %parallel_loop3A_189, %parallel_loop3A_191 : vector<16xi32>
        %parallel_loop3A_193 = tpu.vector_load_idx %arg5[%parallel_loop3A_192] : memref<65536xf32, #tpu.memory_space<vmem>>[vector<16xi32>], vector<16xf32>,
        %parallel_loop3A_194 = arith.index_cast %parallel_loop3A_176 : i32 to index
        %parallel_loop3A_195 = arith.constant 0 : index
        %parallel_loop3A_196 = tpu.vector_load %arg10[%parallel_loop3A_194, %parallel_loop3A_195] {strides = array<i32>} : memref<32x224xf32, #tpu.memory_space<vmem>>, vector<16xf32>,
        tpu.vector_store %arg10[%parallel_loop3A_194, %parallel_loop3A_195], %parallel_loop3A_193 {strides = array<i32>} : memref<32x224xf32, #tpu.memory_space<vmem>>, vector<16xf32>,
        %parallel_loop3A_197 = arith.index_cast %parallel_loop3A_176 : i32 to index
        %parallel_loop3A_198 = arith.constant 16 : index
        %parallel_loop3A_199 = tpu.vector_load %arg6[%parallel_loop3A_197, %parallel_loop3A_198] {strides = array<i32>} : memref<32x224xf32, #tpu.memory_space<vmem>>, vector<16xf32>,
        %parallel_loop3A_200 = arith.constant 4.096000e+03 : f32
        %parallel_loop3A_201 = vector.broadcast %parallel_loop3A_200 : f32 to vector<16xf32>
        %parallel_loop3A_202 = arith.mulf %parallel_loop3A_199, %parallel_loop3A_201 : vector<16xf32>
        %parallel_loop3A_203 = arith.constant -3.276800e+04 : f32
        %parallel_loop3A_204 = vector.broadcast %parallel_loop3A_203 : f32 to vector<16xf32>
        %parallel_loop3A_205 = arith.maximumf %parallel_loop3A_202, %parallel_loop3A_204 : vector<16xf32>
        %parallel_loop3A_206 = arith.constant 3.276700e+04 : f32
        %parallel_loop3A_207 = vector.broadcast %parallel_loop3A_206 : f32 to vector<16xf32>
        %parallel_loop3A_208 = arith.minimumf %parallel_loop3A_205, %parallel_loop3A_207 : vector<16xf32>
        %parallel_loop3A_209 = arith.fptosi %parallel_loop3A_208 : vector<16xf32> to vector<16xi32>
        %parallel_loop3A_210 = arith.constant 32768 : i32
        %parallel_loop3A_211 = vector.broadcast %parallel_loop3A_210 : i32 to vector<16xi32>
        %parallel_loop3A_212 = arith.addi %parallel_loop3A_209, %parallel_loop3A_211 : vector<16xi32>
        %parallel_loop3A_213 = tpu.vector_load_idx %arg5[%parallel_loop3A_212] : memref<65536xf32, #tpu.memory_space<vmem>>[vector<16xi32>], vector<16xf32>,
        %parallel_loop3A_214 = arith.index_cast %parallel_loop3A_176 : i32 to index
        %parallel_loop3A_215 = arith.constant 16 : index
        %parallel_loop3A_216 = tpu.vector_load %arg10[%parallel_loop3A_214, %parallel_loop3A_215] {strides = array<i32>} : memref<32x224xf32, #tpu.memory_space<vmem>>, vector<16xf32>,
        tpu.vector_store %arg10[%parallel_loop3A_214, %parallel_loop3A_215], %parallel_loop3A_213 {strides = array<i32>} : memref<32x224xf32, #tpu.memory_space<vmem>>, vector<16xf32>,
        %parallel_loop3A_217 = arith.index_cast %parallel_loop3A_176 : i32 to index
        %parallel_loop3A_218 = arith.constant 32 : index
        %parallel_loop3A_219 = tpu.vector_load %arg6[%parallel_loop3A_217, %parallel_loop3A_218] {strides = array<i32>} : memref<32x224xf32, #tpu.memory_space<vmem>>, vector<16xf32>,
        %parallel_loop3A_220 = arith.constant 4.096000e+03 : f32
        %parallel_loop3A_221 = vector.broadcast %parallel_loop3A_220 : f32 to vector<16xf32>
        %parallel_loop3A_222 = arith.mulf %parallel_loop3A_219, %parallel_loop3A_221 : vector<16xf32>
        %parallel_loop3A_223 = arith.constant -3.276800e+04 : f32
        %parallel_loop3A_224 = vector.broadcast %parallel_loop3A_223 : f32 to vector<16xf32>
        %parallel_loop3A_225 = arith.maximumf %parallel_loop3A_222, %parallel_loop3A_224 : vector<16xf32>
        %parallel_loop3A_226 = arith.constant 3.276700e+04 : f32
        %parallel_loop3A_227 = vector.broadcast %parallel_loop3A_226 : f32 to vector<16xf32>
        %parallel_loop3A_228 = arith.minimumf %parallel_loop3A_225, %parallel_loop3A_227 : vector<16xf32>
        %parallel_loop3A_229 = arith.fptosi %parallel_loop3A_228 : vector<16xf32> to vector<16xi32>
        %parallel_loop3A_230 = arith.constant 32768 : i32
        %parallel_loop3A_231 = vector.broadcast %parallel_loop3A_230 : i32 to vector<16xi32>
        %parallel_loop3A_232 = arith.addi %parallel_loop3A_229, %parallel_loop3A_231 : vector<16xi32>
        %parallel_loop3A_233 = tpu.vector_load_idx %arg5[%parallel_loop3A_232] : memref<65536xf32, #tpu.memory_space<vmem>>[vector<16xi32>], vector<16xf32>,
        %parallel_loop3A_234 = arith.index_cast %parallel_loop3A_176 : i32 to index
        %parallel_loop3A_235 = arith.constant 32 : index
        %parallel_loop3A_236 = tpu.vector_load %arg10[%parallel_loop3A_234, %parallel_loop3A_235] {strides = array<i32>} : memref<32x224xf32, #tpu.memory_space<vmem>>, vector<16xf32>,
        tpu.vector_store %arg10[%parallel_loop3A_234, %parallel_loop3A_235], %parallel_loop3A_233 {strides = array<i32>} : memref<32x224xf32, #tpu.memory_space<vmem>>, vector<16xf32>,
        %parallel_loop3A_237 = arith.index_cast %parallel_loop3A_176 : i32 to index
        %parallel_loop3A_238 = arith.constant 48 : index
        %parallel_loop3A_239 = tpu.vector_load %arg6[%parallel_loop3A_237, %parallel_loop3A_238] {strides = array<i32>} : memref<32x224xf32, #tpu.memory_space<vmem>>, vector<16xf32>,
        %parallel_loop3A_240 = arith.constant 4.096000e+03 : f32
        %parallel_loop3A_241 = vector.broadcast %parallel_loop3A_240 : f32 to vector<16xf32>
        %parallel_loop3A_242 = arith.mulf %parallel_loop3A_239, %parallel_loop3A_241 : vector<16xf32>
        %parallel_loop3A_243 = arith.constant -3.276800e+04 : f32
        %parallel_loop3A_244 = vector.broadcast %parallel_loop3A_243 : f32 to vector<16xf32>
        %parallel_loop3A_245 = arith.maximumf %parallel_loop3A_242, %parallel_loop3A_244 : vector<16xf32>
        %parallel_loop3A_246 = arith.constant 3.276700e+04 : f32
        %parallel_loop3A_247 = vector.broadcast %parallel_loop3A_246 : f32 to vector<16xf32>
        %parallel_loop3A_248 = arith.minimumf %parallel_loop3A_245, %parallel_loop3A_247 : vector<16xf32>
        %parallel_loop3A_249 = arith.fptosi %parallel_loop3A_248 : vector<16xf32> to vector<16xi32>
        %parallel_loop3A_250 = arith.constant 32768 : i32
        %parallel_loop3A_251 = vector.broadcast %parallel_loop3A_250 : i32 to vector<16xi32>
        %parallel_loop3A_252 = arith.addi %parallel_loop3A_249, %parallel_loop3A_251 : vector<16xi32>
        %parallel_loop3A_253 = tpu.vector_load_idx %arg5[%parallel_loop3A_252] : memref<65536xf32, #tpu.memory_space<vmem>>[vector<16xi32>], vector<16xf32>,
        %parallel_loop3A_254 = arith.index_cast %parallel_loop3A_176 : i32 to index
        %parallel_loop3A_255 = arith.constant 48 : index
        %parallel_loop3A_256 = tpu.vector_load %arg10[%parallel_loop3A_254, %parallel_loop3A_255] {strides = array<i32>} : memref<32x224xf32, #tpu.memory_space<vmem>>, vector<16xf32>,
        tpu.vector_store %arg10[%parallel_loop3A_254, %parallel_loop3A_255], %parallel_loop3A_253 {strides = array<i32>} : memref<32x224xf32, #tpu.memory_space<vmem>>, vector<16xf32>,
        %parallel_loop3A_257 = arith.index_cast %parallel_loop3A_176 : i32 to index
        %parallel_loop3A_258 = arith.constant 64 : index
        %parallel_loop3A_259 = tpu.vector_load %arg6[%parallel_loop3A_257, %parallel_loop3A_258] {strides = array<i32>} : memref<32x224xf32, #tpu.memory_space<vmem>>, vector<16xf32>,
        %parallel_loop3A_260 = arith.constant 4.096000e+03 : f32
        %parallel_loop3A_261 = vector.broadcast %parallel_loop3A_260 : f32 to vector<16xf32>
        %parallel_loop3A_262 = arith.mulf %parallel_loop3A_259, %parallel_loop3A_261 : vector<16xf32>
        %parallel_loop3A_263 = arith.constant -3.276800e+04 : f32
        %parallel_loop3A_264 = vector.broadcast %parallel_loop3A_263 : f32 to vector<16xf32>
        %parallel_loop3A_265 = arith.maximumf %parallel_loop3A_262, %parallel_loop3A_264 : vector<16xf32>
        %parallel_loop3A_266 = arith.constant 3.276700e+04 : f32
        %parallel_loop3A_267 = vector.broadcast %parallel_loop3A_266 : f32 to vector<16xf32>
        %parallel_loop3A_268 = arith.minimumf %parallel_loop3A_265, %parallel_loop3A_267 : vector<16xf32>
        %parallel_loop3A_269 = arith.fptosi %parallel_loop3A_268 : vector<16xf32> to vector<16xi32>
        %parallel_loop3A_270 = arith.constant 32768 : i32
        %parallel_loop3A_271 = vector.broadcast %parallel_loop3A_270 : i32 to vector<16xi32>
        %parallel_loop3A_272 = arith.addi %parallel_loop3A_269, %parallel_loop3A_271 : vector<16xi32>
        %parallel_loop3A_273 = tpu.vector_load_idx %arg5[%parallel_loop3A_272] : memref<65536xf32, #tpu.memory_space<vmem>>[vector<16xi32>], vector<16xf32>,
        %parallel_loop3A_274 = arith.index_cast %parallel_loop3A_176 : i32 to index
        %parallel_loop3A_275 = arith.constant 64 : index
        %parallel_loop3A_276 = tpu.vector_load %arg10[%parallel_loop3A_274, %parallel_loop3A_275] {strides = array<i32>} : memref<32x224xf32, #tpu.memory_space<vmem>>, vector<16xf32>,
        tpu.vector_store %arg10[%parallel_loop3A_274, %parallel_loop3A_275], %parallel_loop3A_273 {strides = array<i32>} : memref<32x224xf32, #tpu.memory_space<vmem>>, vector<16xf32>,
        %parallel_loop3A_277 = arith.index_cast %parallel_loop3A_176 : i32 to index
        %parallel_loop3A_278 = arith.constant 80 : index
        %parallel_loop3A_279 = tpu.vector_load %arg6[%parallel_loop3A_277, %parallel_loop3A_278] {strides = array<i32>} : memref<32x224xf32, #tpu.memory_space<vmem>>, vector<16xf32>,
        %parallel_loop3A_280 = arith.constant 4.096000e+03 : f32
        %parallel_loop3A_281 = vector.broadcast %parallel_loop3A_280 : f32 to vector<16xf32>
        %parallel_loop3A_282 = arith.mulf %parallel_loop3A_279, %parallel_loop3A_281 : vector<16xf32>
        %parallel_loop3A_283 = arith.constant -3.276800e+04 : f32
        %parallel_loop3A_284 = vector.broadcast %parallel_loop3A_283 : f32 to vector<16xf32>
        %parallel_loop3A_285 = arith.maximumf %parallel_loop3A_282, %parallel_loop3A_284 : vector<16xf32>
        %parallel_loop3A_286 = arith.constant 3.276700e+04 : f32
        %parallel_loop3A_287 = vector.broadcast %parallel_loop3A_286 : f32 to vector<16xf32>
        %parallel_loop3A_288 = arith.minimumf %parallel_loop3A_285, %parallel_loop3A_287 : vector<16xf32>
        %parallel_loop3A_289 = arith.fptosi %parallel_loop3A_288 : vector<16xf32> to vector<16xi32>
        %parallel_loop3A_290 = arith.constant 32768 : i32
        %parallel_loop3A_291 = vector.broadcast %parallel_loop3A_290 : i32 to vector<16xi32>
        %parallel_loop3A_292 = arith.addi %parallel_loop3A_289, %parallel_loop3A_291 : vector<16xi32>
        %parallel_loop3A_293 = tpu.vector_load_idx %arg5[%parallel_loop3A_292] : memref<65536xf32, #tpu.memory_space<vmem>>[vector<16xi32>], vector<16xf32>,
        %parallel_loop3A_294 = arith.index_cast %parallel_loop3A_176 : i32 to index
        %parallel_loop3A_295 = arith.constant 80 : index
        %parallel_loop3A_296 = tpu.vector_load %arg10[%parallel_loop3A_294, %parallel_loop3A_295] {strides = array<i32>} : memref<32x224xf32, #tpu.memory_space<vmem>>, vector<16xf32>,
        tpu.vector_store %arg10[%parallel_loop3A_294, %parallel_loop3A_295], %parallel_loop3A_293 {strides = array<i32>} : memref<32x224xf32, #tpu.memory_space<vmem>>, vector<16xf32>,
        %parallel_loop3A_297 = arith.index_cast %parallel_loop3A_176 : i32 to index
        %parallel_loop3A_298 = arith.constant 96 : index
        %parallel_loop3A_299 = tpu.vector_load %arg6[%parallel_loop3A_297, %parallel_loop3A_298] {strides = array<i32>} : memref<32x224xf32, #tpu.memory_space<vmem>>, vector<16xf32>,
        %parallel_loop3A_300 = arith.constant 4.096000e+03 : f32
        %parallel_loop3A_301 = vector.broadcast %parallel_loop3A_300 : f32 to vector<16xf32>
        %parallel_loop3A_302 = arith.mulf %parallel_loop3A_299, %parallel_loop3A_301 : vector<16xf32>
        %parallel_loop3A_303 = arith.constant -3.276800e+04 : f32
        %parallel_loop3A_304 = vector.broadcast %parallel_loop3A_303 : f32 to vector<16xf32>
        %parallel_loop3A_305 = arith.maximumf %parallel_loop3A_302, %parallel_loop3A_304 : vector<16xf32>
        %parallel_loop3A_306 = arith.constant 3.276700e+04 : f32
        %parallel_loop3A_307 = vector.broadcast %parallel_loop3A_306 : f32 to vector<16xf32>
        %parallel_loop3A_308 = arith.minimumf %parallel_loop3A_305, %parallel_loop3A_307 : vector<16xf32>
        %parallel_loop3A_309 = arith.fptosi %parallel_loop3A_308 : vector<16xf32> to vector<16xi32>
        %parallel_loop3A_310 = arith.constant 32768 : i32
        %parallel_loop3A_311 = vector.broadcast %parallel_loop3A_310 : i32 to vector<16xi32>
        %parallel_loop3A_312 = arith.addi %parallel_loop3A_309, %parallel_loop3A_311 : vector<16xi32>
        %parallel_loop3A_313 = tpu.vector_load_idx %arg5[%parallel_loop3A_312] : memref<65536xf32, #tpu.memory_space<vmem>>[vector<16xi32>], vector<16xf32>,
        %parallel_loop3A_314 = arith.index_cast %parallel_loop3A_176 : i32 to index
        %parallel_loop3A_315 = arith.constant 96 : index
        %parallel_loop3A_316 = tpu.vector_load %arg10[%parallel_loop3A_314, %parallel_loop3A_315] {strides = array<i32>} : memref<32x224xf32, #tpu.memory_space<vmem>>, vector<16xf32>,
        tpu.vector_store %arg10[%parallel_loop3A_314, %parallel_loop3A_315], %parallel_loop3A_313 {strides = array<i32>} : memref<32x224xf32, #tpu.memory_space<vmem>>, vector<16xf32>,
        %parallel_loop3A_317 = arith.index_cast %parallel_loop3A_176 : i32 to index
        %parallel_loop3A_318 = arith.constant 112 : index
        %parallel_loop3A_319 = tpu.vector_load %arg6[%parallel_loop3A_317, %parallel_loop3A_318] {strides = array<i32>} : memref<32x224xf32, #tpu.memory_space<vmem>>, vector<16xf32>,
        %parallel_loop3A_320 = arith.constant 4.096000e+03 : f32
        %parallel_loop3A_321 = vector.broadcast %parallel_loop3A_320 : f32 to vector<16xf32>
        %parallel_loop3A_322 = arith.mulf %parallel_loop3A_319, %parallel_loop3A_321 : vector<16xf32>
        %parallel_loop3A_323 = arith.constant -3.276800e+04 : f32
        %parallel_loop3A_324 = vector.broadcast %parallel_loop3A_323 : f32 to vector<16xf32>
        %parallel_loop3A_325 = arith.maximumf %parallel_loop3A_322, %parallel_loop3A_324 : vector<16xf32>
        %parallel_loop3A_326 = arith.constant 3.276700e+04 : f32
        %parallel_loop3A_327 = vector.broadcast %parallel_loop3A_326 : f32 to vector<16xf32>
        %parallel_loop3A_328 = arith.minimumf %parallel_loop3A_325, %parallel_loop3A_327 : vector<16xf32>
        %parallel_loop3A_329 = arith.fptosi %parallel_loop3A_328 : vector<16xf32> to vector<16xi32>
        %parallel_loop3A_330 = arith.constant 32768 : i32
        %parallel_loop3A_331 = vector.broadcast %parallel_loop3A_330 : i32 to vector<16xi32>
        %parallel_loop3A_332 = arith.addi %parallel_loop3A_329, %parallel_loop3A_331 : vector<16xi32>
        %parallel_loop3A_333 = tpu.vector_load_idx %arg5[%parallel_loop3A_332] : memref<65536xf32, #tpu.memory_space<vmem>>[vector<16xi32>], vector<16xf32>,
        %parallel_loop3A_334 = arith.index_cast %parallel_loop3A_176 : i32 to index
        %parallel_loop3A_335 = arith.constant 112 : index
        %parallel_loop3A_336 = tpu.vector_load %arg10[%parallel_loop3A_334, %parallel_loop3A_335] {strides = array<i32>} : memref<32x224xf32, #tpu.memory_space<vmem>>, vector<16xf32>,
        tpu.vector_store %arg10[%parallel_loop3A_334, %parallel_loop3A_335], %parallel_loop3A_333 {strides = array<i32>} : memref<32x224xf32, #tpu.memory_space<vmem>>, vector<16xf32>,
        %parallel_loop3A_337 = arith.index_cast %parallel_loop3A_176 : i32 to index
        %parallel_loop3A_338 = arith.constant 128 : index
        %parallel_loop3A_339 = tpu.vector_load %arg6[%parallel_loop3A_337, %parallel_loop3A_338] {strides = array<i32>} : memref<32x224xf32, #tpu.memory_space<vmem>>, vector<16xf32>,
        %parallel_loop3A_340 = arith.constant 4.096000e+03 : f32
        %parallel_loop3A_341 = vector.broadcast %parallel_loop3A_340 : f32 to vector<16xf32>
        %parallel_loop3A_342 = arith.mulf %parallel_loop3A_339, %parallel_loop3A_341 : vector<16xf32>
        %parallel_loop3A_343 = arith.constant -3.276800e+04 : f32
        %parallel_loop3A_344 = vector.broadcast %parallel_loop3A_343 : f32 to vector<16xf32>
        %parallel_loop3A_345 = arith.maximumf %parallel_loop3A_342, %parallel_loop3A_344 : vector<16xf32>
        %parallel_loop3A_346 = arith.constant 3.276700e+04 : f32
        %parallel_loop3A_347 = vector.broadcast %parallel_loop3A_346 : f32 to vector<16xf32>
        %parallel_loop3A_348 = arith.minimumf %parallel_loop3A_345, %parallel_loop3A_347 : vector<16xf32>
        %parallel_loop3A_349 = arith.fptosi %parallel_loop3A_348 : vector<16xf32> to vector<16xi32>
        %parallel_loop3A_350 = arith.constant 32768 : i32
        %parallel_loop3A_351 = vector.broadcast %parallel_loop3A_350 : i32 to vector<16xi32>
        %parallel_loop3A_352 = arith.addi %parallel_loop3A_349, %parallel_loop3A_351 : vector<16xi32>
        %parallel_loop3A_353 = tpu.vector_load_idx %arg5[%parallel_loop3A_352] : memref<65536xf32, #tpu.memory_space<vmem>>[vector<16xi32>], vector<16xf32>,
        %parallel_loop3A_354 = arith.index_cast %parallel_loop3A_176 : i32 to index
        %parallel_loop3A_355 = arith.constant 128 : index
        %parallel_loop3A_356 = tpu.vector_load %arg10[%parallel_loop3A_354, %parallel_loop3A_355] {strides = array<i32>} : memref<32x224xf32, #tpu.memory_space<vmem>>, vector<16xf32>,
        tpu.vector_store %arg10[%parallel_loop3A_354, %parallel_loop3A_355], %parallel_loop3A_353 {strides = array<i32>} : memref<32x224xf32, #tpu.memory_space<vmem>>, vector<16xf32>,
        %parallel_loop3A_357 = arith.index_cast %parallel_loop3A_176 : i32 to index
        %parallel_loop3A_358 = arith.constant 144 : index
        %parallel_loop3A_359 = tpu.vector_load %arg6[%parallel_loop3A_357, %parallel_loop3A_358] {strides = array<i32>} : memref<32x224xf32, #tpu.memory_space<vmem>>, vector<16xf32>,
        %parallel_loop3A_360 = arith.constant 4.096000e+03 : f32
        %parallel_loop3A_361 = vector.broadcast %parallel_loop3A_360 : f32 to vector<16xf32>
        %parallel_loop3A_362 = arith.mulf %parallel_loop3A_359, %parallel_loop3A_361 : vector<16xf32>
        %parallel_loop3A_363 = arith.constant -3.276800e+04 : f32
        %parallel_loop3A_364 = vector.broadcast %parallel_loop3A_363 : f32 to vector<16xf32>
        %parallel_loop3A_365 = arith.maximumf %parallel_loop3A_362, %parallel_loop3A_364 : vector<16xf32>
        %parallel_loop3A_366 = arith.constant 3.276700e+04 : f32
        %parallel_loop3A_367 = vector.broadcast %parallel_loop3A_366 : f32 to vector<16xf32>
        %parallel_loop3A_368 = arith.minimumf %parallel_loop3A_365, %parallel_loop3A_367 : vector<16xf32>
        %parallel_loop3A_369 = arith.fptosi %parallel_loop3A_368 : vector<16xf32> to vector<16xi32>
        %parallel_loop3A_370 = arith.constant 32768 : i32
        %parallel_loop3A_371 = vector.broadcast %parallel_loop3A_370 : i32 to vector<16xi32>
        %parallel_loop3A_372 = arith.addi %parallel_loop3A_369, %parallel_loop3A_371 : vector<16xi32>
        %parallel_loop3A_373 = tpu.vector_load_idx %arg5[%parallel_loop3A_372] : memref<65536xf32, #tpu.memory_space<vmem>>[vector<16xi32>], vector<16xf32>,
        %parallel_loop3A_374 = arith.index_cast %parallel_loop3A_176 : i32 to index
        %parallel_loop3A_375 = arith.constant 144 : index
        %parallel_loop3A_376 = tpu.vector_load %arg10[%parallel_loop3A_374, %parallel_loop3A_375] {strides = array<i32>} : memref<32x224xf32, #tpu.memory_space<vmem>>, vector<16xf32>,
        tpu.vector_store %arg10[%parallel_loop3A_374, %parallel_loop3A_375], %parallel_loop3A_373 {strides = array<i32>} : memref<32x224xf32, #tpu.memory_space<vmem>>, vector<16xf32>,
        %parallel_loop3A_377 = arith.index_cast %parallel_loop3A_176 : i32 to index
        %parallel_loop3A_378 = arith.constant 160 : index
        %parallel_loop3A_379 = tpu.vector_load %arg6[%parallel_loop3A_377, %parallel_loop3A_378] {strides = array<i32>} : memref<32x224xf32, #tpu.memory_space<vmem>>, vector<16xf32>,
        %parallel_loop3A_380 = arith.constant 4.096000e+03 : f32
        %parallel_loop3A_381 = vector.broadcast %parallel_loop3A_380 : f32 to vector<16xf32>
        %parallel_loop3A_382 = arith.mulf %parallel_loop3A_379, %parallel_loop3A_381 : vector<16xf32>
        %parallel_loop3A_383 = arith.constant -3.276800e+04 : f32
        %parallel_loop3A_384 = vector.broadcast %parallel_loop3A_383 : f32 to vector<16xf32>
        %parallel_loop3A_385 = arith.maximumf %parallel_loop3A_382, %parallel_loop3A_384 : vector<16xf32>
        %parallel_loop3A_386 = arith.constant 3.276700e+04 : f32
        %parallel_loop3A_387 = vector.broadcast %parallel_loop3A_386 : f32 to vector<16xf32>
        %parallel_loop3A_388 = arith.minimumf %parallel_loop3A_385, %parallel_loop3A_387 : vector<16xf32>
        %parallel_loop3A_389 = arith.fptosi %parallel_loop3A_388 : vector<16xf32> to vector<16xi32>
        %parallel_loop3A_390 = arith.constant 32768 : i32
        %parallel_loop3A_391 = vector.broadcast %parallel_loop3A_390 : i32 to vector<16xi32>
        %parallel_loop3A_392 = arith.addi %parallel_loop3A_389, %parallel_loop3A_391 : vector<16xi32>
        %parallel_loop3A_393 = tpu.vector_load_idx %arg5[%parallel_loop3A_392] : memref<65536xf32, #tpu.memory_space<vmem>>[vector<16xi32>], vector<16xf32>,
        %parallel_loop3A_394 = arith.index_cast %parallel_loop3A_176 : i32 to index
        %parallel_loop3A_395 = arith.constant 160 : index
        %parallel_loop3A_396 = tpu.vector_load %arg10[%parallel_loop3A_394, %parallel_loop3A_395] {strides = array<i32>} : memref<32x224xf32, #tpu.memory_space<vmem>>, vector<16xf32>,
        tpu.vector_store %arg10[%parallel_loop3A_394, %parallel_loop3A_395], %parallel_loop3A_393 {strides = array<i32>} : memref<32x224xf32, #tpu.memory_space<vmem>>, vector<16xf32>,
        %parallel_loop3A_397 = arith.index_cast %parallel_loop3A_176 : i32 to index
        %parallel_loop3A_398 = arith.constant 176 : index
        %parallel_loop3A_399 = tpu.vector_load %arg6[%parallel_loop3A_397, %parallel_loop3A_398] {strides = array<i32>} : memref<32x224xf32, #tpu.memory_space<vmem>>, vector<16xf32>,
        %parallel_loop3A_400 = arith.constant 4.096000e+03 : f32
        %parallel_loop3A_401 = vector.broadcast %parallel_loop3A_400 : f32 to vector<16xf32>
        %parallel_loop3A_402 = arith.mulf %parallel_loop3A_399, %parallel_loop3A_401 : vector<16xf32>
        %parallel_loop3A_403 = arith.constant -3.276800e+04 : f32
        %parallel_loop3A_404 = vector.broadcast %parallel_loop3A_403 : f32 to vector<16xf32>
        %parallel_loop3A_405 = arith.maximumf %parallel_loop3A_402, %parallel_loop3A_404 : vector<16xf32>
        %parallel_loop3A_406 = arith.constant 3.276700e+04 : f32
        %parallel_loop3A_407 = vector.broadcast %parallel_loop3A_406 : f32 to vector<16xf32>
        %parallel_loop3A_408 = arith.minimumf %parallel_loop3A_405, %parallel_loop3A_407 : vector<16xf32>
        %parallel_loop3A_409 = arith.fptosi %parallel_loop3A_408 : vector<16xf32> to vector<16xi32>
        %parallel_loop3A_410 = arith.constant 32768 : i32
        %parallel_loop3A_411 = vector.broadcast %parallel_loop3A_410 : i32 to vector<16xi32>
        %parallel_loop3A_412 = arith.addi %parallel_loop3A_409, %parallel_loop3A_411 : vector<16xi32>
        %parallel_loop3A_413 = tpu.vector_load_idx %arg5[%parallel_loop3A_412] : memref<65536xf32, #tpu.memory_space<vmem>>[vector<16xi32>], vector<16xf32>,
        %parallel_loop3A_414 = arith.index_cast %parallel_loop3A_176 : i32 to index
        %parallel_loop3A_415 = arith.constant 176 : index
        %parallel_loop3A_416 = tpu.vector_load %arg10[%parallel_loop3A_414, %parallel_loop3A_415] {strides = array<i32>} : memref<32x224xf32, #tpu.memory_space<vmem>>, vector<16xf32>,
        tpu.vector_store %arg10[%parallel_loop3A_414, %parallel_loop3A_415], %parallel_loop3A_413 {strides = array<i32>} : memref<32x224xf32, #tpu.memory_space<vmem>>, vector<16xf32>,
        %parallel_loop3A_417 = arith.index_cast %parallel_loop3A_176 : i32 to index
        %parallel_loop3A_418 = arith.constant 192 : index
        %parallel_loop3A_419 = tpu.vector_load %arg6[%parallel_loop3A_417, %parallel_loop3A_418] {strides = array<i32>} : memref<32x224xf32, #tpu.memory_space<vmem>>, vector<16xf32>,
        %parallel_loop3A_420 = arith.constant 4.096000e+03 : f32
        %parallel_loop3A_421 = vector.broadcast %parallel_loop3A_420 : f32 to vector<16xf32>
        %parallel_loop3A_422 = arith.mulf %parallel_loop3A_419, %parallel_loop3A_421 : vector<16xf32>
        %parallel_loop3A_423 = arith.constant -3.276800e+04 : f32
        %parallel_loop3A_424 = vector.broadcast %parallel_loop3A_423 : f32 to vector<16xf32>
        %parallel_loop3A_425 = arith.maximumf %parallel_loop3A_422, %parallel_loop3A_424 : vector<16xf32>
        %parallel_loop3A_426 = arith.constant 3.276700e+04 : f32
        %parallel_loop3A_427 = vector.broadcast %parallel_loop3A_426 : f32 to vector<16xf32>
        %parallel_loop3A_428 = arith.minimumf %parallel_loop3A_425, %parallel_loop3A_427 : vector<16xf32>
        %parallel_loop3A_429 = arith.fptosi %parallel_loop3A_428 : vector<16xf32> to vector<16xi32>
        %parallel_loop3A_430 = arith.constant 32768 : i32
        %parallel_loop3A_431 = vector.broadcast %parallel_loop3A_430 : i32 to vector<16xi32>
        %parallel_loop3A_432 = arith.addi %parallel_loop3A_429, %parallel_loop3A_431 : vector<16xi32>
        %parallel_loop3A_433 = tpu.vector_load_idx %arg5[%parallel_loop3A_432] : memref<65536xf32, #tpu.memory_space<vmem>>[vector<16xi32>], vector<16xf32>,
        %parallel_loop3A_434 = arith.index_cast %parallel_loop3A_176 : i32 to index
        %parallel_loop3A_435 = arith.constant 192 : index
        %parallel_loop3A_436 = tpu.vector_load %arg10[%parallel_loop3A_434, %parallel_loop3A_435] {strides = array<i32>} : memref<32x224xf32, #tpu.memory_space<vmem>>, vector<16xf32>,
        tpu.vector_store %arg10[%parallel_loop3A_434, %parallel_loop3A_435], %parallel_loop3A_433 {strides = array<i32>} : memref<32x224xf32, #tpu.memory_space<vmem>>, vector<16xf32>,
        %parallel_loop3A_437 = arith.index_cast %parallel_loop3A_176 : i32 to index
        %parallel_loop3A_438 = arith.constant 208 : index
        %parallel_loop3A_439 = tpu.vector_load %arg6[%parallel_loop3A_437, %parallel_loop3A_438] {strides = array<i32>} : memref<32x224xf32, #tpu.memory_space<vmem>>, vector<16xf32>,
        %parallel_loop3A_440 = arith.constant 4.096000e+03 : f32
        %parallel_loop3A_441 = vector.broadcast %parallel_loop3A_440 : f32 to vector<16xf32>
        %parallel_loop3A_442 = arith.mulf %parallel_loop3A_439, %parallel_loop3A_441 : vector<16xf32>
        %parallel_loop3A_443 = arith.constant -3.276800e+04 : f32
        %parallel_loop3A_444 = vector.broadcast %parallel_loop3A_443 : f32 to vector<16xf32>
        %parallel_loop3A_445 = arith.maximumf %parallel_loop3A_442, %parallel_loop3A_444 : vector<16xf32>
        %parallel_loop3A_446 = arith.constant 3.276700e+04 : f32
        %parallel_loop3A_447 = vector.broadcast %parallel_loop3A_446 : f32 to vector<16xf32>
        %parallel_loop3A_448 = arith.minimumf %parallel_loop3A_445, %parallel_loop3A_447 : vector<16xf32>
        %parallel_loop3A_449 = arith.fptosi %parallel_loop3A_448 : vector<16xf32> to vector<16xi32>
        %parallel_loop3A_450 = arith.constant 32768 : i32
        %parallel_loop3A_451 = vector.broadcast %parallel_loop3A_450 : i32 to vector<16xi32>
        %parallel_loop3A_452 = arith.addi %parallel_loop3A_449, %parallel_loop3A_451 : vector<16xi32>
        %parallel_loop3A_453 = tpu.vector_load_idx %arg5[%parallel_loop3A_452] : memref<65536xf32, #tpu.memory_space<vmem>>[vector<16xi32>], vector<16xf32>,
        %parallel_loop3A_454 = arith.index_cast %parallel_loop3A_176 : i32 to index
        %parallel_loop3A_455 = arith.constant 208 : index
        %parallel_loop3A_456 = tpu.vector_load %arg10[%parallel_loop3A_454, %parallel_loop3A_455] {strides = array<i32>} : memref<32x224xf32, #tpu.memory_space<vmem>>, vector<16xf32>,
        tpu.vector_store %arg10[%parallel_loop3A_454, %parallel_loop3A_455], %parallel_loop3A_453 {strides = array<i32>} : memref<32x224xf32, #tpu.memory_space<vmem>>, vector<16xf32>,
      } {sc.loop_unroll_factor = 2 : i64, sc.parallel_access}
      %mul3A_70 = arith.constant 32 : i32
      %mul3A_71 = arith.muli %add3A_52, %mul3A_70 : i32
      %add3A_72 = arith.addi %mul3A_2, %mul3A_71 : i32
      %dma_start3A_73 = arith.constant 0 : i32
      %dma_start3A_74 = tpu.memref_slice %arg4[%add3A_72, %dma_start3A_73] : memref<172032x224xf32, #tpu.memory_space<hbm>> -> memref<32x224xf32, #tpu.memory_space<hbm>>
      %dma_start3A_75 = arith.constant 0 : i32
      %dma_start3A_76 = tpu.memref_slice %arg4[%add3A_72, %dma_start3A_75] : memref<172032x224xf32, #tpu.memory_space<hbm>> -> memref<32x224xf32, #tpu.memory_space<hbm>>
      tpu.enqueue_dma source(%arg10 : memref<32x224xf32, #tpu.memory_space<vmem>>) target(%dma_start3A_76 : memref<32x224xf32, #tpu.memory_space<hbm>>) target_semaphore(%arg18 : memref<!tpu.dma_semaphore, #tpu.memory_space<semaphore_mem>>)
      %mul3A_77 = arith.constant 4 : i32
      %mul3A_78 = arith.muli %mul3A_77, %scan3A_48 : i32
      %add3A_79 = arith.constant 1 : i32
      %add3A_80 = arith.addi %mul3A_78, %add3A_79 : i32
      %add3A_81 = arith.constant 3 : i32
      %add3A_82 = arith.addi %add3A_80, %add3A_81 : i32
      %lt3A_83 = arith.constant 168 : i32
      %lt3A_84 = arith.cmpi slt, %add3A_82, %lt3A_83 : i32
      %convert_element_type3A_85 = arith.extui %lt3A_84 : i1 to i32
      %cond3A_86 = arith.constant 0 : i32
      %cond3A_87 = arith.cmpi ne, %convert_element_type3A_85, %cond3A_86 : i32
      scf.if %cond3A_87 {
        %add3A_176 = arith.constant 3 : i32
        %add3A_177 = arith.addi %add3A_80, %add3A_176 : i32
        %mul3A_178 = arith.constant 32 : i32
        %mul3A_179 = arith.muli %add3A_177, %mul3A_178 : i32
        %add3A_180 = arith.addi %mul3A_2, %mul3A_179 : i32
        %dma_start3A_181 = arith.constant 0 : i32
        %dma_start3A_182 = tpu.memref_slice %arg2[%add3A_180, %dma_start3A_181] : memref<172032x224xf32, #tpu.memory_space<hbm>> -> memref<32x224xf32, #tpu.memory_space<hbm>>
        %dma_start3A_183 = arith.constant 0 : i32
        %dma_start3A_184 = tpu.memref_slice %arg2[%add3A_180, %dma_start3A_183] : memref<172032x224xf32, #tpu.memory_space<hbm>> -> memref<32x224xf32, #tpu.memory_space<hbm>>
        tpu.enqueue_dma source(%dma_start3A_184 : memref<32x224xf32, #tpu.memory_space<hbm>>) target(%arg6 : memref<32x224xf32, #tpu.memory_space<vmem>>) target_semaphore(%arg14 : memref<!tpu.dma_semaphore, #tpu.memory_space<semaphore_mem>>)
      } else {
      }
      %mul3A_88 = arith.constant 32 : i32
      %mul3A_89 = arith.muli %add3A_80, %mul3A_88 : i32
      %add3A_90 = arith.addi %mul3A_2, %mul3A_89 : i32
      %dma_wait3A_91 = arith.constant 0 : i32
      %dma_wait3A_92 = tpu.memref_slice %arg2[%add3A_90, %dma_wait3A_91] : memref<172032x224xf32, #tpu.memory_space<hbm>> -> memref<32x224xf32, #tpu.memory_space<hbm>>
      %dma_wait3A_93 = arith.constant 0 : i32
      %dma_wait3A_94 = tpu.memref_slice %arg2[%add3A_90, %dma_wait3A_93] : memref<172032x224xf32, #tpu.memory_space<hbm>> -> memref<32x224xf32, #tpu.memory_space<hbm>>
      tpu.wait_dma2 semaphore(%arg15 : memref<!tpu.dma_semaphore, #tpu.memory_space<semaphore_mem>>) src(%dma_wait3A_94 : memref<32x224xf32, #tpu.memory_space<hbm>>) dst(%arg7 : memref<32x224xf32, #tpu.memory_space<vmem>>)
      %gt3A_95 = arith.constant 0 : i32
      %gt3A_96 = arith.cmpi sgt, %scan3A_48, %gt3A_95 : i32
      %convert_element_type3A_97 = arith.extui %gt3A_96 : i1 to i32
      %cond3A_98 = arith.constant 0 : i32
      %cond3A_99 = arith.cmpi ne, %convert_element_type3A_97, %cond3A_98 : i32
      scf.if %cond3A_99 {
        %sub3A = arith.constant 4 : i32
        %sub3A_176 = arith.subi %add3A_80, %sub3A : i32
        %mul3A_177 = arith.constant 32 : i32
        %mul3A_178 = arith.muli %sub3A_176, %mul3A_177 : i32
        %add3A_179 = arith.addi %mul3A_2, %mul3A_178 : i32
        %dma_wait3A_180 = arith.constant 0 : i32
        %dma_wait3A_181 = tpu.memref_slice %arg4[%add3A_179, %dma_wait3A_180] : memref<172032x224xf32, #tpu.memory_space<hbm>> -> memref<32x224xf32, #tpu.memory_space<hbm>>
        %dma_wait3A_182 = arith.constant 0 : i32
        %dma_wait3A_183 = tpu.memref_slice %arg4[%add3A_179, %dma_wait3A_182] : memref<172032x224xf32, #tpu.memory_space<hbm>> -> memref<32x224xf32, #tpu.memory_space<hbm>>
        tpu.wait_dma2 semaphore(%arg19 : memref<!tpu.dma_semaphore, #tpu.memory_space<semaphore_mem>>) src(%arg11 : memref<32x224xf32, #tpu.memory_space<vmem>>) dst(%dma_wait3A_183 : memref<32x224xf32, #tpu.memory_space<hbm>>)
      } else {
      }
      %parallel_loop3A_100 = arith.constant 0 : i32
      %parallel_loop3A_101 = arith.constant 32 : i32
      %parallel_loop3A_102 = arith.constant 1 : i32
      scf.for %parallel_loop3A_176 = %parallel_loop3A_100 to %parallel_loop3A_101 step %parallel_loop3A_102  : i32 {
        %parallel_loop3A_177 = arith.index_cast %parallel_loop3A_176 : i32 to index
        %parallel_loop3A_178 = arith.constant 0 : index
        %parallel_loop3A_179 = tpu.vector_load %arg7[%parallel_loop3A_177, %parallel_loop3A_178] {strides = array<i32>} : memref<32x224xf32, #tpu.memory_space<vmem>>, vector<16xf32>,
        %parallel_loop3A_180 = arith.constant 4.096000e+03 : f32
        %parallel_loop3A_181 = vector.broadcast %parallel_loop3A_180 : f32 to vector<16xf32>
        %parallel_loop3A_182 = arith.mulf %parallel_loop3A_179, %parallel_loop3A_181 : vector<16xf32>
        %parallel_loop3A_183 = arith.constant -3.276800e+04 : f32
        %parallel_loop3A_184 = vector.broadcast %parallel_loop3A_183 : f32 to vector<16xf32>
        %parallel_loop3A_185 = arith.maximumf %parallel_loop3A_182, %parallel_loop3A_184 : vector<16xf32>
        %parallel_loop3A_186 = arith.constant 3.276700e+04 : f32
        %parallel_loop3A_187 = vector.broadcast %parallel_loop3A_186 : f32 to vector<16xf32>
        %parallel_loop3A_188 = arith.minimumf %parallel_loop3A_185, %parallel_loop3A_187 : vector<16xf32>
        %parallel_loop3A_189 = arith.fptosi %parallel_loop3A_188 : vector<16xf32> to vector<16xi32>
        %parallel_loop3A_190 = arith.constant 32768 : i32
        %parallel_loop3A_191 = vector.broadcast %parallel_loop3A_190 : i32 to vector<16xi32>
        %parallel_loop3A_192 = arith.addi %parallel_loop3A_189, %parallel_loop3A_191 : vector<16xi32>
        %parallel_loop3A_193 = tpu.vector_load_idx %arg5[%parallel_loop3A_192] : memref<65536xf32, #tpu.memory_space<vmem>>[vector<16xi32>], vector<16xf32>,
        %parallel_loop3A_194 = arith.index_cast %parallel_loop3A_176 : i32 to index
        %parallel_loop3A_195 = arith.constant 0 : index
        %parallel_loop3A_196 = tpu.vector_load %arg11[%parallel_loop3A_194, %parallel_loop3A_195] {strides = array<i32>} : memref<32x224xf32, #tpu.memory_space<vmem>>, vector<16xf32>,
        tpu.vector_store %arg11[%parallel_loop3A_194, %parallel_loop3A_195], %parallel_loop3A_193 {strides = array<i32>} : memref<32x224xf32, #tpu.memory_space<vmem>>, vector<16xf32>,
        %parallel_loop3A_197 = arith.index_cast %parallel_loop3A_176 : i32 to index
        %parallel_loop3A_198 = arith.constant 16 : index
        %parallel_loop3A_199 = tpu.vector_load %arg7[%parallel_loop3A_197, %parallel_loop3A_198] {strides = array<i32>} : memref<32x224xf32, #tpu.memory_space<vmem>>, vector<16xf32>,
        %parallel_loop3A_200 = arith.constant 4.096000e+03 : f32
        %parallel_loop3A_201 = vector.broadcast %parallel_loop3A_200 : f32 to vector<16xf32>
        %parallel_loop3A_202 = arith.mulf %parallel_loop3A_199, %parallel_loop3A_201 : vector<16xf32>
        %parallel_loop3A_203 = arith.constant -3.276800e+04 : f32
        %parallel_loop3A_204 = vector.broadcast %parallel_loop3A_203 : f32 to vector<16xf32>
        %parallel_loop3A_205 = arith.maximumf %parallel_loop3A_202, %parallel_loop3A_204 : vector<16xf32>
        %parallel_loop3A_206 = arith.constant 3.276700e+04 : f32
        %parallel_loop3A_207 = vector.broadcast %parallel_loop3A_206 : f32 to vector<16xf32>
        %parallel_loop3A_208 = arith.minimumf %parallel_loop3A_205, %parallel_loop3A_207 : vector<16xf32>
        %parallel_loop3A_209 = arith.fptosi %parallel_loop3A_208 : vector<16xf32> to vector<16xi32>
        %parallel_loop3A_210 = arith.constant 32768 : i32
        %parallel_loop3A_211 = vector.broadcast %parallel_loop3A_210 : i32 to vector<16xi32>
        %parallel_loop3A_212 = arith.addi %parallel_loop3A_209, %parallel_loop3A_211 : vector<16xi32>
        %parallel_loop3A_213 = tpu.vector_load_idx %arg5[%parallel_loop3A_212] : memref<65536xf32, #tpu.memory_space<vmem>>[vector<16xi32>], vector<16xf32>,
        %parallel_loop3A_214 = arith.index_cast %parallel_loop3A_176 : i32 to index
        %parallel_loop3A_215 = arith.constant 16 : index
        %parallel_loop3A_216 = tpu.vector_load %arg11[%parallel_loop3A_214, %parallel_loop3A_215] {strides = array<i32>} : memref<32x224xf32, #tpu.memory_space<vmem>>, vector<16xf32>,
        tpu.vector_store %arg11[%parallel_loop3A_214, %parallel_loop3A_215], %parallel_loop3A_213 {strides = array<i32>} : memref<32x224xf32, #tpu.memory_space<vmem>>, vector<16xf32>,
        %parallel_loop3A_217 = arith.index_cast %parallel_loop3A_176 : i32 to index
        %parallel_loop3A_218 = arith.constant 32 : index
        %parallel_loop3A_219 = tpu.vector_load %arg7[%parallel_loop3A_217, %parallel_loop3A_218] {strides = array<i32>} : memref<32x224xf32, #tpu.memory_space<vmem>>, vector<16xf32>,
        %parallel_loop3A_220 = arith.constant 4.096000e+03 : f32
        %parallel_loop3A_221 = vector.broadcast %parallel_loop3A_220 : f32 to vector<16xf32>
        %parallel_loop3A_222 = arith.mulf %parallel_loop3A_219, %parallel_loop3A_221 : vector<16xf32>
        %parallel_loop3A_223 = arith.constant -3.276800e+04 : f32
        %parallel_loop3A_224 = vector.broadcast %parallel_loop3A_223 : f32 to vector<16xf32>
        %parallel_loop3A_225 = arith.maximumf %parallel_loop3A_222, %parallel_loop3A_224 : vector<16xf32>
        %parallel_loop3A_226 = arith.constant 3.276700e+04 : f32
        %parallel_loop3A_227 = vector.broadcast %parallel_loop3A_226 : f32 to vector<16xf32>
        %parallel_loop3A_228 = arith.minimumf %parallel_loop3A_225, %parallel_loop3A_227 : vector<16xf32>
        %parallel_loop3A_229 = arith.fptosi %parallel_loop3A_228 : vector<16xf32> to vector<16xi32>
        %parallel_loop3A_230 = arith.constant 32768 : i32
        %parallel_loop3A_231 = vector.broadcast %parallel_loop3A_230 : i32 to vector<16xi32>
        %parallel_loop3A_232 = arith.addi %parallel_loop3A_229, %parallel_loop3A_231 : vector<16xi32>
        %parallel_loop3A_233 = tpu.vector_load_idx %arg5[%parallel_loop3A_232] : memref<65536xf32, #tpu.memory_space<vmem>>[vector<16xi32>], vector<16xf32>,
        %parallel_loop3A_234 = arith.index_cast %parallel_loop3A_176 : i32 to index
        %parallel_loop3A_235 = arith.constant 32 : index
        %parallel_loop3A_236 = tpu.vector_load %arg11[%parallel_loop3A_234, %parallel_loop3A_235] {strides = array<i32>} : memref<32x224xf32, #tpu.memory_space<vmem>>, vector<16xf32>,
        tpu.vector_store %arg11[%parallel_loop3A_234, %parallel_loop3A_235], %parallel_loop3A_233 {strides = array<i32>} : memref<32x224xf32, #tpu.memory_space<vmem>>, vector<16xf32>,
        %parallel_loop3A_237 = arith.index_cast %parallel_loop3A_176 : i32 to index
        %parallel_loop3A_238 = arith.constant 48 : index
        %parallel_loop3A_239 = tpu.vector_load %arg7[%parallel_loop3A_237, %parallel_loop3A_238] {strides = array<i32>} : memref<32x224xf32, #tpu.memory_space<vmem>>, vector<16xf32>,
        %parallel_loop3A_240 = arith.constant 4.096000e+03 : f32
        %parallel_loop3A_241 = vector.broadcast %parallel_loop3A_240 : f32 to vector<16xf32>
        %parallel_loop3A_242 = arith.mulf %parallel_loop3A_239, %parallel_loop3A_241 : vector<16xf32>
        %parallel_loop3A_243 = arith.constant -3.276800e+04 : f32
        %parallel_loop3A_244 = vector.broadcast %parallel_loop3A_243 : f32 to vector<16xf32>
        %parallel_loop3A_245 = arith.maximumf %parallel_loop3A_242, %parallel_loop3A_244 : vector<16xf32>
        %parallel_loop3A_246 = arith.constant 3.276700e+04 : f32
        %parallel_loop3A_247 = vector.broadcast %parallel_loop3A_246 : f32 to vector<16xf32>
        %parallel_loop3A_248 = arith.minimumf %parallel_loop3A_245, %parallel_loop3A_247 : vector<16xf32>
        %parallel_loop3A_249 = arith.fptosi %parallel_loop3A_248 : vector<16xf32> to vector<16xi32>
        %parallel_loop3A_250 = arith.constant 32768 : i32
        %parallel_loop3A_251 = vector.broadcast %parallel_loop3A_250 : i32 to vector<16xi32>
        %parallel_loop3A_252 = arith.addi %parallel_loop3A_249, %parallel_loop3A_251 : vector<16xi32>
        %parallel_loop3A_253 = tpu.vector_load_idx %arg5[%parallel_loop3A_252] : memref<65536xf32, #tpu.memory_space<vmem>>[vector<16xi32>], vector<16xf32>,
        %parallel_loop3A_254 = arith.index_cast %parallel_loop3A_176 : i32 to index
        %parallel_loop3A_255 = arith.constant 48 : index
        %parallel_loop3A_256 = tpu.vector_load %arg11[%parallel_loop3A_254, %parallel_loop3A_255] {strides = array<i32>} : memref<32x224xf32, #tpu.memory_space<vmem>>, vector<16xf32>,
        tpu.vector_store %arg11[%parallel_loop3A_254, %parallel_loop3A_255], %parallel_loop3A_253 {strides = array<i32>} : memref<32x224xf32, #tpu.memory_space<vmem>>, vector<16xf32>,
        %parallel_loop3A_257 = arith.index_cast %parallel_loop3A_176 : i32 to index
        %parallel_loop3A_258 = arith.constant 64 : index
        %parallel_loop3A_259 = tpu.vector_load %arg7[%parallel_loop3A_257, %parallel_loop3A_258] {strides = array<i32>} : memref<32x224xf32, #tpu.memory_space<vmem>>, vector<16xf32>,
        %parallel_loop3A_260 = arith.constant 4.096000e+03 : f32
        %parallel_loop3A_261 = vector.broadcast %parallel_loop3A_260 : f32 to vector<16xf32>
        %parallel_loop3A_262 = arith.mulf %parallel_loop3A_259, %parallel_loop3A_261 : vector<16xf32>
        %parallel_loop3A_263 = arith.constant -3.276800e+04 : f32
        %parallel_loop3A_264 = vector.broadcast %parallel_loop3A_263 : f32 to vector<16xf32>
        %parallel_loop3A_265 = arith.maximumf %parallel_loop3A_262, %parallel_loop3A_264 : vector<16xf32>
        %parallel_loop3A_266 = arith.constant 3.276700e+04 : f32
        %parallel_loop3A_267 = vector.broadcast %parallel_loop3A_266 : f32 to vector<16xf32>
        %parallel_loop3A_268 = arith.minimumf %parallel_loop3A_265, %parallel_loop3A_267 : vector<16xf32>
        %parallel_loop3A_269 = arith.fptosi %parallel_loop3A_268 : vector<16xf32> to vector<16xi32>
        %parallel_loop3A_270 = arith.constant 32768 : i32
        %parallel_loop3A_271 = vector.broadcast %parallel_loop3A_270 : i32 to vector<16xi32>
        %parallel_loop3A_272 = arith.addi %parallel_loop3A_269, %parallel_loop3A_271 : vector<16xi32>
        %parallel_loop3A_273 = tpu.vector_load_idx %arg5[%parallel_loop3A_272] : memref<65536xf32, #tpu.memory_space<vmem>>[vector<16xi32>], vector<16xf32>,
        %parallel_loop3A_274 = arith.index_cast %parallel_loop3A_176 : i32 to index
        %parallel_loop3A_275 = arith.constant 64 : index
        %parallel_loop3A_276 = tpu.vector_load %arg11[%parallel_loop3A_274, %parallel_loop3A_275] {strides = array<i32>} : memref<32x224xf32, #tpu.memory_space<vmem>>, vector<16xf32>,
        tpu.vector_store %arg11[%parallel_loop3A_274, %parallel_loop3A_275], %parallel_loop3A_273 {strides = array<i32>} : memref<32x224xf32, #tpu.memory_space<vmem>>, vector<16xf32>,
        %parallel_loop3A_277 = arith.index_cast %parallel_loop3A_176 : i32 to index
        %parallel_loop3A_278 = arith.constant 80 : index
        %parallel_loop3A_279 = tpu.vector_load %arg7[%parallel_loop3A_277, %parallel_loop3A_278] {strides = array<i32>} : memref<32x224xf32, #tpu.memory_space<vmem>>, vector<16xf32>,
        %parallel_loop3A_280 = arith.constant 4.096000e+03 : f32
        %parallel_loop3A_281 = vector.broadcast %parallel_loop3A_280 : f32 to vector<16xf32>
        %parallel_loop3A_282 = arith.mulf %parallel_loop3A_279, %parallel_loop3A_281 : vector<16xf32>
        %parallel_loop3A_283 = arith.constant -3.276800e+04 : f32
        %parallel_loop3A_284 = vector.broadcast %parallel_loop3A_283 : f32 to vector<16xf32>
        %parallel_loop3A_285 = arith.maximumf %parallel_loop3A_282, %parallel_loop3A_284 : vector<16xf32>
        %parallel_loop3A_286 = arith.constant 3.276700e+04 : f32
        %parallel_loop3A_287 = vector.broadcast %parallel_loop3A_286 : f32 to vector<16xf32>
        %parallel_loop3A_288 = arith.minimumf %parallel_loop3A_285, %parallel_loop3A_287 : vector<16xf32>
        %parallel_loop3A_289 = arith.fptosi %parallel_loop3A_288 : vector<16xf32> to vector<16xi32>
        %parallel_loop3A_290 = arith.constant 32768 : i32
        %parallel_loop3A_291 = vector.broadcast %parallel_loop3A_290 : i32 to vector<16xi32>
        %parallel_loop3A_292 = arith.addi %parallel_loop3A_289, %parallel_loop3A_291 : vector<16xi32>
        %parallel_loop3A_293 = tpu.vector_load_idx %arg5[%parallel_loop3A_292] : memref<65536xf32, #tpu.memory_space<vmem>>[vector<16xi32>], vector<16xf32>,
        %parallel_loop3A_294 = arith.index_cast %parallel_loop3A_176 : i32 to index
        %parallel_loop3A_295 = arith.constant 80 : index
        %parallel_loop3A_296 = tpu.vector_load %arg11[%parallel_loop3A_294, %parallel_loop3A_295] {strides = array<i32>} : memref<32x224xf32, #tpu.memory_space<vmem>>, vector<16xf32>,
        tpu.vector_store %arg11[%parallel_loop3A_294, %parallel_loop3A_295], %parallel_loop3A_293 {strides = array<i32>} : memref<32x224xf32, #tpu.memory_space<vmem>>, vector<16xf32>,
        %parallel_loop3A_297 = arith.index_cast %parallel_loop3A_176 : i32 to index
        %parallel_loop3A_298 = arith.constant 96 : index
        %parallel_loop3A_299 = tpu.vector_load %arg7[%parallel_loop3A_297, %parallel_loop3A_298] {strides = array<i32>} : memref<32x224xf32, #tpu.memory_space<vmem>>, vector<16xf32>,
        %parallel_loop3A_300 = arith.constant 4.096000e+03 : f32
        %parallel_loop3A_301 = vector.broadcast %parallel_loop3A_300 : f32 to vector<16xf32>
        %parallel_loop3A_302 = arith.mulf %parallel_loop3A_299, %parallel_loop3A_301 : vector<16xf32>
        %parallel_loop3A_303 = arith.constant -3.276800e+04 : f32
        %parallel_loop3A_304 = vector.broadcast %parallel_loop3A_303 : f32 to vector<16xf32>
        %parallel_loop3A_305 = arith.maximumf %parallel_loop3A_302, %parallel_loop3A_304 : vector<16xf32>
        %parallel_loop3A_306 = arith.constant 3.276700e+04 : f32
        %parallel_loop3A_307 = vector.broadcast %parallel_loop3A_306 : f32 to vector<16xf32>
        %parallel_loop3A_308 = arith.minimumf %parallel_loop3A_305, %parallel_loop3A_307 : vector<16xf32>
        %parallel_loop3A_309 = arith.fptosi %parallel_loop3A_308 : vector<16xf32> to vector<16xi32>
        %parallel_loop3A_310 = arith.constant 32768 : i32
        %parallel_loop3A_311 = vector.broadcast %parallel_loop3A_310 : i32 to vector<16xi32>
        %parallel_loop3A_312 = arith.addi %parallel_loop3A_309, %parallel_loop3A_311 : vector<16xi32>
        %parallel_loop3A_313 = tpu.vector_load_idx %arg5[%parallel_loop3A_312] : memref<65536xf32, #tpu.memory_space<vmem>>[vector<16xi32>], vector<16xf32>,
        %parallel_loop3A_314 = arith.index_cast %parallel_loop3A_176 : i32 to index
        %parallel_loop3A_315 = arith.constant 96 : index
        %parallel_loop3A_316 = tpu.vector_load %arg11[%parallel_loop3A_314, %parallel_loop3A_315] {strides = array<i32>} : memref<32x224xf32, #tpu.memory_space<vmem>>, vector<16xf32>,
        tpu.vector_store %arg11[%parallel_loop3A_314, %parallel_loop3A_315], %parallel_loop3A_313 {strides = array<i32>} : memref<32x224xf32, #tpu.memory_space<vmem>>, vector<16xf32>,
        %parallel_loop3A_317 = arith.index_cast %parallel_loop3A_176 : i32 to index
        %parallel_loop3A_318 = arith.constant 112 : index
        %parallel_loop3A_319 = tpu.vector_load %arg7[%parallel_loop3A_317, %parallel_loop3A_318] {strides = array<i32>} : memref<32x224xf32, #tpu.memory_space<vmem>>, vector<16xf32>,
        %parallel_loop3A_320 = arith.constant 4.096000e+03 : f32
        %parallel_loop3A_321 = vector.broadcast %parallel_loop3A_320 : f32 to vector<16xf32>
        %parallel_loop3A_322 = arith.mulf %parallel_loop3A_319, %parallel_loop3A_321 : vector<16xf32>
        %parallel_loop3A_323 = arith.constant -3.276800e+04 : f32
        %parallel_loop3A_324 = vector.broadcast %parallel_loop3A_323 : f32 to vector<16xf32>
        %parallel_loop3A_325 = arith.maximumf %parallel_loop3A_322, %parallel_loop3A_324 : vector<16xf32>
        %parallel_loop3A_326 = arith.constant 3.276700e+04 : f32
        %parallel_loop3A_327 = vector.broadcast %parallel_loop3A_326 : f32 to vector<16xf32>
        %parallel_loop3A_328 = arith.minimumf %parallel_loop3A_325, %parallel_loop3A_327 : vector<16xf32>
        %parallel_loop3A_329 = arith.fptosi %parallel_loop3A_328 : vector<16xf32> to vector<16xi32>
        %parallel_loop3A_330 = arith.constant 32768 : i32
        %parallel_loop3A_331 = vector.broadcast %parallel_loop3A_330 : i32 to vector<16xi32>
        %parallel_loop3A_332 = arith.addi %parallel_loop3A_329, %parallel_loop3A_331 : vector<16xi32>
        %parallel_loop3A_333 = tpu.vector_load_idx %arg5[%parallel_loop3A_332] : memref<65536xf32, #tpu.memory_space<vmem>>[vector<16xi32>], vector<16xf32>,
        %parallel_loop3A_334 = arith.index_cast %parallel_loop3A_176 : i32 to index
        %parallel_loop3A_335 = arith.constant 112 : index
        %parallel_loop3A_336 = tpu.vector_load %arg11[%parallel_loop3A_334, %parallel_loop3A_335] {strides = array<i32>} : memref<32x224xf32, #tpu.memory_space<vmem>>, vector<16xf32>,
        tpu.vector_store %arg11[%parallel_loop3A_334, %parallel_loop3A_335], %parallel_loop3A_333 {strides = array<i32>} : memref<32x224xf32, #tpu.memory_space<vmem>>, vector<16xf32>,
        %parallel_loop3A_337 = arith.index_cast %parallel_loop3A_176 : i32 to index
        %parallel_loop3A_338 = arith.constant 128 : index
        %parallel_loop3A_339 = tpu.vector_load %arg7[%parallel_loop3A_337, %parallel_loop3A_338] {strides = array<i32>} : memref<32x224xf32, #tpu.memory_space<vmem>>, vector<16xf32>,
        %parallel_loop3A_340 = arith.constant 4.096000e+03 : f32
        %parallel_loop3A_341 = vector.broadcast %parallel_loop3A_340 : f32 to vector<16xf32>
        %parallel_loop3A_342 = arith.mulf %parallel_loop3A_339, %parallel_loop3A_341 : vector<16xf32>
        %parallel_loop3A_343 = arith.constant -3.276800e+04 : f32
        %parallel_loop3A_344 = vector.broadcast %parallel_loop3A_343 : f32 to vector<16xf32>
        %parallel_loop3A_345 = arith.maximumf %parallel_loop3A_342, %parallel_loop3A_344 : vector<16xf32>
        %parallel_loop3A_346 = arith.constant 3.276700e+04 : f32
        %parallel_loop3A_347 = vector.broadcast %parallel_loop3A_346 : f32 to vector<16xf32>
        %parallel_loop3A_348 = arith.minimumf %parallel_loop3A_345, %parallel_loop3A_347 : vector<16xf32>
        %parallel_loop3A_349 = arith.fptosi %parallel_loop3A_348 : vector<16xf32> to vector<16xi32>
        %parallel_loop3A_350 = arith.constant 32768 : i32
        %parallel_loop3A_351 = vector.broadcast %parallel_loop3A_350 : i32 to vector<16xi32>
        %parallel_loop3A_352 = arith.addi %parallel_loop3A_349, %parallel_loop3A_351 : vector<16xi32>
        %parallel_loop3A_353 = tpu.vector_load_idx %arg5[%parallel_loop3A_352] : memref<65536xf32, #tpu.memory_space<vmem>>[vector<16xi32>], vector<16xf32>,
        %parallel_loop3A_354 = arith.index_cast %parallel_loop3A_176 : i32 to index
        %parallel_loop3A_355 = arith.constant 128 : index
        %parallel_loop3A_356 = tpu.vector_load %arg11[%parallel_loop3A_354, %parallel_loop3A_355] {strides = array<i32>} : memref<32x224xf32, #tpu.memory_space<vmem>>, vector<16xf32>,
        tpu.vector_store %arg11[%parallel_loop3A_354, %parallel_loop3A_355], %parallel_loop3A_353 {strides = array<i32>} : memref<32x224xf32, #tpu.memory_space<vmem>>, vector<16xf32>,
        %parallel_loop3A_357 = arith.index_cast %parallel_loop3A_176 : i32 to index
        %parallel_loop3A_358 = arith.constant 144 : index
        %parallel_loop3A_359 = tpu.vector_load %arg7[%parallel_loop3A_357, %parallel_loop3A_358] {strides = array<i32>} : memref<32x224xf32, #tpu.memory_space<vmem>>, vector<16xf32>,
        %parallel_loop3A_360 = arith.constant 4.096000e+03 : f32
        %parallel_loop3A_361 = vector.broadcast %parallel_loop3A_360 : f32 to vector<16xf32>
        %parallel_loop3A_362 = arith.mulf %parallel_loop3A_359, %parallel_loop3A_361 : vector<16xf32>
        %parallel_loop3A_363 = arith.constant -3.276800e+04 : f32
        %parallel_loop3A_364 = vector.broadcast %parallel_loop3A_363 : f32 to vector<16xf32>
        %parallel_loop3A_365 = arith.maximumf %parallel_loop3A_362, %parallel_loop3A_364 : vector<16xf32>
        %parallel_loop3A_366 = arith.constant 3.276700e+04 : f32
        %parallel_loop3A_367 = vector.broadcast %parallel_loop3A_366 : f32 to vector<16xf32>
        %parallel_loop3A_368 = arith.minimumf %parallel_loop3A_365, %parallel_loop3A_367 : vector<16xf32>
        %parallel_loop3A_369 = arith.fptosi %parallel_loop3A_368 : vector<16xf32> to vector<16xi32>
        %parallel_loop3A_370 = arith.constant 32768 : i32
        %parallel_loop3A_371 = vector.broadcast %parallel_loop3A_370 : i32 to vector<16xi32>
        %parallel_loop3A_372 = arith.addi %parallel_loop3A_369, %parallel_loop3A_371 : vector<16xi32>
        %parallel_loop3A_373 = tpu.vector_load_idx %arg5[%parallel_loop3A_372] : memref<65536xf32, #tpu.memory_space<vmem>>[vector<16xi32>], vector<16xf32>,
        %parallel_loop3A_374 = arith.index_cast %parallel_loop3A_176 : i32 to index
        %parallel_loop3A_375 = arith.constant 144 : index
        %parallel_loop3A_376 = tpu.vector_load %arg11[%parallel_loop3A_374, %parallel_loop3A_375] {strides = array<i32>} : memref<32x224xf32, #tpu.memory_space<vmem>>, vector<16xf32>,
        tpu.vector_store %arg11[%parallel_loop3A_374, %parallel_loop3A_375], %parallel_loop3A_373 {strides = array<i32>} : memref<32x224xf32, #tpu.memory_space<vmem>>, vector<16xf32>,
        %parallel_loop3A_377 = arith.index_cast %parallel_loop3A_176 : i32 to index
        %parallel_loop3A_378 = arith.constant 160 : index
        %parallel_loop3A_379 = tpu.vector_load %arg7[%parallel_loop3A_377, %parallel_loop3A_378] {strides = array<i32>} : memref<32x224xf32, #tpu.memory_space<vmem>>, vector<16xf32>,
        %parallel_loop3A_380 = arith.constant 4.096000e+03 : f32
        %parallel_loop3A_381 = vector.broadcast %parallel_loop3A_380 : f32 to vector<16xf32>
        %parallel_loop3A_382 = arith.mulf %parallel_loop3A_379, %parallel_loop3A_381 : vector<16xf32>
        %parallel_loop3A_383 = arith.constant -3.276800e+04 : f32
        %parallel_loop3A_384 = vector.broadcast %parallel_loop3A_383 : f32 to vector<16xf32>
        %parallel_loop3A_385 = arith.maximumf %parallel_loop3A_382, %parallel_loop3A_384 : vector<16xf32>
        %parallel_loop3A_386 = arith.constant 3.276700e+04 : f32
        %parallel_loop3A_387 = vector.broadcast %parallel_loop3A_386 : f32 to vector<16xf32>
        %parallel_loop3A_388 = arith.minimumf %parallel_loop3A_385, %parallel_loop3A_387 : vector<16xf32>
        %parallel_loop3A_389 = arith.fptosi %parallel_loop3A_388 : vector<16xf32> to vector<16xi32>
        %parallel_loop3A_390 = arith.constant 32768 : i32
        %parallel_loop3A_391 = vector.broadcast %parallel_loop3A_390 : i32 to vector<16xi32>
        %parallel_loop3A_392 = arith.addi %parallel_loop3A_389, %parallel_loop3A_391 : vector<16xi32>
        %parallel_loop3A_393 = tpu.vector_load_idx %arg5[%parallel_loop3A_392] : memref<65536xf32, #tpu.memory_space<vmem>>[vector<16xi32>], vector<16xf32>,
        %parallel_loop3A_394 = arith.index_cast %parallel_loop3A_176 : i32 to index
        %parallel_loop3A_395 = arith.constant 160 : index
        %parallel_loop3A_396 = tpu.vector_load %arg11[%parallel_loop3A_394, %parallel_loop3A_395] {strides = array<i32>} : memref<32x224xf32, #tpu.memory_space<vmem>>, vector<16xf32>,
        tpu.vector_store %arg11[%parallel_loop3A_394, %parallel_loop3A_395], %parallel_loop3A_393 {strides = array<i32>} : memref<32x224xf32, #tpu.memory_space<vmem>>, vector<16xf32>,
        %parallel_loop3A_397 = arith.index_cast %parallel_loop3A_176 : i32 to index
        %parallel_loop3A_398 = arith.constant 176 : index
        %parallel_loop3A_399 = tpu.vector_load %arg7[%parallel_loop3A_397, %parallel_loop3A_398] {strides = array<i32>} : memref<32x224xf32, #tpu.memory_space<vmem>>, vector<16xf32>,
        %parallel_loop3A_400 = arith.constant 4.096000e+03 : f32
        %parallel_loop3A_401 = vector.broadcast %parallel_loop3A_400 : f32 to vector<16xf32>
        %parallel_loop3A_402 = arith.mulf %parallel_loop3A_399, %parallel_loop3A_401 : vector<16xf32>
        %parallel_loop3A_403 = arith.constant -3.276800e+04 : f32
        %parallel_loop3A_404 = vector.broadcast %parallel_loop3A_403 : f32 to vector<16xf32>
        %parallel_loop3A_405 = arith.maximumf %parallel_loop3A_402, %parallel_loop3A_404 : vector<16xf32>
        %parallel_loop3A_406 = arith.constant 3.276700e+04 : f32
        %parallel_loop3A_407 = vector.broadcast %parallel_loop3A_406 : f32 to vector<16xf32>
        %parallel_loop3A_408 = arith.minimumf %parallel_loop3A_405, %parallel_loop3A_407 : vector<16xf32>
        %parallel_loop3A_409 = arith.fptosi %parallel_loop3A_408 : vector<16xf32> to vector<16xi32>
        %parallel_loop3A_410 = arith.constant 32768 : i32
        %parallel_loop3A_411 = vector.broadcast %parallel_loop3A_410 : i32 to vector<16xi32>
        %parallel_loop3A_412 = arith.addi %parallel_loop3A_409, %parallel_loop3A_411 : vector<16xi32>
        %parallel_loop3A_413 = tpu.vector_load_idx %arg5[%parallel_loop3A_412] : memref<65536xf32, #tpu.memory_space<vmem>>[vector<16xi32>], vector<16xf32>,
        %parallel_loop3A_414 = arith.index_cast %parallel_loop3A_176 : i32 to index
        %parallel_loop3A_415 = arith.constant 176 : index
        %parallel_loop3A_416 = tpu.vector_load %arg11[%parallel_loop3A_414, %parallel_loop3A_415] {strides = array<i32>} : memref<32x224xf32, #tpu.memory_space<vmem>>, vector<16xf32>,
        tpu.vector_store %arg11[%parallel_loop3A_414, %parallel_loop3A_415], %parallel_loop3A_413 {strides = array<i32>} : memref<32x224xf32, #tpu.memory_space<vmem>>, vector<16xf32>,
        %parallel_loop3A_417 = arith.index_cast %parallel_loop3A_176 : i32 to index
        %parallel_loop3A_418 = arith.constant 192 : index
        %parallel_loop3A_419 = tpu.vector_load %arg7[%parallel_loop3A_417, %parallel_loop3A_418] {strides = array<i32>} : memref<32x224xf32, #tpu.memory_space<vmem>>, vector<16xf32>,
        %parallel_loop3A_420 = arith.constant 4.096000e+03 : f32
        %parallel_loop3A_421 = vector.broadcast %parallel_loop3A_420 : f32 to vector<16xf32>
        %parallel_loop3A_422 = arith.mulf %parallel_loop3A_419, %parallel_loop3A_421 : vector<16xf32>
        %parallel_loop3A_423 = arith.constant -3.276800e+04 : f32
        %parallel_loop3A_424 = vector.broadcast %parallel_loop3A_423 : f32 to vector<16xf32>
        %parallel_loop3A_425 = arith.maximumf %parallel_loop3A_422, %parallel_loop3A_424 : vector<16xf32>
        %parallel_loop3A_426 = arith.constant 3.276700e+04 : f32
        %parallel_loop3A_427 = vector.broadcast %parallel_loop3A_426 : f32 to vector<16xf32>
        %parallel_loop3A_428 = arith.minimumf %parallel_loop3A_425, %parallel_loop3A_427 : vector<16xf32>
        %parallel_loop3A_429 = arith.fptosi %parallel_loop3A_428 : vector<16xf32> to vector<16xi32>
        %parallel_loop3A_430 = arith.constant 32768 : i32
        %parallel_loop3A_431 = vector.broadcast %parallel_loop3A_430 : i32 to vector<16xi32>
        %parallel_loop3A_432 = arith.addi %parallel_loop3A_429, %parallel_loop3A_431 : vector<16xi32>
        %parallel_loop3A_433 = tpu.vector_load_idx %arg5[%parallel_loop3A_432] : memref<65536xf32, #tpu.memory_space<vmem>>[vector<16xi32>], vector<16xf32>,
        %parallel_loop3A_434 = arith.index_cast %parallel_loop3A_176 : i32 to index
        %parallel_loop3A_435 = arith.constant 192 : index
        %parallel_loop3A_436 = tpu.vector_load %arg11[%parallel_loop3A_434, %parallel_loop3A_435] {strides = array<i32>} : memref<32x224xf32, #tpu.memory_space<vmem>>, vector<16xf32>,
        tpu.vector_store %arg11[%parallel_loop3A_434, %parallel_loop3A_435], %parallel_loop3A_433 {strides = array<i32>} : memref<32x224xf32, #tpu.memory_space<vmem>>, vector<16xf32>,
        %parallel_loop3A_437 = arith.index_cast %parallel_loop3A_176 : i32 to index
        %parallel_loop3A_438 = arith.constant 208 : index
        %parallel_loop3A_439 = tpu.vector_load %arg7[%parallel_loop3A_437, %parallel_loop3A_438] {strides = array<i32>} : memref<32x224xf32, #tpu.memory_space<vmem>>, vector<16xf32>,
        %parallel_loop3A_440 = arith.constant 4.096000e+03 : f32
        %parallel_loop3A_441 = vector.broadcast %parallel_loop3A_440 : f32 to vector<16xf32>
        %parallel_loop3A_442 = arith.mulf %parallel_loop3A_439, %parallel_loop3A_441 : vector<16xf32>
        %parallel_loop3A_443 = arith.constant -3.276800e+04 : f32
        %parallel_loop3A_444 = vector.broadcast %parallel_loop3A_443 : f32 to vector<16xf32>
        %parallel_loop3A_445 = arith.maximumf %parallel_loop3A_442, %parallel_loop3A_444 : vector<16xf32>
        %parallel_loop3A_446 = arith.constant 3.276700e+04 : f32
        %parallel_loop3A_447 = vector.broadcast %parallel_loop3A_446 : f32 to vector<16xf32>
        %parallel_loop3A_448 = arith.minimumf %parallel_loop3A_445, %parallel_loop3A_447 : vector<16xf32>
        %parallel_loop3A_449 = arith.fptosi %parallel_loop3A_448 : vector<16xf32> to vector<16xi32>
        %parallel_loop3A_450 = arith.constant 32768 : i32
        %parallel_loop3A_451 = vector.broadcast %parallel_loop3A_450 : i32 to vector<16xi32>
        %parallel_loop3A_452 = arith.addi %parallel_loop3A_449, %parallel_loop3A_451 : vector<16xi32>
        %parallel_loop3A_453 = tpu.vector_load_idx %arg5[%parallel_loop3A_452] : memref<65536xf32, #tpu.memory_space<vmem>>[vector<16xi32>], vector<16xf32>,
        %parallel_loop3A_454 = arith.index_cast %parallel_loop3A_176 : i32 to index
        %parallel_loop3A_455 = arith.constant 208 : index
        %parallel_loop3A_456 = tpu.vector_load %arg11[%parallel_loop3A_454, %parallel_loop3A_455] {strides = array<i32>} : memref<32x224xf32, #tpu.memory_space<vmem>>, vector<16xf32>,
        tpu.vector_store %arg11[%parallel_loop3A_454, %parallel_loop3A_455], %parallel_loop3A_453 {strides = array<i32>} : memref<32x224xf32, #tpu.memory_space<vmem>>, vector<16xf32>,
      } {sc.loop_unroll_factor = 2 : i64, sc.parallel_access}
      %mul3A_103 = arith.constant 32 : i32
      %mul3A_104 = arith.muli %add3A_80, %mul3A_103 : i32
      %add3A_105 = arith.addi %mul3A_2, %mul3A_104 : i32
      %dma_start3A_106 = arith.constant 0 : i32
      %dma_start3A_107 = tpu.memref_slice %arg4[%add3A_105, %dma_start3A_106] : memref<172032x224xf32, #tpu.memory_space<hbm>> -> memref<32x224xf32, #tpu.memory_space<hbm>>
      %dma_start3A_108 = arith.constant 0 : i32
      %dma_start3A_109 = tpu.memref_slice %arg4[%add3A_105, %dma_start3A_108] : memref<172032x224xf32, #tpu.memory_space<hbm>> -> memref<32x224xf32, #tpu.memory_space<hbm>>
      tpu.enqueue_dma source(%arg11 : memref<32x224xf32, #tpu.memory_space<vmem>>) target(%dma_start3A_109 : memref<32x224xf32, #tpu.memory_space<hbm>>) target_semaphore(%arg19 : memref<!tpu.dma_semaphore, #tpu.memory_space<semaphore_mem>>)
      %mul3A_110 = arith.constant 4 : i32
      %mul3A_111 = arith.muli %mul3A_110, %scan3A_48 : i32
      %add3A_112 = arith.constant 2 : i32
      %add3A_113 = arith.addi %mul3A_111, %add3A_112 : i32
      %add3A_114 = arith.constant 3 : i32
      %add3A_115 = arith.addi %add3A_113, %add3A_114 : i32
      %lt3A_116 = arith.constant 168 : i32
      %lt3A_117 = arith.cmpi slt, %add3A_115, %lt3A_116 : i32
      %convert_element_type3A_118 = arith.extui %lt3A_117 : i1 to i32
      %cond3A_119 = arith.constant 0 : i32
      %cond3A_120 = arith.cmpi ne, %convert_element_type3A_118, %cond3A_119 : i32
      scf.if %cond3A_120 {
        %add3A_176 = arith.constant 3 : i32
        %add3A_177 = arith.addi %add3A_113, %add3A_176 : i32
        %mul3A_178 = arith.constant 32 : i32
        %mul3A_179 = arith.muli %add3A_177, %mul3A_178 : i32
        %add3A_180 = arith.addi %mul3A_2, %mul3A_179 : i32
        %dma_start3A_181 = arith.constant 0 : i32
        %dma_start3A_182 = tpu.memref_slice %arg2[%add3A_180, %dma_start3A_181] : memref<172032x224xf32, #tpu.memory_space<hbm>> -> memref<32x224xf32, #tpu.memory_space<hbm>>
        %dma_start3A_183 = arith.constant 0 : i32
        %dma_start3A_184 = tpu.memref_slice %arg2[%add3A_180, %dma_start3A_183] : memref<172032x224xf32, #tpu.memory_space<hbm>> -> memref<32x224xf32, #tpu.memory_space<hbm>>
        tpu.enqueue_dma source(%dma_start3A_184 : memref<32x224xf32, #tpu.memory_space<hbm>>) target(%arg7 : memref<32x224xf32, #tpu.memory_space<vmem>>) target_semaphore(%arg15 : memref<!tpu.dma_semaphore, #tpu.memory_space<semaphore_mem>>)
      } else {
      }
      %mul3A_121 = arith.constant 32 : i32
      %mul3A_122 = arith.muli %add3A_113, %mul3A_121 : i32
      %add3A_123 = arith.addi %mul3A_2, %mul3A_122 : i32
      %dma_wait3A_124 = arith.constant 0 : i32
      %dma_wait3A_125 = tpu.memref_slice %arg2[%add3A_123, %dma_wait3A_124] : memref<172032x224xf32, #tpu.memory_space<hbm>> -> memref<32x224xf32, #tpu.memory_space<hbm>>
      %dma_wait3A_126 = arith.constant 0 : i32
      %dma_wait3A_127 = tpu.memref_slice %arg2[%add3A_123, %dma_wait3A_126] : memref<172032x224xf32, #tpu.memory_space<hbm>> -> memref<32x224xf32, #tpu.memory_space<hbm>>
      tpu.wait_dma2 semaphore(%arg16 : memref<!tpu.dma_semaphore, #tpu.memory_space<semaphore_mem>>) src(%dma_wait3A_127 : memref<32x224xf32, #tpu.memory_space<hbm>>) dst(%arg8 : memref<32x224xf32, #tpu.memory_space<vmem>>)
      %gt3A_128 = arith.constant 0 : i32
      %gt3A_129 = arith.cmpi sgt, %scan3A_48, %gt3A_128 : i32
      %convert_element_type3A_130 = arith.extui %gt3A_129 : i1 to i32
      %cond3A_131 = arith.constant 0 : i32
      %cond3A_132 = arith.cmpi ne, %convert_element_type3A_130, %cond3A_131 : i32
      scf.if %cond3A_132 {
        %sub3A = arith.constant 4 : i32
        %sub3A_176 = arith.subi %add3A_113, %sub3A : i32
        %mul3A_177 = arith.constant 32 : i32
        %mul3A_178 = arith.muli %sub3A_176, %mul3A_177 : i32
        %add3A_179 = arith.addi %mul3A_2, %mul3A_178 : i32
        %dma_wait3A_180 = arith.constant 0 : i32
        %dma_wait3A_181 = tpu.memref_slice %arg4[%add3A_179, %dma_wait3A_180] : memref<172032x224xf32, #tpu.memory_space<hbm>> -> memref<32x224xf32, #tpu.memory_space<hbm>>
        %dma_wait3A_182 = arith.constant 0 : i32
        %dma_wait3A_183 = tpu.memref_slice %arg4[%add3A_179, %dma_wait3A_182] : memref<172032x224xf32, #tpu.memory_space<hbm>> -> memref<32x224xf32, #tpu.memory_space<hbm>>
        tpu.wait_dma2 semaphore(%arg20 : memref<!tpu.dma_semaphore, #tpu.memory_space<semaphore_mem>>) src(%arg12 : memref<32x224xf32, #tpu.memory_space<vmem>>) dst(%dma_wait3A_183 : memref<32x224xf32, #tpu.memory_space<hbm>>)
      } else {
      }
      %parallel_loop3A_133 = arith.constant 0 : i32
      %parallel_loop3A_134 = arith.constant 32 : i32
      %parallel_loop3A_135 = arith.constant 1 : i32
      scf.for %parallel_loop3A_176 = %parallel_loop3A_133 to %parallel_loop3A_134 step %parallel_loop3A_135  : i32 {
        %parallel_loop3A_177 = arith.index_cast %parallel_loop3A_176 : i32 to index
        %parallel_loop3A_178 = arith.constant 0 : index
        %parallel_loop3A_179 = tpu.vector_load %arg8[%parallel_loop3A_177, %parallel_loop3A_178] {strides = array<i32>} : memref<32x224xf32, #tpu.memory_space<vmem>>, vector<16xf32>,
        %parallel_loop3A_180 = arith.constant 4.096000e+03 : f32
        %parallel_loop3A_181 = vector.broadcast %parallel_loop3A_180 : f32 to vector<16xf32>
        %parallel_loop3A_182 = arith.mulf %parallel_loop3A_179, %parallel_loop3A_181 : vector<16xf32>
        %parallel_loop3A_183 = arith.constant -3.276800e+04 : f32
        %parallel_loop3A_184 = vector.broadcast %parallel_loop3A_183 : f32 to vector<16xf32>
        %parallel_loop3A_185 = arith.maximumf %parallel_loop3A_182, %parallel_loop3A_184 : vector<16xf32>
        %parallel_loop3A_186 = arith.constant 3.276700e+04 : f32
        %parallel_loop3A_187 = vector.broadcast %parallel_loop3A_186 : f32 to vector<16xf32>
        %parallel_loop3A_188 = arith.minimumf %parallel_loop3A_185, %parallel_loop3A_187 : vector<16xf32>
        %parallel_loop3A_189 = arith.fptosi %parallel_loop3A_188 : vector<16xf32> to vector<16xi32>
        %parallel_loop3A_190 = arith.constant 32768 : i32
        %parallel_loop3A_191 = vector.broadcast %parallel_loop3A_190 : i32 to vector<16xi32>
        %parallel_loop3A_192 = arith.addi %parallel_loop3A_189, %parallel_loop3A_191 : vector<16xi32>
        %parallel_loop3A_193 = tpu.vector_load_idx %arg5[%parallel_loop3A_192] : memref<65536xf32, #tpu.memory_space<vmem>>[vector<16xi32>], vector<16xf32>,
        %parallel_loop3A_194 = arith.index_cast %parallel_loop3A_176 : i32 to index
        %parallel_loop3A_195 = arith.constant 0 : index
        %parallel_loop3A_196 = tpu.vector_load %arg12[%parallel_loop3A_194, %parallel_loop3A_195] {strides = array<i32>} : memref<32x224xf32, #tpu.memory_space<vmem>>, vector<16xf32>,
        tpu.vector_store %arg12[%parallel_loop3A_194, %parallel_loop3A_195], %parallel_loop3A_193 {strides = array<i32>} : memref<32x224xf32, #tpu.memory_space<vmem>>, vector<16xf32>,
        %parallel_loop3A_197 = arith.index_cast %parallel_loop3A_176 : i32 to index
        %parallel_loop3A_198 = arith.constant 16 : index
        %parallel_loop3A_199 = tpu.vector_load %arg8[%parallel_loop3A_197, %parallel_loop3A_198] {strides = array<i32>} : memref<32x224xf32, #tpu.memory_space<vmem>>, vector<16xf32>,
        %parallel_loop3A_200 = arith.constant 4.096000e+03 : f32
        %parallel_loop3A_201 = vector.broadcast %parallel_loop3A_200 : f32 to vector<16xf32>
        %parallel_loop3A_202 = arith.mulf %parallel_loop3A_199, %parallel_loop3A_201 : vector<16xf32>
        %parallel_loop3A_203 = arith.constant -3.276800e+04 : f32
        %parallel_loop3A_204 = vector.broadcast %parallel_loop3A_203 : f32 to vector<16xf32>
        %parallel_loop3A_205 = arith.maximumf %parallel_loop3A_202, %parallel_loop3A_204 : vector<16xf32>
        %parallel_loop3A_206 = arith.constant 3.276700e+04 : f32
        %parallel_loop3A_207 = vector.broadcast %parallel_loop3A_206 : f32 to vector<16xf32>
        %parallel_loop3A_208 = arith.minimumf %parallel_loop3A_205, %parallel_loop3A_207 : vector<16xf32>
        %parallel_loop3A_209 = arith.fptosi %parallel_loop3A_208 : vector<16xf32> to vector<16xi32>
        %parallel_loop3A_210 = arith.constant 32768 : i32
        %parallel_loop3A_211 = vector.broadcast %parallel_loop3A_210 : i32 to vector<16xi32>
        %parallel_loop3A_212 = arith.addi %parallel_loop3A_209, %parallel_loop3A_211 : vector<16xi32>
        %parallel_loop3A_213 = tpu.vector_load_idx %arg5[%parallel_loop3A_212] : memref<65536xf32, #tpu.memory_space<vmem>>[vector<16xi32>], vector<16xf32>,
        %parallel_loop3A_214 = arith.index_cast %parallel_loop3A_176 : i32 to index
        %parallel_loop3A_215 = arith.constant 16 : index
        %parallel_loop3A_216 = tpu.vector_load %arg12[%parallel_loop3A_214, %parallel_loop3A_215] {strides = array<i32>} : memref<32x224xf32, #tpu.memory_space<vmem>>, vector<16xf32>,
        tpu.vector_store %arg12[%parallel_loop3A_214, %parallel_loop3A_215], %parallel_loop3A_213 {strides = array<i32>} : memref<32x224xf32, #tpu.memory_space<vmem>>, vector<16xf32>,
        %parallel_loop3A_217 = arith.index_cast %parallel_loop3A_176 : i32 to index
        %parallel_loop3A_218 = arith.constant 32 : index
        %parallel_loop3A_219 = tpu.vector_load %arg8[%parallel_loop3A_217, %parallel_loop3A_218] {strides = array<i32>} : memref<32x224xf32, #tpu.memory_space<vmem>>, vector<16xf32>,
        %parallel_loop3A_220 = arith.constant 4.096000e+03 : f32
        %parallel_loop3A_221 = vector.broadcast %parallel_loop3A_220 : f32 to vector<16xf32>
        %parallel_loop3A_222 = arith.mulf %parallel_loop3A_219, %parallel_loop3A_221 : vector<16xf32>
        %parallel_loop3A_223 = arith.constant -3.276800e+04 : f32
        %parallel_loop3A_224 = vector.broadcast %parallel_loop3A_223 : f32 to vector<16xf32>
        %parallel_loop3A_225 = arith.maximumf %parallel_loop3A_222, %parallel_loop3A_224 : vector<16xf32>
        %parallel_loop3A_226 = arith.constant 3.276700e+04 : f32
        %parallel_loop3A_227 = vector.broadcast %parallel_loop3A_226 : f32 to vector<16xf32>
        %parallel_loop3A_228 = arith.minimumf %parallel_loop3A_225, %parallel_loop3A_227 : vector<16xf32>
        %parallel_loop3A_229 = arith.fptosi %parallel_loop3A_228 : vector<16xf32> to vector<16xi32>
        %parallel_loop3A_230 = arith.constant 32768 : i32
        %parallel_loop3A_231 = vector.broadcast %parallel_loop3A_230 : i32 to vector<16xi32>
        %parallel_loop3A_232 = arith.addi %parallel_loop3A_229, %parallel_loop3A_231 : vector<16xi32>
        %parallel_loop3A_233 = tpu.vector_load_idx %arg5[%parallel_loop3A_232] : memref<65536xf32, #tpu.memory_space<vmem>>[vector<16xi32>], vector<16xf32>,
        %parallel_loop3A_234 = arith.index_cast %parallel_loop3A_176 : i32 to index
        %parallel_loop3A_235 = arith.constant 32 : index
        %parallel_loop3A_236 = tpu.vector_load %arg12[%parallel_loop3A_234, %parallel_loop3A_235] {strides = array<i32>} : memref<32x224xf32, #tpu.memory_space<vmem>>, vector<16xf32>,
        tpu.vector_store %arg12[%parallel_loop3A_234, %parallel_loop3A_235], %parallel_loop3A_233 {strides = array<i32>} : memref<32x224xf32, #tpu.memory_space<vmem>>, vector<16xf32>,
        %parallel_loop3A_237 = arith.index_cast %parallel_loop3A_176 : i32 to index
        %parallel_loop3A_238 = arith.constant 48 : index
        %parallel_loop3A_239 = tpu.vector_load %arg8[%parallel_loop3A_237, %parallel_loop3A_238] {strides = array<i32>} : memref<32x224xf32, #tpu.memory_space<vmem>>, vector<16xf32>,
        %parallel_loop3A_240 = arith.constant 4.096000e+03 : f32
        %parallel_loop3A_241 = vector.broadcast %parallel_loop3A_240 : f32 to vector<16xf32>
        %parallel_loop3A_242 = arith.mulf %parallel_loop3A_239, %parallel_loop3A_241 : vector<16xf32>
        %parallel_loop3A_243 = arith.constant -3.276800e+04 : f32
        %parallel_loop3A_244 = vector.broadcast %parallel_loop3A_243 : f32 to vector<16xf32>
        %parallel_loop3A_245 = arith.maximumf %parallel_loop3A_242, %parallel_loop3A_244 : vector<16xf32>
        %parallel_loop3A_246 = arith.constant 3.276700e+04 : f32
        %parallel_loop3A_247 = vector.broadcast %parallel_loop3A_246 : f32 to vector<16xf32>
        %parallel_loop3A_248 = arith.minimumf %parallel_loop3A_245, %parallel_loop3A_247 : vector<16xf32>
        %parallel_loop3A_249 = arith.fptosi %parallel_loop3A_248 : vector<16xf32> to vector<16xi32>
        %parallel_loop3A_250 = arith.constant 32768 : i32
        %parallel_loop3A_251 = vector.broadcast %parallel_loop3A_250 : i32 to vector<16xi32>
        %parallel_loop3A_252 = arith.addi %parallel_loop3A_249, %parallel_loop3A_251 : vector<16xi32>
        %parallel_loop3A_253 = tpu.vector_load_idx %arg5[%parallel_loop3A_252] : memref<65536xf32, #tpu.memory_space<vmem>>[vector<16xi32>], vector<16xf32>,
        %parallel_loop3A_254 = arith.index_cast %parallel_loop3A_176 : i32 to index
        %parallel_loop3A_255 = arith.constant 48 : index
        %parallel_loop3A_256 = tpu.vector_load %arg12[%parallel_loop3A_254, %parallel_loop3A_255] {strides = array<i32>} : memref<32x224xf32, #tpu.memory_space<vmem>>, vector<16xf32>,
        tpu.vector_store %arg12[%parallel_loop3A_254, %parallel_loop3A_255], %parallel_loop3A_253 {strides = array<i32>} : memref<32x224xf32, #tpu.memory_space<vmem>>, vector<16xf32>,
        %parallel_loop3A_257 = arith.index_cast %parallel_loop3A_176 : i32 to index
        %parallel_loop3A_258 = arith.constant 64 : index
        %parallel_loop3A_259 = tpu.vector_load %arg8[%parallel_loop3A_257, %parallel_loop3A_258] {strides = array<i32>} : memref<32x224xf32, #tpu.memory_space<vmem>>, vector<16xf32>,
        %parallel_loop3A_260 = arith.constant 4.096000e+03 : f32
        %parallel_loop3A_261 = vector.broadcast %parallel_loop3A_260 : f32 to vector<16xf32>
        %parallel_loop3A_262 = arith.mulf %parallel_loop3A_259, %parallel_loop3A_261 : vector<16xf32>
        %parallel_loop3A_263 = arith.constant -3.276800e+04 : f32
        %parallel_loop3A_264 = vector.broadcast %parallel_loop3A_263 : f32 to vector<16xf32>
        %parallel_loop3A_265 = arith.maximumf %parallel_loop3A_262, %parallel_loop3A_264 : vector<16xf32>
        %parallel_loop3A_266 = arith.constant 3.276700e+04 : f32
        %parallel_loop3A_267 = vector.broadcast %parallel_loop3A_266 : f32 to vector<16xf32>
        %parallel_loop3A_268 = arith.minimumf %parallel_loop3A_265, %parallel_loop3A_267 : vector<16xf32>
        %parallel_loop3A_269 = arith.fptosi %parallel_loop3A_268 : vector<16xf32> to vector<16xi32>
        %parallel_loop3A_270 = arith.constant 32768 : i32
        %parallel_loop3A_271 = vector.broadcast %parallel_loop3A_270 : i32 to vector<16xi32>
        %parallel_loop3A_272 = arith.addi %parallel_loop3A_269, %parallel_loop3A_271 : vector<16xi32>
        %parallel_loop3A_273 = tpu.vector_load_idx %arg5[%parallel_loop3A_272] : memref<65536xf32, #tpu.memory_space<vmem>>[vector<16xi32>], vector<16xf32>,
        %parallel_loop3A_274 = arith.index_cast %parallel_loop3A_176 : i32 to index
        %parallel_loop3A_275 = arith.constant 64 : index
        %parallel_loop3A_276 = tpu.vector_load %arg12[%parallel_loop3A_274, %parallel_loop3A_275] {strides = array<i32>} : memref<32x224xf32, #tpu.memory_space<vmem>>, vector<16xf32>,
        tpu.vector_store %arg12[%parallel_loop3A_274, %parallel_loop3A_275], %parallel_loop3A_273 {strides = array<i32>} : memref<32x224xf32, #tpu.memory_space<vmem>>, vector<16xf32>,
        %parallel_loop3A_277 = arith.index_cast %parallel_loop3A_176 : i32 to index
        %parallel_loop3A_278 = arith.constant 80 : index
        %parallel_loop3A_279 = tpu.vector_load %arg8[%parallel_loop3A_277, %parallel_loop3A_278] {strides = array<i32>} : memref<32x224xf32, #tpu.memory_space<vmem>>, vector<16xf32>,
        %parallel_loop3A_280 = arith.constant 4.096000e+03 : f32
        %parallel_loop3A_281 = vector.broadcast %parallel_loop3A_280 : f32 to vector<16xf32>
        %parallel_loop3A_282 = arith.mulf %parallel_loop3A_279, %parallel_loop3A_281 : vector<16xf32>
        %parallel_loop3A_283 = arith.constant -3.276800e+04 : f32
        %parallel_loop3A_284 = vector.broadcast %parallel_loop3A_283 : f32 to vector<16xf32>
        %parallel_loop3A_285 = arith.maximumf %parallel_loop3A_282, %parallel_loop3A_284 : vector<16xf32>
        %parallel_loop3A_286 = arith.constant 3.276700e+04 : f32
        %parallel_loop3A_287 = vector.broadcast %parallel_loop3A_286 : f32 to vector<16xf32>
        %parallel_loop3A_288 = arith.minimumf %parallel_loop3A_285, %parallel_loop3A_287 : vector<16xf32>
        %parallel_loop3A_289 = arith.fptosi %parallel_loop3A_288 : vector<16xf32> to vector<16xi32>
        %parallel_loop3A_290 = arith.constant 32768 : i32
        %parallel_loop3A_291 = vector.broadcast %parallel_loop3A_290 : i32 to vector<16xi32>
        %parallel_loop3A_292 = arith.addi %parallel_loop3A_289, %parallel_loop3A_291 : vector<16xi32>
        %parallel_loop3A_293 = tpu.vector_load_idx %arg5[%parallel_loop3A_292] : memref<65536xf32, #tpu.memory_space<vmem>>[vector<16xi32>], vector<16xf32>,
        %parallel_loop3A_294 = arith.index_cast %parallel_loop3A_176 : i32 to index
        %parallel_loop3A_295 = arith.constant 80 : index
        %parallel_loop3A_296 = tpu.vector_load %arg12[%parallel_loop3A_294, %parallel_loop3A_295] {strides = array<i32>} : memref<32x224xf32, #tpu.memory_space<vmem>>, vector<16xf32>,
        tpu.vector_store %arg12[%parallel_loop3A_294, %parallel_loop3A_295], %parallel_loop3A_293 {strides = array<i32>} : memref<32x224xf32, #tpu.memory_space<vmem>>, vector<16xf32>,
        %parallel_loop3A_297 = arith.index_cast %parallel_loop3A_176 : i32 to index
        %parallel_loop3A_298 = arith.constant 96 : index
        %parallel_loop3A_299 = tpu.vector_load %arg8[%parallel_loop3A_297, %parallel_loop3A_298] {strides = array<i32>} : memref<32x224xf32, #tpu.memory_space<vmem>>, vector<16xf32>,
        %parallel_loop3A_300 = arith.constant 4.096000e+03 : f32
        %parallel_loop3A_301 = vector.broadcast %parallel_loop3A_300 : f32 to vector<16xf32>
        %parallel_loop3A_302 = arith.mulf %parallel_loop3A_299, %parallel_loop3A_301 : vector<16xf32>
        %parallel_loop3A_303 = arith.constant -3.276800e+04 : f32
        %parallel_loop3A_304 = vector.broadcast %parallel_loop3A_303 : f32 to vector<16xf32>
        %parallel_loop3A_305 = arith.maximumf %parallel_loop3A_302, %parallel_loop3A_304 : vector<16xf32>
        %parallel_loop3A_306 = arith.constant 3.276700e+04 : f32
        %parallel_loop3A_307 = vector.broadcast %parallel_loop3A_306 : f32 to vector<16xf32>
        %parallel_loop3A_308 = arith.minimumf %parallel_loop3A_305, %parallel_loop3A_307 : vector<16xf32>
        %parallel_loop3A_309 = arith.fptosi %parallel_loop3A_308 : vector<16xf32> to vector<16xi32>
        %parallel_loop3A_310 = arith.constant 32768 : i32
        %parallel_loop3A_311 = vector.broadcast %parallel_loop3A_310 : i32 to vector<16xi32>
        %parallel_loop3A_312 = arith.addi %parallel_loop3A_309, %parallel_loop3A_311 : vector<16xi32>
        %parallel_loop3A_313 = tpu.vector_load_idx %arg5[%parallel_loop3A_312] : memref<65536xf32, #tpu.memory_space<vmem>>[vector<16xi32>], vector<16xf32>,
        %parallel_loop3A_314 = arith.index_cast %parallel_loop3A_176 : i32 to index
        %parallel_loop3A_315 = arith.constant 96 : index
        %parallel_loop3A_316 = tpu.vector_load %arg12[%parallel_loop3A_314, %parallel_loop3A_315] {strides = array<i32>} : memref<32x224xf32, #tpu.memory_space<vmem>>, vector<16xf32>,
        tpu.vector_store %arg12[%parallel_loop3A_314, %parallel_loop3A_315], %parallel_loop3A_313 {strides = array<i32>} : memref<32x224xf32, #tpu.memory_space<vmem>>, vector<16xf32>,
        %parallel_loop3A_317 = arith.index_cast %parallel_loop3A_176 : i32 to index
        %parallel_loop3A_318 = arith.constant 112 : index
        %parallel_loop3A_319 = tpu.vector_load %arg8[%parallel_loop3A_317, %parallel_loop3A_318] {strides = array<i32>} : memref<32x224xf32, #tpu.memory_space<vmem>>, vector<16xf32>,
        %parallel_loop3A_320 = arith.constant 4.096000e+03 : f32
        %parallel_loop3A_321 = vector.broadcast %parallel_loop3A_320 : f32 to vector<16xf32>
        %parallel_loop3A_322 = arith.mulf %parallel_loop3A_319, %parallel_loop3A_321 : vector<16xf32>
        %parallel_loop3A_323 = arith.constant -3.276800e+04 : f32
        %parallel_loop3A_324 = vector.broadcast %parallel_loop3A_323 : f32 to vector<16xf32>
        %parallel_loop3A_325 = arith.maximumf %parallel_loop3A_322, %parallel_loop3A_324 : vector<16xf32>
        %parallel_loop3A_326 = arith.constant 3.276700e+04 : f32
        %parallel_loop3A_327 = vector.broadcast %parallel_loop3A_326 : f32 to vector<16xf32>
        %parallel_loop3A_328 = arith.minimumf %parallel_loop3A_325, %parallel_loop3A_327 : vector<16xf32>
        %parallel_loop3A_329 = arith.fptosi %parallel_loop3A_328 : vector<16xf32> to vector<16xi32>
        %parallel_loop3A_330 = arith.constant 32768 : i32
        %parallel_loop3A_331 = vector.broadcast %parallel_loop3A_330 : i32 to vector<16xi32>
        %parallel_loop3A_332 = arith.addi %parallel_loop3A_329, %parallel_loop3A_331 : vector<16xi32>
        %parallel_loop3A_333 = tpu.vector_load_idx %arg5[%parallel_loop3A_332] : memref<65536xf32, #tpu.memory_space<vmem>>[vector<16xi32>], vector<16xf32>,
        %parallel_loop3A_334 = arith.index_cast %parallel_loop3A_176 : i32 to index
        %parallel_loop3A_335 = arith.constant 112 : index
        %parallel_loop3A_336 = tpu.vector_load %arg12[%parallel_loop3A_334, %parallel_loop3A_335] {strides = array<i32>} : memref<32x224xf32, #tpu.memory_space<vmem>>, vector<16xf32>,
        tpu.vector_store %arg12[%parallel_loop3A_334, %parallel_loop3A_335], %parallel_loop3A_333 {strides = array<i32>} : memref<32x224xf32, #tpu.memory_space<vmem>>, vector<16xf32>,
        %parallel_loop3A_337 = arith.index_cast %parallel_loop3A_176 : i32 to index
        %parallel_loop3A_338 = arith.constant 128 : index
        %parallel_loop3A_339 = tpu.vector_load %arg8[%parallel_loop3A_337, %parallel_loop3A_338] {strides = array<i32>} : memref<32x224xf32, #tpu.memory_space<vmem>>, vector<16xf32>,
        %parallel_loop3A_340 = arith.constant 4.096000e+03 : f32
        %parallel_loop3A_341 = vector.broadcast %parallel_loop3A_340 : f32 to vector<16xf32>
        %parallel_loop3A_342 = arith.mulf %parallel_loop3A_339, %parallel_loop3A_341 : vector<16xf32>
        %parallel_loop3A_343 = arith.constant -3.276800e+04 : f32
        %parallel_loop3A_344 = vector.broadcast %parallel_loop3A_343 : f32 to vector<16xf32>
        %parallel_loop3A_345 = arith.maximumf %parallel_loop3A_342, %parallel_loop3A_344 : vector<16xf32>
        %parallel_loop3A_346 = arith.constant 3.276700e+04 : f32
        %parallel_loop3A_347 = vector.broadcast %parallel_loop3A_346 : f32 to vector<16xf32>
        %parallel_loop3A_348 = arith.minimumf %parallel_loop3A_345, %parallel_loop3A_347 : vector<16xf32>
        %parallel_loop3A_349 = arith.fptosi %parallel_loop3A_348 : vector<16xf32> to vector<16xi32>
        %parallel_loop3A_350 = arith.constant 32768 : i32
        %parallel_loop3A_351 = vector.broadcast %parallel_loop3A_350 : i32 to vector<16xi32>
        %parallel_loop3A_352 = arith.addi %parallel_loop3A_349, %parallel_loop3A_351 : vector<16xi32>
        %parallel_loop3A_353 = tpu.vector_load_idx %arg5[%parallel_loop3A_352] : memref<65536xf32, #tpu.memory_space<vmem>>[vector<16xi32>], vector<16xf32>,
        %parallel_loop3A_354 = arith.index_cast %parallel_loop3A_176 : i32 to index
        %parallel_loop3A_355 = arith.constant 128 : index
        %parallel_loop3A_356 = tpu.vector_load %arg12[%parallel_loop3A_354, %parallel_loop3A_355] {strides = array<i32>} : memref<32x224xf32, #tpu.memory_space<vmem>>, vector<16xf32>,
        tpu.vector_store %arg12[%parallel_loop3A_354, %parallel_loop3A_355], %parallel_loop3A_353 {strides = array<i32>} : memref<32x224xf32, #tpu.memory_space<vmem>>, vector<16xf32>,
        %parallel_loop3A_357 = arith.index_cast %parallel_loop3A_176 : i32 to index
        %parallel_loop3A_358 = arith.constant 144 : index
        %parallel_loop3A_359 = tpu.vector_load %arg8[%parallel_loop3A_357, %parallel_loop3A_358] {strides = array<i32>} : memref<32x224xf32, #tpu.memory_space<vmem>>, vector<16xf32>,
        %parallel_loop3A_360 = arith.constant 4.096000e+03 : f32
        %parallel_loop3A_361 = vector.broadcast %parallel_loop3A_360 : f32 to vector<16xf32>
        %parallel_loop3A_362 = arith.mulf %parallel_loop3A_359, %parallel_loop3A_361 : vector<16xf32>
        %parallel_loop3A_363 = arith.constant -3.276800e+04 : f32
        %parallel_loop3A_364 = vector.broadcast %parallel_loop3A_363 : f32 to vector<16xf32>
        %parallel_loop3A_365 = arith.maximumf %parallel_loop3A_362, %parallel_loop3A_364 : vector<16xf32>
        %parallel_loop3A_366 = arith.constant 3.276700e+04 : f32
        %parallel_loop3A_367 = vector.broadcast %parallel_loop3A_366 : f32 to vector<16xf32>
        %parallel_loop3A_368 = arith.minimumf %parallel_loop3A_365, %parallel_loop3A_367 : vector<16xf32>
        %parallel_loop3A_369 = arith.fptosi %parallel_loop3A_368 : vector<16xf32> to vector<16xi32>
        %parallel_loop3A_370 = arith.constant 32768 : i32
        %parallel_loop3A_371 = vector.broadcast %parallel_loop3A_370 : i32 to vector<16xi32>
        %parallel_loop3A_372 = arith.addi %parallel_loop3A_369, %parallel_loop3A_371 : vector<16xi32>
        %parallel_loop3A_373 = tpu.vector_load_idx %arg5[%parallel_loop3A_372] : memref<65536xf32, #tpu.memory_space<vmem>>[vector<16xi32>], vector<16xf32>,
        %parallel_loop3A_374 = arith.index_cast %parallel_loop3A_176 : i32 to index
        %parallel_loop3A_375 = arith.constant 144 : index
        %parallel_loop3A_376 = tpu.vector_load %arg12[%parallel_loop3A_374, %parallel_loop3A_375] {strides = array<i32>} : memref<32x224xf32, #tpu.memory_space<vmem>>, vector<16xf32>,
        tpu.vector_store %arg12[%parallel_loop3A_374, %parallel_loop3A_375], %parallel_loop3A_373 {strides = array<i32>} : memref<32x224xf32, #tpu.memory_space<vmem>>, vector<16xf32>,
        %parallel_loop3A_377 = arith.index_cast %parallel_loop3A_176 : i32 to index
        %parallel_loop3A_378 = arith.constant 160 : index
        %parallel_loop3A_379 = tpu.vector_load %arg8[%parallel_loop3A_377, %parallel_loop3A_378] {strides = array<i32>} : memref<32x224xf32, #tpu.memory_space<vmem>>, vector<16xf32>,
        %parallel_loop3A_380 = arith.constant 4.096000e+03 : f32
        %parallel_loop3A_381 = vector.broadcast %parallel_loop3A_380 : f32 to vector<16xf32>
        %parallel_loop3A_382 = arith.mulf %parallel_loop3A_379, %parallel_loop3A_381 : vector<16xf32>
        %parallel_loop3A_383 = arith.constant -3.276800e+04 : f32
        %parallel_loop3A_384 = vector.broadcast %parallel_loop3A_383 : f32 to vector<16xf32>
        %parallel_loop3A_385 = arith.maximumf %parallel_loop3A_382, %parallel_loop3A_384 : vector<16xf32>
        %parallel_loop3A_386 = arith.constant 3.276700e+04 : f32
        %parallel_loop3A_387 = vector.broadcast %parallel_loop3A_386 : f32 to vector<16xf32>
        %parallel_loop3A_388 = arith.minimumf %parallel_loop3A_385, %parallel_loop3A_387 : vector<16xf32>
        %parallel_loop3A_389 = arith.fptosi %parallel_loop3A_388 : vector<16xf32> to vector<16xi32>
        %parallel_loop3A_390 = arith.constant 32768 : i32
        %parallel_loop3A_391 = vector.broadcast %parallel_loop3A_390 : i32 to vector<16xi32>
        %parallel_loop3A_392 = arith.addi %parallel_loop3A_389, %parallel_loop3A_391 : vector<16xi32>
        %parallel_loop3A_393 = tpu.vector_load_idx %arg5[%parallel_loop3A_392] : memref<65536xf32, #tpu.memory_space<vmem>>[vector<16xi32>], vector<16xf32>,
        %parallel_loop3A_394 = arith.index_cast %parallel_loop3A_176 : i32 to index
        %parallel_loop3A_395 = arith.constant 160 : index
        %parallel_loop3A_396 = tpu.vector_load %arg12[%parallel_loop3A_394, %parallel_loop3A_395] {strides = array<i32>} : memref<32x224xf32, #tpu.memory_space<vmem>>, vector<16xf32>,
        tpu.vector_store %arg12[%parallel_loop3A_394, %parallel_loop3A_395], %parallel_loop3A_393 {strides = array<i32>} : memref<32x224xf32, #tpu.memory_space<vmem>>, vector<16xf32>,
        %parallel_loop3A_397 = arith.index_cast %parallel_loop3A_176 : i32 to index
        %parallel_loop3A_398 = arith.constant 176 : index
        %parallel_loop3A_399 = tpu.vector_load %arg8[%parallel_loop3A_397, %parallel_loop3A_398] {strides = array<i32>} : memref<32x224xf32, #tpu.memory_space<vmem>>, vector<16xf32>,
        %parallel_loop3A_400 = arith.constant 4.096000e+03 : f32
        %parallel_loop3A_401 = vector.broadcast %parallel_loop3A_400 : f32 to vector<16xf32>
        %parallel_loop3A_402 = arith.mulf %parallel_loop3A_399, %parallel_loop3A_401 : vector<16xf32>
        %parallel_loop3A_403 = arith.constant -3.276800e+04 : f32
        %parallel_loop3A_404 = vector.broadcast %parallel_loop3A_403 : f32 to vector<16xf32>
        %parallel_loop3A_405 = arith.maximumf %parallel_loop3A_402, %parallel_loop3A_404 : vector<16xf32>
        %parallel_loop3A_406 = arith.constant 3.276700e+04 : f32
        %parallel_loop3A_407 = vector.broadcast %parallel_loop3A_406 : f32 to vector<16xf32>
        %parallel_loop3A_408 = arith.minimumf %parallel_loop3A_405, %parallel_loop3A_407 : vector<16xf32>
        %parallel_loop3A_409 = arith.fptosi %parallel_loop3A_408 : vector<16xf32> to vector<16xi32>
        %parallel_loop3A_410 = arith.constant 32768 : i32
        %parallel_loop3A_411 = vector.broadcast %parallel_loop3A_410 : i32 to vector<16xi32>
        %parallel_loop3A_412 = arith.addi %parallel_loop3A_409, %parallel_loop3A_411 : vector<16xi32>
        %parallel_loop3A_413 = tpu.vector_load_idx %arg5[%parallel_loop3A_412] : memref<65536xf32, #tpu.memory_space<vmem>>[vector<16xi32>], vector<16xf32>,
        %parallel_loop3A_414 = arith.index_cast %parallel_loop3A_176 : i32 to index
        %parallel_loop3A_415 = arith.constant 176 : index
        %parallel_loop3A_416 = tpu.vector_load %arg12[%parallel_loop3A_414, %parallel_loop3A_415] {strides = array<i32>} : memref<32x224xf32, #tpu.memory_space<vmem>>, vector<16xf32>,
        tpu.vector_store %arg12[%parallel_loop3A_414, %parallel_loop3A_415], %parallel_loop3A_413 {strides = array<i32>} : memref<32x224xf32, #tpu.memory_space<vmem>>, vector<16xf32>,
        %parallel_loop3A_417 = arith.index_cast %parallel_loop3A_176 : i32 to index
        %parallel_loop3A_418 = arith.constant 192 : index
        %parallel_loop3A_419 = tpu.vector_load %arg8[%parallel_loop3A_417, %parallel_loop3A_418] {strides = array<i32>} : memref<32x224xf32, #tpu.memory_space<vmem>>, vector<16xf32>,
        %parallel_loop3A_420 = arith.constant 4.096000e+03 : f32
        %parallel_loop3A_421 = vector.broadcast %parallel_loop3A_420 : f32 to vector<16xf32>
        %parallel_loop3A_422 = arith.mulf %parallel_loop3A_419, %parallel_loop3A_421 : vector<16xf32>
        %parallel_loop3A_423 = arith.constant -3.276800e+04 : f32
        %parallel_loop3A_424 = vector.broadcast %parallel_loop3A_423 : f32 to vector<16xf32>
        %parallel_loop3A_425 = arith.maximumf %parallel_loop3A_422, %parallel_loop3A_424 : vector<16xf32>
        %parallel_loop3A_426 = arith.constant 3.276700e+04 : f32
        %parallel_loop3A_427 = vector.broadcast %parallel_loop3A_426 : f32 to vector<16xf32>
        %parallel_loop3A_428 = arith.minimumf %parallel_loop3A_425, %parallel_loop3A_427 : vector<16xf32>
        %parallel_loop3A_429 = arith.fptosi %parallel_loop3A_428 : vector<16xf32> to vector<16xi32>
        %parallel_loop3A_430 = arith.constant 32768 : i32
        %parallel_loop3A_431 = vector.broadcast %parallel_loop3A_430 : i32 to vector<16xi32>
        %parallel_loop3A_432 = arith.addi %parallel_loop3A_429, %parallel_loop3A_431 : vector<16xi32>
        %parallel_loop3A_433 = tpu.vector_load_idx %arg5[%parallel_loop3A_432] : memref<65536xf32, #tpu.memory_space<vmem>>[vector<16xi32>], vector<16xf32>,
        %parallel_loop3A_434 = arith.index_cast %parallel_loop3A_176 : i32 to index
        %parallel_loop3A_435 = arith.constant 192 : index
        %parallel_loop3A_436 = tpu.vector_load %arg12[%parallel_loop3A_434, %parallel_loop3A_435] {strides = array<i32>} : memref<32x224xf32, #tpu.memory_space<vmem>>, vector<16xf32>,
        tpu.vector_store %arg12[%parallel_loop3A_434, %parallel_loop3A_435], %parallel_loop3A_433 {strides = array<i32>} : memref<32x224xf32, #tpu.memory_space<vmem>>, vector<16xf32>,
        %parallel_loop3A_437 = arith.index_cast %parallel_loop3A_176 : i32 to index
        %parallel_loop3A_438 = arith.constant 208 : index
        %parallel_loop3A_439 = tpu.vector_load %arg8[%parallel_loop3A_437, %parallel_loop3A_438] {strides = array<i32>} : memref<32x224xf32, #tpu.memory_space<vmem>>, vector<16xf32>,
        %parallel_loop3A_440 = arith.constant 4.096000e+03 : f32
        %parallel_loop3A_441 = vector.broadcast %parallel_loop3A_440 : f32 to vector<16xf32>
        %parallel_loop3A_442 = arith.mulf %parallel_loop3A_439, %parallel_loop3A_441 : vector<16xf32>
        %parallel_loop3A_443 = arith.constant -3.276800e+04 : f32
        %parallel_loop3A_444 = vector.broadcast %parallel_loop3A_443 : f32 to vector<16xf32>
        %parallel_loop3A_445 = arith.maximumf %parallel_loop3A_442, %parallel_loop3A_444 : vector<16xf32>
        %parallel_loop3A_446 = arith.constant 3.276700e+04 : f32
        %parallel_loop3A_447 = vector.broadcast %parallel_loop3A_446 : f32 to vector<16xf32>
        %parallel_loop3A_448 = arith.minimumf %parallel_loop3A_445, %parallel_loop3A_447 : vector<16xf32>
        %parallel_loop3A_449 = arith.fptosi %parallel_loop3A_448 : vector<16xf32> to vector<16xi32>
        %parallel_loop3A_450 = arith.constant 32768 : i32
        %parallel_loop3A_451 = vector.broadcast %parallel_loop3A_450 : i32 to vector<16xi32>
        %parallel_loop3A_452 = arith.addi %parallel_loop3A_449, %parallel_loop3A_451 : vector<16xi32>
        %parallel_loop3A_453 = tpu.vector_load_idx %arg5[%parallel_loop3A_452] : memref<65536xf32, #tpu.memory_space<vmem>>[vector<16xi32>], vector<16xf32>,
        %parallel_loop3A_454 = arith.index_cast %parallel_loop3A_176 : i32 to index
        %parallel_loop3A_455 = arith.constant 208 : index
        %parallel_loop3A_456 = tpu.vector_load %arg12[%parallel_loop3A_454, %parallel_loop3A_455] {strides = array<i32>} : memref<32x224xf32, #tpu.memory_space<vmem>>, vector<16xf32>,
        tpu.vector_store %arg12[%parallel_loop3A_454, %parallel_loop3A_455], %parallel_loop3A_453 {strides = array<i32>} : memref<32x224xf32, #tpu.memory_space<vmem>>, vector<16xf32>,
      } {sc.loop_unroll_factor = 2 : i64, sc.parallel_access}
      %mul3A_136 = arith.constant 32 : i32
      %mul3A_137 = arith.muli %add3A_113, %mul3A_136 : i32
      %add3A_138 = arith.addi %mul3A_2, %mul3A_137 : i32
      %dma_start3A_139 = arith.constant 0 : i32
      %dma_start3A_140 = tpu.memref_slice %arg4[%add3A_138, %dma_start3A_139] : memref<172032x224xf32, #tpu.memory_space<hbm>> -> memref<32x224xf32, #tpu.memory_space<hbm>>
      %dma_start3A_141 = arith.constant 0 : i32
      %dma_start3A_142 = tpu.memref_slice %arg4[%add3A_138, %dma_start3A_141] : memref<172032x224xf32, #tpu.memory_space<hbm>> -> memref<32x224xf32, #tpu.memory_space<hbm>>
      tpu.enqueue_dma source(%arg12 : memref<32x224xf32, #tpu.memory_space<vmem>>) target(%dma_start3A_142 : memref<32x224xf32, #tpu.memory_space<hbm>>) target_semaphore(%arg20 : memref<!tpu.dma_semaphore, #tpu.memory_space<semaphore_mem>>)
      %mul3A_143 = arith.constant 4 : i32
      %mul3A_144 = arith.muli %mul3A_143, %scan3A_48 : i32
      %add3A_145 = arith.constant 3 : i32
      %add3A_146 = arith.addi %mul3A_144, %add3A_145 : i32
      %add3A_147 = arith.constant 3 : i32
      %add3A_148 = arith.addi %add3A_146, %add3A_147 : i32
      %lt3A_149 = arith.constant 168 : i32
      %lt3A_150 = arith.cmpi slt, %add3A_148, %lt3A_149 : i32
      %convert_element_type3A_151 = arith.extui %lt3A_150 : i1 to i32
      %cond3A_152 = arith.constant 0 : i32
      %cond3A_153 = arith.cmpi ne, %convert_element_type3A_151, %cond3A_152 : i32
      scf.if %cond3A_153 {
        %add3A_176 = arith.constant 3 : i32
        %add3A_177 = arith.addi %add3A_146, %add3A_176 : i32
        %mul3A_178 = arith.constant 32 : i32
        %mul3A_179 = arith.muli %add3A_177, %mul3A_178 : i32
        %add3A_180 = arith.addi %mul3A_2, %mul3A_179 : i32
        %dma_start3A_181 = arith.constant 0 : i32
        %dma_start3A_182 = tpu.memref_slice %arg2[%add3A_180, %dma_start3A_181] : memref<172032x224xf32, #tpu.memory_space<hbm>> -> memref<32x224xf32, #tpu.memory_space<hbm>>
        %dma_start3A_183 = arith.constant 0 : i32
        %dma_start3A_184 = tpu.memref_slice %arg2[%add3A_180, %dma_start3A_183] : memref<172032x224xf32, #tpu.memory_space<hbm>> -> memref<32x224xf32, #tpu.memory_space<hbm>>
        tpu.enqueue_dma source(%dma_start3A_184 : memref<32x224xf32, #tpu.memory_space<hbm>>) target(%arg8 : memref<32x224xf32, #tpu.memory_space<vmem>>) target_semaphore(%arg16 : memref<!tpu.dma_semaphore, #tpu.memory_space<semaphore_mem>>)
      } else {
      }
      %mul3A_154 = arith.constant 32 : i32
      %mul3A_155 = arith.muli %add3A_146, %mul3A_154 : i32
      %add3A_156 = arith.addi %mul3A_2, %mul3A_155 : i32
      %dma_wait3A_157 = arith.constant 0 : i32
      %dma_wait3A_158 = tpu.memref_slice %arg2[%add3A_156, %dma_wait3A_157] : memref<172032x224xf32, #tpu.memory_space<hbm>> -> memref<32x224xf32, #tpu.memory_space<hbm>>
      %dma_wait3A_159 = arith.constant 0 : i32
      %dma_wait3A_160 = tpu.memref_slice %arg2[%add3A_156, %dma_wait3A_159] : memref<172032x224xf32, #tpu.memory_space<hbm>> -> memref<32x224xf32, #tpu.memory_space<hbm>>
      tpu.wait_dma2 semaphore(%arg17 : memref<!tpu.dma_semaphore, #tpu.memory_space<semaphore_mem>>) src(%dma_wait3A_160 : memref<32x224xf32, #tpu.memory_space<hbm>>) dst(%arg9 : memref<32x224xf32, #tpu.memory_space<vmem>>)
      %gt3A_161 = arith.constant 0 : i32
      %gt3A_162 = arith.cmpi sgt, %scan3A_48, %gt3A_161 : i32
      %convert_element_type3A_163 = arith.extui %gt3A_162 : i1 to i32
      %cond3A_164 = arith.constant 0 : i32
      %cond3A_165 = arith.cmpi ne, %convert_element_type3A_163, %cond3A_164 : i32
      scf.if %cond3A_165 {
        %sub3A = arith.constant 4 : i32
        %sub3A_176 = arith.subi %add3A_146, %sub3A : i32
        %mul3A_177 = arith.constant 32 : i32
        %mul3A_178 = arith.muli %sub3A_176, %mul3A_177 : i32
        %add3A_179 = arith.addi %mul3A_2, %mul3A_178 : i32
        %dma_wait3A_180 = arith.constant 0 : i32
        %dma_wait3A_181 = tpu.memref_slice %arg4[%add3A_179, %dma_wait3A_180] : memref<172032x224xf32, #tpu.memory_space<hbm>> -> memref<32x224xf32, #tpu.memory_space<hbm>>
        %dma_wait3A_182 = arith.constant 0 : i32
        %dma_wait3A_183 = tpu.memref_slice %arg4[%add3A_179, %dma_wait3A_182] : memref<172032x224xf32, #tpu.memory_space<hbm>> -> memref<32x224xf32, #tpu.memory_space<hbm>>
        tpu.wait_dma2 semaphore(%arg21 : memref<!tpu.dma_semaphore, #tpu.memory_space<semaphore_mem>>) src(%arg13 : memref<32x224xf32, #tpu.memory_space<vmem>>) dst(%dma_wait3A_183 : memref<32x224xf32, #tpu.memory_space<hbm>>)
      } else {
      }
      %parallel_loop3A_166 = arith.constant 0 : i32
      %parallel_loop3A_167 = arith.constant 32 : i32
      %parallel_loop3A_168 = arith.constant 1 : i32
      scf.for %parallel_loop3A_176 = %parallel_loop3A_166 to %parallel_loop3A_167 step %parallel_loop3A_168  : i32 {
        %parallel_loop3A_177 = arith.index_cast %parallel_loop3A_176 : i32 to index
        %parallel_loop3A_178 = arith.constant 0 : index
        %parallel_loop3A_179 = tpu.vector_load %arg9[%parallel_loop3A_177, %parallel_loop3A_178] {strides = array<i32>} : memref<32x224xf32, #tpu.memory_space<vmem>>, vector<16xf32>,
        %parallel_loop3A_180 = arith.constant 4.096000e+03 : f32
        %parallel_loop3A_181 = vector.broadcast %parallel_loop3A_180 : f32 to vector<16xf32>
        %parallel_loop3A_182 = arith.mulf %parallel_loop3A_179, %parallel_loop3A_181 : vector<16xf32>
        %parallel_loop3A_183 = arith.constant -3.276800e+04 : f32
        %parallel_loop3A_184 = vector.broadcast %parallel_loop3A_183 : f32 to vector<16xf32>
        %parallel_loop3A_185 = arith.maximumf %parallel_loop3A_182, %parallel_loop3A_184 : vector<16xf32>
        %parallel_loop3A_186 = arith.constant 3.276700e+04 : f32
        %parallel_loop3A_187 = vector.broadcast %parallel_loop3A_186 : f32 to vector<16xf32>
        %parallel_loop3A_188 = arith.minimumf %parallel_loop3A_185, %parallel_loop3A_187 : vector<16xf32>
        %parallel_loop3A_189 = arith.fptosi %parallel_loop3A_188 : vector<16xf32> to vector<16xi32>
        %parallel_loop3A_190 = arith.constant 32768 : i32
        %parallel_loop3A_191 = vector.broadcast %parallel_loop3A_190 : i32 to vector<16xi32>
        %parallel_loop3A_192 = arith.addi %parallel_loop3A_189, %parallel_loop3A_191 : vector<16xi32>
        %parallel_loop3A_193 = tpu.vector_load_idx %arg5[%parallel_loop3A_192] : memref<65536xf32, #tpu.memory_space<vmem>>[vector<16xi32>], vector<16xf32>,
        %parallel_loop3A_194 = arith.index_cast %parallel_loop3A_176 : i32 to index
        %parallel_loop3A_195 = arith.constant 0 : index
        %parallel_loop3A_196 = tpu.vector_load %arg13[%parallel_loop3A_194, %parallel_loop3A_195] {strides = array<i32>} : memref<32x224xf32, #tpu.memory_space<vmem>>, vector<16xf32>,
        tpu.vector_store %arg13[%parallel_loop3A_194, %parallel_loop3A_195], %parallel_loop3A_193 {strides = array<i32>} : memref<32x224xf32, #tpu.memory_space<vmem>>, vector<16xf32>,
        %parallel_loop3A_197 = arith.index_cast %parallel_loop3A_176 : i32 to index
        %parallel_loop3A_198 = arith.constant 16 : index
        %parallel_loop3A_199 = tpu.vector_load %arg9[%parallel_loop3A_197, %parallel_loop3A_198] {strides = array<i32>} : memref<32x224xf32, #tpu.memory_space<vmem>>, vector<16xf32>,
        %parallel_loop3A_200 = arith.constant 4.096000e+03 : f32
        %parallel_loop3A_201 = vector.broadcast %parallel_loop3A_200 : f32 to vector<16xf32>
        %parallel_loop3A_202 = arith.mulf %parallel_loop3A_199, %parallel_loop3A_201 : vector<16xf32>
        %parallel_loop3A_203 = arith.constant -3.276800e+04 : f32
        %parallel_loop3A_204 = vector.broadcast %parallel_loop3A_203 : f32 to vector<16xf32>
        %parallel_loop3A_205 = arith.maximumf %parallel_loop3A_202, %parallel_loop3A_204 : vector<16xf32>
        %parallel_loop3A_206 = arith.constant 3.276700e+04 : f32
        %parallel_loop3A_207 = vector.broadcast %parallel_loop3A_206 : f32 to vector<16xf32>
        %parallel_loop3A_208 = arith.minimumf %parallel_loop3A_205, %parallel_loop3A_207 : vector<16xf32>
        %parallel_loop3A_209 = arith.fptosi %parallel_loop3A_208 : vector<16xf32> to vector<16xi32>
        %parallel_loop3A_210 = arith.constant 32768 : i32
        %parallel_loop3A_211 = vector.broadcast %parallel_loop3A_210 : i32 to vector<16xi32>
        %parallel_loop3A_212 = arith.addi %parallel_loop3A_209, %parallel_loop3A_211 : vector<16xi32>
        %parallel_loop3A_213 = tpu.vector_load_idx %arg5[%parallel_loop3A_212] : memref<65536xf32, #tpu.memory_space<vmem>>[vector<16xi32>], vector<16xf32>,
        %parallel_loop3A_214 = arith.index_cast %parallel_loop3A_176 : i32 to index
        %parallel_loop3A_215 = arith.constant 16 : index
        %parallel_loop3A_216 = tpu.vector_load %arg13[%parallel_loop3A_214, %parallel_loop3A_215] {strides = array<i32>} : memref<32x224xf32, #tpu.memory_space<vmem>>, vector<16xf32>,
        tpu.vector_store %arg13[%parallel_loop3A_214, %parallel_loop3A_215], %parallel_loop3A_213 {strides = array<i32>} : memref<32x224xf32, #tpu.memory_space<vmem>>, vector<16xf32>,
        %parallel_loop3A_217 = arith.index_cast %parallel_loop3A_176 : i32 to index
        %parallel_loop3A_218 = arith.constant 32 : index
        %parallel_loop3A_219 = tpu.vector_load %arg9[%parallel_loop3A_217, %parallel_loop3A_218] {strides = array<i32>} : memref<32x224xf32, #tpu.memory_space<vmem>>, vector<16xf32>,
        %parallel_loop3A_220 = arith.constant 4.096000e+03 : f32
        %parallel_loop3A_221 = vector.broadcast %parallel_loop3A_220 : f32 to vector<16xf32>
        %parallel_loop3A_222 = arith.mulf %parallel_loop3A_219, %parallel_loop3A_221 : vector<16xf32>
        %parallel_loop3A_223 = arith.constant -3.276800e+04 : f32
        %parallel_loop3A_224 = vector.broadcast %parallel_loop3A_223 : f32 to vector<16xf32>
        %parallel_loop3A_225 = arith.maximumf %parallel_loop3A_222, %parallel_loop3A_224 : vector<16xf32>
        %parallel_loop3A_226 = arith.constant 3.276700e+04 : f32
        %parallel_loop3A_227 = vector.broadcast %parallel_loop3A_226 : f32 to vector<16xf32>
        %parallel_loop3A_228 = arith.minimumf %parallel_loop3A_225, %parallel_loop3A_227 : vector<16xf32>
        %parallel_loop3A_229 = arith.fptosi %parallel_loop3A_228 : vector<16xf32> to vector<16xi32>
        %parallel_loop3A_230 = arith.constant 32768 : i32
        %parallel_loop3A_231 = vector.broadcast %parallel_loop3A_230 : i32 to vector<16xi32>
        %parallel_loop3A_232 = arith.addi %parallel_loop3A_229, %parallel_loop3A_231 : vector<16xi32>
        %parallel_loop3A_233 = tpu.vector_load_idx %arg5[%parallel_loop3A_232] : memref<65536xf32, #tpu.memory_space<vmem>>[vector<16xi32>], vector<16xf32>,
        %parallel_loop3A_234 = arith.index_cast %parallel_loop3A_176 : i32 to index
        %parallel_loop3A_235 = arith.constant 32 : index
        %parallel_loop3A_236 = tpu.vector_load %arg13[%parallel_loop3A_234, %parallel_loop3A_235] {strides = array<i32>} : memref<32x224xf32, #tpu.memory_space<vmem>>, vector<16xf32>,
        tpu.vector_store %arg13[%parallel_loop3A_234, %parallel_loop3A_235], %parallel_loop3A_233 {strides = array<i32>} : memref<32x224xf32, #tpu.memory_space<vmem>>, vector<16xf32>,
        %parallel_loop3A_237 = arith.index_cast %parallel_loop3A_176 : i32 to index
        %parallel_loop3A_238 = arith.constant 48 : index
        %parallel_loop3A_239 = tpu.vector_load %arg9[%parallel_loop3A_237, %parallel_loop3A_238] {strides = array<i32>} : memref<32x224xf32, #tpu.memory_space<vmem>>, vector<16xf32>,
        %parallel_loop3A_240 = arith.constant 4.096000e+03 : f32
        %parallel_loop3A_241 = vector.broadcast %parallel_loop3A_240 : f32 to vector<16xf32>
        %parallel_loop3A_242 = arith.mulf %parallel_loop3A_239, %parallel_loop3A_241 : vector<16xf32>
        %parallel_loop3A_243 = arith.constant -3.276800e+04 : f32
        %parallel_loop3A_244 = vector.broadcast %parallel_loop3A_243 : f32 to vector<16xf32>
        %parallel_loop3A_245 = arith.maximumf %parallel_loop3A_242, %parallel_loop3A_244 : vector<16xf32>
        %parallel_loop3A_246 = arith.constant 3.276700e+04 : f32
        %parallel_loop3A_247 = vector.broadcast %parallel_loop3A_246 : f32 to vector<16xf32>
        %parallel_loop3A_248 = arith.minimumf %parallel_loop3A_245, %parallel_loop3A_247 : vector<16xf32>
        %parallel_loop3A_249 = arith.fptosi %parallel_loop3A_248 : vector<16xf32> to vector<16xi32>
        %parallel_loop3A_250 = arith.constant 32768 : i32
        %parallel_loop3A_251 = vector.broadcast %parallel_loop3A_250 : i32 to vector<16xi32>
        %parallel_loop3A_252 = arith.addi %parallel_loop3A_249, %parallel_loop3A_251 : vector<16xi32>
        %parallel_loop3A_253 = tpu.vector_load_idx %arg5[%parallel_loop3A_252] : memref<65536xf32, #tpu.memory_space<vmem>>[vector<16xi32>], vector<16xf32>,
        %parallel_loop3A_254 = arith.index_cast %parallel_loop3A_176 : i32 to index
        %parallel_loop3A_255 = arith.constant 48 : index
        %parallel_loop3A_256 = tpu.vector_load %arg13[%parallel_loop3A_254, %parallel_loop3A_255] {strides = array<i32>} : memref<32x224xf32, #tpu.memory_space<vmem>>, vector<16xf32>,
        tpu.vector_store %arg13[%parallel_loop3A_254, %parallel_loop3A_255], %parallel_loop3A_253 {strides = array<i32>} : memref<32x224xf32, #tpu.memory_space<vmem>>, vector<16xf32>,
        %parallel_loop3A_257 = arith.index_cast %parallel_loop3A_176 : i32 to index
        %parallel_loop3A_258 = arith.constant 64 : index
        %parallel_loop3A_259 = tpu.vector_load %arg9[%parallel_loop3A_257, %parallel_loop3A_258] {strides = array<i32>} : memref<32x224xf32, #tpu.memory_space<vmem>>, vector<16xf32>,
        %parallel_loop3A_260 = arith.constant 4.096000e+03 : f32
        %parallel_loop3A_261 = vector.broadcast %parallel_loop3A_260 : f32 to vector<16xf32>
        %parallel_loop3A_262 = arith.mulf %parallel_loop3A_259, %parallel_loop3A_261 : vector<16xf32>
        %parallel_loop3A_263 = arith.constant -3.276800e+04 : f32
        %parallel_loop3A_264 = vector.broadcast %parallel_loop3A_263 : f32 to vector<16xf32>
        %parallel_loop3A_265 = arith.maximumf %parallel_loop3A_262, %parallel_loop3A_264 : vector<16xf32>
        %parallel_loop3A_266 = arith.constant 3.276700e+04 : f32
        %parallel_loop3A_267 = vector.broadcast %parallel_loop3A_266 : f32 to vector<16xf32>
        %parallel_loop3A_268 = arith.minimumf %parallel_loop3A_265, %parallel_loop3A_267 : vector<16xf32>
        %parallel_loop3A_269 = arith.fptosi %parallel_loop3A_268 : vector<16xf32> to vector<16xi32>
        %parallel_loop3A_270 = arith.constant 32768 : i32
        %parallel_loop3A_271 = vector.broadcast %parallel_loop3A_270 : i32 to vector<16xi32>
        %parallel_loop3A_272 = arith.addi %parallel_loop3A_269, %parallel_loop3A_271 : vector<16xi32>
        %parallel_loop3A_273 = tpu.vector_load_idx %arg5[%parallel_loop3A_272] : memref<65536xf32, #tpu.memory_space<vmem>>[vector<16xi32>], vector<16xf32>,
        %parallel_loop3A_274 = arith.index_cast %parallel_loop3A_176 : i32 to index
        %parallel_loop3A_275 = arith.constant 64 : index
        %parallel_loop3A_276 = tpu.vector_load %arg13[%parallel_loop3A_274, %parallel_loop3A_275] {strides = array<i32>} : memref<32x224xf32, #tpu.memory_space<vmem>>, vector<16xf32>,
        tpu.vector_store %arg13[%parallel_loop3A_274, %parallel_loop3A_275], %parallel_loop3A_273 {strides = array<i32>} : memref<32x224xf32, #tpu.memory_space<vmem>>, vector<16xf32>,
        %parallel_loop3A_277 = arith.index_cast %parallel_loop3A_176 : i32 to index
        %parallel_loop3A_278 = arith.constant 80 : index
        %parallel_loop3A_279 = tpu.vector_load %arg9[%parallel_loop3A_277, %parallel_loop3A_278] {strides = array<i32>} : memref<32x224xf32, #tpu.memory_space<vmem>>, vector<16xf32>,
        %parallel_loop3A_280 = arith.constant 4.096000e+03 : f32
        %parallel_loop3A_281 = vector.broadcast %parallel_loop3A_280 : f32 to vector<16xf32>
        %parallel_loop3A_282 = arith.mulf %parallel_loop3A_279, %parallel_loop3A_281 : vector<16xf32>
        %parallel_loop3A_283 = arith.constant -3.276800e+04 : f32
        %parallel_loop3A_284 = vector.broadcast %parallel_loop3A_283 : f32 to vector<16xf32>
        %parallel_loop3A_285 = arith.maximumf %parallel_loop3A_282, %parallel_loop3A_284 : vector<16xf32>
        %parallel_loop3A_286 = arith.constant 3.276700e+04 : f32
        %parallel_loop3A_287 = vector.broadcast %parallel_loop3A_286 : f32 to vector<16xf32>
        %parallel_loop3A_288 = arith.minimumf %parallel_loop3A_285, %parallel_loop3A_287 : vector<16xf32>
        %parallel_loop3A_289 = arith.fptosi %parallel_loop3A_288 : vector<16xf32> to vector<16xi32>
        %parallel_loop3A_290 = arith.constant 32768 : i32
        %parallel_loop3A_291 = vector.broadcast %parallel_loop3A_290 : i32 to vector<16xi32>
        %parallel_loop3A_292 = arith.addi %parallel_loop3A_289, %parallel_loop3A_291 : vector<16xi32>
        %parallel_loop3A_293 = tpu.vector_load_idx %arg5[%parallel_loop3A_292] : memref<65536xf32, #tpu.memory_space<vmem>>[vector<16xi32>], vector<16xf32>,
        %parallel_loop3A_294 = arith.index_cast %parallel_loop3A_176 : i32 to index
        %parallel_loop3A_295 = arith.constant 80 : index
        %parallel_loop3A_296 = tpu.vector_load %arg13[%parallel_loop3A_294, %parallel_loop3A_295] {strides = array<i32>} : memref<32x224xf32, #tpu.memory_space<vmem>>, vector<16xf32>,
        tpu.vector_store %arg13[%parallel_loop3A_294, %parallel_loop3A_295], %parallel_loop3A_293 {strides = array<i32>} : memref<32x224xf32, #tpu.memory_space<vmem>>, vector<16xf32>,
        %parallel_loop3A_297 = arith.index_cast %parallel_loop3A_176 : i32 to index
        %parallel_loop3A_298 = arith.constant 96 : index
        %parallel_loop3A_299 = tpu.vector_load %arg9[%parallel_loop3A_297, %parallel_loop3A_298] {strides = array<i32>} : memref<32x224xf32, #tpu.memory_space<vmem>>, vector<16xf32>,
        %parallel_loop3A_300 = arith.constant 4.096000e+03 : f32
        %parallel_loop3A_301 = vector.broadcast %parallel_loop3A_300 : f32 to vector<16xf32>
        %parallel_loop3A_302 = arith.mulf %parallel_loop3A_299, %parallel_loop3A_301 : vector<16xf32>
        %parallel_loop3A_303 = arith.constant -3.276800e+04 : f32
        %parallel_loop3A_304 = vector.broadcast %parallel_loop3A_303 : f32 to vector<16xf32>
        %parallel_loop3A_305 = arith.maximumf %parallel_loop3A_302, %parallel_loop3A_304 : vector<16xf32>
        %parallel_loop3A_306 = arith.constant 3.276700e+04 : f32
        %parallel_loop3A_307 = vector.broadcast %parallel_loop3A_306 : f32 to vector<16xf32>
        %parallel_loop3A_308 = arith.minimumf %parallel_loop3A_305, %parallel_loop3A_307 : vector<16xf32>
        %parallel_loop3A_309 = arith.fptosi %parallel_loop3A_308 : vector<16xf32> to vector<16xi32>
        %parallel_loop3A_310 = arith.constant 32768 : i32
        %parallel_loop3A_311 = vector.broadcast %parallel_loop3A_310 : i32 to vector<16xi32>
        %parallel_loop3A_312 = arith.addi %parallel_loop3A_309, %parallel_loop3A_311 : vector<16xi32>
        %parallel_loop3A_313 = tpu.vector_load_idx %arg5[%parallel_loop3A_312] : memref<65536xf32, #tpu.memory_space<vmem>>[vector<16xi32>], vector<16xf32>,
        %parallel_loop3A_314 = arith.index_cast %parallel_loop3A_176 : i32 to index
        %parallel_loop3A_315 = arith.constant 96 : index
        %parallel_loop3A_316 = tpu.vector_load %arg13[%parallel_loop3A_314, %parallel_loop3A_315] {strides = array<i32>} : memref<32x224xf32, #tpu.memory_space<vmem>>, vector<16xf32>,
        tpu.vector_store %arg13[%parallel_loop3A_314, %parallel_loop3A_315], %parallel_loop3A_313 {strides = array<i32>} : memref<32x224xf32, #tpu.memory_space<vmem>>, vector<16xf32>,
        %parallel_loop3A_317 = arith.index_cast %parallel_loop3A_176 : i32 to index
        %parallel_loop3A_318 = arith.constant 112 : index
        %parallel_loop3A_319 = tpu.vector_load %arg9[%parallel_loop3A_317, %parallel_loop3A_318] {strides = array<i32>} : memref<32x224xf32, #tpu.memory_space<vmem>>, vector<16xf32>,
        %parallel_loop3A_320 = arith.constant 4.096000e+03 : f32
        %parallel_loop3A_321 = vector.broadcast %parallel_loop3A_320 : f32 to vector<16xf32>
        %parallel_loop3A_322 = arith.mulf %parallel_loop3A_319, %parallel_loop3A_321 : vector<16xf32>
        %parallel_loop3A_323 = arith.constant -3.276800e+04 : f32
        %parallel_loop3A_324 = vector.broadcast %parallel_loop3A_323 : f32 to vector<16xf32>
        %parallel_loop3A_325 = arith.maximumf %parallel_loop3A_322, %parallel_loop3A_324 : vector<16xf32>
        %parallel_loop3A_326 = arith.constant 3.276700e+04 : f32
        %parallel_loop3A_327 = vector.broadcast %parallel_loop3A_326 : f32 to vector<16xf32>
        %parallel_loop3A_328 = arith.minimumf %parallel_loop3A_325, %parallel_loop3A_327 : vector<16xf32>
        %parallel_loop3A_329 = arith.fptosi %parallel_loop3A_328 : vector<16xf32> to vector<16xi32>
        %parallel_loop3A_330 = arith.constant 32768 : i32
        %parallel_loop3A_331 = vector.broadcast %parallel_loop3A_330 : i32 to vector<16xi32>
        %parallel_loop3A_332 = arith.addi %parallel_loop3A_329, %parallel_loop3A_331 : vector<16xi32>
        %parallel_loop3A_333 = tpu.vector_load_idx %arg5[%parallel_loop3A_332] : memref<65536xf32, #tpu.memory_space<vmem>>[vector<16xi32>], vector<16xf32>,
        %parallel_loop3A_334 = arith.index_cast %parallel_loop3A_176 : i32 to index
        %parallel_loop3A_335 = arith.constant 112 : index
        %parallel_loop3A_336 = tpu.vector_load %arg13[%parallel_loop3A_334, %parallel_loop3A_335] {strides = array<i32>} : memref<32x224xf32, #tpu.memory_space<vmem>>, vector<16xf32>,
        tpu.vector_store %arg13[%parallel_loop3A_334, %parallel_loop3A_335], %parallel_loop3A_333 {strides = array<i32>} : memref<32x224xf32, #tpu.memory_space<vmem>>, vector<16xf32>,
        %parallel_loop3A_337 = arith.index_cast %parallel_loop3A_176 : i32 to index
        %parallel_loop3A_338 = arith.constant 128 : index
        %parallel_loop3A_339 = tpu.vector_load %arg9[%parallel_loop3A_337, %parallel_loop3A_338] {strides = array<i32>} : memref<32x224xf32, #tpu.memory_space<vmem>>, vector<16xf32>,
        %parallel_loop3A_340 = arith.constant 4.096000e+03 : f32
        %parallel_loop3A_341 = vector.broadcast %parallel_loop3A_340 : f32 to vector<16xf32>
        %parallel_loop3A_342 = arith.mulf %parallel_loop3A_339, %parallel_loop3A_341 : vector<16xf32>
        %parallel_loop3A_343 = arith.constant -3.276800e+04 : f32
        %parallel_loop3A_344 = vector.broadcast %parallel_loop3A_343 : f32 to vector<16xf32>
        %parallel_loop3A_345 = arith.maximumf %parallel_loop3A_342, %parallel_loop3A_344 : vector<16xf32>
        %parallel_loop3A_346 = arith.constant 3.276700e+04 : f32
        %parallel_loop3A_347 = vector.broadcast %parallel_loop3A_346 : f32 to vector<16xf32>
        %parallel_loop3A_348 = arith.minimumf %parallel_loop3A_345, %parallel_loop3A_347 : vector<16xf32>
        %parallel_loop3A_349 = arith.fptosi %parallel_loop3A_348 : vector<16xf32> to vector<16xi32>
        %parallel_loop3A_350 = arith.constant 32768 : i32
        %parallel_loop3A_351 = vector.broadcast %parallel_loop3A_350 : i32 to vector<16xi32>
        %parallel_loop3A_352 = arith.addi %parallel_loop3A_349, %parallel_loop3A_351 : vector<16xi32>
        %parallel_loop3A_353 = tpu.vector_load_idx %arg5[%parallel_loop3A_352] : memref<65536xf32, #tpu.memory_space<vmem>>[vector<16xi32>], vector<16xf32>,
        %parallel_loop3A_354 = arith.index_cast %parallel_loop3A_176 : i32 to index
        %parallel_loop3A_355 = arith.constant 128 : index
        %parallel_loop3A_356 = tpu.vector_load %arg13[%parallel_loop3A_354, %parallel_loop3A_355] {strides = array<i32>} : memref<32x224xf32, #tpu.memory_space<vmem>>, vector<16xf32>,
        tpu.vector_store %arg13[%parallel_loop3A_354, %parallel_loop3A_355], %parallel_loop3A_353 {strides = array<i32>} : memref<32x224xf32, #tpu.memory_space<vmem>>, vector<16xf32>,
        %parallel_loop3A_357 = arith.index_cast %parallel_loop3A_176 : i32 to index
        %parallel_loop3A_358 = arith.constant 144 : index
        %parallel_loop3A_359 = tpu.vector_load %arg9[%parallel_loop3A_357, %parallel_loop3A_358] {strides = array<i32>} : memref<32x224xf32, #tpu.memory_space<vmem>>, vector<16xf32>,
        %parallel_loop3A_360 = arith.constant 4.096000e+03 : f32
        %parallel_loop3A_361 = vector.broadcast %parallel_loop3A_360 : f32 to vector<16xf32>
        %parallel_loop3A_362 = arith.mulf %parallel_loop3A_359, %parallel_loop3A_361 : vector<16xf32>
        %parallel_loop3A_363 = arith.constant -3.276800e+04 : f32
        %parallel_loop3A_364 = vector.broadcast %parallel_loop3A_363 : f32 to vector<16xf32>
        %parallel_loop3A_365 = arith.maximumf %parallel_loop3A_362, %parallel_loop3A_364 : vector<16xf32>
        %parallel_loop3A_366 = arith.constant 3.276700e+04 : f32
        %parallel_loop3A_367 = vector.broadcast %parallel_loop3A_366 : f32 to vector<16xf32>
        %parallel_loop3A_368 = arith.minimumf %parallel_loop3A_365, %parallel_loop3A_367 : vector<16xf32>
        %parallel_loop3A_369 = arith.fptosi %parallel_loop3A_368 : vector<16xf32> to vector<16xi32>
        %parallel_loop3A_370 = arith.constant 32768 : i32
        %parallel_loop3A_371 = vector.broadcast %parallel_loop3A_370 : i32 to vector<16xi32>
        %parallel_loop3A_372 = arith.addi %parallel_loop3A_369, %parallel_loop3A_371 : vector<16xi32>
        %parallel_loop3A_373 = tpu.vector_load_idx %arg5[%parallel_loop3A_372] : memref<65536xf32, #tpu.memory_space<vmem>>[vector<16xi32>], vector<16xf32>,
        %parallel_loop3A_374 = arith.index_cast %parallel_loop3A_176 : i32 to index
        %parallel_loop3A_375 = arith.constant 144 : index
        %parallel_loop3A_376 = tpu.vector_load %arg13[%parallel_loop3A_374, %parallel_loop3A_375] {strides = array<i32>} : memref<32x224xf32, #tpu.memory_space<vmem>>, vector<16xf32>,
        tpu.vector_store %arg13[%parallel_loop3A_374, %parallel_loop3A_375], %parallel_loop3A_373 {strides = array<i32>} : memref<32x224xf32, #tpu.memory_space<vmem>>, vector<16xf32>,
        %parallel_loop3A_377 = arith.index_cast %parallel_loop3A_176 : i32 to index
        %parallel_loop3A_378 = arith.constant 160 : index
        %parallel_loop3A_379 = tpu.vector_load %arg9[%parallel_loop3A_377, %parallel_loop3A_378] {strides = array<i32>} : memref<32x224xf32, #tpu.memory_space<vmem>>, vector<16xf32>,
        %parallel_loop3A_380 = arith.constant 4.096000e+03 : f32
        %parallel_loop3A_381 = vector.broadcast %parallel_loop3A_380 : f32 to vector<16xf32>
        %parallel_loop3A_382 = arith.mulf %parallel_loop3A_379, %parallel_loop3A_381 : vector<16xf32>
        %parallel_loop3A_383 = arith.constant -3.276800e+04 : f32
        %parallel_loop3A_384 = vector.broadcast %parallel_loop3A_383 : f32 to vector<16xf32>
        %parallel_loop3A_385 = arith.maximumf %parallel_loop3A_382, %parallel_loop3A_384 : vector<16xf32>
        %parallel_loop3A_386 = arith.constant 3.276700e+04 : f32
        %parallel_loop3A_387 = vector.broadcast %parallel_loop3A_386 : f32 to vector<16xf32>
        %parallel_loop3A_388 = arith.minimumf %parallel_loop3A_385, %parallel_loop3A_387 : vector<16xf32>
        %parallel_loop3A_389 = arith.fptosi %parallel_loop3A_388 : vector<16xf32> to vector<16xi32>
        %parallel_loop3A_390 = arith.constant 32768 : i32
        %parallel_loop3A_391 = vector.broadcast %parallel_loop3A_390 : i32 to vector<16xi32>
        %parallel_loop3A_392 = arith.addi %parallel_loop3A_389, %parallel_loop3A_391 : vector<16xi32>
        %parallel_loop3A_393 = tpu.vector_load_idx %arg5[%parallel_loop3A_392] : memref<65536xf32, #tpu.memory_space<vmem>>[vector<16xi32>], vector<16xf32>,
        %parallel_loop3A_394 = arith.index_cast %parallel_loop3A_176 : i32 to index
        %parallel_loop3A_395 = arith.constant 160 : index
        %parallel_loop3A_396 = tpu.vector_load %arg13[%parallel_loop3A_394, %parallel_loop3A_395] {strides = array<i32>} : memref<32x224xf32, #tpu.memory_space<vmem>>, vector<16xf32>,
        tpu.vector_store %arg13[%parallel_loop3A_394, %parallel_loop3A_395], %parallel_loop3A_393 {strides = array<i32>} : memref<32x224xf32, #tpu.memory_space<vmem>>, vector<16xf32>,
        %parallel_loop3A_397 = arith.index_cast %parallel_loop3A_176 : i32 to index
        %parallel_loop3A_398 = arith.constant 176 : index
        %parallel_loop3A_399 = tpu.vector_load %arg9[%parallel_loop3A_397, %parallel_loop3A_398] {strides = array<i32>} : memref<32x224xf32, #tpu.memory_space<vmem>>, vector<16xf32>,
        %parallel_loop3A_400 = arith.constant 4.096000e+03 : f32
        %parallel_loop3A_401 = vector.broadcast %parallel_loop3A_400 : f32 to vector<16xf32>
        %parallel_loop3A_402 = arith.mulf %parallel_loop3A_399, %parallel_loop3A_401 : vector<16xf32>
        %parallel_loop3A_403 = arith.constant -3.276800e+04 : f32
        %parallel_loop3A_404 = vector.broadcast %parallel_loop3A_403 : f32 to vector<16xf32>
        %parallel_loop3A_405 = arith.maximumf %parallel_loop3A_402, %parallel_loop3A_404 : vector<16xf32>
        %parallel_loop3A_406 = arith.constant 3.276700e+04 : f32
        %parallel_loop3A_407 = vector.broadcast %parallel_loop3A_406 : f32 to vector<16xf32>
        %parallel_loop3A_408 = arith.minimumf %parallel_loop3A_405, %parallel_loop3A_407 : vector<16xf32>
        %parallel_loop3A_409 = arith.fptosi %parallel_loop3A_408 : vector<16xf32> to vector<16xi32>
        %parallel_loop3A_410 = arith.constant 32768 : i32
        %parallel_loop3A_411 = vector.broadcast %parallel_loop3A_410 : i32 to vector<16xi32>
        %parallel_loop3A_412 = arith.addi %parallel_loop3A_409, %parallel_loop3A_411 : vector<16xi32>
        %parallel_loop3A_413 = tpu.vector_load_idx %arg5[%parallel_loop3A_412] : memref<65536xf32, #tpu.memory_space<vmem>>[vector<16xi32>], vector<16xf32>,
        %parallel_loop3A_414 = arith.index_cast %parallel_loop3A_176 : i32 to index
        %parallel_loop3A_415 = arith.constant 176 : index
        %parallel_loop3A_416 = tpu.vector_load %arg13[%parallel_loop3A_414, %parallel_loop3A_415] {strides = array<i32>} : memref<32x224xf32, #tpu.memory_space<vmem>>, vector<16xf32>,
        tpu.vector_store %arg13[%parallel_loop3A_414, %parallel_loop3A_415], %parallel_loop3A_413 {strides = array<i32>} : memref<32x224xf32, #tpu.memory_space<vmem>>, vector<16xf32>,
        %parallel_loop3A_417 = arith.index_cast %parallel_loop3A_176 : i32 to index
        %parallel_loop3A_418 = arith.constant 192 : index
        %parallel_loop3A_419 = tpu.vector_load %arg9[%parallel_loop3A_417, %parallel_loop3A_418] {strides = array<i32>} : memref<32x224xf32, #tpu.memory_space<vmem>>, vector<16xf32>,
        %parallel_loop3A_420 = arith.constant 4.096000e+03 : f32
        %parallel_loop3A_421 = vector.broadcast %parallel_loop3A_420 : f32 to vector<16xf32>
        %parallel_loop3A_422 = arith.mulf %parallel_loop3A_419, %parallel_loop3A_421 : vector<16xf32>
        %parallel_loop3A_423 = arith.constant -3.276800e+04 : f32
        %parallel_loop3A_424 = vector.broadcast %parallel_loop3A_423 : f32 to vector<16xf32>
        %parallel_loop3A_425 = arith.maximumf %parallel_loop3A_422, %parallel_loop3A_424 : vector<16xf32>
        %parallel_loop3A_426 = arith.constant 3.276700e+04 : f32
        %parallel_loop3A_427 = vector.broadcast %parallel_loop3A_426 : f32 to vector<16xf32>
        %parallel_loop3A_428 = arith.minimumf %parallel_loop3A_425, %parallel_loop3A_427 : vector<16xf32>
        %parallel_loop3A_429 = arith.fptosi %parallel_loop3A_428 : vector<16xf32> to vector<16xi32>
        %parallel_loop3A_430 = arith.constant 32768 : i32
        %parallel_loop3A_431 = vector.broadcast %parallel_loop3A_430 : i32 to vector<16xi32>
        %parallel_loop3A_432 = arith.addi %parallel_loop3A_429, %parallel_loop3A_431 : vector<16xi32>
        %parallel_loop3A_433 = tpu.vector_load_idx %arg5[%parallel_loop3A_432] : memref<65536xf32, #tpu.memory_space<vmem>>[vector<16xi32>], vector<16xf32>,
        %parallel_loop3A_434 = arith.index_cast %parallel_loop3A_176 : i32 to index
        %parallel_loop3A_435 = arith.constant 192 : index
        %parallel_loop3A_436 = tpu.vector_load %arg13[%parallel_loop3A_434, %parallel_loop3A_435] {strides = array<i32>} : memref<32x224xf32, #tpu.memory_space<vmem>>, vector<16xf32>,
        tpu.vector_store %arg13[%parallel_loop3A_434, %parallel_loop3A_435], %parallel_loop3A_433 {strides = array<i32>} : memref<32x224xf32, #tpu.memory_space<vmem>>, vector<16xf32>,
        %parallel_loop3A_437 = arith.index_cast %parallel_loop3A_176 : i32 to index
        %parallel_loop3A_438 = arith.constant 208 : index
        %parallel_loop3A_439 = tpu.vector_load %arg9[%parallel_loop3A_437, %parallel_loop3A_438] {strides = array<i32>} : memref<32x224xf32, #tpu.memory_space<vmem>>, vector<16xf32>,
        %parallel_loop3A_440 = arith.constant 4.096000e+03 : f32
        %parallel_loop3A_441 = vector.broadcast %parallel_loop3A_440 : f32 to vector<16xf32>
        %parallel_loop3A_442 = arith.mulf %parallel_loop3A_439, %parallel_loop3A_441 : vector<16xf32>
        %parallel_loop3A_443 = arith.constant -3.276800e+04 : f32
        %parallel_loop3A_444 = vector.broadcast %parallel_loop3A_443 : f32 to vector<16xf32>
        %parallel_loop3A_445 = arith.maximumf %parallel_loop3A_442, %parallel_loop3A_444 : vector<16xf32>
        %parallel_loop3A_446 = arith.constant 3.276700e+04 : f32
        %parallel_loop3A_447 = vector.broadcast %parallel_loop3A_446 : f32 to vector<16xf32>
        %parallel_loop3A_448 = arith.minimumf %parallel_loop3A_445, %parallel_loop3A_447 : vector<16xf32>
        %parallel_loop3A_449 = arith.fptosi %parallel_loop3A_448 : vector<16xf32> to vector<16xi32>
        %parallel_loop3A_450 = arith.constant 32768 : i32
        %parallel_loop3A_451 = vector.broadcast %parallel_loop3A_450 : i32 to vector<16xi32>
        %parallel_loop3A_452 = arith.addi %parallel_loop3A_449, %parallel_loop3A_451 : vector<16xi32>
        %parallel_loop3A_453 = tpu.vector_load_idx %arg5[%parallel_loop3A_452] : memref<65536xf32, #tpu.memory_space<vmem>>[vector<16xi32>], vector<16xf32>,
        %parallel_loop3A_454 = arith.index_cast %parallel_loop3A_176 : i32 to index
        %parallel_loop3A_455 = arith.constant 208 : index
        %parallel_loop3A_456 = tpu.vector_load %arg13[%parallel_loop3A_454, %parallel_loop3A_455] {strides = array<i32>} : memref<32x224xf32, #tpu.memory_space<vmem>>, vector<16xf32>,
        tpu.vector_store %arg13[%parallel_loop3A_454, %parallel_loop3A_455], %parallel_loop3A_453 {strides = array<i32>} : memref<32x224xf32, #tpu.memory_space<vmem>>, vector<16xf32>,
      } {sc.loop_unroll_factor = 2 : i64, sc.parallel_access}
      %mul3A_169 = arith.constant 32 : i32
      %mul3A_170 = arith.muli %add3A_146, %mul3A_169 : i32
      %add3A_171 = arith.addi %mul3A_2, %mul3A_170 : i32
      %dma_start3A_172 = arith.constant 0 : i32
      %dma_start3A_173 = tpu.memref_slice %arg4[%add3A_171, %dma_start3A_172] : memref<172032x224xf32, #tpu.memory_space<hbm>> -> memref<32x224xf32, #tpu.memory_space<hbm>>
      %dma_start3A_174 = arith.constant 0 : i32
      %dma_start3A_175 = tpu.memref_slice %arg4[%add3A_171, %dma_start3A_174] : memref<172032x224xf32, #tpu.memory_space<hbm>> -> memref<32x224xf32, #tpu.memory_space<hbm>>
      tpu.enqueue_dma source(%arg13 : memref<32x224xf32, #tpu.memory_space<vmem>>) target(%dma_start3A_175 : memref<32x224xf32, #tpu.memory_space<hbm>>) target_semaphore(%arg21 : memref<!tpu.dma_semaphore, #tpu.memory_space<semaphore_mem>>)
    }
    %scan3A_24 = arith.constant 42 : i32
    %add3A_25 = arith.constant 5248 : i32
    %add3A_26 = arith.addi %mul3A_2, %add3A_25 : i32
    %dma_wait3A = arith.constant 0 : i32
    %dma_wait3A_27 = tpu.memref_slice %arg4[%add3A_26, %dma_wait3A] : memref<172032x224xf32, #tpu.memory_space<hbm>> -> memref<32x224xf32, #tpu.memory_space<hbm>>
    %dma_wait3A_28 = arith.constant 0 : i32
    %dma_wait3A_29 = tpu.memref_slice %arg4[%add3A_26, %dma_wait3A_28] : memref<172032x224xf32, #tpu.memory_space<hbm>> -> memref<32x224xf32, #tpu.memory_space<hbm>>
    tpu.wait_dma2 semaphore(%arg18 : memref<!tpu.dma_semaphore, #tpu.memory_space<semaphore_mem>>) src(%arg10 : memref<32x224xf32, #tpu.memory_space<vmem>>) dst(%dma_wait3A_29 : memref<32x224xf32, #tpu.memory_space<hbm>>)
    %add3A_30 = arith.constant 5280 : i32
    %add3A_31 = arith.addi %mul3A_2, %add3A_30 : i32
    %dma_wait3A_32 = arith.constant 0 : i32
    %dma_wait3A_33 = tpu.memref_slice %arg4[%add3A_31, %dma_wait3A_32] : memref<172032x224xf32, #tpu.memory_space<hbm>> -> memref<32x224xf32, #tpu.memory_space<hbm>>
    %dma_wait3A_34 = arith.constant 0 : i32
    %dma_wait3A_35 = tpu.memref_slice %arg4[%add3A_31, %dma_wait3A_34] : memref<172032x224xf32, #tpu.memory_space<hbm>> -> memref<32x224xf32, #tpu.memory_space<hbm>>
    tpu.wait_dma2 semaphore(%arg19 : memref<!tpu.dma_semaphore, #tpu.memory_space<semaphore_mem>>) src(%arg11 : memref<32x224xf32, #tpu.memory_space<vmem>>) dst(%dma_wait3A_35 : memref<32x224xf32, #tpu.memory_space<hbm>>)
    %add3A_36 = arith.constant 5312 : i32
    %add3A_37 = arith.addi %mul3A_2, %add3A_36 : i32
    %dma_wait3A_38 = arith.constant 0 : i32
    %dma_wait3A_39 = tpu.memref_slice %arg4[%add3A_37, %dma_wait3A_38] : memref<172032x224xf32, #tpu.memory_space<hbm>> -> memref<32x224xf32, #tpu.memory_space<hbm>>
    %dma_wait3A_40 = arith.constant 0 : i32
    %dma_wait3A_41 = tpu.memref_slice %arg4[%add3A_37, %dma_wait3A_40] : memref<172032x224xf32, #tpu.memory_space<hbm>> -> memref<32x224xf32, #tpu.memory_space<hbm>>
    tpu.wait_dma2 semaphore(%arg20 : memref<!tpu.dma_semaphore, #tpu.memory_space<semaphore_mem>>) src(%arg12 : memref<32x224xf32, #tpu.memory_space<vmem>>) dst(%dma_wait3A_41 : memref<32x224xf32, #tpu.memory_space<hbm>>)
    %add3A_42 = arith.constant 5344 : i32
    %add3A_43 = arith.addi %mul3A_2, %add3A_42 : i32
    %dma_wait3A_44 = arith.constant 0 : i32
    %dma_wait3A_45 = tpu.memref_slice %arg4[%add3A_43, %dma_wait3A_44] : memref<172032x224xf32, #tpu.memory_space<hbm>> -> memref<32x224xf32, #tpu.memory_space<hbm>>
    %dma_wait3A_46 = arith.constant 0 : i32
    %dma_wait3A_47 = tpu.memref_slice %arg4[%add3A_43, %dma_wait3A_46] : memref<172032x224xf32, #tpu.memory_space<hbm>> -> memref<32x224xf32, #tpu.memory_space<hbm>>
    tpu.wait_dma2 semaphore(%arg21 : memref<!tpu.dma_semaphore, #tpu.memory_space<semaphore_mem>>) src(%arg13 : memref<32x224xf32, #tpu.memory_space<vmem>>) dst(%dma_wait3A_47 : memref<32x224xf32, #tpu.memory_space<hbm>>)
    return
  }
}

</mosaic_0001>

<sc_bundles>
// kernel: kernel.3.cloned.1.call-start
scs
__scs_entry_jumppad:
0x0: {  	(pc) =	sbr.rel $0x88, $3  }
0x1: {  	(tag) =	ssettag $0x0;
	lr =	simm.s32 $0x1  }
0x2: {  	[smem:$0x3F9F] =	sst lr;
	_ =	strace $0xD0000000  }
0x3: {  	_ = 	snop  }
0x4: {  	_ = 	snop  }
0x5: {  	_ = 	snop  }
0x6: {  	_ = 	snop  }
0x7: {  	_ = 	snop  }
__scs_overlays_trampoline_lowered:
0x8: {  	[smem:$0x3FAE] =	sst s0  }
0x9: {  	[smem:$0x3FAF] =	sst s1  }
0xa: {  	[smem:$0x3FB0] =	sst s2  }
0xb: {  	[smem:$0x3FB1] =	sst s3  }
0xc: {  	[smem:$0x3FB2] =	sst s4  }
0xd: {  	[smem:$0x3FB3] =	sst s5  }
0xe: {  	[smem:$0x3FB4] =	sst s6  }
0xf: {  	[smem:$0x3FB5] =	sst s7  }
0x10: {  	[smem:$0x3FB6] =	sst s8  }
0x11: {  	[smem:$0x3FB7] =	sst s9;
	s0 =	simm.s32 @!p0 $0x0  }
0x12: {  	s1 =	sld [smem:$0x3F9D];
	s0 =	simm.s32 @p0 $0x1  }
0x13: {  	[smem:$0x3FB8] =	sst s0;
	s0 =	simm.s32 @!p1 $0x0  }
0x14: {  	s2 =	sld [smem:$0x3F9C];
	s0 =	simm.s32 @p1 $0x1  }
0x15: {  	[smem:$0x3FB9] =	sst s0;
	s0 =	simm.s32 @!p2 $0x0  }
0x16: {  	s3 =	sld [smem:$0x3FDB];
	s0 =	simm.s32 @p2 $0x1  }
0x17: {  	s4 =	simm.s32 $0x1BF5;
	[smem:$0x3FBB] =	sst s0  }
0x18: {  	s0 =	sld [smem:$0x3F9E];
	_ =	swait.ge [sflag:s4], $0x0  }
0x19: {  	s7 =	sld [smem:$0x3F9F]  }
0x1a: {  	s8 =	sadd.s32 $0xFFFFE003, lr  }
0x1b: {  	s9 =	sadd.s32 $0xFFFFFEF7, lr;
	s5 =	simm.s32 $0xFFFFFFFF;
	p2 =	slt.u32 s8, $0xFFFFF086  }
0x1c: {  	p1 =	slt.u32 s9, $0xF7A;
	s5 =	simm.s32 @!p2 $0x0  }
0x1d: {  	s5 =	simm.s32 @p1 $0x1;
	p0 =	seq.s32 s7, s2  }
0x1e: {  	s7 =	smul.u32 @!p0 $0xF7A, s2;
	p2 =	seq.s32 @!p0 s5, $0x0  }
0x1f: {  	s9 =	smul.u32 $0xF7A, s1;
	s8 =	simm.s32 @!p0 $0x1BF5;
	p2 =	por !p2, p0  }
0x20: {  	[sflag:s8] =	ssyncset.s32 @!p0 $0xFFFFF086;
	s6 =	sadd.s32 @!p0 s3, s7;
	s7 =	simm.s32 @!p0 $0x108  }
0x21: {  	s3 =	sadd.s32 s3, s9;
	s6 =	sadd.s32 @!p0 $0x88, s6;
	s7 =	simm.s32 @p2 $0x1082  }
0x22: {  	[simem:s7], [sflag:s8] =	dma.local @!p0 [hbm:s6], $0xF7A  }
0x23: {  	s9 =	sor.u32 $0xD0000000, s2;
	s6 =	simm.s32 $0x108;
	_ =	swait.ge @!p0 [sflag:s8], $0x0  }
0x24: {  	s3 =	sadd.s32 $0x88, s3;
	s6 =	simm.s32 @!p1 $0x1082;
	[sflag:s4] =	ssyncset.s32 $0xFFFFF086  }
0x25: {  	[simem:s6], [sflag:s4] =	dma.local [hbm:s3], $0xF7A  }
0x26: {  	[smem:$0x3F9F] =	sst s1;
	(tag) =	ssettag s2;
	_ =	strace s9  }
0x27: {  	s1 =	sld [smem:$0x3FAF]  }
0x28: {  	s2 =	sld [smem:$0x3FB0]  }
0x29: {  	s4 =	sld [smem:$0x3FB2]  }
0x2a: {  	p0 =	seq.s32 s5, $0x0;
	s5 =	sld [smem:$0x3FB3]  }
0x2b: {  	s6 =	sld [smem:$0x3FB4]  }
0x2c: {  	s7 =	sld [smem:$0x3FB5]  }
0x2d: {  	s3 =	simm.s32 $0x108;
	s8 =	sld [smem:$0x3FB6]  }
0x2e: {  	s3 =	simm.s32 @!p0 $0x1082;
	s9 =	sld [smem:$0x3FB7]  }
0x2f: {  	lr =	sadd.s32 s0, s3;
	s0 =	sld [smem:$0x3FAE]  }
0x30: {  	s3 =	sld [smem:$0x3FB1]  }
0x31: {  	[smem:$0x3FBA] =	sst s10  }
0x32: {  	s10 =	sld [smem:$0x3FB8];
	_ =	sdelay $0x3  }
0x33: {  	p0 =	seq.s32 s10, $0x1;
	s10 =	sld [smem:$0x3FBA];
	_ =	sdelay $0x3  }
0x34: {  	[smem:$0x3FBA] =	sst s10  }
0x35: {  	s10 =	sld [smem:$0x3FB9];
	_ =	sdelay $0x3  }
0x36: {  	p1 =	seq.s32 s10, $0x1;
	s10 =	sld [smem:$0x3FBA];
	_ =	sdelay $0x3  }
0x37: {  	[smem:$0x3FBA] =	sst s10  }
0x38: {  	s10 =	sld [smem:$0x3FBB]  }
0x39: {  	_ = 	snop;
	(pc) =	sbr.ind lr, $3  }
0x3a: {  	_ = 	snop  }
0x3b: {  	_ = 	snop  }
0x3c: {  	p2 =	seq.s32 s10, $0x1;
	s10 =	sld [smem:$0x3FBA]  }
0x3d: {  	_ =	shalt  }
0x3e: {  	_ =	shalt  }
0x3f: {  	_ =	shalt  }
0x40: {  	_ =	shalt  }
0x41: {  	_ =	shalt  }
0x42: {  	_ =	shalt  }
0x43: {  	_ =	shalt  }
0x44: {  	_ =	shalt  }
0x45: {  	_ =	shalt  }
0x46: {  	_ =	shalt  }
0x47: {  	_ =	shalt  }
0x48: {  	_ =	shalt  }
0x49: {  	_ =	shalt  }
0x4a: {  	_ =	shalt  }
0x4b: {  	_ =	shalt  }
0x4c: {  	_ =	shalt  }
0x4d: {  	_ =	shalt  }
0x4e: {  	_ =	shalt  }
0x4f: {  	_ =	shalt  }
0x50: {  	_ =	shalt  }
0x51: {  	_ =	shalt  }
0x52: {  	_ =	shalt  }
0x53: {  	_ =	shalt  }
0x54: {  	_ =	shalt  }
0x55: {  	_ =	shalt  }
0x56: {  	_ =	shalt  }
0x57: {  	_ =	shalt  }
0x58: {  	_ =	shalt  }
0x59: {  	_ =	shalt  }
0x5a: {  	_ =	shalt  }
0x5b: {  	_ =	shalt  }
0x5c: {  	_ =	shalt  }
0x5d: {  	_ =	shalt  }
0x5e: {  	_ =	shalt  }
0x5f: {  	_ =	shalt  }
0x60: {  	_ =	shalt  }
0x61: {  	_ =	shalt  }
0x62: {  	_ =	shalt  }
0x63: {  	_ =	shalt  }
0x64: {  	_ =	shalt  }
0x65: {  	_ =	shalt  }
0x66: {  	_ =	shalt  }
0x67: {  	_ =	shalt  }
0x68: {  	_ =	shalt  }
0x69: {  	_ =	shalt  }
0x6a: {  	_ =	shalt  }
0x6b: {  	_ =	shalt  }
0x6c: {  	_ =	shalt  }
0x6d: {  	_ =	shalt  }
0x6e: {  	_ =	shalt  }
0x6f: {  	_ =	shalt  }
0x70: {  	_ =	shalt  }
0x71: {  	_ =	shalt  }
0x72: {  	_ =	shalt  }
0x73: {  	_ =	shalt  }
0x74: {  	_ =	shalt  }
0x75: {  	_ =	shalt  }
0x76: {  	_ =	shalt  }
0x77: {  	_ =	shalt  }
0x78: {  	_ =	shalt  }
0x79: {  	_ =	shalt  }
0x7a: {  	_ =	shalt  }
0x7b: {  	_ =	shalt  }
0x7c: {  	_ =	shalt  }
0x7d: {  	_ =	shalt  }
0x7e: {  	_ =	shalt  }
0x7f: {  	_ =	shalt  }
0x80: {  	_ =	shalt  }
0x81: {  	_ =	shalt  }
0x82: {  	_ =	shalt  }
0x83: {  	_ =	shalt  }
0x84: {  	_ =	shalt  }
0x85: {  	_ =	shalt  }
0x86: {  	_ =	shalt  }
0x87: {  	_ =	shalt  }
.Lfunc_end0:
.L_simem_size_0:
called_computation_lowered:
.L_overlay_start_0:
0x88: {  	s2 =	sld [smem:$0x3FD9]  }
0x89: {  	s3 =	sld [smem:$0x3FFE];
	_ =	sdelay $0x1  }
0x8a: {  	s1 =	srdreg.scid  }
0x8b: {  	s0 =	sand.u32 $0x1, s1  }
0x8c: {  	s17 =	sshll.u32 s0, $0xA;
	s2 =	sadd.s32 s3, s2  }
0x8d: {  	s2 =	sadd.s32 s2, s17  }
0x8e: {  	[smem:$0x3FC6] =	sst s2  }
0x8f: {  	_ = 	snop  }
0x90: {  	s2 =	sld [smem:$0x3FC9]  }
0x91: {  	s18 =	sld [smem:$0x3FD0];
	(tm) =	ssettm $0x1  }
0x92: {  	s4 =	sld [smem:$0x3FFB];
	_ =	sdelay $0x3  }
0x93: {  	_ =	strace s4  }
0x94: {  	s4 =	sld [smem:$0x3FFC];
	_ =	sdelay $0x3  }
0x95: {  	_ =	strace s4  }
0x96: {  	s4 =	sld [smem:$0x3FFD];
	_ =	sdelay $0x3  }
0x97: {  	_ =	strace s4  }
0x98: {  	_ =	strace $0x8FFFFFFF  }
0x99: {  	s19 =	sld [smem:$0x3FDB];
	_ =	sdelay $0x1  }
0x9a: {  	s5 =	simm.s32 $_scs_section_size  }
0x9b: {  	s6 =	simm.s32 $_size__tile_overlayer_lowered;
	s7 =	simm.s32 $_tile_overlayer_lowered  }
0x9c: {  	s22 =	simm.s32 $0x1BFF;
	s21 =	sshll.u32 s7, $0x1;
	s4 =	sadd.s32 s5, s19  }
0x9d: {  	s8 =	simm.s32 $0x0;
	s20 =	sshll.u32 s6, $0x1;
	s6 =	sadd.s32 s21, s4  }
0x9e: {  	[timem:s8], [sflag:s22] =	dma.local [hbm:s6], s20  }
0x9f: {  	_ =	swait.ge [sflag:s22], s20  }
0xa0: {  	s5 =	ssub.s32 $0x0, s20;
	[sflag:s22] =	ssyncset.done $0x0  }
0xa1: {  	[sflag:s22] =	ssyncadd.s32 s5;
	_ =	sdelay $0x1  }
0xa2: {  	s23 =	simm.s32 $0x1B8B  }
0xa3: {  	_ =	swait.ge [sflag:s23], $0x1  }
0xa4: {  	[sflag:s23] =	ssyncset.done $0x0  }
0xa5: {  	s25 =	simm.s32 $0x1B8E;
	s24 =	sld [smem:$0x3FFE];
	[sflag:s23] =	ssyncadd.s32 $0xFFFFFFFF  }
0xa6: {  	s26 =	simm.s32 $execute0_lowered;
	[smem:$0x3FD2] =	sst s25  }
0xa7: {  	s6 =	sshll.u32 s26, $0x1;
	_ =	strace $0x80000046;
	[dreg:$0x1] =	wrdreg $0xFFFFFFFF  }
0xa8: {  	s28 =	simm.s32 $_size_execute0_lowered;
	s4 =	sadd.s32 s4, s6;
	[dreg:$0x0] =	wrdreg $0x0  }
0xa9: {  	s6 =	sshll.u32 s28, $0x1;
	[dreg:$0x2] =	wrdreg s4  }
0xaa: {  	[dreg:$0x3] =	wrdreg s6  }
0xab: {  	[dreg:$0x4] =	wrdreg $0xC0  }
0xac: {  	_ =	task [dreg:s8], $0x5FFFF  }
0xad: {  	[dreg:$0x1] =	wrdreg $0xFFFFFFFF  }
0xae: {  	[dreg:$0x0] =	wrdreg $0x60  }
0xaf: {  	[dreg:$0x2] =	wrdreg s2  }
0xb0: {  	[dreg:$0x3] =	wrdreg s24  }
0xb1: {  	[dreg:$0x4] =	wrdreg s18  }
0xb2: {  	[dreg:$0x5] =	wrdreg $0x9  }
0xb3: {  	_ =	task.clear_ibuf [dreg:s8], $0x6FFFF;
	_ =	strace $0x90000046  }
0xb4: {  	s29 =	simm.s32 $0x9;
	_ =	strace $0x80000048  }
0xb5: {  	_ =	swait.ge [sflag:s29], $0x1  }
0xb6: {  	[sflag:s29] =	ssyncadd.s32 $0xFFFFFFFF  }
0xb7: {  	_ =	strace $0x90000048  }
0xb8: {  	_ =	sfence  }
0xb9: {  	s30 =	sld [smem:$0x0];
	_ =	sdelay $0x2  }
0xba: {  	s31 =	sshll.u32 s1, $0xD;
	s1 =	sshrl.u32 s1, $0x2  }
0xbb: {  	s3 =	sand.u32 $0x4000, s31;
	s1 =	sadd.s32 s1, s30  }
0xbc: {  	s0 =	sor.u32 s3, s0;
	s1 =	sshll.u32 s1, $0x11  }
0xbd: {  	s0 =	sor.u32 s1, s0  }
0xbe: {  	s0 =	sadd.s32 $0x8F2B, s0  }
0xbf: {  	[sflag:s0] =	ssyncadd.remote.s32 $0x1  }
0xc0: {  	_ =	sfence.sel $0xFFFF  }
0xc1: {  	[dreg:$0x0] =	wrdreg $0xFFFFFFFF;
	(pc) =	sbr.abs _section_cstart, $3  }
0xc2: {  	[dreg:$0x1] =	wrdreg $0xFFFFFFFF  }
0xc3: {  	_ =	task.clear_ibuf [dreg:s8], $0x2FFFF;
	_ =	strace $0x9FFFFFFF  }
0xc4: {  	(tm) =	ssettm $0x7FFFFFFF  }
0xc5: {  	_ =	shalt  }
tec
execute0_lowered:
.L_overlay_start_1:
0x0: {  	(tag) =	ssettag $0x1  }
0x1: {  	s1 =	rddreg [dreg:$0x0]  }
0x2: {  	s0 =	rddreg [dreg:$0x1]  }
0x3: {  	s3 =	rddreg [dreg:$0x2]  }
0x4: {  	s2 =	srdreg.scid;
	s5 =	stileid.u32  }
0x5: {  	s4 =	simm.s32 $0x0;
	s22 =	simm.s32 $0x1;
	s28 =	simm.s32 $0x1C000  }
0x6: {  	s29 =	simm.s32 $0x4;
	s2 =	sand.u32 $0x1, s2;
	s5 =	sshll.u32 s5, $0x1  }
0x7: {  	s30 =	simm.s32 $0x8;
	s31 =	simm.s32 $0x1E000;
	s5 =	sor.u32 s2, s5  }
0x8: {  	[smem:$0x7FF] =	sst s4;
	s0 =	sadd.s32 $0x400, s0;
	s7 =	smul.u32 $0x2A000, s5  }
0x9: {  	_ =	strace $0x80000047;
	s2 =	ssub.s32 $0x2, s2;
	s6 =	smul.u32 $0x150000, s5  }
0xa: {  	[dreg:$0x4] =	wrdreg s0;
	s23 =	sshrl.u32 s2, $0x1;
	s24 =	smul.u32 $0x1500, s5  }
0xb: {  	s0 =	ssub.s32 s2, s23;
	s23 =	simm.s32 $0x18000;
	s2 =	simm.s32 $0x0  }
0xc: {  	s25 =	sadd.s32 s1, s7;
	s10 =	sor.u32 $0x6000, s6;
	s11 =	sor.u32 $0x8000, s6  }
0xd: {  	s12 =	sor.u32 $0x20, s24;
	s26 =	sor.u32 $0xC000, s6;
	[dreg:$0x5] =	wrdreg s25  }
0xe: {  	s13 =	sor.u32 $0xA000, s6;
	s0 =	smax.u32 s0, $0x1;
	[dreg:$0x8] =	wrdreg s26  }
0xf: {  	s14 =	sor.u32 $0x40, s24;
	s7 =	sadd.s32 $0x400, s25;
	[dreg:$0x9] =	wrdreg s0  }
0x10: {  	s24 =	simm.s32 $0x2;
	s5 =	sadd.s32 $0x800, s25;
	[dreg:$0x6] =	wrdreg s7  }
0x11: {  	s25 =	simm.s32 $0x1A000;
	s26 =	simm.s32 $0x3;
	[dreg:$0x7] =	wrdreg s5  }
.LBB2_1:
0x12: {  	[dreg:$0xa] =	wrdreg s2  }
0x13: {  	s0 =	rddreg [dreg:$0x4];
	s15 =	simm.s32 $0x9  }
0x14: {  	[tilespmem:s4], [sflag:$0x9] =	stream.linear.gather [hbm4b:s0+s4], $0x10000, $0x38;
	v63 =	vld [tilespmem:$0x0]  }
0x15: {  	_ =	swait.ge [sflag:s15], $0x10000  }
0x16: {  	[sflag:s15] =	ssyncset.done $0x0  }
0x17: {  	s17 =	simm.s32 $0x10000;
	s16 =	rddreg [dreg:$0x5];
	[sflag:s15] =	ssyncadd.s32 $0xFFFF0000  }
0x18: {  	[tilespmem:s17], [sflag:$0x1] =	stream.linear.gather [hbm4b:s16+s4], $0x2000, $0x38;
	v63 =	vld [tilespmem:$0x0]  }
0x19: {  	s19 =	simm.s32 $0x12000;
	s18 =	rddreg [dreg:$0x6]  }
0x1a: {  	[tilespmem:s19], [sflag:$0x2] =	stream.linear.gather [hbm4b:s18+s4], $0x2000, $0x38;
	v63 =	vld [tilespmem:$0x0]  }
0x1b: {  	s21 =	simm.s32 $0x14000;
	s5 =	simm.s32 $0x0;
	s20 =	rddreg [dreg:$0x7]  }
0x1c: {  	[tilespmem:s21], [sflag:$0x3] =	stream.linear.gather [hbm4b:s20+s4], $0x2000, $0x38;
	v63 =	vld [tilespmem:$0x0]  }
.LBB2_2:
0x1d: {  	s9 =	sshll.u32 s5, $0xF  }
0x1e: {  	s0 =	sadd.s32 s9, s10  }
0x1f: {  	s8 =	sshrl.u32 s0, $0x3  }
0x20: {  	s2 =	simm.s32 $0x16000;
	s0 =	sadd.s32 s1, s8  }
0x21: {  	[tilespmem:s2], [sflag:$0x4] =	stream.linear.gather [hbm4b:s0+s4], $0x2000, $0x38;
	v63 =	vld [tilespmem:$0x0]  }
0x22: {  	_ =	swait.ge [sflag:s22], $0x2000  }
0x23: {  	p0 =	seq.s32 s5, $0x0;
	[sflag:s22] =	ssyncset.done $0x0  }
0x24: {  	s0 =	simm.s32 @!p0 $0x5;
	[sflag:s22] =	ssyncadd.s32 $0xFFFFE000  }
0x25: {  	s17 =	simm.s32 $0x0;
	_ =	swait.ge @!p0 [sflag:s0], $0x2000  }
0x26: {  	s7 =	sand.u32 $0x1800, s17;
	s2 =	sand.u32 $0x300, s17;
	[sflag:s0] =	ssyncset.done @!p0 $0x0  }
0x27: {  	s7 =	sor.u32 s2, s7;
	[sflag:s0] =	ssyncadd.s32 @!p0 $0xFFFFE000  }
0x28: {  	v0 =	vld [tilespmem:s7+$0x10020]  }
0x29: {  	v1 =	vld [tilespmem:s7+$0x100C0]  }
0x2a: {  	v2 =	vld [tilespmem:s7+$0x100B0]  }
0x2b: {  	v3 =	vld [tilespmem:s7+$0x10000]  }
0x2c: {  	v4 =	vld [tilespmem:s7+$0x100A0]  }
0x2d: {  	v5 =	vld [tilespmem:s7+$0x10010]  }
0x2e: {  	v6 =	vld [tilespmem:s7+$0x10080]  }
0x2f: {  	s18 =	simm.s32 $0x100;
	s19 =	simm.s32 $0x200;
	v7 =	vld [tilespmem:s7+$0x10030]  }
0x30: {  	s2 =	sand.u32 $0x1800, s19;
	s0 =	sand.u32 $0x300, s18;
	v8 =	vld [tilespmem:s7+$0x10090]  }
0x31: {  	v9 =	vld [tilespmem:s7+$0x100D0];
	s16 =	sor.u32 s0, s2  }
0x32: {  	v25 =	vld [tilespmem:s16+$0x100B0]  }
0x33: {  	v27 =	vld [tilespmem:s16+$0x100A0]  }
0x34: {  	v33 =	vld [tilespmem:s16+$0x100D0];
	v2 =	vmul.f32 $4.096000000e+03, v2  }
0x35: {  	v39 =	vld [tilespmem:s16+$0x104B0];
	v1 =	vmul.f32 $4.096000000e+03, v1;
	v3 =	vmul.f32 $4.096000000e+03, v3  }
0x36: {  	v60 =	vld [tilespmem:s16+$0x10400];
	v0 =	vmul.f32 $4.096000000e+03, v0;
	v4 =	vmul.f32 $4.096000000e+03, v4  }
0x37: {  	v62 =	vld [tilespmem:s16+$0x10410];
	v5 =	vmul.f32 $4.096000000e+03, v5;
	v6 =	vmul.f32 $4.096000000e+03, v6  }
0x38: {  	v7 =	vmul.f32 $4.096000000e+03, v7;
	v8 =	vmul.f32 $4.096000000e+03, v8  }
0x39: {  	v9 =	vmul.f32 $4.096000000e+03, v9;
	v25 =	vmul.f32 $4.096000000e+03, v25  }
0x3a: {  	v27 =	vmul.f32 $4.096000000e+03, v27;
	v33 =	vmul.f32 $4.096000000e+03, v33  }
0x3b: {  	v59 =	vmul.f32 $4.096000000e+03, v39;
	v42 =	vmul.f32 $4.096000000e+03, v60  }
0x3c: {  	v47 =	vmul.f32 $4.096000000e+03, v62;
	v2 =	vmax.f32 v2, $-3.276800000e+04;
	v1 =	vmax.f32 v1, $-3.276800000e+04  }
0x3d: {  	v3 =	vmax.f32 v3, $-3.276800000e+04;
	v0 =	vmax.f32 v0, $-3.276800000e+04;
	v5 =	vmax.f32 v5, $-3.276800000e+04  }
0x3e: {  	v4 =	vmax.f32 v4, $-3.276800000e+04;
	v6 =	vmax.f32 v6, $-3.276800000e+04;
	v7 =	vmax.f32 v7, $-3.276800000e+04  }
0x3f: {  	v8 =	vmax.f32 v8, $-3.276800000e+04;
	v9 =	vmax.f32 v9, $-3.276800000e+04;
	v2 =	vmin.f32 v2, $3.276700000e+04  }
0x40: {  	v1 =	vmin.f32 v1, $3.276700000e+04;
	v3 =	vmin.f32 v3, $3.276700000e+04;
	v4 =	vmin.f32 v4, $3.276700000e+04  }
0x41: {  	v0 =	vmin.f32 v0, $3.276700000e+04;
	v2 =	vtrunc.f32 v2;
	v3 =	vtrunc.f32 v3  }
0x42: {  	v13 =	vld [tilespmem:s7+$0x10490];
	v7 =	vmin.f32 v7, $3.276700000e+04;
	v10 =	vtrunc.f32 v1;
	v1 =	vtrunc.f32 v4  }
0x43: {  	v14 =	vld [tilespmem:s7+$0x10040];
	v5 =	vmin.f32 v5, $3.276700000e+04;
	v0 =	vtrunc.f32 v0;
	v7 =	vtrunc.f32 v7  }
0x44: {  	s20 =	simm.s32 $0x200;
	s21 =	simm.s32 $0x400;
	v4 =	vmin.f32 v6, $3.276700000e+04;
	v5 =	vtrunc.f32 v5;
	v2 =	vcvt.f32.s32 v2  }
0x45: {  	s2 =	sand.u32 $0x1800, s21;
	s0 =	sand.u32 $0x300, s20;
	v8 =	vmin.f32 v8, $3.276700000e+04;
	v11 =	vcvt.f32.s32 v3;
	v3 =	vtrunc.f32 v4  }
0x46: {  	v12 =	vld [tilespmem:s7+$0x10480];
	s0 =	sor.u32 s0, s2;
	v25 =	vmax.f32 v25, $-3.276800000e+04;
	v0 =	vcvt.f32.s32 v0;
	v1 =	vcvt.f32.s32 v1  }
0x47: {  	v60 =	vld [tilespmem:s0+$0x100D0];
	v25 =	vmin.f32 v25, $3.276700000e+04;
	v15 =	vcvt.f32.s32 v7;
	v7 =	vtrunc.f32 v8  }
0x48: {  	v6 =	vld [tilespmem:s7+$0x100E0];
	v8 =	vmin.f32 v9, $3.276700000e+04;
	v9 =	vmul.f32 $4.096000000e+03, v13;
	v13 =	vmul.f32 $4.096000000e+03, v14  }
0x49: {  	v5 =	vcvt.f32.s32 v5;
	v25 =	vtrunc.f32 v25  }
0x4a: {  	v4 =	vld [tilespmem:s7+$0x100F0];
	v3 =	vcvt.f32.s32 v3;
	v7 =	vcvt.f32.s32 v7  }
0x4b: {  	v33 =	vmax.f32 v33, $-3.276800000e+04;
	v8 =	vtrunc.f32 v8;
	v25 =	vcvt.f32.s32 v25  }
0x4c: {  	v14 =	vld [tilespmem:s7+$0x104A0];
	v39 =	vmul.f32 $4.096000000e+03, v60;
	v17 =	vcvt.f32.s32 v8;
	v23 =	vadd.s32 $0x8000, v11  }
0x4d: {  	v8 =	vmul.f32 $4.096000000e+03, v12;
	v3 =	vadd.s32 $0x8000, v3;
	v6 =	vmul.f32 $4.096000000e+03, v6  }
0x4e: {  	v12 =	vld [tilespmem:s7+$0x10050];
	v19 =	vmax.f32 v9, $-3.276800000e+04;
	v13 =	vmax.f32 v13, $-3.276800000e+04;
	v28 =	vadd.s32 $0x8000, v5  }
0x4f: {  	v16 =	vld [tilespmem:s7+$0x10060];
	v7 =	vadd.s32 $0x8000, v7;
	v4 =	vmul.f32 $4.096000000e+03, v4;
	v6 =	vmax.f32 v6, $-3.276800000e+04  }
0x50: {  	v5 =	vld [tilespmem:s7+$0x10440];
	v25 =	vadd.s32 $0x8000, v25;
	v17 =	vadd.s32 $0x8000, v17;
	v6 =	vmin.f32 v6, $3.276700000e+04  }
0x51: {  	v14 =	vmul.f32 $4.096000000e+03, v14;
	v4 =	vmax.f32 v4, $-3.276800000e+04;
	v23 =	vld.idx.msk [tilespmem:v23+s4+$0x0], $0xffff;
	v6 =	vtrunc.f32 v6  }
0x52: {  	v3 =	vld.idx.msk [tilespmem:v3+s4+$0x0], $0xffff;
	v4 =	vmin.f32 v4, $3.276700000e+04;
	v18 =	vcvt.f32.s32 v6;
	v6 =	vmax.f32 v8, $-3.276800000e+04  }
0x53: {  	v31 =	vld [tilespmem:s16+$0x10090];
	v12 =	vmul.f32 $4.096000000e+03, v12;
	v4 =	vtrunc.f32 v4;
	v6 =	vmin.f32 v6, $3.276700000e+04  }
0x54: {  	v9 =	vcvt.f32.s32 v4;
	v4 =	vtrunc.f32 v6;
	v6 =	vadd.s32 $0x8000, v1  }
0x55: {  	v1 =	vmin.f32 v13, $3.276700000e+04;
	v13 =	vadd.s32 $0x8000, v2;
	v2 =	vmul.f32 $4.096000000e+03, v16  }
0x56: {  	v21 =	vld [tilespmem:s7+$0x10070];
	v51 =	vmul.f32 $4.096000000e+03, v5;
	v18 =	vadd.s32 $0x8000, v18;
	v22 =	vcvt.f32.s32 v4;
	[tilespmem:s7+$0x18000] =	vst v23  }
0x57: {  	v23 =	vmax.f32 v27, $-3.276800000e+04;
	v9 =	vadd.s32 $0x8000, v9;
	[tilespmem:s7+$0x18080] =	vst v3;
	v2 =	vmax.f32 v2, $-3.276800000e+04;
	v27 =	vld.idx.msk [tilespmem:v28+s4+$0x0], $0xffff  }
0x58: {  	v23 =	vmin.f32 v23, $3.276700000e+04;
	v28 =	vmul.f32 $4.096000000e+03, v31;
	v4 =	vld.idx.msk [tilespmem:v7+s4+$0x0], $0xffff;
	v7 =	vadd.s32 $0x8000, v0  }
0x59: {  	v0 =	vtrunc.f32 v1;
	v1 =	vmin.f32 v19, $3.276700000e+04;
	v2 =	vmin.f32 v2, $3.276700000e+04  }
0x5a: {  	v8 =	vld [tilespmem:s7+$0x104B0];
	v3 =	vcvt.f32.s32 v0;
	v0 =	vmax.f32 v12, $-3.276800000e+04;
	v12 =	vtrunc.f32 v1  }
0x5b: {  	v19 =	vld [tilespmem:s7+$0x10400];
	v2 =	vtrunc.f32 v2;
	v28 =	vmax.f32 v28, $-3.276800000e+04;
	v0 =	vmin.f32 v0, $3.276700000e+04  }
0x5c: {  	v12 =	vcvt.f32.s32 v12;
	v28 =	vmin.f32 v28, $3.276700000e+04;
	v1 =	vtrunc.f32 v0  }
0x5d: {  	v20 =	vld [tilespmem:s7+$0x104C0];
	v22 =	vadd.s32 $0x8000, v22;
	v0 =	vmul.f32 $4.096000000e+03, v21;
	v28 =	vtrunc.f32 v28  }
0x5e: {  	v24 =	vld [tilespmem:s7+$0x10420];
	v3 =	vadd.s32 $0x8000, v3;
	v29 =	vadd.s32 $0x8000, v12;
	v28 =	vcvt.f32.s32 v28  }
0x5f: {  	v12 =	vld [tilespmem:s16+$0x10030];
	v1 =	vcvt.f32.s32 v1;
	[tilespmem:s7+$0x18090] =	vst v4;
	v4 =	vmul.f32 $4.096000000e+03, v8;
	v8 =	vmax.f32 v14, $-3.276800000e+04  }
0x60: {  	v19 =	vmul.f32 $4.096000000e+03, v19;
	v14 =	vld.idx.msk [tilespmem:v6+s4+$0x0], $0xffff;
	v6 =	vmax.f32 v0, $-3.276800000e+04;
	v8 =	vmin.f32 v8, $3.276700000e+04  }
0x61: {  	v16 =	vld [tilespmem:s7+$0x104D0];
	v0 =	vcvt.f32.s32 v2;
	v1 =	vadd.s32 $0x8000, v1;
	v2 =	vmin.f32 v6, $3.276700000e+04  }
0x62: {  	v21 =	vld [tilespmem:s7+$0x10410];
	v6 =	vtrunc.f32 v8;
	v8 =	vmax.f32 v4, $-3.276800000e+04;
	v2 =	vtrunc.f32 v2  }
0x63: {  	v4 =	vcvt.f32.s32 v6;
	v6 =	vmin.f32 v8, $3.276700000e+04;
	v8 =	vcvt.f32.s32 v10  }
0x64: {  	[tilespmem:s7+$0x18010] =	vst v27;
	v11 =	vtrunc.f32 v6;
	v6 =	vadd.s32 $0x8000, v15;
	v15 =	vmul.f32 $4.096000000e+03, v20  }
0x65: {  	v7 =	vld.idx.msk [tilespmem:v7+s4+$0x0], $0xffff;
	v10 =	vcvt.f32.s32 v2;
	v12 =	vmul.f32 $4.096000000e+03, v12;
	v8 =	vadd.s32 $0x8000, v8  }
0x66: {  	v20 =	vld [tilespmem:s7+$0x10430];
	v2 =	vcvt.f32.s32 v11;
	[tilespmem:s7+$0x180A0] =	vst v14;
	v11 =	vmax.f32 v15, $-3.276800000e+04;
	v14 =	vmul.f32 $4.096000000e+03, v16  }
0x67: {  	v15 =	vmax.f32 v19, $-3.276800000e+04;
	v16 =	vmul.f32 $4.096000000e+03, v21;
	v19 =	vmul.f32 $4.096000000e+03, v24;
	v13 =	vld.idx.msk [tilespmem:v13+s4+$0x0], $0xffff  }
0x68: {  	v12 =	vmax.f32 v12, $-3.276800000e+04;
	v11 =	vmin.f32 v11, $3.276700000e+04;
	v15 =	vmin.f32 v15, $3.276700000e+04  }
0x69: {  	v21 =	vld [tilespmem:s16+$0x10020];
	v12 =	vmin.f32 v12, $3.276700000e+04;
	v11 =	vtrunc.f32 v11;
	v15 =	vtrunc.f32 v15  }
0x6a: {  	v24 =	vld [tilespmem:s16+$0x100C0];
	v14 =	vmax.f32 v14, $-3.276800000e+04;
	v12 =	vtrunc.f32 v12;
	v11 =	vcvt.f32.s32 v11  }
0x6b: {  	[tilespmem:s7+$0x18020] =	vst v7;
	v14 =	vmin.f32 v14, $3.276700000e+04;
	v20 =	vmul.f32 $4.096000000e+03, v20;
	v35 =	vcvt.f32.s32 v12;
	v12 =	vld [tilespmem:s16+$0x10040]  }
0x6c: {  	v19 =	vmax.f32 v19, $-3.276800000e+04;
	v15 =	vcvt.f32.s32 v15;
	v6 =	vld.idx.msk [tilespmem:v6+s4+$0x0], $0xffff;
	v14 =	vtrunc.f32 v14;
	[tilespmem:s7+$0x180B0] =	vst v13  }
0x6d: {  	v13 =	vcvt.f32.s32 v14;
	v14 =	vmin.f32 v19, $3.276700000e+04;
	v19 =	vld.idx.msk [tilespmem:v8+s4+$0x0], $0xffff;
	v8 =	vmax.f32 v20, $-3.276800000e+04  }
0x6e: {  	v21 =	vmul.f32 $4.096000000e+03, v21;
	v14 =	vtrunc.f32 v14;
	v20 =	vld [tilespmem:s16+$0x10000];
	v26 =	vmin.f32 v8, $3.276700000e+04  }
0x6f: {  	v8 =	vcvt.f32.s32 v14;
	v14 =	vmax.f32 v16, $-3.276800000e+04;
	v16 =	vtrunc.f32 v26;
	v26 =	vld [tilespmem:s16+$0x10010]  }
0x70: {  	v4 =	vadd.s32 $0x8000, v4;
	v45 =	vadd.s32 $0x8000, v2;
	v24 =	vmul.f32 $4.096000000e+03, v24  }
0x71: {  	v15 =	vadd.s32 $0x8000, v15;
	v11 =	vadd.s32 $0x8000, v11;
	v21 =	vmax.f32 v21, $-3.276800000e+04  }
0x72: {  	v32 =	vmin.f32 v21, $3.276700000e+04;
	v12 =	vmul.f32 $4.096000000e+03, v12;
	[tilespmem:s7+$0x18030] =	vst v6;
	v6 =	vmax.f32 v59, $-3.276800000e+04  }
0x73: {  	v6 =	vmin.f32 v6, $3.276700000e+04;
	v20 =	vmul.f32 $4.096000000e+03, v20;
	[tilespmem:s7+$0x180C0] =	vst v19;
	v19 =	vmax.f32 v24, $-3.276800000e+04;
	v24 =	vld [tilespmem:s16+$0x10080]  }
0x74: {  	v14 =	vmin.f32 v14, $3.276700000e+04;
	v16 =	vcvt.f32.s32 v16;
	v17 =	vld.idx.msk [tilespmem:v17+s4+$0x0], $0xffff;
	v26 =	vmul.f32 $4.096000000e+03, v26  }
0x75: {  	v6 =	vtrunc.f32 v6;
	v14 =	vtrunc.f32 v14;
	v30 =	vmax.f32 v20, $-3.276800000e+04  }
0x76: {  	v14 =	vcvt.f32.s32 v14;
	v20 =	vld [tilespmem:s7+$0x10450];
	v30 =	vmin.f32 v30, $3.276700000e+04;
	v26 =	vmax.f32 v26, $-3.276800000e+04  }
0x77: {  	v19 =	vmin.f32 v19, $3.276700000e+04;
	v21 =	vmin.f32 v26, $3.276700000e+04;
	v26 =	vtrunc.f32 v30  }
0x78: {  	v40 =	vadd.s32 $0x8000, v13;
	v30 =	vtrunc.f32 v19;
	v19 =	vmul.f32 $4.096000000e+03, v24;
	v24 =	vld [tilespmem:s16+$0x100E0]  }
0x79: {  	v12 =	vmax.f32 v12, $-3.276800000e+04;
	[tilespmem:s7+$0x180D0] =	vst v17;
	v17 =	vtrunc.f32 v23;
	v53 =	vcvt.f32.s32 v26;
	v26 =	vld [tilespmem:s16+$0x100F0]  }
0x7a: {  	v23 =	vtrunc.f32 v32;
	v49 =	vtrunc.f32 v21;
	v21 =	vadd.s32 $0x8000, v8;
	v18 =	vld.idx.msk [tilespmem:v18+s4+$0x0], $0xffff  }
0x7b: {  	v54 =	vld [tilespmem:s16+$0x10050];
	v19 =	vmax.f32 v19, $-3.276800000e+04;
	v17 =	vcvt.f32.s32 v17;
	v20 =	vmul.f32 $4.096000000e+03, v20  }
0x7c: {  	v23 =	vcvt.f32.s32 v23;
	v19 =	vmin.f32 v19, $3.276700000e+04;
	v32 =	vadd.s32 $0x8000, v53  }
0x7d: {  	v31 =	vld [tilespmem:s16+$0x10480];
	v19 =	vtrunc.f32 v19;
	v38 =	vadd.s32 $0x8000, v17;
	v20 =	vmax.f32 v20, $-3.276800000e+04  }
0x7e: {  	v34 =	vld [tilespmem:s16+$0x10490];
	v19 =	vcvt.f32.s32 v19;
	v24 =	vmul.f32 $4.096000000e+03, v24;
	v20 =	vmin.f32 v20, $3.276700000e+04  }
0x7f: {  	v17 =	vld [tilespmem:s16+$0x104A0];
	v27 =	vmul.f32 $4.096000000e+03, v26;
	v20 =	vtrunc.f32 v20;
	[tilespmem:s7+$0x180E0] =	vst v18;
	v18 =	vmin.f32 v33, $3.276700000e+04  }
0x80: {  	v55 =	vld [tilespmem:s16+$0x10060];
	v19 =	vadd.s32 $0x8000, v19;
	v24 =	vmax.f32 v24, $-3.276800000e+04;
	v33 =	vmul.f32 $4.096000000e+03, v54  }
0x81: {  	v44 =	vld [tilespmem:s16+$0x10420];
	v54 =	vadd.s32 $0x8000, v10;
	v18 =	vtrunc.f32 v18;
	v27 =	vmax.f32 v27, $-3.276800000e+04  }
0x82: {  	v9 =	vld.idx.msk [tilespmem:v9+s4+$0x0], $0xffff;
	v26 =	vcvt.f32.s32 v18;
	v18 =	vmin.f32 v24, $3.276700000e+04;
	v24 =	vmul.f32 $4.096000000e+03, v31  }
0x83: {  	v37 =	vld [tilespmem:s16+$0x10070];
	v10 =	vadd.s32 $0x8000, v16;
	v31 =	vmul.f32 $4.096000000e+03, v34;
	v36 =	vmin.f32 v27, $3.276700000e+04  }
0x84: {  	v16 =	vld [tilespmem:s0+$0x100A0];
	v7 =	vmul.f32 $4.096000000e+03, v17;
	v18 =	vtrunc.f32 v18;
	v24 =	vmax.f32 v24, $-3.276800000e+04  }
0x85: {  	v50 =	vld [tilespmem:s0+$0x10020];
	v27 =	vcvt.f32.s32 v18;
	v18 =	vtrunc.f32 v36;
	v31 =	vmax.f32 v31, $-3.276800000e+04  }
0x86: {  	v7 =	vmax.f32 v7, $-3.276800000e+04;
	v36 =	vmul.f32 $4.096000000e+03, v44;
	v24 =	vmin.f32 v24, $3.276700000e+04;
	v56 =	vld.idx.msk [tilespmem:v19+s4+$0x0], $0xffff  }
0x87: {  	v57 =	vld [tilespmem:s16+$0x104C0];
	v26 =	vadd.s32 $0x8000, v26;
	[tilespmem:s7+$0x180F0] =	vst v9;
	v9 =	vtrunc.f32 v24;
	v24 =	vadd.s32 $0x8000, v28  }
0x88: {  	v61 =	vld [tilespmem:s16+$0x104D0];
	v19 =	vcvt.f32.s32 v18;
	v18 =	vadd.s32 $0x8000, v23;
	v23 =	vmin.f32 v31, $3.276700000e+04  }
0x89: {  	v7 =	vmin.f32 v7, $3.276700000e+04;
	v16 =	vmul.f32 $4.096000000e+03, v16;
	v31 =	vtrunc.f32 v23;
	v22 =	vld.idx.msk [tilespmem:v22+s4+$0x0], $0xffff  }
0x8a: {  	v46 =	vld [tilespmem:s16+$0x10430];
	v23 =	vmul.f32 $4.096000000e+03, v55;
	v7 =	vtrunc.f32 v7;
	v8 =	vmax.f32 v36, $-3.276800000e+04  }
0x8b: {  	v52 =	vld [tilespmem:s0+$0x100C0];
	v27 =	vadd.s32 $0x8000, v27;
	v55 =	vmul.f32 $4.096000000e+03, v50;
	v28 =	vcvt.f32.s32 v9;
	[tilespmem:s16+$0x18080] =	vst v56  }
0x8c: {  	v9 =	vmin.f32 v12, $3.276700000e+04;
	v17 =	vmax.f32 v23, $-3.276800000e+04;
	v23 =	vmul.f32 $4.096000000e+03, v37;
	v58 =	vld.idx.msk [tilespmem:v24+s4+$0x0], $0xffff  }
0x8d: {  	v41 =	vld [tilespmem:s0+$0x10010];
	v8 =	vmin.f32 v8, $3.276700000e+04;
	v31 =	vcvt.f32.s32 v31;
	v17 =	vmin.f32 v17, $3.276700000e+04  }
0x8e: {  	v60 =	vld [tilespmem:s0+$0x104A0];
	v9 =	vtrunc.f32 v9;
	v17 =	vtrunc.f32 v17;
	v23 =	vmax.f32 v23, $-3.276800000e+04;
	[tilespmem:s7+$0x18480] =	vst v22  }
0x8f: {  	v37 =	vmul.f32 $4.096000000e+03, v46;
	v22 =	vcvt.f32.s32 v17;
	v17 =	vmin.f32 v23, $3.276700000e+04;
	v29 =	vld.idx.msk [tilespmem:v29+s4+$0x0], $0xffff  }
0x90: {  	v16 =	vmax.f32 v16, $-3.276800000e+04;
	v23 =	vtrunc.f32 v17;
	v17 =	vcvt.f32.s32 v7;
	v7 =	vld.idx.msk [tilespmem:v3+s4+$0x0], $0xffff  }
0x91: {  	v2 =	vld [tilespmem:s16+$0x10440];
	v19 =	vadd.s32 $0x8000, v19;
	v5 =	vtrunc.f32 v8;
	v12 =	vcvt.f32.s32 v9;
	[tilespmem:s16+$0x18090] =	vst v58  }
0x92: {  	v16 =	vmin.f32 v16, $3.276700000e+04;
	v3 =	vcvt.f32.s32 v23;
	v23 =	vcvt.f32.s32 v30;
	v30 =	vld.idx.msk [tilespmem:v38+s4+$0x0], $0xffff  }
0x93: {  	v59 =	vld [tilespmem:s0+$0x10090];
	v9 =	vmax.f32 v33, $-3.276800000e+04;
	v33 =	vmax.f32 v42, $-3.276800000e+04;
	v8 =	vcvt.f32.s32 v5  }
0x94: {  	v53 =	vld [tilespmem:s0+$0x100B0];
	v13 =	vadd.s32 $0x8000, v31;
	v16 =	vtrunc.f32 v16;
	v9 =	vmin.f32 v9, $3.276700000e+04;
	[tilespmem:s7+$0x18490] =	vst v29  }
0x95: {  	v32 =	vld.idx.msk [tilespmem:v32+s4+$0x0], $0xffff;
	v37 =	vmax.f32 v37, $-3.276800000e+04;
	v9 =	vtrunc.f32 v9;
	v29 =	vmul.f32 $4.096000000e+03, v57;
	[tilespmem:s7+$0x18040] =	vst v7  }
0x96: {  	v24 =	vadd.s32 $0x8000, v35;
	v43 =	vadd.s32 $0x8000, v23;
	v23 =	vcvt.f32.s32 v6;
	v48 =	vld.idx.msk [tilespmem:v1+s4+$0x0], $0xffff  }
0x97: {  	v42 =	vld [tilespmem:s0+$0x10030];
	v6 =	vmax.f32 v29, $-3.276800000e+04;
	v29 =	vmul.f32 $4.096000000e+03, v61;
	[tilespmem:s16+$0x180A0] =	vst v30;
	v30 =	vadd.s32 $0x8000, v0  }
0x98: {  	v35 =	vcvt.f32.s32 v49;
	v37 =	vmin.f32 v37, $3.276700000e+04;
	v6 =	vmin.f32 v6, $3.276700000e+04;
	v25 =	vld.idx.msk [tilespmem:v25+s4+$0x0], $0xffff  }
0x99: {  	v5 =	vtrunc.f32 v37;
	v4 =	vld.idx.msk [tilespmem:v4+s4+$0x0], $0xffff;
	v6 =	vtrunc.f32 v6;
	v29 =	vmax.f32 v29, $-3.276800000e+04  }
0x9a: {  	v37 =	vmul.f32 $4.096000000e+03, v53;
	v57 =	vld [tilespmem:s0+$0x10080];
	v1 =	vcvt.f32.s32 v6;
	v6 =	vmin.f32 v29, $3.276700000e+04  }
0x9b: {  	v35 =	vadd.s32 $0x8000, v35;
	v29 =	vtrunc.f32 v6;
	v6 =	vmax.f32 v47, $-3.276800000e+04;
	[tilespmem:s7+$0x18050] =	vst v48;
	v47 =	vld [tilespmem:s0+$0x10480]  }
0x9c: {  	v28 =	vadd.s32 $0x8000, v28;
	v16 =	vcvt.f32.s32 v16;
	v9 =	vcvt.f32.s32 v9;
	v30 =	vld.idx.msk [tilespmem:v30+s4+$0x0], $0xffff  }
0x9d: {  	v5 =	vcvt.f32.s32 v5;
	v56 =	vmax.f32 v37, $-3.276800000e+04;
	[tilespmem:s16+$0x180B0] =	vst v25;
	v25 =	vcvt.f32.s32 v20;
	v20 =	vld [tilespmem:s0+$0x10000]  }
0x9e: {  	v62 =	vmul.f32 $4.096000000e+03, v42;
	v36 =	vmin.f32 v56, $3.276700000e+04;
	v58 =	vmul.f32 $4.096000000e+03, v41;
	[tilespmem:s7+$0x184A0] =	vst v4;
	v34 =	vld.idx.msk [tilespmem:v43+s4+$0x0], $0xffff  }
0x9f: {  	[tilespmem:s16+$0x18000] =	vst v32;
	v49 =	vmax.f32 v39, $-3.276800000e+04;
	v36 =	vtrunc.f32 v36;
	v0 =	vcvt.f32.s32 v29;
	v29 =	vld.idx.msk [tilespmem:v45+s4+$0x0], $0xffff  }
0xa0: {  	v38 =	vmax.f32 v51, $-3.276800000e+04;
	v36 =	vcvt.f32.s32 v36;
	v7 =	vmin.f32 v33, $3.276700000e+04;
	v35 =	vld.idx.msk [tilespmem:v35+s4+$0x0], $0xffff  }
0xa1: {  	v38 =	vmin.f32 v38, $3.276700000e+04;
	v33 =	vmax.f32 v55, $-3.276800000e+04;
	v7 =	vtrunc.f32 v7;
	v48 =	vld [tilespmem:s0+$0x10490];
	[tilespmem:s7+$0x18060] =	vst v30  }
0xa2: {  	v33 =	vmin.f32 v33, $3.276700000e+04;
	v36 =	vadd.s32 $0x8000, v36;
	v7 =	vcvt.f32.s32 v7;
	v31 =	vld.idx.msk [tilespmem:v54+s4+$0x0], $0xffff  }
0xa3: {  	v55 =	vld [tilespmem:s0+$0x10050];
	v61 =	vadd.s32 $0x8000, v14;
	v14 =	vmax.f32 v58, $-3.276800000e+04;
	v20 =	vmul.f32 $4.096000000e+03, v20;
	[tilespmem:s16+$0x180C0] =	vst v34  }
0xa4: {  	v14 =	vmin.f32 v14, $3.276700000e+04;
	v53 =	vmul.f32 $4.096000000e+03, v47;
	v47 =	vmul.f32 $4.096000000e+03, v60;
	[tilespmem:s7+$0x184B0] =	vst v29;
	v26 =	vld.idx.msk [tilespmem:v26+s4+$0x0], $0xffff  }
0xa5: {  	v29 =	vmul.f32 $4.096000000e+03, v52;
	v11 =	vld.idx.msk [tilespmem:v11+s4+$0x0], $0xffff;
	v30 =	vtrunc.f32 v38;
	v20 =	vmax.f32 v20, $-3.276800000e+04  }
0xa6: {  	v4 =	vld [tilespmem:s16+$0x10450];
	v25 =	vadd.s32 $0x8000, v25;
	v30 =	vcvt.f32.s32 v30;
	v20 =	vmin.f32 v20, $3.276700000e+04  }
0xa7: {  	v45 =	vld [tilespmem:s0+$0x100F0];
	v29 =	vmax.f32 v29, $-3.276800000e+04;
	v54 =	vmul.f32 $4.096000000e+03, v48;
	v20 =	vtrunc.f32 v20;
	[tilespmem:s7+$0x18070] =	vst v31  }
0xa8: {  	v29 =	vmin.f32 v29, $3.276700000e+04;
	v34 =	vcvt.f32.s32 v20;
	v20 =	vtrunc.f32 v33;
	v15 =	vld.idx.msk [tilespmem:v15+s4+$0x0], $0xffff  }
0xa9: {  	v31 =	vld [tilespmem:s0+$0x100E0];
	v46 =	vcvt.f32.s32 v20;
	v20 =	vmax.f32 v62, $-3.276800000e+04;
	[tilespmem:s16+$0x180D0] =	vst v26;
	v26 =	vmul.f32 $4.096000000e+03, v57  }
0xaa: {  	v29 =	vtrunc.f32 v29;
	v41 =	vadd.s32 $0x8000, v30;
	[tilespmem:s7+$0x184C0] =	vst v11;
	v11 =	vmin.f32 v20, $3.276700000e+04;
	v27 =	vld.idx.msk [tilespmem:v27+s4+$0x0], $0xffff  }
0xab: {  	v52 =	vld [tilespmem:s0+$0x10060];
	v11 =	vtrunc.f32 v11;
	v20 =	vmax.f32 v26, $-3.276800000e+04;
	v26 =	vmul.f32 $4.096000000e+03, v59  }
0xac: {  	v30 =	vld.idx.msk [tilespmem:v40+s4+$0x0], $0xffff;
	v40 =	vcvt.f32.s32 v11;
	v59 =	vadd.s32 $0x8000, v16;
	v20 =	vmin.f32 v20, $3.276700000e+04  }
0xad: {  	v16 =	vadd.s32 $0x8000, v46;
	[tilespmem:s7+$0x18400] =	vst v15;
	v11 =	vtrunc.f32 v20;
	v15 =	vmax.f32 v26, $-3.276800000e+04;
	v26 =	vld [tilespmem:s0+$0x10040]  }
0xae: {  	v46 =	vadd.s32 $0x8000, v12;
	v20 =	vld.idx.msk [tilespmem:v61+s4+$0x0], $0xffff;
	v11 =	vcvt.f32.s32 v11;
	v15 =	vmin.f32 v15, $3.276700000e+04  }
0xaf: {  	v31 =	vmul.f32 $4.096000000e+03, v31;
	v61 =	vld [tilespmem:s0+$0x104B0];
	[tilespmem:s16+$0x180E0] =	vst v27;
	v15 =	vtrunc.f32 v15;
	v27 =	vmin.f32 v49, $3.276700000e+04  }
0xb0: {  	[tilespmem:s16+$0x18010] =	vst v35;
	v50 =	vld.idx.msk [tilespmem:v19+s4+$0x0], $0xffff;
	v11 =	vadd.s32 $0x8000, v11;
	v51 =	vcvt.f32.s32 v15;
	v15 =	vtrunc.f32 v27  }
0xb1: {  	v27 =	vld.idx.msk [tilespmem:v18+s4+$0x0], $0xffff;
	v19 =	vmul.f32 $4.096000000e+03, v45;
	v18 =	vcvt.f32.s32 v15;
	v15 =	vmax.f32 v31, $-3.276800000e+04  }
0xb2: {  	v45 =	vmul.f32 $4.096000000e+03, v52;
	v52 =	vld [tilespmem:s0+$0x104D0];
	v15 =	vmin.f32 v15, $3.276700000e+04;
	v26 =	vmul.f32 $4.096000000e+03, v26  }
0xb3: {  	v31 =	vld [tilespmem:s0+$0x10070];
	v43 =	vmax.f32 v19, $-3.276800000e+04;
	v58 =	vadd.s32 $0x8000, v51;
	v15 =	vtrunc.f32 v15;
	[tilespmem:s7+$0x18410] =	vst v20  }
0xb4: {  	v20 =	vmax.f32 v53, $-3.276800000e+04;
	v19 =	vcvt.f32.s32 v15;
	v15 =	vmin.f32 v43, $3.276700000e+04;
	v56 =	vld.idx.msk [tilespmem:v21+s4+$0x0], $0xffff  }
0xb5: {  	v51 =	vadd.s32 $0x8000, v17;
	v20 =	vmin.f32 v20, $3.276700000e+04;
	v57 =	vld.idx.msk [tilespmem:v11+s4+$0x0], $0xffff;
	v11 =	vtrunc.f32 v15;
	[tilespmem:s16+$0x180F0] =	vst v50  }
0xb6: {  	v26 =	vmax.f32 v26, $-3.276800000e+04;
	v15 =	vcvt.f32.s32 v11;
	v11 =	vtrunc.f32 v20;
	v28 =	vld.idx.msk [tilespmem:v28+s4+$0x0], $0xffff  }
0xb7: {  	v62 =	vld [tilespmem:s0+$0x104C0];
	v20 =	vcvt.f32.s32 v11;
	v11 =	vmin.f32 v26, $3.276700000e+04;
	v26 =	vmul.f32 $4.096000000e+03, v55  }
0xb8: {  	v17 =	vadd.s32 $0x8000, v40;
	v48 =	vmul.f32 $4.096000000e+03, v61;
	v53 =	vld [tilespmem:s0+$0x10410];
	v21 =	vmax.f32 v54, $-3.276800000e+04;
	[tilespmem:s16+$0x18020] =	vst v27  }
0xb9: {  	v21 =	vmin.f32 v21, $3.276700000e+04;
	v27 =	vadd.s32 $0x8000, v34;
	v24 =	vld.idx.msk [tilespmem:v24+s4+$0x0], $0xffff;
	v26 =	vmax.f32 v26, $-3.276800000e+04;
	[tilespmem:s7+$0x18420] =	vst v56  }
0xba: {  	v38 =	vmul.f32 $4.096000000e+03, v52;
	v21 =	vtrunc.f32 v21;
	v26 =	vmin.f32 v26, $3.276700000e+04;
	[tilespmem:s0+$0x18080] =	vst v57;
	v10 =	vld.idx.msk [tilespmem:v10+s4+$0x0], $0xffff  }
0xbb: {  	v31 =	vmul.f32 $4.096000000e+03, v31;
	v55 =	vadd.s32 $0x8000, v9;
	v12 =	vtrunc.f32 v26;
	v26 =	vld.idx.msk [tilespmem:v58+s4+$0x0], $0xffff;
	[tilespmem:s16+$0x18480] =	vst v28  }
0xbc: {  	v9 =	vcvt.f32.s32 v29;
	v29 =	vmul.f32 $4.096000000e+03, v62;
	v61 =	vmax.f32 v38, $-3.276800000e+04;
	v49 =	vld.idx.msk [tilespmem:v13+s4+$0x0], $0xffff  }
0xbd: {  	v50 =	vld [tilespmem:s0+$0x10400];
	v11 =	vtrunc.f32 v11;
	v31 =	vmax.f32 v31, $-3.276800000e+04;
	v28 =	vmax.f32 v45, $-3.276800000e+04  }
0xbe: {  	v40 =	vmul.f32 $4.096000000e+03, v53;
	v57 =	vld [tilespmem:s0+$0x10420];
	[tilespmem:s16+$0x18030] =	vst v24;
	v13 =	vmin.f32 v28, $3.276700000e+04;
	v28 =	vmax.f32 v47, $-3.276800000e+04  }
0xbf: {  	v11 =	vcvt.f32.s32 v11;
	v24 =	vmin.f32 v31, $3.276700000e+04;
	v54 =	vld.idx.msk [tilespmem:v46+s4+$0x0], $0xffff;
	v28 =	vmin.f32 v28, $3.276700000e+04;
	[tilespmem:s7+$0x18430] =	vst v10  }
0xc0: {  	v31 =	vmax.f32 v48, $-3.276800000e+04;
	v24 =	vtrunc.f32 v24;
	v28 =	vtrunc.f32 v28;
	[tilespmem:s0+$0x18090] =	vst v26;
	v41 =	vld.idx.msk [tilespmem:v41+s4+$0x0], $0xffff  }
0xc1: {  	v58 =	vmax.f32 v29, $-3.276800000e+04;
	v10 =	vcvt.f32.s32 v28;
	v28 =	vcvt.f32.s32 v24;
	v24 =	vld.idx.msk [tilespmem:v59+s4+$0x0], $0xffff;
	[tilespmem:s16+$0x18490] =	vst v49  }
0xc2: {  	v56 =	vmul.f32 $4.096000000e+03, v50;
	v60 =	vmin.f32 v58, $3.276700000e+04;
	v26 =	vmin.f32 v31, $3.276700000e+04;
	v34 =	vld.idx.msk [tilespmem:v51+s4+$0x0], $0xffff  }
0xc3: {  	v29 =	vld [tilespmem:s0+$0x10440];
	v13 =	vtrunc.f32 v13;
	v26 =	vtrunc.f32 v26;
	v59 =	vadd.s32 $0x8000, v23  }
0xc4: {  	v31 =	vadd.s32 $0x8000, v9;
	v23 =	vmax.f32 v56, $-3.276800000e+04;
	[tilespmem:s16+$0x18040] =	vst v54;
	v9 =	vcvt.f32.s32 v26;
	v26 =	vld [tilespmem:s0+$0x10430]  }
0xc5: {  	v32 =	vtrunc.f32 v60;
	v13 =	vcvt.f32.s32 v13;
	v23 =	vmin.f32 v23, $3.276700000e+04;
	v33 =	vld.idx.msk [tilespmem:v55+s4+$0x0], $0xffff;
	[tilespmem:s7+$0x18440] =	vst v41  }
0xc6: {  	v62 =	vtrunc.f32 v23;
	v23 =	vcvt.f32.s32 v32;
	[tilespmem:s0+$0x180A0] =	vst v24;
	v24 =	vmin.f32 v61, $3.276700000e+04;
	v25 =	vld.idx.msk [tilespmem:v25+s4+$0x0], $0xffff  }
0xc7: {  	v35 =	vadd.s32 $0x8000, v22;
	v32 =	vcvt.f32.s32 v62;
	v36 =	vld.idx.msk [tilespmem:v36+s4+$0x0], $0xffff;
	v24 =	vtrunc.f32 v24;
	[tilespmem:s16+$0x184A0] =	vst v34  }
0xc8: {  	s17 =	simm.s32 $0x300;
	s18 =	simm.s32 $0x600;
	s2 =	simm.s32 $0x4;
	[tilespmem:s7+$0x184D0] =	vst v30;
	v30 =	vmax.f32 v40, $-3.276800000e+04;
	v34 =	vmul.f32 $4.096000000e+03, v57;
	v24 =	vcvt.f32.s32 v24;
	v22 =	vld.idx.msk [tilespmem:v59+s4+$0x0], $0xffff  }
.LBB2_3:
0xc9: {  	v14 =	vtrunc.f32 v14;
	v37 =	vmul.f32 $4.096000000e+03, v26  }
0xca: {  	s19 =	sand.u32 $0x1800, s18;
	s20 =	sand.u32 $0x300, s17;
	s2 =	sadd.s32 $0x2, s2;
	v38 =	vld [tilespmem:s0+$0x10450];
	v26 =	vadd.s32 $0x8000, v8;
	v4 =	vmul.f32 $4.096000000e+03, v4;
	v39 =	vadd.s32 $0x8000, v7  }
0xcb: {  	v7 =	vmovc v32;
	v32 =	vadd.s32 $0x8000, v3;
	s19 =	sor.u32 s20, s19;
	p1 =	slt.u32 s2, $0x1E;
	v27 =	vld.idx.msk [tilespmem:v27+s4+$0x0], $0xffff;
	v14 =	vcvt.f32.s32 v14;
	v8 =	vmax.f32 v34, $-3.276800000e+04  }
0xcc: {  	v34 =	vld [tilespmem:s19+$0x10020];
	v8 =	vmin.f32 v8, $3.276700000e+04;
	v37 =	vmax.f32 v37, $-3.276800000e+04;
	[tilespmem:s16+$0x18050] =	vst v33;
	v33 =	vmul.f32 $4.096000000e+03, v2;
	v2 =	vmovc v29  }
0xcd: {  	v41 =	vmax.f32 v4, $-3.276800000e+04;
	v29 =	vld [tilespmem:s19+$0x100C0];
	v8 =	vtrunc.f32 v8;
	v37 =	vmin.f32 v37, $3.276700000e+04;
	[tilespmem:s7+$0x18450] =	vst v25;
	s7 =	smov.u32 s16;
	s16 =	smov.u32 s0;
	s0 =	smov.u32 s19  }
0xce: {  	v40 =	vmin.f32 v41, $3.276700000e+04;
	v8 =	vcvt.f32.s32 v8;
	v25 =	vtrunc.f32 v37;
	[tilespmem:s16+$0x180B0] =	vst v36;
	v35 =	vld.idx.msk [tilespmem:v35+s4+$0x0], $0xffff  }
0xcf: {  	v18 =	vadd.s32 $0x8000, v18;
	v36 =	vld [tilespmem:s0+$0x100B0];
	v37 =	vcvt.f32.s32 v25;
	v25 =	vtrunc.f32 v40;
	[tilespmem:s7+$0x184B0] =	vst v22;
	v4 =	vmovc v38  }
0xd0: {  	v3 =	vmovc v28;
	v21 =	vcvt.f32.s32 v21;
	v14 =	vadd.s32 $0x8000, v14;
	v31 =	vld.idx.msk [tilespmem:v31+s4+$0x0], $0xffff;
	v22 =	vcvt.f32.s32 v25  }
0xd1: {  	v38 =	vadd.s32 $0x8000, v1;
	v1 =	vmovc v23;
	v23 =	vmax.f32 v33, $-3.276800000e+04;
	v25 =	vadd.s32 $0x8000, v5;
	v28 =	vld [tilespmem:s0+$0x10000];
	v5 =	vmovc v37  }
0xd2: {  	v19 =	vadd.s32 $0x8000, v19;
	v33 =	vadd.s32 $0x8000, v0;
	v0 =	vmovc v24;
	v41 =	vmin.f32 v23, $3.276700000e+04;
	v37 =	vld [tilespmem:s0+$0x100A0]  }
0xd3: {  	v40 =	vmin.f32 v6, $3.276700000e+04;
	v6 =	vmovc v30;
	v23 =	vadd.s32 $0x8000, v21;
	v21 =	vtrunc.f32 v41;
	v24 =	vld [tilespmem:s0+$0x10010]  }
0xd4: {  	v34 =	vmul.f32 $4.096000000e+03, v34;
	v30 =	vld [tilespmem:s0+$0x10030];
	v36 =	vmul.f32 $4.096000000e+03, v36;
	[tilespmem:s7+$0x18060] =	vst v35  }
0xd5: {  	v20 =	vadd.s32 $0x8000, v20;
	v29 =	vmul.f32 $4.096000000e+03, v29;
	v35 =	vtrunc.f32 v40;
	v32 =	vld.idx.msk [tilespmem:v32+s4+$0x0], $0xffff  }
0xd6: {  	v21 =	vcvt.f32.s32 v21;
	v28 =	vmul.f32 $4.096000000e+03, v28;
	v36 =	vmax.f32 v36, $-3.276800000e+04;
	[tilespmem:s16+$0x180C0] =	vst v31;
	v31 =	vld.idx.msk [tilespmem:v38+s4+$0x0], $0xffff  }
0xd7: {  	v29 =	vmax.f32 v29, $-3.276800000e+04;
	v35 =	vcvt.f32.s32 v35;
	v37 =	vmul.f32 $4.096000000e+03, v37;
	v18 =	vld.idx.msk [tilespmem:v18+s4+$0x0], $0xffff  }
0xd8: {  	v29 =	vmin.f32 v29, $3.276700000e+04;
	v36 =	vmin.f32 v36, $3.276700000e+04;
	v28 =	vmax.f32 v28, $-3.276800000e+04;
	v38 =	vld [tilespmem:s0+$0x10080]  }
0xd9: {  	v34 =	vmax.f32 v34, $-3.276800000e+04;
	v24 =	vmul.f32 $4.096000000e+03, v24;
	v36 =	vtrunc.f32 v36;
	v40 =	vld [tilespmem:s0+$0x10090]  }
0xda: {  	v34 =	vmin.f32 v34, $3.276700000e+04;
	v36 =	vcvt.f32.s32 v36;
	v41 =	vld [tilespmem:s0+$0x100D0];
	[tilespmem:s16+$0x18000] =	vst v27;
	v27 =	vadd.s32 $0x8000, v35  }
0xdb: {  	v34 =	vtrunc.f32 v34;
	v30 =	vmul.f32 $4.096000000e+03, v30;
	v24 =	vmax.f32 v24, $-3.276800000e+04;
	v35 =	vld.idx.msk [tilespmem:v14+s4+$0x0], $0xffff;
	[tilespmem:s7+$0x18070] =	vst v32  }
0xdc: {  	v28 =	vmin.f32 v28, $3.276700000e+04;
	v14 =	vmin.f32 v24, $3.276700000e+04;
	v24 =	vmax.f32 v37, $-3.276800000e+04;
	v32 =	vld.idx.msk [tilespmem:v39+s4+$0x0], $0xffff;
	[tilespmem:s7+$0x184C0] =	vst v31  }
0xdd: {  	v28 =	vtrunc.f32 v28;
	v31 =	vmin.f32 v24, $3.276700000e+04;
	v24 =	vtrunc.f32 v29;
	v29 =	vld [tilespmem:s0+$0x100E0];
	[tilespmem:s16+$0x180D0] =	vst v18  }
0xde: {  	v15 =	vadd.s32 $0x8000, v15;
	v18 =	vmul.f32 $4.096000000e+03, v38;
	v31 =	vtrunc.f32 v31;
	v19 =	vld.idx.msk [tilespmem:v19+s4+$0x0], $0xffff  }
0xdf: {  	v37 =	vcvt.f32.s32 v28;
	v28 =	vadd.s32 $0x8000, v21;
	v21 =	vcvt.f32.s32 v34;
	v38 =	vld [tilespmem:s0+$0x100F0]  }
0xe0: {  	v30 =	vmax.f32 v30, $-3.276800000e+04;
	v36 =	vadd.s32 $0x8000, v36;
	v31 =	vcvt.f32.s32 v31;
	v34 =	vld [tilespmem:s0+$0x10480]  }
0xe1: {  	v30 =	vmin.f32 v30, $3.276700000e+04;
	v39 =	vmul.f32 $4.096000000e+03, v40;
	v18 =	vmax.f32 v18, $-3.276800000e+04;
	v40 =	vld [tilespmem:s0+$0x10490]  }
0xe2: {  	v30 =	vtrunc.f32 v30;
	v41 =	vmul.f32 $4.096000000e+03, v41;
	v18 =	vmin.f32 v18, $3.276700000e+04;
	[tilespmem:s7+$0x18400] =	vst v32;
	v32 =	vld.idx.msk [tilespmem:v33+s4+$0x0], $0xffff  }
0xe3: {  	v30 =	vcvt.f32.s32 v30;
	v18 =	vtrunc.f32 v18;
	v33 =	vmax.f32 v39, $-3.276800000e+04;
	v27 =	vld.idx.msk [tilespmem:v27+s4+$0x0], $0xffff  }
0xe4: {  	v41 =	vmax.f32 v41, $-3.276800000e+04;
	v18 =	vcvt.f32.s32 v18;
	v33 =	vmin.f32 v33, $3.276700000e+04;
	v39 =	vld [tilespmem:s0+$0x10040];
	[tilespmem:s16+$0x180E0] =	vst v19  }
0xe5: {  	v29 =	vmul.f32 $4.096000000e+03, v29;
	v19 =	vtrunc.f32 v33;
	v33 =	vmin.f32 v41, $3.276700000e+04;
	[tilespmem:s16+$0x18010] =	vst v35;
	v15 =	vld.idx.msk [tilespmem:v15+s4+$0x0], $0xffff  }
0xe6: {  	v35 =	vadd.s32 $0x8000, v18;
	v41 =	vcvt.f32.s32 v19;
	v18 =	vtrunc.f32 v33;
	v33 =	vld.idx.msk [tilespmem:v16+s4+$0x0], $0xffff  }
0xe7: {  	v19 =	vmul.f32 $4.096000000e+03, v38;
	v18 =	vcvt.f32.s32 v18;
	v16 =	vmax.f32 v29, $-3.276800000e+04;
	v42 =	vld [tilespmem:s0+$0x10060]  }
0xe8: {  	v34 =	vmul.f32 $4.096000000e+03, v34;
	v38 =	vmul.f32 $4.096000000e+03, v40;
	v16 =	vmin.f32 v16, $3.276700000e+04;
	v29 =	vld [tilespmem:s0+$0x10070];
	[tilespmem:s7+$0x184D0] =	vst v32  }
0xe9: {  	v40 =	vmax.f32 v19, $-3.276800000e+04;
	v16 =	vtrunc.f32 v16;
	v32 =	vmul.f32 $4.096000000e+03, v39;
	v39 =	vld [tilespmem:s0+$0x10050];
	[tilespmem:s7+$0x18410] =	vst v27  }
0xea: {  	v19 =	vcvt.f32.s32 v16;
	v16 =	vmin.f32 v40, $3.276700000e+04;
	v27 =	vmax.f32 v34, $-3.276800000e+04;
	v26 =	vld.idx.msk [tilespmem:v26+s4+$0x0], $0xffff  }
0xeb: {  	v16 =	vtrunc.f32 v16;
	v27 =	vmin.f32 v27, $3.276700000e+04;
	v34 =	vld.idx.msk [tilespmem:v35+s4+$0x0], $0xffff;
	v35 =	vmax.f32 v38, $-3.276800000e+04;
	[tilespmem:s16+$0x180F0] =	vst v15  }
0xec: {  	v32 =	vmax.f32 v32, $-3.276800000e+04;
	v15 =	vcvt.f32.s32 v16;
	v16 =	vtrunc.f32 v27;
	v38 =	vld.idx.msk [tilespmem:v20+s4+$0x0], $0xffff  }
0xed: {  	v31 =	vadd.s32 $0x8000, v31;
	v40 =	vadd.s32 $0x8000, v41;
	v20 =	vcvt.f32.s32 v16;
	v41 =	vld [tilespmem:s0+$0x104A0]  }
0xee: {  	v24 =	vcvt.f32.s32 v24;
	v27 =	vmin.f32 v32, $3.276700000e+04;
	v32 =	vmul.f32 $4.096000000e+03, v39;
	v39 =	vld [tilespmem:s0+$0x104B0]  }
0xef: {  	v16 =	vadd.s32 $0x8000, v21;
	v21 =	vtrunc.f32 v27;
	v27 =	vmin.f32 v35, $3.276700000e+04;
	v35 =	vld [tilespmem:s0+$0x104C0];
	[tilespmem:s16+$0x18020] =	vst v33  }
0xf0: {  	v33 =	vcvt.f32.s32 v21;
	v21 =	vtrunc.f32 v27;
	v32 =	vmax.f32 v32, $-3.276800000e+04;
	v43 =	vld.idx.msk [tilespmem:v17+s4+$0x0], $0xffff;
	[tilespmem:s7+$0x18420] =	vst v26  }
0xf1: {  	v26 =	vmul.f32 $4.096000000e+03, v42;
	v17 =	vmin.f32 v32, $3.276700000e+04;
	[tilespmem:s0+$0x18080] =	vst v34;
	v32 =	vadd.s32 $0x8000, v11;
	v25 =	vld.idx.msk [tilespmem:v25+s4+$0x0], $0xffff  }
0xf2: {  	v27 =	vadd.s32 $0x8000, v37;
	v11 =	vmovc v33;
	v34 =	vtrunc.f32 v17;
	v37 =	vld.idx.msk [tilespmem:v40+s4+$0x0], $0xffff;
	v17 =	vmul.f32 $4.096000000e+03, v41;
	[tilespmem:s16+$0x18480] =	vst v38  }
0xf3: {  	v29 =	vmul.f32 $4.096000000e+03, v29;
	v26 =	vmax.f32 v26, $-3.276800000e+04;
	v33 =	vmul.f32 $4.096000000e+03, v39;
	v23 =	vld.idx.msk [tilespmem:v23+s4+$0x0], $0xffff  }
0xf4: {  	v26 =	vmin.f32 v26, $3.276700000e+04;
	v39 =	vadd.s32 $0x8000, v10;
	v38 =	vld [tilespmem:s0+$0x10400];
	v17 =	vmax.f32 v17, $-3.276800000e+04  }
0xf5: {  	v10 =	vtrunc.f32 v26;
	v26 =	vmax.f32 v29, $-3.276800000e+04;
	v29 =	vmin.f32 v17, $3.276700000e+04;
	v40 =	vld [tilespmem:s0+$0x104D0]  }
0xf6: {  	v42 =	vcvt.f32.s32 v12;
	v12 =	vmovc v34;
	v17 =	vadd.s32 $0x8000, v30;
	v30 =	vcvt.f32.s32 v10;
	v41 =	vld [tilespmem:s0+$0x10410];
	[tilespmem:s16+$0x18030] =	vst v43  }
0xf7: {  	v10 =	vmin.f32 v26, $3.276700000e+04;
	v26 =	vtrunc.f32 v29;
	v29 =	vmax.f32 v33, $-3.276800000e+04;
	v32 =	vld.idx.msk [tilespmem:v32+s4+$0x0], $0xffff;
	[tilespmem:s7+$0x18430] =	vst v25  }
0xf8: {  	v33 =	vadd.s32 $0x8000, v42;
	v25 =	vtrunc.f32 v10;
	v10 =	vcvt.f32.s32 v26;
	[tilespmem:s0+$0x18090] =	vst v37;
	v34 =	vld.idx.msk [tilespmem:v28+s4+$0x0], $0xffff  }
0xf9: {  	v26 =	vmin.f32 v29, $3.276700000e+04;
	v29 =	vmul.f32 $4.096000000e+03, v35;
	v28 =	vcvt.f32.s32 v25;
	v25 =	vld.idx.msk [tilespmem:v31+s4+$0x0], $0xffff;
	[tilespmem:s16+$0x18490] =	vst v23  }
0xfa: {  	v22 =	vadd.s32 $0x8000, v22;
	v23 =	vtrunc.f32 v26;
	v35 =	vmul.f32 $4.096000000e+03, v38;
	v37 =	vld.idx.msk [tilespmem:v39+s4+$0x0], $0xffff  }
0xfb: {  	v31 =	vadd.s32 $0x8000, v24;
	v24 =	vmax.f32 v29, $-3.276800000e+04;
	v23 =	vcvt.f32.s32 v23;
	v38 =	vld [tilespmem:s0+$0x10420]  }
0xfc: {  	v39 =	vmul.f32 $4.096000000e+03, v40;
	v40 =	vadd.s32 $0x8000, v9;
	v24 =	vmin.f32 v24, $3.276700000e+04;
	v26 =	vld [tilespmem:s0+$0x10430]  }
.Ltmp0:
0xfd: {  	v42 =	vmax.f32 v35, $-3.276800000e+04;
	v41 =	vmul.f32 $4.096000000e+03, v41;
	v29 =	vld [tilespmem:s0+$0x10440];
	[tilespmem:s16+$0x18040] =	vst v32;
	(pc) =	sbr.rel @p1 .LBB2_3-.Ltmp0, $4  }
0xfe: {  	v24 =	vtrunc.f32 v24;
	v35 =	vmax.f32 v39, $-3.276800000e+04;
	v9 =	vmovc v23;
	v32 =	vmin.f32 v42, $3.276700000e+04;
	v33 =	vld.idx.msk [tilespmem:v33+s4+$0x0], $0xffff;
	[tilespmem:s7+$0x18440] =	vst v34  }
0xff: {  	v23 =	vcvt.f32.s32 v24;
	v24 =	vmin.f32 v35, $3.276700000e+04;
	v32 =	vtrunc.f32 v32;
	[tilespmem:s0+$0x180A0] =	vst v25;
	v25 =	vld.idx.msk [tilespmem:v22+s4+$0x0], $0xffff  }
0x100: {  	v35 =	vadd.s32 $0x8000, v13;
	v13 =	vmovc v30;
	v32 =	vcvt.f32.s32 v32;
	v22 =	vtrunc.f32 v24;
	v36 =	vld.idx.msk [tilespmem:v36+s4+$0x0], $0xffff;
	[tilespmem:s16+$0x184A0] =	vst v37  }
0x101: {  	s17 =	sadd.s32 $0x100, s17;
	s18 =	sadd.s32 $0x200, s18;
	v30 =	vmax.f32 v41, $-3.276800000e+04;
	v34 =	vmul.f32 $4.096000000e+03, v38;
	v24 =	vcvt.f32.s32 v22;
	v22 =	vld.idx.msk [tilespmem:v40+s4+$0x0], $0xffff  }
0x102: {  	_ =	sdelay $0x1  }
0x103: {  	v14 =	vtrunc.f32 v14  }
0x104: {  	v14 =	vcvt.f32.s32 v14  }
0x105: {  	v27 =	vld.idx.msk [tilespmem:v27+s4+$0x0], $0xffff  }
0x106: {  	v14 =	vadd.s32 $0x8000, v14;
	_ =	sdelay $0x3  }
0x107: {  	[tilespmem:s0+$0x18000] =	vst v27  }
0x108: {  	v14 =	vld.idx.msk [tilespmem:v14+s4+$0x0], $0xffff;
	_ =	sdelay $0x4  }
0x109: {  	[tilespmem:s0+$0x18010] =	vst v14  }
0x10a: {  	v14 =	vld.idx.msk [tilespmem:v16+s4+$0x0], $0xffff;
	_ =	sdelay $0x4  }
0x10b: {  	[tilespmem:s0+$0x18020] =	vst v14  }
0x10c: {  	v14 =	vld.idx.msk [tilespmem:v17+s4+$0x0], $0xffff  }
0x10d: {  	v11 =	vadd.s32 $0x8000, v11;
	_ =	sdelay $0x2  }
0x10e: {  	[tilespmem:s0+$0x180B0] =	vst v36  }
0x10f: {  	v12 =	vcvt.f32.s32 v12;
	v16 =	vld.idx.msk [tilespmem:v31+s4+$0x0], $0xffff;
	[tilespmem:s0+$0x18030] =	vst v14  }
0x110: {  	v14 =	vadd.s32 $0x8000, v18;
	v11 =	vld.idx.msk [tilespmem:v11+s4+$0x0], $0xffff  }
0x111: {  	v12 =	vadd.s32 $0x8000, v12;
	_ =	sdelay $0x2  }
0x112: {  	[tilespmem:s0+$0x180C0] =	vst v16  }
0x113: {  	v14 =	vld.idx.msk [tilespmem:v14+s4+$0x0], $0xffff;
	[tilespmem:s0+$0x18040] =	vst v11  }
0x114: {  	v11 =	vadd.s32 $0x8000, v19;
	v12 =	vld.idx.msk [tilespmem:v12+s4+$0x0], $0xffff  }
0x115: {  	v13 =	vadd.s32 $0x8000, v13;
	_ =	sdelay $0x1  }
0x116: {  	[tilespmem:s16+$0x18050] =	vst v33  }
0x117: {  	v16 =	vld.idx.msk [tilespmem:v35+s4+$0x0], $0xffff;
	[tilespmem:s0+$0x180D0] =	vst v14  }
0x118: {  	v3 =	vadd.s32 $0x8000, v3;
	v11 =	vld.idx.msk [tilespmem:v11+s4+$0x0], $0xffff;
	[tilespmem:s0+$0x18050] =	vst v12  }
0x119: {  	v12 =	vadd.s32 $0x8000, v15;
	v13 =	vld.idx.msk [tilespmem:v13+s4+$0x0], $0xffff  }
0x11a: {  	v14 =	vadd.s32 $0x8000, v28;
	_ =	sdelay $0x1  }
0x11b: {  	[tilespmem:s16+$0x18060] =	vst v16  }
0x11c: {  	v3 =	vld.idx.msk [tilespmem:v3+s4+$0x0], $0xffff;
	[tilespmem:s0+$0x180E0] =	vst v11  }
0x11d: {  	v7 =	vadd.s32 $0x8000, v7;
	v11 =	vld.idx.msk [tilespmem:v12+s4+$0x0], $0xffff;
	[tilespmem:s0+$0x18060] =	vst v13  }
0x11e: {  	v12 =	vadd.s32 $0x8000, v20;
	v13 =	vld.idx.msk [tilespmem:v14+s4+$0x0], $0xffff  }
0x11f: {  	v6 =	vmin.f32 v6, $3.276700000e+04;
	v14 =	vadd.s32 $0x8000, v32  }
0x120: {  	v6 =	vtrunc.f32 v6  }
0x121: {  	v6 =	vcvt.f32.s32 v6;
	[tilespmem:s16+$0x18070] =	vst v3;
	v3 =	vmin.f32 v30, $3.276700000e+04  }
0x122: {  	v7 =	vld.idx.msk [tilespmem:v7+s4+$0x0], $0xffff;
	v3 =	vtrunc.f32 v3;
	v15 =	vcvt.f32.s32 v21;
	[tilespmem:s0+$0x180F0] =	vst v11  }
0x123: {  	v6 =	vadd.s32 $0x8000, v6;
	v3 =	vcvt.f32.s32 v3;
	v11 =	vld.idx.msk [tilespmem:v12+s4+$0x0], $0xffff;
	[tilespmem:s0+$0x18070] =	vst v13  }
0x124: {  	v12 =	vadd.s32 $0x8000, v15;
	v13 =	vld.idx.msk [tilespmem:v14+s4+$0x0], $0xffff  }
0x125: {  	v3 =	vadd.s32 $0x8000, v3  }
0x126: {  	v14 =	vmax.f32 v34, $-3.276800000e+04  }
0x127: {  	[tilespmem:s16+$0x18400] =	vst v7;
	v14 =	vmin.f32 v14, $3.276700000e+04  }
0x128: {  	v6 =	vld.idx.msk [tilespmem:v6+s4+$0x0], $0xffff;
	v7 =	vtrunc.f32 v14;
	[tilespmem:s0+$0x18480] =	vst v11  }
0x129: {  	v8 =	vadd.s32 $0x8000, v8;
	v7 =	vcvt.f32.s32 v7;
	v11 =	vld.idx.msk [tilespmem:v12+s4+$0x0], $0xffff;
	[tilespmem:s0+$0x18400] =	vst v13  }
0x12a: {  	v10 =	vadd.s32 $0x8000, v10;
	v12 =	vmul.f32 $4.096000000e+03, v26;
	v3 =	vld.idx.msk [tilespmem:v3+s4+$0x0], $0xffff  }
0x12b: {  	v7 =	vadd.s32 $0x8000, v7  }
0x12c: {  	v12 =	vmax.f32 v12, $-3.276800000e+04  }
0x12d: {  	[tilespmem:s16+$0x18410] =	vst v6;
	v12 =	vmin.f32 v12, $3.276700000e+04  }
0x12e: {  	v2 =	vmul.f32 $4.096000000e+03, v2;
	v8 =	vld.idx.msk [tilespmem:v8+s4+$0x0], $0xffff;
	v6 =	vtrunc.f32 v12;
	[tilespmem:s0+$0x18490] =	vst v11  }
0x12f: {  	v5 =	vadd.s32 $0x8000, v5;
	v6 =	vcvt.f32.s32 v6;
	v10 =	vld.idx.msk [tilespmem:v10+s4+$0x0], $0xffff;
	[tilespmem:s0+$0x18410] =	vst v3  }
0x130: {  	v2 =	vmax.f32 v2, $-3.276800000e+04;
	v3 =	vadd.s32 $0x8000, v9;
	v9 =	vmul.f32 $4.096000000e+03, v29;
	v7 =	vld.idx.msk [tilespmem:v7+s4+$0x0], $0xffff  }
0x131: {  	v37 =	vld [tilespmem:s0+$0x10450];
	v2 =	vmin.f32 v2, $3.276700000e+04;
	v6 =	vadd.s32 $0x8000, v6  }
0x132: {  	v2 =	vtrunc.f32 v2;
	v9 =	vmax.f32 v9, $-3.276800000e+04  }
0x133: {  	v2 =	vcvt.f32.s32 v2;
	[tilespmem:s16+$0x18420] =	vst v8;
	v8 =	vmin.f32 v9, $3.276700000e+04  }
0x134: {  	v4 =	vmul.f32 $4.096000000e+03, v4;
	v1 =	vadd.s32 $0x8000, v1;
	v5 =	vld.idx.msk [tilespmem:v5+s4+$0x0], $0xffff;
	[tilespmem:s0+$0x184A0] =	vst v10;
	v8 =	vtrunc.f32 v8  }
0x135: {  	v2 =	vadd.s32 $0x8000, v2;
	v3 =	vld.idx.msk [tilespmem:v3+s4+$0x0], $0xffff;
	v8 =	vcvt.f32.s32 v8;
	[tilespmem:s0+$0x18420] =	vst v7  }
0x136: {  	v4 =	vmax.f32 v4, $-3.276800000e+04;
	v9 =	vadd.s32 $0x8000, v23;
	v7 =	vmul.f32 $4.096000000e+03, v37;
	v6 =	vld.idx.msk [tilespmem:v6+s4+$0x0], $0xffff  }
0x137: {  	v4 =	vmin.f32 v4, $3.276700000e+04;
	v8 =	vadd.s32 $0x8000, v8  }
0x138: {  	v4 =	vtrunc.f32 v4;
	[tilespmem:s16+$0x184B0] =	vst v22;
	v7 =	vmax.f32 v7, $-3.276800000e+04  }
0x139: {  	v4 =	vcvt.f32.s32 v4;
	v1 =	vld.idx.msk [tilespmem:v1+s4+$0x0], $0xffff;
	[tilespmem:s16+$0x18430] =	vst v5;
	v5 =	vmin.f32 v7, $3.276700000e+04  }
0x13a: {  	v0 =	vadd.s32 $0x8000, v0;
	v2 =	vld.idx.msk [tilespmem:v2+s4+$0x0], $0xffff;
	v5 =	vtrunc.f32 v5;
	[tilespmem:s0+$0x184B0] =	vst v3  }
0x13b: {  	v3 =	vadd.s32 $0x8000, v4;
	v4 =	vcvt.f32.s32 v5;
	v5 =	vld.idx.msk [tilespmem:v9+s4+$0x0], $0xffff;
	[tilespmem:s0+$0x18430] =	vst v6  }
0x13c: {  	v6 =	vadd.s32 $0x8000, v24;
	v7 =	vld.idx.msk [tilespmem:v8+s4+$0x0], $0xffff  }
0x13d: {  	v4 =	vadd.s32 $0x8000, v4  }
0x13e: {  	[tilespmem:s16+$0x184C0] =	vst v1  }
0x13f: {  	v0 =	vld.idx.msk [tilespmem:v0+s4+$0x0], $0xffff;
	[tilespmem:s16+$0x18440] =	vst v2  }
0x140: {  	v1 =	vld.idx.msk [tilespmem:v3+s4+$0x0], $0xffff;
	[tilespmem:s0+$0x184C0] =	vst v5  }
0x141: {  	v2 =	vld.idx.msk [tilespmem:v6+s4+$0x0], $0xffff;
	[tilespmem:s0+$0x18440] =	vst v7  }
0x142: {  	v3 =	vld.idx.msk [tilespmem:v4+s4+$0x0], $0xffff  }
0x143: {  	[tilespmem:s7+$0x18450] =	vst v25  }
0x144: {  	[tilespmem:s16+$0x184D0] =	vst v0  }
0x145: {  	s2 =	sadd.s32 s6, s9;
	[tilespmem:s16+$0x18450] =	vst v1  }
0x146: {  	p1 =	seq.s32 s5, $0x29;
	s2 =	sshrl.u32 s2, $0x3;
	[tilespmem:s0+$0x184D0] =	vst v2  }
0x147: {  	s15 =	sadd.s32 s3, s2;
	[tilespmem:s0+$0x18450] =	vst v3;
	s0 =	sadd.s32 @!p1 s9, s11  }
0x148: {  	[hbm4b:s15+s4] =	stream.linear.scatter [tilespmem:s23], [sflag:$0x5], $0x2000, $0x38;
	v63 =	vld [tilespmem:$0x0]  }
0x149: {  	s0 =	sshrl.u32 @!p1 s0, $0x3  }
0x14a: {  	s2 =	simm.s32 @!p1 $0x0;
	s7 =	simm.s32 @!p1 $0x10000;
	s0 =	sadd.s32 @!p1 s1, s0  }
0x14b: {  	[tilespmem:s7], [sflag:$0x1] =	stream.linear.gather @!p1 [hbm4b:s0+s2], $0x2000, $0x38;
	v63 =	vld [tilespmem:$0x0]  }
0x14c: {  	_ =	swait.ge [sflag:s24], $0x2000  }
0x14d: {  	[sflag:s24] =	ssyncset.done $0x0  }
0x14e: {  	s0 =	simm.s32 @!p0 $0x6;
	[sflag:s24] =	ssyncadd.s32 $0xFFFFE000  }
0x14f: {  	s16 =	simm.s32 $0x0;
	_ =	swait.ge @!p0 [sflag:s0], $0x2000  }
0x150: {  	s17 =	sand.u32 $0x1800, s16;
	s2 =	sand.u32 $0x300, s16;
	[sflag:s0] =	ssyncset.done @!p0 $0x0  }
0x151: {  	s7 =	sor.u32 s2, s17;
	[sflag:s0] =	ssyncadd.s32 @!p0 $0xFFFFE000  }
0x152: {  	v0 =	vld [tilespmem:s7+$0x12020]  }
0x153: {  	v1 =	vld [tilespmem:s7+$0x120C0]  }
0x154: {  	v2 =	vld [tilespmem:s7+$0x120B0]  }
0x155: {  	v3 =	vld [tilespmem:s7+$0x12000]  }
0x156: {  	v4 =	vld [tilespmem:s7+$0x120A0]  }
0x157: {  	v5 =	vld [tilespmem:s7+$0x12010]  }
0x158: {  	v6 =	vld [tilespmem:s7+$0x12080]  }
0x159: {  	s18 =	simm.s32 $0x100;
	s19 =	simm.s32 $0x200;
	v7 =	vld [tilespmem:s7+$0x12030]  }
0x15a: {  	s2 =	sand.u32 $0x1800, s19;
	s0 =	sand.u32 $0x300, s18;
	v8 =	vld [tilespmem:s7+$0x12090]  }
0x15b: {  	v9 =	vld [tilespmem:s7+$0x120D0];
	s17 =	sor.u32 s0, s2  }
0x15c: {  	v25 =	vld [tilespmem:s17+$0x120B0]  }
0x15d: {  	v27 =	vld [tilespmem:s17+$0x120A0]  }
0x15e: {  	v48 =	vld [tilespmem:s17+$0x120D0]  }
0x15f: {  	v39 =	vld [tilespmem:s17+$0x124B0];
	v2 =	vmul.f32 $4.096000000e+03, v2;
	v1 =	vmul.f32 $4.096000000e+03, v1  }
0x160: {  	v60 =	vld [tilespmem:s17+$0x12400];
	v3 =	vmul.f32 $4.096000000e+03, v3;
	v0 =	vmul.f32 $4.096000000e+03, v0  }
0x161: {  	v44 =	vld [tilespmem:s17+$0x12420];
	v4 =	vmul.f32 $4.096000000e+03, v4;
	v5 =	vmul.f32 $4.096000000e+03, v5  }
0x162: {  	v46 =	vld [tilespmem:s17+$0x12430];
	v6 =	vmul.f32 $4.096000000e+03, v6;
	v7 =	vmul.f32 $4.096000000e+03, v7  }
0x163: {  	v8 =	vmul.f32 $4.096000000e+03, v8;
	v9 =	vmul.f32 $4.096000000e+03, v9  }
0x164: {  	v25 =	vmul.f32 $4.096000000e+03, v25;
	v27 =	vmul.f32 $4.096000000e+03, v27  }
0x165: {  	v33 =	vmul.f32 $4.096000000e+03, v48;
	v59 =	vmul.f32 $4.096000000e+03, v39  }
0x166: {  	v42 =	vmul.f32 $4.096000000e+03, v60;
	v36 =	vmul.f32 $4.096000000e+03, v44  }
0x167: {  	v37 =	vmul.f32 $4.096000000e+03, v46;
	v2 =	vmax.f32 v2, $-3.276800000e+04;
	v1 =	vmax.f32 v1, $-3.276800000e+04  }
0x168: {  	v3 =	vmax.f32 v3, $-3.276800000e+04;
	v0 =	vmax.f32 v0, $-3.276800000e+04;
	v5 =	vmax.f32 v5, $-3.276800000e+04  }
0x169: {  	v4 =	vmax.f32 v4, $-3.276800000e+04;
	v6 =	vmax.f32 v6, $-3.276800000e+04;
	v7 =	vmax.f32 v7, $-3.276800000e+04  }
0x16a: {  	v8 =	vmax.f32 v8, $-3.276800000e+04;
	v9 =	vmax.f32 v9, $-3.276800000e+04;
	v2 =	vmin.f32 v2, $3.276700000e+04  }
0x16b: {  	v1 =	vmin.f32 v1, $3.276700000e+04;
	v3 =	vmin.f32 v3, $3.276700000e+04;
	v4 =	vmin.f32 v4, $3.276700000e+04  }
0x16c: {  	v0 =	vmin.f32 v0, $3.276700000e+04;
	v2 =	vtrunc.f32 v2;
	v3 =	vtrunc.f32 v3  }
0x16d: {  	v13 =	vld [tilespmem:s7+$0x12490];
	v7 =	vmin.f32 v7, $3.276700000e+04;
	v10 =	vtrunc.f32 v1;
	v1 =	vtrunc.f32 v4  }
0x16e: {  	v14 =	vld [tilespmem:s7+$0x12040];
	v5 =	vmin.f32 v5, $3.276700000e+04;
	v0 =	vtrunc.f32 v0;
	v7 =	vtrunc.f32 v7  }
0x16f: {  	s20 =	simm.s32 $0x200;
	s21 =	simm.s32 $0x400;
	v4 =	vmin.f32 v6, $3.276700000e+04;
	v5 =	vtrunc.f32 v5;
	v2 =	vcvt.f32.s32 v2  }
0x170: {  	s2 =	sand.u32 $0x1800, s21;
	s0 =	sand.u32 $0x300, s20;
	v8 =	vmin.f32 v8, $3.276700000e+04;
	v11 =	vcvt.f32.s32 v3;
	v3 =	vtrunc.f32 v4  }
0x171: {  	v12 =	vld [tilespmem:s7+$0x12480];
	s0 =	sor.u32 s0, s2;
	v25 =	vmax.f32 v25, $-3.276800000e+04;
	v0 =	vcvt.f32.s32 v0;
	v1 =	vcvt.f32.s32 v1  }
0x172: {  	v60 =	vld [tilespmem:s0+$0x120D0];
	v25 =	vmin.f32 v25, $3.276700000e+04;
	v15 =	vcvt.f32.s32 v7;
	v7 =	vtrunc.f32 v8  }
0x173: {  	v6 =	vld [tilespmem:s7+$0x120E0];
	v8 =	vmin.f32 v9, $3.276700000e+04;
	v9 =	vmul.f32 $4.096000000e+03, v13;
	v13 =	vmul.f32 $4.096000000e+03, v14  }
0x174: {  	v33 =	vmax.f32 v33, $-3.276800000e+04;
	v5 =	vcvt.f32.s32 v5;
	v25 =	vtrunc.f32 v25  }
0x175: {  	v37 =	vmax.f32 v37, $-3.276800000e+04;
	v4 =	vld [tilespmem:s7+$0x120F0];
	v3 =	vcvt.f32.s32 v3;
	v7 =	vcvt.f32.s32 v7  }
0x176: {  	v37 =	vmin.f32 v37, $3.276700000e+04;
	v8 =	vtrunc.f32 v8;
	v25 =	vcvt.f32.s32 v25  }
0x177: {  	v14 =	vld [tilespmem:s7+$0x124A0];
	v39 =	vmul.f32 $4.096000000e+03, v60;
	v17 =	vcvt.f32.s32 v8;
	v23 =	vadd.s32 $0x8000, v11  }
0x178: {  	v8 =	vmul.f32 $4.096000000e+03, v12;
	v3 =	vadd.s32 $0x8000, v3;
	v6 =	vmul.f32 $4.096000000e+03, v6  }
0x179: {  	v12 =	vld [tilespmem:s7+$0x12050];
	v19 =	vmax.f32 v9, $-3.276800000e+04;
	v13 =	vmax.f32 v13, $-3.276800000e+04;
	v28 =	vadd.s32 $0x8000, v5  }
0x17a: {  	v7 =	vadd.s32 $0x8000, v7;
	v4 =	vmul.f32 $4.096000000e+03, v4;
	v6 =	vmax.f32 v6, $-3.276800000e+04  }
0x17b: {  	v16 =	vld [tilespmem:s7+$0x12060];
	v25 =	vadd.s32 $0x8000, v25;
	v17 =	vadd.s32 $0x8000, v17;
	v6 =	vmin.f32 v6, $3.276700000e+04  }
0x17c: {  	v14 =	vmul.f32 $4.096000000e+03, v14;
	v4 =	vmax.f32 v4, $-3.276800000e+04;
	v23 =	vld.idx.msk [tilespmem:v23+s4+$0x0], $0xffff;
	v6 =	vtrunc.f32 v6  }
0x17d: {  	v3 =	vld.idx.msk [tilespmem:v3+s4+$0x0], $0xffff;
	v4 =	vmin.f32 v4, $3.276700000e+04;
	v18 =	vcvt.f32.s32 v6;
	v6 =	vmax.f32 v8, $-3.276800000e+04  }
0x17e: {  	v31 =	vld [tilespmem:s17+$0x12090];
	v12 =	vmul.f32 $4.096000000e+03, v12;
	v4 =	vtrunc.f32 v4;
	v6 =	vmin.f32 v6, $3.276700000e+04  }
0x17f: {  	v9 =	vcvt.f32.s32 v4;
	v4 =	vtrunc.f32 v6;
	v6 =	vadd.s32 $0x8000, v1  }
0x180: {  	v1 =	vmin.f32 v13, $3.276700000e+04;
	v13 =	vadd.s32 $0x8000, v2;
	v2 =	vmul.f32 $4.096000000e+03, v16  }
0x181: {  	v21 =	vld [tilespmem:s7+$0x12070];
	v18 =	vadd.s32 $0x8000, v18;
	v22 =	vcvt.f32.s32 v4;
	[tilespmem:s7+$0x1A000] =	vst v23;
	v23 =	vmax.f32 v27, $-3.276800000e+04  }
0x182: {  	v9 =	vadd.s32 $0x8000, v9;
	[tilespmem:s7+$0x1A080] =	vst v3;
	v2 =	vmax.f32 v2, $-3.276800000e+04;
	v27 =	vld.idx.msk [tilespmem:v28+s4+$0x0], $0xffff;
	v23 =	vmin.f32 v23, $3.276700000e+04  }
0x183: {  	v28 =	vmul.f32 $4.096000000e+03, v31;
	v4 =	vld.idx.msk [tilespmem:v7+s4+$0x0], $0xffff;
	v7 =	vadd.s32 $0x8000, v0;
	v0 =	vtrunc.f32 v1  }
0x184: {  	v8 =	vld [tilespmem:s7+$0x124B0];
	v1 =	vmin.f32 v19, $3.276700000e+04;
	v2 =	vmin.f32 v2, $3.276700000e+04;
	v22 =	vadd.s32 $0x8000, v22  }
0x185: {  	v19 =	vld [tilespmem:s7+$0x12400];
	v3 =	vcvt.f32.s32 v0;
	v0 =	vmax.f32 v12, $-3.276800000e+04;
	v12 =	vtrunc.f32 v1  }
0x186: {  	v2 =	vtrunc.f32 v2;
	v28 =	vmax.f32 v28, $-3.276800000e+04;
	v0 =	vmin.f32 v0, $3.276700000e+04  }
0x187: {  	v12 =	vcvt.f32.s32 v12;
	v28 =	vmin.f32 v28, $3.276700000e+04;
	v1 =	vtrunc.f32 v0  }
0x188: {  	v20 =	vld [tilespmem:s7+$0x124C0];
	v0 =	vmul.f32 $4.096000000e+03, v21;
	v28 =	vtrunc.f32 v28;
	v3 =	vadd.s32 $0x8000, v3  }
0x189: {  	v24 =	vld [tilespmem:s7+$0x12420];
	v29 =	vadd.s32 $0x8000, v12;
	v28 =	vcvt.f32.s32 v28;
	v1 =	vcvt.f32.s32 v1  }
0x18a: {  	v12 =	vld [tilespmem:s17+$0x12030];
	[tilespmem:s7+$0x1A090] =	vst v4;
	v4 =	vmul.f32 $4.096000000e+03, v8;
	v8 =	vmax.f32 v14, $-3.276800000e+04;
	v19 =	vmul.f32 $4.096000000e+03, v19  }
0x18b: {  	v14 =	vld.idx.msk [tilespmem:v6+s4+$0x0], $0xffff;
	v6 =	vmax.f32 v0, $-3.276800000e+04;
	v8 =	vmin.f32 v8, $3.276700000e+04;
	v0 =	vcvt.f32.s32 v2  }
0x18c: {  	v16 =	vld [tilespmem:s7+$0x124D0];
	v2 =	vmin.f32 v6, $3.276700000e+04;
	v6 =	vtrunc.f32 v8;
	v8 =	vmax.f32 v4, $-3.276800000e+04  }
0x18d: {  	v21 =	vld [tilespmem:s7+$0x12410];
	v2 =	vtrunc.f32 v2;
	v4 =	vcvt.f32.s32 v6;
	v6 =	vmin.f32 v8, $3.276700000e+04  }
0x18e: {  	v1 =	vadd.s32 $0x8000, v1;
	v8 =	vcvt.f32.s32 v10;
	v11 =	vtrunc.f32 v6  }
0x18f: {  	[tilespmem:s7+$0x1A010] =	vst v27;
	v6 =	vadd.s32 $0x8000, v15;
	v15 =	vmul.f32 $4.096000000e+03, v20;
	v10 =	vcvt.f32.s32 v2  }
0x190: {  	v7 =	vld.idx.msk [tilespmem:v7+s4+$0x0], $0xffff;
	v12 =	vmul.f32 $4.096000000e+03, v12;
	v8 =	vadd.s32 $0x8000, v8;
	v2 =	vcvt.f32.s32 v11  }
0x191: {  	v20 =	vld [tilespmem:s7+$0x12430];
	v4 =	vadd.s32 $0x8000, v4;
	[tilespmem:s7+$0x1A0A0] =	vst v14;
	v11 =	vmax.f32 v15, $-3.276800000e+04;
	v14 =	vmul.f32 $4.096000000e+03, v16  }
0x192: {  	v15 =	vmax.f32 v19, $-3.276800000e+04;
	v16 =	vmul.f32 $4.096000000e+03, v21;
	v19 =	vmul.f32 $4.096000000e+03, v24;
	v13 =	vld.idx.msk [tilespmem:v13+s4+$0x0], $0xffff  }
0x193: {  	v12 =	vmax.f32 v12, $-3.276800000e+04;
	v11 =	vmin.f32 v11, $3.276700000e+04;
	v15 =	vmin.f32 v15, $3.276700000e+04  }
0x194: {  	v21 =	vld [tilespmem:s17+$0x12020];
	v12 =	vmin.f32 v12, $3.276700000e+04;
	v11 =	vtrunc.f32 v11;
	v15 =	vtrunc.f32 v15  }
0x195: {  	v24 =	vld [tilespmem:s17+$0x120C0];
	v14 =	vmax.f32 v14, $-3.276800000e+04;
	v12 =	vtrunc.f32 v12;
	v11 =	vcvt.f32.s32 v11  }
0x196: {  	[tilespmem:s7+$0x1A020] =	vst v7;
	v14 =	vmin.f32 v14, $3.276700000e+04;
	v20 =	vmul.f32 $4.096000000e+03, v20;
	v51 =	vcvt.f32.s32 v12;
	v12 =	vld [tilespmem:s17+$0x12040]  }
0x197: {  	v19 =	vmax.f32 v19, $-3.276800000e+04;
	v15 =	vcvt.f32.s32 v15;
	v6 =	vld.idx.msk [tilespmem:v6+s4+$0x0], $0xffff;
	v14 =	vtrunc.f32 v14;
	[tilespmem:s7+$0x1A0B0] =	vst v13  }
0x198: {  	v13 =	vcvt.f32.s32 v14;
	v14 =	vmin.f32 v19, $3.276700000e+04;
	v19 =	vld.idx.msk [tilespmem:v8+s4+$0x0], $0xffff;
	v8 =	vmax.f32 v20, $-3.276800000e+04  }
0x199: {  	v21 =	vmul.f32 $4.096000000e+03, v21;
	v14 =	vtrunc.f32 v14;
	v20 =	vld [tilespmem:s17+$0x12000];
	v26 =	vmin.f32 v8, $3.276700000e+04  }
0x19a: {  	v8 =	vcvt.f32.s32 v14;
	v14 =	vmax.f32 v16, $-3.276800000e+04;
	v16 =	vtrunc.f32 v26;
	v26 =	vld [tilespmem:s17+$0x12010]  }
0x19b: {  	v45 =	vadd.s32 $0x8000, v2;
	v24 =	vmul.f32 $4.096000000e+03, v24;
	v21 =	vmax.f32 v21, $-3.276800000e+04  }
0x19c: {  	v15 =	vadd.s32 $0x8000, v15;
	v11 =	vadd.s32 $0x8000, v11;
	v47 =	vmin.f32 v21, $3.276700000e+04;
	[tilespmem:s7+$0x1A030] =	vst v6  }
0x19d: {  	v12 =	vmul.f32 $4.096000000e+03, v12;
	v6 =	vmax.f32 v59, $-3.276800000e+04;
	[tilespmem:s7+$0x1A0C0] =	vst v19;
	v19 =	vmax.f32 v24, $-3.276800000e+04;
	v24 =	vld [tilespmem:s17+$0x12080]  }
0x19e: {  	v14 =	vmin.f32 v14, $3.276700000e+04;
	v16 =	vcvt.f32.s32 v16;
	v20 =	vmul.f32 $4.096000000e+03, v20;
	v17 =	vld.idx.msk [tilespmem:v17+s4+$0x0], $0xffff  }
0x19f: {  	v6 =	vmin.f32 v6, $3.276700000e+04;
	v14 =	vtrunc.f32 v14;
	v26 =	vmul.f32 $4.096000000e+03, v26  }
0x1a0: {  	v62 =	vld [tilespmem:s17+$0x12410];
	v6 =	vtrunc.f32 v6;
	v14 =	vcvt.f32.s32 v14;
	v30 =	vmax.f32 v20, $-3.276800000e+04  }
0x1a1: {  	v19 =	vmin.f32 v19, $3.276700000e+04;
	v20 =	vld [tilespmem:s7+$0x12450];
	v30 =	vmin.f32 v30, $3.276700000e+04;
	v26 =	vmax.f32 v26, $-3.276800000e+04  }
0x1a2: {  	v21 =	vmin.f32 v26, $3.276700000e+04;
	v26 =	vtrunc.f32 v30;
	v30 =	vtrunc.f32 v19  }
0x1a3: {  	v40 =	vadd.s32 $0x8000, v13;
	v19 =	vmul.f32 $4.096000000e+03, v24;
	[tilespmem:s7+$0x1A0D0] =	vst v17;
	v17 =	vtrunc.f32 v23  }
0x1a4: {  	v50 =	vld [tilespmem:s17+$0x12490];
	v12 =	vmax.f32 v12, $-3.276800000e+04;
	v23 =	vtrunc.f32 v47;
	v49 =	vcvt.f32.s32 v26  }
0x1a5: {  	v24 =	vld [tilespmem:s17+$0x120E0];
	v47 =	vmul.f32 $4.096000000e+03, v62;
	v23 =	vcvt.f32.s32 v23;
	v19 =	vmax.f32 v19, $-3.276800000e+04  }
0x1a6: {  	v18 =	vld.idx.msk [tilespmem:v18+s4+$0x0], $0xffff;
	v17 =	vcvt.f32.s32 v17;
	v20 =	vmul.f32 $4.096000000e+03, v20;
	v19 =	vmin.f32 v19, $3.276700000e+04  }
0x1a7: {  	v26 =	vld [tilespmem:s17+$0x120F0];
	v32 =	vadd.s32 $0x8000, v49;
	v49 =	vtrunc.f32 v21;
	v21 =	vadd.s32 $0x8000, v8  }
0x1a8: {  	v31 =	vld [tilespmem:s17+$0x12480];
	v8 =	vmax.f32 v36, $-3.276800000e+04;
	v19 =	vtrunc.f32 v19;
	v38 =	vadd.s32 $0x8000, v17  }
0x1a9: {  	v52 =	vld [tilespmem:s17+$0x12050];
	v35 =	vcvt.f32.s32 v49;
	v8 =	vmin.f32 v8, $3.276700000e+04;
	v19 =	vcvt.f32.s32 v19  }
0x1aa: {  	v53 =	vld [tilespmem:s17+$0x12060];
	v20 =	vmax.f32 v20, $-3.276800000e+04;
	v49 =	vmax.f32 v39, $-3.276800000e+04;
	v24 =	vmul.f32 $4.096000000e+03, v24  }
0x1ab: {  	v17 =	vld [tilespmem:s17+$0x124A0];
	v20 =	vmin.f32 v20, $3.276700000e+04;
	[tilespmem:s7+$0x1A0E0] =	vst v18;
	v18 =	vmin.f32 v33, $3.276700000e+04;
	v19 =	vadd.s32 $0x8000, v19  }
0x1ac: {  	v27 =	vmul.f32 $4.096000000e+03, v26;
	v24 =	vmax.f32 v24, $-3.276800000e+04;
	v9 =	vld.idx.msk [tilespmem:v9+s4+$0x0], $0xffff;
	v18 =	vtrunc.f32 v18  }
0x1ad: {  	v55 =	vld [tilespmem:s17+$0x12070];
	v26 =	vcvt.f32.s32 v18;
	v18 =	vmin.f32 v24, $3.276700000e+04;
	v24 =	vmul.f32 $4.096000000e+03, v31  }
0x1ae: {  	v57 =	vld [tilespmem:s17+$0x124C0];
	v20 =	vtrunc.f32 v20;
	v35 =	vadd.s32 $0x8000, v35;
	v33 =	vmul.f32 $4.096000000e+03, v52  }
0x1af: {  	v61 =	vld [tilespmem:s17+$0x124D0];
	v27 =	vmax.f32 v27, $-3.276800000e+04;
	v31 =	vmul.f32 $4.096000000e+03, v50;
	v24 =	vmax.f32 v24, $-3.276800000e+04  }
0x1b0: {  	v54 =	vmin.f32 v27, $3.276700000e+04;
	v7 =	vmul.f32 $4.096000000e+03, v17;
	v24 =	vmin.f32 v24, $3.276700000e+04;
	v56 =	vld.idx.msk [tilespmem:v19+s4+$0x0], $0xffff  }
0x1b1: {  	v41 =	vld [tilespmem:s0+$0x12010];
	v18 =	vtrunc.f32 v18;
	[tilespmem:s7+$0x1A0F0] =	vst v9;
	v9 =	vtrunc.f32 v24;
	v24 =	vadd.s32 $0x8000, v28  }
0x1b2: {  	v60 =	vld [tilespmem:s0+$0x124A0];
	v27 =	vcvt.f32.s32 v18;
	v18 =	vtrunc.f32 v54;
	v31 =	vmax.f32 v31, $-3.276800000e+04  }
0x1b3: {  	v19 =	vcvt.f32.s32 v18;
	v18 =	vadd.s32 $0x8000, v23;
	v23 =	vmin.f32 v31, $3.276700000e+04;
	v22 =	vld.idx.msk [tilespmem:v22+s4+$0x0], $0xffff  }
0x1b4: {  	v5 =	vld [tilespmem:s7+$0x12440];
	v7 =	vmax.f32 v7, $-3.276800000e+04;
	v31 =	vtrunc.f32 v23;
	v23 =	vmul.f32 $4.096000000e+03, v53  }
0x1b5: {  	v50 =	vld [tilespmem:s0+$0x12020];
	v54 =	vadd.s32 $0x8000, v10;
	v10 =	vadd.s32 $0x8000, v16;
	v7 =	vmin.f32 v7, $3.276700000e+04;
	[tilespmem:s17+$0x1A080] =	vst v56  }
0x1b6: {  	v7 =	vtrunc.f32 v7;
	v17 =	vmax.f32 v23, $-3.276800000e+04;
	v23 =	vmul.f32 $4.096000000e+03, v55;
	v58 =	vld.idx.msk [tilespmem:v24+s4+$0x0], $0xffff  }
0x1b7: {  	v2 =	vld [tilespmem:s17+$0x12440];
	v28 =	vcvt.f32.s32 v9;
	v9 =	vmin.f32 v12, $3.276700000e+04;
	v17 =	vmin.f32 v17, $3.276700000e+04  }
0x1b8: {  	v16 =	vld [tilespmem:s0+$0x120A0];
	v31 =	vcvt.f32.s32 v31;
	v17 =	vtrunc.f32 v17;
	v23 =	vmax.f32 v23, $-3.276800000e+04;
	[tilespmem:s7+$0x1A480] =	vst v22  }
0x1b9: {  	v9 =	vtrunc.f32 v9;
	v22 =	vcvt.f32.s32 v17;
	v17 =	vmin.f32 v23, $3.276700000e+04;
	v29 =	vld.idx.msk [tilespmem:v29+s4+$0x0], $0xffff  }
0x1ba: {  	v26 =	vadd.s32 $0x8000, v26;
	v23 =	vtrunc.f32 v17;
	v17 =	vcvt.f32.s32 v7;
	v7 =	vld.idx.msk [tilespmem:v3+s4+$0x0], $0xffff  }
0x1bb: {  	v59 =	vld [tilespmem:s0+$0x12090];
	v27 =	vadd.s32 $0x8000, v27;
	v55 =	vmul.f32 $4.096000000e+03, v50;
	v12 =	vcvt.f32.s32 v9;
	[tilespmem:s17+$0x1A090] =	vst v58  }
0x1bc: {  	v19 =	vadd.s32 $0x8000, v19;
	v3 =	vcvt.f32.s32 v23;
	v23 =	vcvt.f32.s32 v30;
	v30 =	vld.idx.msk [tilespmem:v38+s4+$0x0], $0xffff  }
0x1bd: {  	v32 =	vld.idx.msk [tilespmem:v32+s4+$0x0], $0xffff;
	v9 =	vmax.f32 v33, $-3.276800000e+04;
	v33 =	vmax.f32 v42, $-3.276800000e+04;
	v13 =	vadd.s32 $0x8000, v31  }
0x1be: {  	v53 =	vld [tilespmem:s0+$0x120B0];
	v16 =	vmul.f32 $4.096000000e+03, v16;
	v9 =	vmin.f32 v9, $3.276700000e+04;
	[tilespmem:s7+$0x1A490] =	vst v29;
	v29 =	vmul.f32 $4.096000000e+03, v57  }
0x1bf: {  	v9 =	vtrunc.f32 v9;
	v24 =	vadd.s32 $0x8000, v51;
	v43 =	vadd.s32 $0x8000, v23;
	[tilespmem:s7+$0x1A040] =	vst v7;
	v4 =	vld.idx.msk [tilespmem:v4+s4+$0x0], $0xffff  }
0x1c0: {  	v23 =	vcvt.f32.s32 v6;
	v48 =	vld.idx.msk [tilespmem:v1+s4+$0x0], $0xffff;
	v6 =	vmax.f32 v29, $-3.276800000e+04;
	v29 =	vmul.f32 $4.096000000e+03, v61  }
0x1c1: {  	v52 =	vld [tilespmem:s0+$0x120C0];
	v51 =	vmul.f32 $4.096000000e+03, v5;
	v6 =	vmin.f32 v6, $3.276700000e+04;
	[tilespmem:s17+$0x1A0A0] =	vst v30;
	v30 =	vadd.s32 $0x8000, v0  }
0x1c2: {  	v5 =	vtrunc.f32 v8;
	v6 =	vtrunc.f32 v6;
	v29 =	vmax.f32 v29, $-3.276800000e+04;
	v25 =	vld.idx.msk [tilespmem:v25+s4+$0x0], $0xffff  }
0x1c3: {  	[tilespmem:s17+$0x1A000] =	vst v32;
	v42 =	vld [tilespmem:s0+$0x12030];
	v8 =	vcvt.f32.s32 v5;
	v1 =	vcvt.f32.s32 v6;
	v6 =	vmin.f32 v29, $3.276700000e+04  }
0x1c4: {  	v35 =	vld.idx.msk [tilespmem:v35+s4+$0x0], $0xffff;
	v28 =	vadd.s32 $0x8000, v28;
	v5 =	vtrunc.f32 v37;
	v29 =	vtrunc.f32 v6;
	[tilespmem:s7+$0x1A4A0] =	vst v4  }
0x1c5: {  	v16 =	vmax.f32 v16, $-3.276800000e+04;
	v37 =	vmul.f32 $4.096000000e+03, v53;
	[tilespmem:s7+$0x1A050] =	vst v48;
	v0 =	vcvt.f32.s32 v29;
	v29 =	vld.idx.msk [tilespmem:v45+s4+$0x0], $0xffff  }
0x1c6: {  	v16 =	vmin.f32 v16, $3.276700000e+04;
	v9 =	vcvt.f32.s32 v9;
	v5 =	vcvt.f32.s32 v5;
	v30 =	vld.idx.msk [tilespmem:v30+s4+$0x0], $0xffff  }
0x1c7: {  	v16 =	vtrunc.f32 v16;
	v56 =	vmax.f32 v37, $-3.276800000e+04;
	[tilespmem:s17+$0x1A0B0] =	vst v25;
	v25 =	vcvt.f32.s32 v20;
	v20 =	vld [tilespmem:s0+$0x12000]  }
0x1c8: {  	v62 =	vmul.f32 $4.096000000e+03, v42;
	v16 =	vcvt.f32.s32 v16;
	v36 =	vmin.f32 v56, $3.276700000e+04;
	v34 =	vld.idx.msk [tilespmem:v43+s4+$0x0], $0xffff  }
0x1c9: {  	v58 =	vmul.f32 $4.096000000e+03, v41;
	v36 =	vtrunc.f32 v36;
	v6 =	vmax.f32 v47, $-3.276800000e+04;
	v47 =	vld [tilespmem:s0+$0x12480]  }
0x1ca: {  	v38 =	vmax.f32 v51, $-3.276800000e+04;
	v36 =	vcvt.f32.s32 v36;
	v7 =	vmin.f32 v33, $3.276700000e+04;
	v57 =	vld [tilespmem:s0+$0x12080]  }
0x1cb: {  	v38 =	vmin.f32 v38, $3.276700000e+04;
	v33 =	vmax.f32 v55, $-3.276800000e+04;
	v7 =	vtrunc.f32 v7;
	v48 =	vld [tilespmem:s0+$0x12490];
	[tilespmem:s7+$0x1A060] =	vst v30  }
0x1cc: {  	v33 =	vmin.f32 v33, $3.276700000e+04;
	v36 =	vadd.s32 $0x8000, v36;
	[tilespmem:s7+$0x1A4B0] =	vst v29;
	v29 =	vmul.f32 $4.096000000e+03, v52;
	v31 =	vld.idx.msk [tilespmem:v54+s4+$0x0], $0xffff  }
0x1cd: {  	v7 =	vcvt.f32.s32 v7;
	v61 =	vadd.s32 $0x8000, v14;
	v52 =	vld [tilespmem:s0+$0x12060];
	v20 =	vmul.f32 $4.096000000e+03, v20;
	[tilespmem:s17+$0x1A0C0] =	vst v34  }
0x1ce: {  	v14 =	vmax.f32 v58, $-3.276800000e+04;
	v53 =	vmul.f32 $4.096000000e+03, v47;
	v29 =	vmax.f32 v29, $-3.276800000e+04;
	v26 =	vld.idx.msk [tilespmem:v26+s4+$0x0], $0xffff  }
0x1cf: {  	v11 =	vld.idx.msk [tilespmem:v11+s4+$0x0], $0xffff;
	v30 =	vtrunc.f32 v38;
	v29 =	vmin.f32 v29, $3.276700000e+04;
	v20 =	vmax.f32 v20, $-3.276800000e+04  }
0x1d0: {  	v55 =	vld [tilespmem:s0+$0x12050];
	v30 =	vcvt.f32.s32 v30;
	v54 =	vmul.f32 $4.096000000e+03, v48;
	v20 =	vmin.f32 v20, $3.276700000e+04  }
0x1d1: {  	v14 =	vmin.f32 v14, $3.276700000e+04;
	v45 =	vld [tilespmem:s0+$0x120F0];
	v29 =	vtrunc.f32 v29;
	v20 =	vtrunc.f32 v20;
	[tilespmem:s7+$0x1A070] =	vst v31  }
0x1d2: {  	v25 =	vadd.s32 $0x8000, v25;
	v34 =	vcvt.f32.s32 v20;
	v20 =	vtrunc.f32 v33;
	v15 =	vld.idx.msk [tilespmem:v15+s4+$0x0], $0xffff  }
0x1d3: {  	v31 =	vld [tilespmem:s0+$0x120E0];
	v46 =	vcvt.f32.s32 v20;
	v20 =	vmax.f32 v62, $-3.276800000e+04;
	[tilespmem:s17+$0x1A0D0] =	vst v26;
	v26 =	vmul.f32 $4.096000000e+03, v57  }
0x1d4: {  	v41 =	vadd.s32 $0x8000, v30;
	v39 =	vmul.f32 $4.096000000e+03, v52;
	[tilespmem:s7+$0x1A4C0] =	vst v11;
	v11 =	vmin.f32 v20, $3.276700000e+04;
	v27 =	vld.idx.msk [tilespmem:v27+s4+$0x0], $0xffff  }
0x1d5: {  	v52 =	vld [tilespmem:s0+$0x12410];
	v11 =	vtrunc.f32 v11;
	v20 =	vmax.f32 v26, $-3.276800000e+04;
	v26 =	vmul.f32 $4.096000000e+03, v59  }
0x1d6: {  	v30 =	vld.idx.msk [tilespmem:v40+s4+$0x0], $0xffff;
	v40 =	vcvt.f32.s32 v11;
	v59 =	vadd.s32 $0x8000, v16;
	v20 =	vmin.f32 v20, $3.276700000e+04  }
0x1d7: {  	v16 =	vadd.s32 $0x8000, v46;
	[tilespmem:s7+$0x1A400] =	vst v15;
	v11 =	vtrunc.f32 v20;
	v15 =	vmax.f32 v26, $-3.276800000e+04;
	v26 =	vld [tilespmem:s0+$0x12040]  }
0x1d8: {  	v46 =	vmul.f32 $4.096000000e+03, v60;
	v20 =	vld.idx.msk [tilespmem:v61+s4+$0x0], $0xffff;
	v11 =	vcvt.f32.s32 v11;
	v15 =	vmin.f32 v15, $3.276700000e+04  }
0x1d9: {  	v31 =	vmul.f32 $4.096000000e+03, v31;
	v61 =	vld [tilespmem:s0+$0x124B0];
	[tilespmem:s17+$0x1A0E0] =	vst v27;
	v15 =	vtrunc.f32 v15;
	v27 =	vmin.f32 v49, $3.276700000e+04  }
0x1da: {  	[tilespmem:s17+$0x1A010] =	vst v35;
	v50 =	vld.idx.msk [tilespmem:v19+s4+$0x0], $0xffff;
	v11 =	vadd.s32 $0x8000, v11;
	v51 =	vcvt.f32.s32 v15;
	v15 =	vtrunc.f32 v27  }
0x1db: {  	v27 =	vld.idx.msk [tilespmem:v18+s4+$0x0], $0xffff;
	v19 =	vmul.f32 $4.096000000e+03, v45;
	v18 =	vcvt.f32.s32 v15;
	v15 =	vmax.f32 v31, $-3.276800000e+04  }
0x1dc: {  	v49 =	vld [tilespmem:s0+$0x12400];
	v45 =	vadd.s32 $0x8000, v12;
	v15 =	vmin.f32 v15, $3.276700000e+04;
	v26 =	vmul.f32 $4.096000000e+03, v26  }
0x1dd: {  	v31 =	vld [tilespmem:s0+$0x12070];
	v43 =	vmax.f32 v19, $-3.276800000e+04;
	v58 =	vadd.s32 $0x8000, v51;
	v15 =	vtrunc.f32 v15;
	[tilespmem:s7+$0x1A410] =	vst v20  }
0x1de: {  	v20 =	vmax.f32 v53, $-3.276800000e+04;
	v47 =	vmul.f32 $4.096000000e+03, v61;
	v19 =	vcvt.f32.s32 v15;
	v56 =	vld.idx.msk [tilespmem:v21+s4+$0x0], $0xffff  }
0x1df: {  	v15 =	vmin.f32 v43, $3.276700000e+04;
	v20 =	vmin.f32 v20, $3.276700000e+04;
	v21 =	vmax.f32 v54, $-3.276800000e+04;
	v57 =	vld.idx.msk [tilespmem:v11+s4+$0x0], $0xffff;
	[tilespmem:s17+$0x1A0F0] =	vst v50  }
0x1e0: {  	v26 =	vmax.f32 v26, $-3.276800000e+04;
	v54 =	vadd.s32 $0x8000, v9;
	v11 =	vtrunc.f32 v15;
	v28 =	vld.idx.msk [tilespmem:v28+s4+$0x0], $0xffff  }
0x1e1: {  	v51 =	vld [tilespmem:s0+$0x124D0];
	v9 =	vcvt.f32.s32 v29;
	v21 =	vmin.f32 v21, $3.276700000e+04;
	v15 =	vcvt.f32.s32 v11  }
0x1e2: {  	[tilespmem:s17+$0x1A020] =	vst v27;
	v27 =	vld [tilespmem:s0+$0x124C0];
	v50 =	vadd.s32 $0x8000, v17;
	v11 =	vtrunc.f32 v20;
	v31 =	vmul.f32 $4.096000000e+03, v31  }
0x1e3: {  	v24 =	vld.idx.msk [tilespmem:v24+s4+$0x0], $0xffff;
	v20 =	vcvt.f32.s32 v11;
	v11 =	vmin.f32 v26, $3.276700000e+04;
	v26 =	vmul.f32 $4.096000000e+03, v55;
	[tilespmem:s7+$0x1A420] =	vst v56  }
0x1e4: {  	v17 =	vadd.s32 $0x8000, v40;
	v40 =	vmul.f32 $4.096000000e+03, v52;
	v21 =	vtrunc.f32 v21;
	[tilespmem:s0+$0x1A080] =	vst v57;
	v10 =	vld.idx.msk [tilespmem:v10+s4+$0x0], $0xffff  }
0x1e5: {  	v11 =	vtrunc.f32 v11;
	v31 =	vmax.f32 v31, $-3.276800000e+04;
	v26 =	vmax.f32 v26, $-3.276800000e+04;
	v32 =	vld.idx.msk [tilespmem:v58+s4+$0x0], $0xffff;
	[tilespmem:s17+$0x1A480] =	vst v28  }
0x1e6: {  	v11 =	vcvt.f32.s32 v11;
	v56 =	vmul.f32 $4.096000000e+03, v49;
	v62 =	vmin.f32 v26, $3.276700000e+04;
	v48 =	vld.idx.msk [tilespmem:v13+s4+$0x0], $0xffff  }
0x1e7: {  	v4 =	vld [tilespmem:s17+$0x12450];
	v26 =	vadd.s32 $0x8000, v34;
	v55 =	vmul.f32 $4.096000000e+03, v27;
	v28 =	vmax.f32 v39, $-3.276800000e+04  }
0x1e8: {  	v57 =	vld [tilespmem:s0+$0x12420];
	v12 =	vtrunc.f32 v62;
	[tilespmem:s17+$0x1A030] =	vst v24;
	v13 =	vmin.f32 v28, $3.276700000e+04;
	v28 =	vmax.f32 v46, $-3.276800000e+04  }
0x1e9: {  	v24 =	vmin.f32 v31, $3.276700000e+04;
	v39 =	vmul.f32 $4.096000000e+03, v51;
	v53 =	vld.idx.msk [tilespmem:v45+s4+$0x0], $0xffff;
	v28 =	vmin.f32 v28, $3.276700000e+04;
	[tilespmem:s7+$0x1A430] =	vst v10  }
0x1ea: {  	v31 =	vmax.f32 v47, $-3.276800000e+04;
	v24 =	vtrunc.f32 v24;
	v28 =	vtrunc.f32 v28;
	[tilespmem:s0+$0x1A090] =	vst v32;
	v41 =	vld.idx.msk [tilespmem:v41+s4+$0x0], $0xffff  }
0x1eb: {  	v58 =	vadd.s32 $0x8000, v23;
	v10 =	vcvt.f32.s32 v28;
	v28 =	vcvt.f32.s32 v24;
	v24 =	vld.idx.msk [tilespmem:v59+s4+$0x0], $0xffff;
	[tilespmem:s17+$0x1A490] =	vst v48  }
0x1ec: {  	v23 =	vmax.f32 v56, $-3.276800000e+04;
	v29 =	vmin.f32 v31, $3.276700000e+04;
	v31 =	vadd.s32 $0x8000, v9;
	v37 =	vld.idx.msk [tilespmem:v50+s4+$0x0], $0xffff  }
0x1ed: {  	[tilespmem:s7+$0x1A4D0] =	vst v30;
	v27 =	vld [tilespmem:s0+$0x12430];
	v23 =	vmin.f32 v23, $3.276700000e+04;
	v13 =	vtrunc.f32 v13;
	v29 =	vtrunc.f32 v29  }
0x1ee: {  	v35 =	vmax.f32 v55, $-3.276800000e+04;
	v62 =	vtrunc.f32 v23;
	v9 =	vcvt.f32.s32 v29;
	v29 =	vld [tilespmem:s0+$0x12440];
	[tilespmem:s17+$0x1A040] =	vst v53  }
0x1ef: {  	v61 =	vmax.f32 v39, $-3.276800000e+04;
	v13 =	vcvt.f32.s32 v13;
	v34 =	vmul.f32 $4.096000000e+03, v57;
	v33 =	vld.idx.msk [tilespmem:v54+s4+$0x0], $0xffff;
	[tilespmem:s7+$0x1A440] =	vst v41  }
0x1f0: {  	v32 =	vcvt.f32.s32 v62;
	v59 =	vmin.f32 v35, $3.276700000e+04;
	[tilespmem:s0+$0x1A0A0] =	vst v24;
	v24 =	vmin.f32 v61, $3.276700000e+04;
	v25 =	vld.idx.msk [tilespmem:v25+s4+$0x0], $0xffff  }
0x1f1: {  	s16 =	sshll.u32 s5, $0x7;
	s19 =	simm.s32 $0x300;
	v30 =	vmax.f32 v40, $-3.276800000e+04;
	v60 =	vtrunc.f32 v59;
	v36 =	vld.idx.msk [tilespmem:v36+s4+$0x0], $0xffff;
	v24 =	vtrunc.f32 v24;
	[tilespmem:s17+$0x1A4A0] =	vst v37  }
0x1f2: {  	s18 =	simm.s32 $0x4;
	s20 =	simm.s32 $0x600;
	s2 =	sadd.s32 s16, s12;
	v35 =	vadd.s32 $0x8000, v22;
	v23 =	vcvt.f32.s32 v60;
	v24 =	vcvt.f32.s32 v24;
	v22 =	vld.idx.msk [tilespmem:v58+s4+$0x0], $0xffff  }
.LBB2_5:
0x1f3: {  	v14 =	vtrunc.f32 v14;
	v37 =	vmul.f32 $4.096000000e+03, v27  }
0x1f4: {  	s15 =	sand.u32 $0x1800, s20;
	s21 =	sand.u32 $0x300, s19;
	s18 =	sadd.s32 $0x2, s18;
	v38 =	vld [tilespmem:s0+$0x12450];
	v27 =	vadd.s32 $0x8000, v8;
	v4 =	vmul.f32 $4.096000000e+03, v4;
	v39 =	vadd.s32 $0x8000, v7  }
0x1f5: {  	v7 =	vmovc v32;
	v32 =	vadd.s32 $0x8000, v3;
	s15 =	sor.u32 s21, s15;
	p2 =	slt.u32 s18, $0x1E;
	v26 =	vld.idx.msk [tilespmem:v26+s4+$0x0], $0xffff;
	v14 =	vcvt.f32.s32 v14;
	v8 =	vmax.f32 v34, $-3.276800000e+04  }
0x1f6: {  	v34 =	vld [tilespmem:s15+$0x12020];
	v8 =	vmin.f32 v8, $3.276700000e+04;
	v37 =	vmax.f32 v37, $-3.276800000e+04;
	[tilespmem:s17+$0x1A050] =	vst v33;
	v33 =	vmul.f32 $4.096000000e+03, v2;
	v2 =	vmovc v29  }
0x1f7: {  	v41 =	vmax.f32 v4, $-3.276800000e+04;
	v29 =	vld [tilespmem:s15+$0x120C0];
	v8 =	vtrunc.f32 v8;
	v37 =	vmin.f32 v37, $3.276700000e+04;
	[tilespmem:s7+$0x1A450] =	vst v25;
	s7 =	smov.u32 s17;
	s17 =	smov.u32 s0;
	s0 =	smov.u32 s15  }
0x1f8: {  	v40 =	vmin.f32 v41, $3.276700000e+04;
	v8 =	vcvt.f32.s32 v8;
	v25 =	vtrunc.f32 v37;
	[tilespmem:s17+$0x1A0B0] =	vst v36;
	v35 =	vld.idx.msk [tilespmem:v35+s4+$0x0], $0xffff  }
0x1f9: {  	v18 =	vadd.s32 $0x8000, v18;
	v36 =	vld [tilespmem:s0+$0x120B0];
	v37 =	vcvt.f32.s32 v25;
	v25 =	vtrunc.f32 v40;
	[tilespmem:s7+$0x1A4B0] =	vst v22;
	v4 =	vmovc v38  }
0x1fa: {  	v3 =	vmovc v28;
	v21 =	vcvt.f32.s32 v21;
	v14 =	vadd.s32 $0x8000, v14;
	v31 =	vld.idx.msk [tilespmem:v31+s4+$0x0], $0xffff;
	v22 =	vcvt.f32.s32 v25  }
0x1fb: {  	v38 =	vadd.s32 $0x8000, v1;
	v1 =	vmovc v23;
	v23 =	vmax.f32 v33, $-3.276800000e+04;
	v25 =	vadd.s32 $0x8000, v5;
	v28 =	vld [tilespmem:s0+$0x12000];
	v5 =	vmovc v37  }
0x1fc: {  	v19 =	vadd.s32 $0x8000, v19;
	v33 =	vadd.s32 $0x8000, v0;
	v0 =	vmovc v24;
	v41 =	vmin.f32 v23, $3.276700000e+04;
	v37 =	vld [tilespmem:s0+$0x120A0]  }
0x1fd: {  	v40 =	vmin.f32 v6, $3.276700000e+04;
	v6 =	vmovc v30;
	v23 =	vadd.s32 $0x8000, v21;
	v21 =	vtrunc.f32 v41;
	v24 =	vld [tilespmem:s0+$0x12010]  }
0x1fe: {  	v34 =	vmul.f32 $4.096000000e+03, v34;
	v30 =	vld [tilespmem:s0+$0x12030];
	v36 =	vmul.f32 $4.096000000e+03, v36;
	[tilespmem:s7+$0x1A060] =	vst v35  }
0x1ff: {  	v20 =	vadd.s32 $0x8000, v20;
	v29 =	vmul.f32 $4.096000000e+03, v29;
	v35 =	vtrunc.f32 v40;
	v32 =	vld.idx.msk [tilespmem:v32+s4+$0x0], $0xffff  }
0x200: {  	v21 =	vcvt.f32.s32 v21;
	v28 =	vmul.f32 $4.096000000e+03, v28;
	v36 =	vmax.f32 v36, $-3.276800000e+04;
	[tilespmem:s17+$0x1A0C0] =	vst v31;
	v31 =	vld.idx.msk [tilespmem:v38+s4+$0x0], $0xffff  }
0x201: {  	v29 =	vmax.f32 v29, $-3.276800000e+04;
	v35 =	vcvt.f32.s32 v35;
	v37 =	vmul.f32 $4.096000000e+03, v37;
	v18 =	vld.idx.msk [tilespmem:v18+s4+$0x0], $0xffff  }
0x202: {  	v29 =	vmin.f32 v29, $3.276700000e+04;
	v36 =	vmin.f32 v36, $3.276700000e+04;
	v28 =	vmax.f32 v28, $-3.276800000e+04;
	v38 =	vld [tilespmem:s0+$0x12080]  }
0x203: {  	v34 =	vmax.f32 v34, $-3.276800000e+04;
	v24 =	vmul.f32 $4.096000000e+03, v24;
	v36 =	vtrunc.f32 v36;
	v40 =	vld [tilespmem:s0+$0x12090]  }
0x204: {  	v34 =	vmin.f32 v34, $3.276700000e+04;
	v36 =	vcvt.f32.s32 v36;
	v41 =	vld [tilespmem:s0+$0x120D0];
	[tilespmem:s17+$0x1A000] =	vst v26;
	v26 =	vadd.s32 $0x8000, v35  }
0x205: {  	v34 =	vtrunc.f32 v34;
	v30 =	vmul.f32 $4.096000000e+03, v30;
	v24 =	vmax.f32 v24, $-3.276800000e+04;
	v35 =	vld.idx.msk [tilespmem:v14+s4+$0x0], $0xffff;
	[tilespmem:s7+$0x1A070] =	vst v32  }
0x206: {  	v28 =	vmin.f32 v28, $3.276700000e+04;
	v14 =	vmin.f32 v24, $3.276700000e+04;
	v24 =	vmax.f32 v37, $-3.276800000e+04;
	v32 =	vld.idx.msk [tilespmem:v39+s4+$0x0], $0xffff;
	[tilespmem:s7+$0x1A4C0] =	vst v31  }
0x207: {  	v28 =	vtrunc.f32 v28;
	v31 =	vmin.f32 v24, $3.276700000e+04;
	v24 =	vtrunc.f32 v29;
	v29 =	vld [tilespmem:s0+$0x120E0];
	[tilespmem:s17+$0x1A0D0] =	vst v18  }
0x208: {  	v15 =	vadd.s32 $0x8000, v15;
	v18 =	vmul.f32 $4.096000000e+03, v38;
	v31 =	vtrunc.f32 v31;
	v19 =	vld.idx.msk [tilespmem:v19+s4+$0x0], $0xffff  }
0x209: {  	v37 =	vcvt.f32.s32 v28;
	v28 =	vadd.s32 $0x8000, v21;
	v21 =	vcvt.f32.s32 v34;
	v38 =	vld [tilespmem:s0+$0x120F0]  }
0x20a: {  	v30 =	vmax.f32 v30, $-3.276800000e+04;
	v36 =	vadd.s32 $0x8000, v36;
	v31 =	vcvt.f32.s32 v31;
	v34 =	vld [tilespmem:s0+$0x12480]  }
0x20b: {  	v30 =	vmin.f32 v30, $3.276700000e+04;
	v39 =	vmul.f32 $4.096000000e+03, v40;
	v18 =	vmax.f32 v18, $-3.276800000e+04;
	v40 =	vld [tilespmem:s0+$0x12490]  }
0x20c: {  	v30 =	vtrunc.f32 v30;
	v41 =	vmul.f32 $4.096000000e+03, v41;
	v18 =	vmin.f32 v18, $3.276700000e+04;
	[tilespmem:s7+$0x1A400] =	vst v32;
	v32 =	vld.idx.msk [tilespmem:v33+s4+$0x0], $0xffff  }
0x20d: {  	v30 =	vcvt.f32.s32 v30;
	v18 =	vtrunc.f32 v18;
	v33 =	vmax.f32 v39, $-3.276800000e+04;
	v26 =	vld.idx.msk [tilespmem:v26+s4+$0x0], $0xffff  }
0x20e: {  	v41 =	vmax.f32 v41, $-3.276800000e+04;
	v18 =	vcvt.f32.s32 v18;
	v33 =	vmin.f32 v33, $3.276700000e+04;
	v39 =	vld [tilespmem:s0+$0x12040];
	[tilespmem:s17+$0x1A0E0] =	vst v19  }
0x20f: {  	v29 =	vmul.f32 $4.096000000e+03, v29;
	v19 =	vtrunc.f32 v33;
	v33 =	vmin.f32 v41, $3.276700000e+04;
	[tilespmem:s17+$0x1A010] =	vst v35;
	v15 =	vld.idx.msk [tilespmem:v15+s4+$0x0], $0xffff  }
0x210: {  	v35 =	vadd.s32 $0x8000, v18;
	v41 =	vcvt.f32.s32 v19;
	v18 =	vtrunc.f32 v33;
	v33 =	vld.idx.msk [tilespmem:v16+s4+$0x0], $0xffff  }
0x211: {  	v19 =	vmul.f32 $4.096000000e+03, v38;
	v18 =	vcvt.f32.s32 v18;
	v16 =	vmax.f32 v29, $-3.276800000e+04;
	v42 =	vld [tilespmem:s0+$0x12060]  }
0x212: {  	v34 =	vmul.f32 $4.096000000e+03, v34;
	v38 =	vmul.f32 $4.096000000e+03, v40;
	v16 =	vmin.f32 v16, $3.276700000e+04;
	v29 =	vld [tilespmem:s0+$0x12070];
	[tilespmem:s7+$0x1A4D0] =	vst v32  }
0x213: {  	v40 =	vmax.f32 v19, $-3.276800000e+04;
	v16 =	vtrunc.f32 v16;
	v32 =	vmul.f32 $4.096000000e+03, v39;
	v39 =	vld [tilespmem:s0+$0x12050];
	[tilespmem:s7+$0x1A410] =	vst v26  }
0x214: {  	v19 =	vcvt.f32.s32 v16;
	v16 =	vmin.f32 v40, $3.276700000e+04;
	v26 =	vmax.f32 v34, $-3.276800000e+04;
	v27 =	vld.idx.msk [tilespmem:v27+s4+$0x0], $0xffff  }
0x215: {  	v16 =	vtrunc.f32 v16;
	v26 =	vmin.f32 v26, $3.276700000e+04;
	v34 =	vld.idx.msk [tilespmem:v35+s4+$0x0], $0xffff;
	v35 =	vmax.f32 v38, $-3.276800000e+04;
	[tilespmem:s17+$0x1A0F0] =	vst v15  }
0x216: {  	v32 =	vmax.f32 v32, $-3.276800000e+04;
	v15 =	vcvt.f32.s32 v16;
	v16 =	vtrunc.f32 v26;
	v38 =	vld.idx.msk [tilespmem:v20+s4+$0x0], $0xffff  }
0x217: {  	v31 =	vadd.s32 $0x8000, v31;
	v40 =	vadd.s32 $0x8000, v41;
	v20 =	vcvt.f32.s32 v16;
	v41 =	vld [tilespmem:s0+$0x124A0]  }
0x218: {  	v24 =	vcvt.f32.s32 v24;
	v26 =	vmin.f32 v32, $3.276700000e+04;
	v32 =	vmul.f32 $4.096000000e+03, v39;
	v39 =	vld [tilespmem:s0+$0x124B0]  }
0x219: {  	v16 =	vadd.s32 $0x8000, v21;
	v21 =	vtrunc.f32 v26;
	v26 =	vmin.f32 v35, $3.276700000e+04;
	v35 =	vld [tilespmem:s0+$0x124C0];
	[tilespmem:s17+$0x1A020] =	vst v33  }
0x21a: {  	v33 =	vcvt.f32.s32 v21;
	v21 =	vtrunc.f32 v26;
	v32 =	vmax.f32 v32, $-3.276800000e+04;
	v43 =	vld.idx.msk [tilespmem:v17+s4+$0x0], $0xffff;
	[tilespmem:s7+$0x1A420] =	vst v27  }
0x21b: {  	v27 =	vmul.f32 $4.096000000e+03, v42;
	v17 =	vmin.f32 v32, $3.276700000e+04;
	[tilespmem:s0+$0x1A080] =	vst v34;
	v32 =	vadd.s32 $0x8000, v11;
	v25 =	vld.idx.msk [tilespmem:v25+s4+$0x0], $0xffff  }
0x21c: {  	v26 =	vadd.s32 $0x8000, v37;
	v11 =	vmovc v33;
	v34 =	vtrunc.f32 v17;
	v37 =	vld.idx.msk [tilespmem:v40+s4+$0x0], $0xffff;
	v17 =	vmul.f32 $4.096000000e+03, v41;
	[tilespmem:s17+$0x1A480] =	vst v38  }
0x21d: {  	v29 =	vmul.f32 $4.096000000e+03, v29;
	v27 =	vmax.f32 v27, $-3.276800000e+04;
	v33 =	vmul.f32 $4.096000000e+03, v39;
	v23 =	vld.idx.msk [tilespmem:v23+s4+$0x0], $0xffff  }
0x21e: {  	v27 =	vmin.f32 v27, $3.276700000e+04;
	v39 =	vadd.s32 $0x8000, v10;
	v38 =	vld [tilespmem:s0+$0x12400];
	v17 =	vmax.f32 v17, $-3.276800000e+04  }
0x21f: {  	v10 =	vtrunc.f32 v27;
	v27 =	vmax.f32 v29, $-3.276800000e+04;
	v29 =	vmin.f32 v17, $3.276700000e+04;
	v40 =	vld [tilespmem:s0+$0x124D0]  }
0x220: {  	v42 =	vcvt.f32.s32 v12;
	v12 =	vmovc v34;
	v17 =	vadd.s32 $0x8000, v30;
	v30 =	vcvt.f32.s32 v10;
	v41 =	vld [tilespmem:s0+$0x12410];
	[tilespmem:s17+$0x1A030] =	vst v43  }
0x221: {  	v10 =	vmin.f32 v27, $3.276700000e+04;
	v27 =	vtrunc.f32 v29;
	v29 =	vmax.f32 v33, $-3.276800000e+04;
	v32 =	vld.idx.msk [tilespmem:v32+s4+$0x0], $0xffff;
	[tilespmem:s7+$0x1A430] =	vst v25  }
0x222: {  	v33 =	vadd.s32 $0x8000, v42;
	v25 =	vtrunc.f32 v10;
	v10 =	vcvt.f32.s32 v27;
	[tilespmem:s0+$0x1A090] =	vst v37;
	v34 =	vld.idx.msk [tilespmem:v28+s4+$0x0], $0xffff  }
0x223: {  	v27 =	vmin.f32 v29, $3.276700000e+04;
	v29 =	vmul.f32 $4.096000000e+03, v35;
	v28 =	vcvt.f32.s32 v25;
	v25 =	vld.idx.msk [tilespmem:v31+s4+$0x0], $0xffff;
	[tilespmem:s17+$0x1A490] =	vst v23  }
0x224: {  	v22 =	vadd.s32 $0x8000, v22;
	v23 =	vtrunc.f32 v27;
	v35 =	vmul.f32 $4.096000000e+03, v38;
	v37 =	vld.idx.msk [tilespmem:v39+s4+$0x0], $0xffff  }
0x225: {  	v31 =	vadd.s32 $0x8000, v24;
	v24 =	vmax.f32 v29, $-3.276800000e+04;
	v23 =	vcvt.f32.s32 v23;
	v38 =	vld [tilespmem:s0+$0x12420]  }
0x226: {  	v39 =	vmul.f32 $4.096000000e+03, v40;
	v40 =	vadd.s32 $0x8000, v9;
	v24 =	vmin.f32 v24, $3.276700000e+04;
	v27 =	vld [tilespmem:s0+$0x12430]  }
.Ltmp1:
0x227: {  	v42 =	vmax.f32 v35, $-3.276800000e+04;
	v41 =	vmul.f32 $4.096000000e+03, v41;
	v29 =	vld [tilespmem:s0+$0x12440];
	[tilespmem:s17+$0x1A040] =	vst v32;
	(pc) =	sbr.rel @p2 .LBB2_5-.Ltmp1, $4  }
0x228: {  	v24 =	vtrunc.f32 v24;
	v35 =	vmax.f32 v39, $-3.276800000e+04;
	v9 =	vmovc v23;
	v32 =	vmin.f32 v42, $3.276700000e+04;
	v33 =	vld.idx.msk [tilespmem:v33+s4+$0x0], $0xffff;
	[tilespmem:s7+$0x1A440] =	vst v34  }
0x229: {  	v23 =	vcvt.f32.s32 v24;
	v24 =	vmin.f32 v35, $3.276700000e+04;
	v32 =	vtrunc.f32 v32;
	[tilespmem:s0+$0x1A0A0] =	vst v25;
	v25 =	vld.idx.msk [tilespmem:v22+s4+$0x0], $0xffff  }
0x22a: {  	v35 =	vadd.s32 $0x8000, v13;
	v13 =	vmovc v30;
	v32 =	vcvt.f32.s32 v32;
	v22 =	vtrunc.f32 v24;
	v36 =	vld.idx.msk [tilespmem:v36+s4+$0x0], $0xffff;
	[tilespmem:s17+$0x1A4A0] =	vst v37  }
0x22b: {  	s19 =	sadd.s32 $0x100, s19;
	s20 =	sadd.s32 $0x200, s20;
	v30 =	vmax.f32 v41, $-3.276800000e+04;
	v34 =	vmul.f32 $4.096000000e+03, v38;
	v24 =	vcvt.f32.s32 v22;
	v22 =	vld.idx.msk [tilespmem:v40+s4+$0x0], $0xffff  }
0x22c: {  	_ =	sdelay $0x1  }
0x22d: {  	v14 =	vtrunc.f32 v14  }
0x22e: {  	v14 =	vcvt.f32.s32 v14  }
0x22f: {  	v26 =	vld.idx.msk [tilespmem:v26+s4+$0x0], $0xffff  }
0x230: {  	v14 =	vadd.s32 $0x8000, v14;
	_ =	sdelay $0x3  }
0x231: {  	[tilespmem:s0+$0x1A000] =	vst v26  }
0x232: {  	v14 =	vld.idx.msk [tilespmem:v14+s4+$0x0], $0xffff;
	_ =	sdelay $0x4  }
0x233: {  	[tilespmem:s0+$0x1A010] =	vst v14  }
0x234: {  	v14 =	vld.idx.msk [tilespmem:v16+s4+$0x0], $0xffff;
	_ =	sdelay $0x4  }
0x235: {  	[tilespmem:s0+$0x1A020] =	vst v14  }
0x236: {  	v14 =	vld.idx.msk [tilespmem:v17+s4+$0x0], $0xffff  }
0x237: {  	v11 =	vadd.s32 $0x8000, v11;
	_ =	sdelay $0x2  }
0x238: {  	[tilespmem:s0+$0x1A0B0] =	vst v36  }
0x239: {  	v12 =	vcvt.f32.s32 v12;
	v16 =	vld.idx.msk [tilespmem:v31+s4+$0x0], $0xffff;
	[tilespmem:s0+$0x1A030] =	vst v14  }
0x23a: {  	v14 =	vadd.s32 $0x8000, v18;
	v11 =	vld.idx.msk [tilespmem:v11+s4+$0x0], $0xffff  }
0x23b: {  	v12 =	vadd.s32 $0x8000, v12;
	_ =	sdelay $0x2  }
0x23c: {  	[tilespmem:s0+$0x1A0C0] =	vst v16  }
0x23d: {  	v14 =	vld.idx.msk [tilespmem:v14+s4+$0x0], $0xffff;
	[tilespmem:s0+$0x1A040] =	vst v11  }
0x23e: {  	v11 =	vadd.s32 $0x8000, v19;
	v12 =	vld.idx.msk [tilespmem:v12+s4+$0x0], $0xffff  }
0x23f: {  	v13 =	vadd.s32 $0x8000, v13;
	_ =	sdelay $0x1  }
0x240: {  	[tilespmem:s17+$0x1A050] =	vst v33  }
0x241: {  	v16 =	vld.idx.msk [tilespmem:v35+s4+$0x0], $0xffff;
	[tilespmem:s0+$0x1A0D0] =	vst v14  }
0x242: {  	v3 =	vadd.s32 $0x8000, v3;
	v11 =	vld.idx.msk [tilespmem:v11+s4+$0x0], $0xffff;
	[tilespmem:s0+$0x1A050] =	vst v12  }
0x243: {  	v12 =	vadd.s32 $0x8000, v15;
	v13 =	vld.idx.msk [tilespmem:v13+s4+$0x0], $0xffff  }
0x244: {  	v14 =	vadd.s32 $0x8000, v28;
	_ =	sdelay $0x1  }
0x245: {  	[tilespmem:s17+$0x1A060] =	vst v16  }
0x246: {  	v3 =	vld.idx.msk [tilespmem:v3+s4+$0x0], $0xffff;
	[tilespmem:s0+$0x1A0E0] =	vst v11  }
0x247: {  	v7 =	vadd.s32 $0x8000, v7;
	v11 =	vld.idx.msk [tilespmem:v12+s4+$0x0], $0xffff;
	[tilespmem:s0+$0x1A060] =	vst v13  }
0x248: {  	v12 =	vadd.s32 $0x8000, v20;
	v13 =	vld.idx.msk [tilespmem:v14+s4+$0x0], $0xffff  }
0x249: {  	v6 =	vmin.f32 v6, $3.276700000e+04;
	v14 =	vadd.s32 $0x8000, v32  }
0x24a: {  	v6 =	vtrunc.f32 v6  }
0x24b: {  	v6 =	vcvt.f32.s32 v6;
	[tilespmem:s17+$0x1A070] =	vst v3;
	v3 =	vmin.f32 v30, $3.276700000e+04  }
0x24c: {  	v7 =	vld.idx.msk [tilespmem:v7+s4+$0x0], $0xffff;
	v3 =	vtrunc.f32 v3;
	v15 =	vcvt.f32.s32 v21;
	[tilespmem:s0+$0x1A0F0] =	vst v11  }
0x24d: {  	v6 =	vadd.s32 $0x8000, v6;
	v3 =	vcvt.f32.s32 v3;
	v11 =	vld.idx.msk [tilespmem:v12+s4+$0x0], $0xffff;
	[tilespmem:s0+$0x1A070] =	vst v13  }
0x24e: {  	v12 =	vadd.s32 $0x8000, v15;
	v13 =	vld.idx.msk [tilespmem:v14+s4+$0x0], $0xffff  }
0x24f: {  	v3 =	vadd.s32 $0x8000, v3  }
0x250: {  	v14 =	vmax.f32 v34, $-3.276800000e+04  }
0x251: {  	[tilespmem:s17+$0x1A400] =	vst v7;
	v14 =	vmin.f32 v14, $3.276700000e+04  }
0x252: {  	v6 =	vld.idx.msk [tilespmem:v6+s4+$0x0], $0xffff;
	v7 =	vtrunc.f32 v14;
	[tilespmem:s0+$0x1A480] =	vst v11  }
0x253: {  	v8 =	vadd.s32 $0x8000, v8;
	v7 =	vcvt.f32.s32 v7;
	v11 =	vld.idx.msk [tilespmem:v12+s4+$0x0], $0xffff;
	[tilespmem:s0+$0x1A400] =	vst v13  }
0x254: {  	v10 =	vadd.s32 $0x8000, v10;
	v12 =	vmul.f32 $4.096000000e+03, v27;
	v3 =	vld.idx.msk [tilespmem:v3+s4+$0x0], $0xffff  }
0x255: {  	v7 =	vadd.s32 $0x8000, v7  }
0x256: {  	v12 =	vmax.f32 v12, $-3.276800000e+04  }
0x257: {  	[tilespmem:s17+$0x1A410] =	vst v6;
	v12 =	vmin.f32 v12, $3.276700000e+04  }
0x258: {  	v2 =	vmul.f32 $4.096000000e+03, v2;
	v8 =	vld.idx.msk [tilespmem:v8+s4+$0x0], $0xffff;
	v6 =	vtrunc.f32 v12;
	[tilespmem:s0+$0x1A490] =	vst v11  }
0x259: {  	v5 =	vadd.s32 $0x8000, v5;
	v6 =	vcvt.f32.s32 v6;
	v10 =	vld.idx.msk [tilespmem:v10+s4+$0x0], $0xffff;
	[tilespmem:s0+$0x1A410] =	vst v3  }
0x25a: {  	v2 =	vmax.f32 v2, $-3.276800000e+04;
	v3 =	vadd.s32 $0x8000, v9;
	v9 =	vmul.f32 $4.096000000e+03, v29;
	v7 =	vld.idx.msk [tilespmem:v7+s4+$0x0], $0xffff  }
0x25b: {  	v37 =	vld [tilespmem:s0+$0x12450];
	v2 =	vmin.f32 v2, $3.276700000e+04;
	v6 =	vadd.s32 $0x8000, v6  }
0x25c: {  	v2 =	vtrunc.f32 v2;
	v9 =	vmax.f32 v9, $-3.276800000e+04  }
0x25d: {  	v2 =	vcvt.f32.s32 v2;
	[tilespmem:s17+$0x1A420] =	vst v8;
	v8 =	vmin.f32 v9, $3.276700000e+04  }
0x25e: {  	v4 =	vmul.f32 $4.096000000e+03, v4;
	v1 =	vadd.s32 $0x8000, v1;
	v5 =	vld.idx.msk [tilespmem:v5+s4+$0x0], $0xffff;
	[tilespmem:s0+$0x1A4A0] =	vst v10;
	v8 =	vtrunc.f32 v8  }
0x25f: {  	v2 =	vadd.s32 $0x8000, v2;
	v3 =	vld.idx.msk [tilespmem:v3+s4+$0x0], $0xffff;
	v8 =	vcvt.f32.s32 v8;
	[tilespmem:s0+$0x1A420] =	vst v7  }
0x260: {  	v4 =	vmax.f32 v4, $-3.276800000e+04;
	v9 =	vadd.s32 $0x8000, v23;
	v7 =	vmul.f32 $4.096000000e+03, v37;
	v6 =	vld.idx.msk [tilespmem:v6+s4+$0x0], $0xffff  }
0x261: {  	v4 =	vmin.f32 v4, $3.276700000e+04;
	v8 =	vadd.s32 $0x8000, v8  }
0x262: {  	v4 =	vtrunc.f32 v4;
	[tilespmem:s17+$0x1A4B0] =	vst v22;
	v7 =	vmax.f32 v7, $-3.276800000e+04  }
0x263: {  	v4 =	vcvt.f32.s32 v4;
	v1 =	vld.idx.msk [tilespmem:v1+s4+$0x0], $0xffff;
	[tilespmem:s17+$0x1A430] =	vst v5;
	v5 =	vmin.f32 v7, $3.276700000e+04  }
0x264: {  	v0 =	vadd.s32 $0x8000, v0;
	v2 =	vld.idx.msk [tilespmem:v2+s4+$0x0], $0xffff;
	v5 =	vtrunc.f32 v5;
	[tilespmem:s0+$0x1A4B0] =	vst v3  }
0x265: {  	v3 =	vadd.s32 $0x8000, v4;
	v4 =	vcvt.f32.s32 v5;
	v5 =	vld.idx.msk [tilespmem:v9+s4+$0x0], $0xffff;
	[tilespmem:s0+$0x1A430] =	vst v6  }
0x266: {  	v6 =	vadd.s32 $0x8000, v24;
	v7 =	vld.idx.msk [tilespmem:v8+s4+$0x0], $0xffff  }
0x267: {  	v4 =	vadd.s32 $0x8000, v4  }
0x268: {  	[tilespmem:s17+$0x1A4C0] =	vst v1  }
0x269: {  	v0 =	vld.idx.msk [tilespmem:v0+s4+$0x0], $0xffff;
	[tilespmem:s17+$0x1A440] =	vst v2  }
0x26a: {  	v1 =	vld.idx.msk [tilespmem:v3+s4+$0x0], $0xffff;
	[tilespmem:s0+$0x1A4C0] =	vst v5  }
0x26b: {  	v2 =	vld.idx.msk [tilespmem:v6+s4+$0x0], $0xffff;
	[tilespmem:s0+$0x1A440] =	vst v7  }
0x26c: {  	v3 =	vld.idx.msk [tilespmem:v4+s4+$0x0], $0xffff  }
0x26d: {  	[tilespmem:s7+$0x1A450] =	vst v25  }
0x26e: {  	[tilespmem:s17+$0x1A4D0] =	vst v0  }
0x26f: {  	[tilespmem:s17+$0x1A450] =	vst v1  }
0x270: {  	s2 =	sshll.u32 s2, $0x5;
	[tilespmem:s0+$0x1A4D0] =	vst v2  }
0x271: {  	s7 =	sadd.s32 s3, s2;
	[tilespmem:s0+$0x1A450] =	vst v3;
	s0 =	sadd.s32 @!p1 s9, s13  }
0x272: {  	[hbm4b:s7+s4] =	stream.linear.scatter [tilespmem:s25], [sflag:$0x6], $0x2000, $0x38;
	v63 =	vld [tilespmem:$0x0]  }
0x273: {  	s0 =	sshrl.u32 @!p1 s0, $0x3  }
0x274: {  	s2 =	simm.s32 @!p1 $0x0;
	s7 =	simm.s32 @!p1 $0x12000;
	s0 =	sadd.s32 @!p1 s1, s0  }
0x275: {  	[tilespmem:s7], [sflag:$0x2] =	stream.linear.gather @!p1 [hbm4b:s0+s2], $0x2000, $0x38;
	v63 =	vld [tilespmem:$0x0]  }
0x276: {  	_ =	swait.ge [sflag:s26], $0x2000  }
0x277: {  	[sflag:s26] =	ssyncset.done $0x0  }
0x278: {  	s0 =	simm.s32 @!p0 $0x7;
	[sflag:s26] =	ssyncadd.s32 $0xFFFFE000  }
0x279: {  	s15 =	simm.s32 $0x0;
	_ =	swait.ge @!p0 [sflag:s0], $0x2000  }
0x27a: {  	s17 =	sand.u32 $0x1800, s15;
	s2 =	sand.u32 $0x300, s15;
	[sflag:s0] =	ssyncset.done @!p0 $0x0  }
0x27b: {  	s7 =	sor.u32 s2, s17;
	[sflag:s0] =	ssyncadd.s32 @!p0 $0xFFFFE000  }
0x27c: {  	v0 =	vld [tilespmem:s7+$0x14020]  }
0x27d: {  	v1 =	vld [tilespmem:s7+$0x140C0]  }
0x27e: {  	v2 =	vld [tilespmem:s7+$0x140B0]  }
0x27f: {  	v3 =	vld [tilespmem:s7+$0x14000]  }
0x280: {  	v4 =	vld [tilespmem:s7+$0x140A0]  }
0x281: {  	v5 =	vld [tilespmem:s7+$0x14010]  }
0x282: {  	v6 =	vld [tilespmem:s7+$0x14080]  }
0x283: {  	s18 =	simm.s32 $0x100;
	s19 =	simm.s32 $0x200;
	v7 =	vld [tilespmem:s7+$0x14030]  }
0x284: {  	s2 =	sand.u32 $0x1800, s19;
	s0 =	sand.u32 $0x300, s18;
	v8 =	vld [tilespmem:s7+$0x14090]  }
0x285: {  	v9 =	vld [tilespmem:s7+$0x140D0];
	s17 =	sor.u32 s0, s2  }
0x286: {  	v25 =	vld [tilespmem:s17+$0x140B0]  }
0x287: {  	v27 =	vld [tilespmem:s17+$0x140A0]  }
0x288: {  	v48 =	vld [tilespmem:s17+$0x140D0]  }
0x289: {  	v39 =	vld [tilespmem:s17+$0x144B0];
	v2 =	vmul.f32 $4.096000000e+03, v2;
	v1 =	vmul.f32 $4.096000000e+03, v1  }
0x28a: {  	v60 =	vld [tilespmem:s17+$0x14400];
	v3 =	vmul.f32 $4.096000000e+03, v3;
	v0 =	vmul.f32 $4.096000000e+03, v0  }
0x28b: {  	v44 =	vld [tilespmem:s17+$0x14420];
	v4 =	vmul.f32 $4.096000000e+03, v4;
	v5 =	vmul.f32 $4.096000000e+03, v5  }
0x28c: {  	v46 =	vld [tilespmem:s17+$0x14430];
	v6 =	vmul.f32 $4.096000000e+03, v6;
	v7 =	vmul.f32 $4.096000000e+03, v7  }
0x28d: {  	v8 =	vmul.f32 $4.096000000e+03, v8;
	v9 =	vmul.f32 $4.096000000e+03, v9  }
0x28e: {  	v25 =	vmul.f32 $4.096000000e+03, v25;
	v27 =	vmul.f32 $4.096000000e+03, v27  }
0x28f: {  	v33 =	vmul.f32 $4.096000000e+03, v48;
	v59 =	vmul.f32 $4.096000000e+03, v39  }
0x290: {  	v42 =	vmul.f32 $4.096000000e+03, v60;
	v36 =	vmul.f32 $4.096000000e+03, v44  }
0x291: {  	v37 =	vmul.f32 $4.096000000e+03, v46;
	v2 =	vmax.f32 v2, $-3.276800000e+04;
	v1 =	vmax.f32 v1, $-3.276800000e+04  }
0x292: {  	v3 =	vmax.f32 v3, $-3.276800000e+04;
	v0 =	vmax.f32 v0, $-3.276800000e+04;
	v5 =	vmax.f32 v5, $-3.276800000e+04  }
0x293: {  	v4 =	vmax.f32 v4, $-3.276800000e+04;
	v6 =	vmax.f32 v6, $-3.276800000e+04;
	v7 =	vmax.f32 v7, $-3.276800000e+04  }
0x294: {  	v8 =	vmax.f32 v8, $-3.276800000e+04;
	v9 =	vmax.f32 v9, $-3.276800000e+04;
	v2 =	vmin.f32 v2, $3.276700000e+04  }
0x295: {  	v1 =	vmin.f32 v1, $3.276700000e+04;
	v3 =	vmin.f32 v3, $3.276700000e+04;
	v4 =	vmin.f32 v4, $3.276700000e+04  }
0x296: {  	v0 =	vmin.f32 v0, $3.276700000e+04;
	v2 =	vtrunc.f32 v2;
	v3 =	vtrunc.f32 v3  }
0x297: {  	v13 =	vld [tilespmem:s7+$0x14490];
	v7 =	vmin.f32 v7, $3.276700000e+04;
	v10 =	vtrunc.f32 v1;
	v1 =	vtrunc.f32 v4  }
0x298: {  	v14 =	vld [tilespmem:s7+$0x14040];
	v5 =	vmin.f32 v5, $3.276700000e+04;
	v0 =	vtrunc.f32 v0;
	v7 =	vtrunc.f32 v7  }
0x299: {  	s20 =	simm.s32 $0x200;
	s21 =	simm.s32 $0x400;
	v4 =	vmin.f32 v6, $3.276700000e+04;
	v5 =	vtrunc.f32 v5;
	v2 =	vcvt.f32.s32 v2  }
0x29a: {  	s2 =	sand.u32 $0x1800, s21;
	s0 =	sand.u32 $0x300, s20;
	v8 =	vmin.f32 v8, $3.276700000e+04;
	v11 =	vcvt.f32.s32 v3;
	v3 =	vtrunc.f32 v4  }
0x29b: {  	v12 =	vld [tilespmem:s7+$0x14480];
	s0 =	sor.u32 s0, s2;
	v25 =	vmax.f32 v25, $-3.276800000e+04;
	v0 =	vcvt.f32.s32 v0;
	v1 =	vcvt.f32.s32 v1  }
0x29c: {  	v60 =	vld [tilespmem:s0+$0x140D0];
	v25 =	vmin.f32 v25, $3.276700000e+04;
	v15 =	vcvt.f32.s32 v7;
	v7 =	vtrunc.f32 v8  }
0x29d: {  	v6 =	vld [tilespmem:s7+$0x140E0];
	v8 =	vmin.f32 v9, $3.276700000e+04;
	v9 =	vmul.f32 $4.096000000e+03, v13;
	v13 =	vmul.f32 $4.096000000e+03, v14  }
0x29e: {  	v33 =	vmax.f32 v33, $-3.276800000e+04;
	v5 =	vcvt.f32.s32 v5;
	v25 =	vtrunc.f32 v25  }
0x29f: {  	v37 =	vmax.f32 v37, $-3.276800000e+04;
	v4 =	vld [tilespmem:s7+$0x140F0];
	v3 =	vcvt.f32.s32 v3;
	v7 =	vcvt.f32.s32 v7  }
0x2a0: {  	v37 =	vmin.f32 v37, $3.276700000e+04;
	v8 =	vtrunc.f32 v8;
	v25 =	vcvt.f32.s32 v25  }
0x2a1: {  	v14 =	vld [tilespmem:s7+$0x144A0];
	v39 =	vmul.f32 $4.096000000e+03, v60;
	v17 =	vcvt.f32.s32 v8;
	v23 =	vadd.s32 $0x8000, v11  }
0x2a2: {  	v8 =	vmul.f32 $4.096000000e+03, v12;
	v3 =	vadd.s32 $0x8000, v3;
	v6 =	vmul.f32 $4.096000000e+03, v6  }
0x2a3: {  	v12 =	vld [tilespmem:s7+$0x14050];
	v19 =	vmax.f32 v9, $-3.276800000e+04;
	v13 =	vmax.f32 v13, $-3.276800000e+04;
	v28 =	vadd.s32 $0x8000, v5  }
0x2a4: {  	v7 =	vadd.s32 $0x8000, v7;
	v4 =	vmul.f32 $4.096000000e+03, v4;
	v6 =	vmax.f32 v6, $-3.276800000e+04  }
0x2a5: {  	v16 =	vld [tilespmem:s7+$0x14060];
	v25 =	vadd.s32 $0x8000, v25;
	v17 =	vadd.s32 $0x8000, v17;
	v6 =	vmin.f32 v6, $3.276700000e+04  }
0x2a6: {  	v14 =	vmul.f32 $4.096000000e+03, v14;
	v4 =	vmax.f32 v4, $-3.276800000e+04;
	v23 =	vld.idx.msk [tilespmem:v23+s4+$0x0], $0xffff;
	v6 =	vtrunc.f32 v6  }
0x2a7: {  	v3 =	vld.idx.msk [tilespmem:v3+s4+$0x0], $0xffff;
	v4 =	vmin.f32 v4, $3.276700000e+04;
	v18 =	vcvt.f32.s32 v6;
	v6 =	vmax.f32 v8, $-3.276800000e+04  }
0x2a8: {  	v31 =	vld [tilespmem:s17+$0x14090];
	v12 =	vmul.f32 $4.096000000e+03, v12;
	v4 =	vtrunc.f32 v4;
	v6 =	vmin.f32 v6, $3.276700000e+04  }
0x2a9: {  	v9 =	vcvt.f32.s32 v4;
	v4 =	vtrunc.f32 v6;
	v6 =	vadd.s32 $0x8000, v1  }
0x2aa: {  	v1 =	vmin.f32 v13, $3.276700000e+04;
	v13 =	vadd.s32 $0x8000, v2;
	v2 =	vmul.f32 $4.096000000e+03, v16  }
0x2ab: {  	v21 =	vld [tilespmem:s7+$0x14070];
	v18 =	vadd.s32 $0x8000, v18;
	v22 =	vcvt.f32.s32 v4;
	[tilespmem:s7+$0x1C000] =	vst v23;
	v23 =	vmax.f32 v27, $-3.276800000e+04  }
0x2ac: {  	v9 =	vadd.s32 $0x8000, v9;
	[tilespmem:s7+$0x1C080] =	vst v3;
	v2 =	vmax.f32 v2, $-3.276800000e+04;
	v27 =	vld.idx.msk [tilespmem:v28+s4+$0x0], $0xffff;
	v23 =	vmin.f32 v23, $3.276700000e+04  }
0x2ad: {  	v28 =	vmul.f32 $4.096000000e+03, v31;
	v4 =	vld.idx.msk [tilespmem:v7+s4+$0x0], $0xffff;
	v7 =	vadd.s32 $0x8000, v0;
	v0 =	vtrunc.f32 v1  }
0x2ae: {  	v8 =	vld [tilespmem:s7+$0x144B0];
	v1 =	vmin.f32 v19, $3.276700000e+04;
	v2 =	vmin.f32 v2, $3.276700000e+04;
	v22 =	vadd.s32 $0x8000, v22  }
0x2af: {  	v19 =	vld [tilespmem:s7+$0x14400];
	v3 =	vcvt.f32.s32 v0;
	v0 =	vmax.f32 v12, $-3.276800000e+04;
	v12 =	vtrunc.f32 v1  }
0x2b0: {  	v2 =	vtrunc.f32 v2;
	v28 =	vmax.f32 v28, $-3.276800000e+04;
	v0 =	vmin.f32 v0, $3.276700000e+04  }
0x2b1: {  	v12 =	vcvt.f32.s32 v12;
	v28 =	vmin.f32 v28, $3.276700000e+04;
	v1 =	vtrunc.f32 v0  }
0x2b2: {  	v20 =	vld [tilespmem:s7+$0x144C0];
	v0 =	vmul.f32 $4.096000000e+03, v21;
	v28 =	vtrunc.f32 v28;
	v3 =	vadd.s32 $0x8000, v3  }
0x2b3: {  	v24 =	vld [tilespmem:s7+$0x14420];
	v29 =	vadd.s32 $0x8000, v12;
	v28 =	vcvt.f32.s32 v28;
	v1 =	vcvt.f32.s32 v1  }
0x2b4: {  	v12 =	vld [tilespmem:s17+$0x14030];
	[tilespmem:s7+$0x1C090] =	vst v4;
	v4 =	vmul.f32 $4.096000000e+03, v8;
	v8 =	vmax.f32 v14, $-3.276800000e+04;
	v19 =	vmul.f32 $4.096000000e+03, v19  }
0x2b5: {  	v14 =	vld.idx.msk [tilespmem:v6+s4+$0x0], $0xffff;
	v6 =	vmax.f32 v0, $-3.276800000e+04;
	v8 =	vmin.f32 v8, $3.276700000e+04;
	v0 =	vcvt.f32.s32 v2  }
0x2b6: {  	v16 =	vld [tilespmem:s7+$0x144D0];
	v2 =	vmin.f32 v6, $3.276700000e+04;
	v6 =	vtrunc.f32 v8;
	v8 =	vmax.f32 v4, $-3.276800000e+04  }
0x2b7: {  	v21 =	vld [tilespmem:s7+$0x14410];
	v2 =	vtrunc.f32 v2;
	v4 =	vcvt.f32.s32 v6;
	v6 =	vmin.f32 v8, $3.276700000e+04  }
0x2b8: {  	v1 =	vadd.s32 $0x8000, v1;
	v8 =	vcvt.f32.s32 v10;
	v11 =	vtrunc.f32 v6  }
0x2b9: {  	[tilespmem:s7+$0x1C010] =	vst v27;
	v6 =	vadd.s32 $0x8000, v15;
	v15 =	vmul.f32 $4.096000000e+03, v20;
	v10 =	vcvt.f32.s32 v2  }
0x2ba: {  	v7 =	vld.idx.msk [tilespmem:v7+s4+$0x0], $0xffff;
	v12 =	vmul.f32 $4.096000000e+03, v12;
	v8 =	vadd.s32 $0x8000, v8;
	v2 =	vcvt.f32.s32 v11  }
0x2bb: {  	v20 =	vld [tilespmem:s7+$0x14430];
	v4 =	vadd.s32 $0x8000, v4;
	[tilespmem:s7+$0x1C0A0] =	vst v14;
	v11 =	vmax.f32 v15, $-3.276800000e+04;
	v14 =	vmul.f32 $4.096000000e+03, v16  }
0x2bc: {  	v15 =	vmax.f32 v19, $-3.276800000e+04;
	v16 =	vmul.f32 $4.096000000e+03, v21;
	v19 =	vmul.f32 $4.096000000e+03, v24;
	v13 =	vld.idx.msk [tilespmem:v13+s4+$0x0], $0xffff  }
0x2bd: {  	v12 =	vmax.f32 v12, $-3.276800000e+04;
	v11 =	vmin.f32 v11, $3.276700000e+04;
	v15 =	vmin.f32 v15, $3.276700000e+04  }
0x2be: {  	v21 =	vld [tilespmem:s17+$0x14020];
	v12 =	vmin.f32 v12, $3.276700000e+04;
	v11 =	vtrunc.f32 v11;
	v15 =	vtrunc.f32 v15  }
0x2bf: {  	v24 =	vld [tilespmem:s17+$0x140C0];
	v14 =	vmax.f32 v14, $-3.276800000e+04;
	v12 =	vtrunc.f32 v12;
	v11 =	vcvt.f32.s32 v11  }
0x2c0: {  	[tilespmem:s7+$0x1C020] =	vst v7;
	v14 =	vmin.f32 v14, $3.276700000e+04;
	v20 =	vmul.f32 $4.096000000e+03, v20;
	v51 =	vcvt.f32.s32 v12;
	v12 =	vld [tilespmem:s17+$0x14040]  }
0x2c1: {  	v19 =	vmax.f32 v19, $-3.276800000e+04;
	v15 =	vcvt.f32.s32 v15;
	v6 =	vld.idx.msk [tilespmem:v6+s4+$0x0], $0xffff;
	v14 =	vtrunc.f32 v14;
	[tilespmem:s7+$0x1C0B0] =	vst v13  }
0x2c2: {  	v13 =	vcvt.f32.s32 v14;
	v14 =	vmin.f32 v19, $3.276700000e+04;
	v19 =	vld.idx.msk [tilespmem:v8+s4+$0x0], $0xffff;
	v8 =	vmax.f32 v20, $-3.276800000e+04  }
0x2c3: {  	v21 =	vmul.f32 $4.096000000e+03, v21;
	v14 =	vtrunc.f32 v14;
	v20 =	vld [tilespmem:s17+$0x14000];
	v26 =	vmin.f32 v8, $3.276700000e+04  }
0x2c4: {  	v8 =	vcvt.f32.s32 v14;
	v14 =	vmax.f32 v16, $-3.276800000e+04;
	v16 =	vtrunc.f32 v26;
	v26 =	vld [tilespmem:s17+$0x14010]  }
0x2c5: {  	v45 =	vadd.s32 $0x8000, v2;
	v24 =	vmul.f32 $4.096000000e+03, v24;
	v21 =	vmax.f32 v21, $-3.276800000e+04  }
0x2c6: {  	v15 =	vadd.s32 $0x8000, v15;
	v11 =	vadd.s32 $0x8000, v11;
	v47 =	vmin.f32 v21, $3.276700000e+04;
	[tilespmem:s7+$0x1C030] =	vst v6  }
0x2c7: {  	v12 =	vmul.f32 $4.096000000e+03, v12;
	v6 =	vmax.f32 v59, $-3.276800000e+04;
	[tilespmem:s7+$0x1C0C0] =	vst v19;
	v19 =	vmax.f32 v24, $-3.276800000e+04;
	v24 =	vld [tilespmem:s17+$0x14080]  }
0x2c8: {  	v14 =	vmin.f32 v14, $3.276700000e+04;
	v16 =	vcvt.f32.s32 v16;
	v20 =	vmul.f32 $4.096000000e+03, v20;
	v17 =	vld.idx.msk [tilespmem:v17+s4+$0x0], $0xffff  }
0x2c9: {  	v6 =	vmin.f32 v6, $3.276700000e+04;
	v14 =	vtrunc.f32 v14;
	v26 =	vmul.f32 $4.096000000e+03, v26  }
0x2ca: {  	v62 =	vld [tilespmem:s17+$0x14410];
	v6 =	vtrunc.f32 v6;
	v14 =	vcvt.f32.s32 v14;
	v30 =	vmax.f32 v20, $-3.276800000e+04  }
0x2cb: {  	v19 =	vmin.f32 v19, $3.276700000e+04;
	v20 =	vld [tilespmem:s7+$0x14450];
	v30 =	vmin.f32 v30, $3.276700000e+04;
	v26 =	vmax.f32 v26, $-3.276800000e+04  }
0x2cc: {  	v21 =	vmin.f32 v26, $3.276700000e+04;
	v26 =	vtrunc.f32 v30;
	v30 =	vtrunc.f32 v19  }
0x2cd: {  	v40 =	vadd.s32 $0x8000, v13;
	v19 =	vmul.f32 $4.096000000e+03, v24;
	[tilespmem:s7+$0x1C0D0] =	vst v17;
	v17 =	vtrunc.f32 v23  }
0x2ce: {  	v50 =	vld [tilespmem:s17+$0x14490];
	v12 =	vmax.f32 v12, $-3.276800000e+04;
	v23 =	vtrunc.f32 v47;
	v49 =	vcvt.f32.s32 v26  }
0x2cf: {  	v24 =	vld [tilespmem:s17+$0x140E0];
	v47 =	vmul.f32 $4.096000000e+03, v62;
	v23 =	vcvt.f32.s32 v23;
	v19 =	vmax.f32 v19, $-3.276800000e+04  }
0x2d0: {  	v18 =	vld.idx.msk [tilespmem:v18+s4+$0x0], $0xffff;
	v17 =	vcvt.f32.s32 v17;
	v20 =	vmul.f32 $4.096000000e+03, v20;
	v19 =	vmin.f32 v19, $3.276700000e+04  }
0x2d1: {  	v26 =	vld [tilespmem:s17+$0x140F0];
	v32 =	vadd.s32 $0x8000, v49;
	v49 =	vtrunc.f32 v21;
	v21 =	vadd.s32 $0x8000, v8  }
0x2d2: {  	v31 =	vld [tilespmem:s17+$0x14480];
	v8 =	vmax.f32 v36, $-3.276800000e+04;
	v19 =	vtrunc.f32 v19;
	v38 =	vadd.s32 $0x8000, v17  }
0x2d3: {  	v52 =	vld [tilespmem:s17+$0x14050];
	v35 =	vcvt.f32.s32 v49;
	v8 =	vmin.f32 v8, $3.276700000e+04;
	v19 =	vcvt.f32.s32 v19  }
0x2d4: {  	v53 =	vld [tilespmem:s17+$0x14060];
	v20 =	vmax.f32 v20, $-3.276800000e+04;
	v49 =	vmax.f32 v39, $-3.276800000e+04;
	v24 =	vmul.f32 $4.096000000e+03, v24  }
0x2d5: {  	v17 =	vld [tilespmem:s17+$0x144A0];
	v20 =	vmin.f32 v20, $3.276700000e+04;
	[tilespmem:s7+$0x1C0E0] =	vst v18;
	v18 =	vmin.f32 v33, $3.276700000e+04;
	v19 =	vadd.s32 $0x8000, v19  }
0x2d6: {  	v27 =	vmul.f32 $4.096000000e+03, v26;
	v24 =	vmax.f32 v24, $-3.276800000e+04;
	v9 =	vld.idx.msk [tilespmem:v9+s4+$0x0], $0xffff;
	v18 =	vtrunc.f32 v18  }
0x2d7: {  	v55 =	vld [tilespmem:s17+$0x14070];
	v26 =	vcvt.f32.s32 v18;
	v18 =	vmin.f32 v24, $3.276700000e+04;
	v24 =	vmul.f32 $4.096000000e+03, v31  }
0x2d8: {  	v57 =	vld [tilespmem:s17+$0x144C0];
	v20 =	vtrunc.f32 v20;
	v35 =	vadd.s32 $0x8000, v35;
	v33 =	vmul.f32 $4.096000000e+03, v52  }
0x2d9: {  	v61 =	vld [tilespmem:s17+$0x144D0];
	v27 =	vmax.f32 v27, $-3.276800000e+04;
	v31 =	vmul.f32 $4.096000000e+03, v50;
	v24 =	vmax.f32 v24, $-3.276800000e+04  }
0x2da: {  	v54 =	vmin.f32 v27, $3.276700000e+04;
	v7 =	vmul.f32 $4.096000000e+03, v17;
	v24 =	vmin.f32 v24, $3.276700000e+04;
	v56 =	vld.idx.msk [tilespmem:v19+s4+$0x0], $0xffff  }
0x2db: {  	v41 =	vld [tilespmem:s0+$0x14010];
	v18 =	vtrunc.f32 v18;
	[tilespmem:s7+$0x1C0F0] =	vst v9;
	v9 =	vtrunc.f32 v24;
	v24 =	vadd.s32 $0x8000, v28  }
0x2dc: {  	v60 =	vld [tilespmem:s0+$0x144A0];
	v27 =	vcvt.f32.s32 v18;
	v18 =	vtrunc.f32 v54;
	v31 =	vmax.f32 v31, $-3.276800000e+04  }
0x2dd: {  	v19 =	vcvt.f32.s32 v18;
	v18 =	vadd.s32 $0x8000, v23;
	v23 =	vmin.f32 v31, $3.276700000e+04;
	v22 =	vld.idx.msk [tilespmem:v22+s4+$0x0], $0xffff  }
0x2de: {  	v5 =	vld [tilespmem:s7+$0x14440];
	v7 =	vmax.f32 v7, $-3.276800000e+04;
	v31 =	vtrunc.f32 v23;
	v23 =	vmul.f32 $4.096000000e+03, v53  }
0x2df: {  	v50 =	vld [tilespmem:s0+$0x14020];
	v54 =	vadd.s32 $0x8000, v10;
	v10 =	vadd.s32 $0x8000, v16;
	v7 =	vmin.f32 v7, $3.276700000e+04;
	[tilespmem:s17+$0x1C080] =	vst v56  }
0x2e0: {  	v7 =	vtrunc.f32 v7;
	v17 =	vmax.f32 v23, $-3.276800000e+04;
	v23 =	vmul.f32 $4.096000000e+03, v55;
	v58 =	vld.idx.msk [tilespmem:v24+s4+$0x0], $0xffff  }
0x2e1: {  	v2 =	vld [tilespmem:s17+$0x14440];
	v28 =	vcvt.f32.s32 v9;
	v9 =	vmin.f32 v12, $3.276700000e+04;
	v17 =	vmin.f32 v17, $3.276700000e+04  }
0x2e2: {  	v16 =	vld [tilespmem:s0+$0x140A0];
	v31 =	vcvt.f32.s32 v31;
	v17 =	vtrunc.f32 v17;
	v23 =	vmax.f32 v23, $-3.276800000e+04;
	[tilespmem:s7+$0x1C480] =	vst v22  }
0x2e3: {  	v9 =	vtrunc.f32 v9;
	v22 =	vcvt.f32.s32 v17;
	v17 =	vmin.f32 v23, $3.276700000e+04;
	v29 =	vld.idx.msk [tilespmem:v29+s4+$0x0], $0xffff  }
0x2e4: {  	v26 =	vadd.s32 $0x8000, v26;
	v23 =	vtrunc.f32 v17;
	v17 =	vcvt.f32.s32 v7;
	v7 =	vld.idx.msk [tilespmem:v3+s4+$0x0], $0xffff  }
0x2e5: {  	v59 =	vld [tilespmem:s0+$0x14090];
	v27 =	vadd.s32 $0x8000, v27;
	v55 =	vmul.f32 $4.096000000e+03, v50;
	v12 =	vcvt.f32.s32 v9;
	[tilespmem:s17+$0x1C090] =	vst v58  }
0x2e6: {  	v19 =	vadd.s32 $0x8000, v19;
	v3 =	vcvt.f32.s32 v23;
	v23 =	vcvt.f32.s32 v30;
	v30 =	vld.idx.msk [tilespmem:v38+s4+$0x0], $0xffff  }
0x2e7: {  	v32 =	vld.idx.msk [tilespmem:v32+s4+$0x0], $0xffff;
	v9 =	vmax.f32 v33, $-3.276800000e+04;
	v33 =	vmax.f32 v42, $-3.276800000e+04;
	v13 =	vadd.s32 $0x8000, v31  }
0x2e8: {  	v53 =	vld [tilespmem:s0+$0x140B0];
	v16 =	vmul.f32 $4.096000000e+03, v16;
	v9 =	vmin.f32 v9, $3.276700000e+04;
	[tilespmem:s7+$0x1C490] =	vst v29;
	v29 =	vmul.f32 $4.096000000e+03, v57  }
0x2e9: {  	v9 =	vtrunc.f32 v9;
	v24 =	vadd.s32 $0x8000, v51;
	v43 =	vadd.s32 $0x8000, v23;
	[tilespmem:s7+$0x1C040] =	vst v7;
	v4 =	vld.idx.msk [tilespmem:v4+s4+$0x0], $0xffff  }
0x2ea: {  	v23 =	vcvt.f32.s32 v6;
	v48 =	vld.idx.msk [tilespmem:v1+s4+$0x0], $0xffff;
	v6 =	vmax.f32 v29, $-3.276800000e+04;
	v29 =	vmul.f32 $4.096000000e+03, v61  }
0x2eb: {  	v52 =	vld [tilespmem:s0+$0x140C0];
	v51 =	vmul.f32 $4.096000000e+03, v5;
	v6 =	vmin.f32 v6, $3.276700000e+04;
	[tilespmem:s17+$0x1C0A0] =	vst v30;
	v30 =	vadd.s32 $0x8000, v0  }
0x2ec: {  	v5 =	vtrunc.f32 v8;
	v6 =	vtrunc.f32 v6;
	v29 =	vmax.f32 v29, $-3.276800000e+04;
	v25 =	vld.idx.msk [tilespmem:v25+s4+$0x0], $0xffff  }
0x2ed: {  	[tilespmem:s17+$0x1C000] =	vst v32;
	v42 =	vld [tilespmem:s0+$0x14030];
	v8 =	vcvt.f32.s32 v5;
	v1 =	vcvt.f32.s32 v6;
	v6 =	vmin.f32 v29, $3.276700000e+04  }
0x2ee: {  	v35 =	vld.idx.msk [tilespmem:v35+s4+$0x0], $0xffff;
	v28 =	vadd.s32 $0x8000, v28;
	v5 =	vtrunc.f32 v37;
	v29 =	vtrunc.f32 v6;
	[tilespmem:s7+$0x1C4A0] =	vst v4  }
0x2ef: {  	v16 =	vmax.f32 v16, $-3.276800000e+04;
	v37 =	vmul.f32 $4.096000000e+03, v53;
	[tilespmem:s7+$0x1C050] =	vst v48;
	v0 =	vcvt.f32.s32 v29;
	v29 =	vld.idx.msk [tilespmem:v45+s4+$0x0], $0xffff  }
0x2f0: {  	v16 =	vmin.f32 v16, $3.276700000e+04;
	v9 =	vcvt.f32.s32 v9;
	v5 =	vcvt.f32.s32 v5;
	v30 =	vld.idx.msk [tilespmem:v30+s4+$0x0], $0xffff  }
0x2f1: {  	v16 =	vtrunc.f32 v16;
	v56 =	vmax.f32 v37, $-3.276800000e+04;
	[tilespmem:s17+$0x1C0B0] =	vst v25;
	v25 =	vcvt.f32.s32 v20;
	v20 =	vld [tilespmem:s0+$0x14000]  }
0x2f2: {  	v62 =	vmul.f32 $4.096000000e+03, v42;
	v16 =	vcvt.f32.s32 v16;
	v36 =	vmin.f32 v56, $3.276700000e+04;
	v34 =	vld.idx.msk [tilespmem:v43+s4+$0x0], $0xffff  }
0x2f3: {  	v58 =	vmul.f32 $4.096000000e+03, v41;
	v36 =	vtrunc.f32 v36;
	v6 =	vmax.f32 v47, $-3.276800000e+04;
	v47 =	vld [tilespmem:s0+$0x14480]  }
0x2f4: {  	v38 =	vmax.f32 v51, $-3.276800000e+04;
	v36 =	vcvt.f32.s32 v36;
	v7 =	vmin.f32 v33, $3.276700000e+04;
	v57 =	vld [tilespmem:s0+$0x14080]  }
0x2f5: {  	v38 =	vmin.f32 v38, $3.276700000e+04;
	v33 =	vmax.f32 v55, $-3.276800000e+04;
	v7 =	vtrunc.f32 v7;
	v48 =	vld [tilespmem:s0+$0x14490];
	[tilespmem:s7+$0x1C060] =	vst v30  }
0x2f6: {  	v33 =	vmin.f32 v33, $3.276700000e+04;
	v36 =	vadd.s32 $0x8000, v36;
	[tilespmem:s7+$0x1C4B0] =	vst v29;
	v29 =	vmul.f32 $4.096000000e+03, v52;
	v31 =	vld.idx.msk [tilespmem:v54+s4+$0x0], $0xffff  }
0x2f7: {  	v7 =	vcvt.f32.s32 v7;
	v61 =	vadd.s32 $0x8000, v14;
	v52 =	vld [tilespmem:s0+$0x14060];
	v20 =	vmul.f32 $4.096000000e+03, v20;
	[tilespmem:s17+$0x1C0C0] =	vst v34  }
0x2f8: {  	v14 =	vmax.f32 v58, $-3.276800000e+04;
	v53 =	vmul.f32 $4.096000000e+03, v47;
	v29 =	vmax.f32 v29, $-3.276800000e+04;
	v26 =	vld.idx.msk [tilespmem:v26+s4+$0x0], $0xffff  }
0x2f9: {  	v11 =	vld.idx.msk [tilespmem:v11+s4+$0x0], $0xffff;
	v30 =	vtrunc.f32 v38;
	v29 =	vmin.f32 v29, $3.276700000e+04;
	v20 =	vmax.f32 v20, $-3.276800000e+04  }
0x2fa: {  	v55 =	vld [tilespmem:s0+$0x14050];
	v30 =	vcvt.f32.s32 v30;
	v54 =	vmul.f32 $4.096000000e+03, v48;
	v20 =	vmin.f32 v20, $3.276700000e+04  }
0x2fb: {  	v14 =	vmin.f32 v14, $3.276700000e+04;
	v45 =	vld [tilespmem:s0+$0x140F0];
	v29 =	vtrunc.f32 v29;
	v20 =	vtrunc.f32 v20;
	[tilespmem:s7+$0x1C070] =	vst v31  }
0x2fc: {  	v25 =	vadd.s32 $0x8000, v25;
	v34 =	vcvt.f32.s32 v20;
	v20 =	vtrunc.f32 v33;
	v15 =	vld.idx.msk [tilespmem:v15+s4+$0x0], $0xffff  }
0x2fd: {  	v31 =	vld [tilespmem:s0+$0x140E0];
	v46 =	vcvt.f32.s32 v20;
	v20 =	vmax.f32 v62, $-3.276800000e+04;
	[tilespmem:s17+$0x1C0D0] =	vst v26;
	v26 =	vmul.f32 $4.096000000e+03, v57  }
0x2fe: {  	v41 =	vadd.s32 $0x8000, v30;
	v39 =	vmul.f32 $4.096000000e+03, v52;
	[tilespmem:s7+$0x1C4C0] =	vst v11;
	v11 =	vmin.f32 v20, $3.276700000e+04;
	v27 =	vld.idx.msk [tilespmem:v27+s4+$0x0], $0xffff  }
0x2ff: {  	v52 =	vld [tilespmem:s0+$0x14410];
	v11 =	vtrunc.f32 v11;
	v20 =	vmax.f32 v26, $-3.276800000e+04;
	v26 =	vmul.f32 $4.096000000e+03, v59  }
0x300: {  	v30 =	vld.idx.msk [tilespmem:v40+s4+$0x0], $0xffff;
	v40 =	vcvt.f32.s32 v11;
	v59 =	vadd.s32 $0x8000, v16;
	v20 =	vmin.f32 v20, $3.276700000e+04  }
0x301: {  	v16 =	vadd.s32 $0x8000, v46;
	[tilespmem:s7+$0x1C400] =	vst v15;
	v11 =	vtrunc.f32 v20;
	v15 =	vmax.f32 v26, $-3.276800000e+04;
	v26 =	vld [tilespmem:s0+$0x14040]  }
0x302: {  	v46 =	vmul.f32 $4.096000000e+03, v60;
	v20 =	vld.idx.msk [tilespmem:v61+s4+$0x0], $0xffff;
	v11 =	vcvt.f32.s32 v11;
	v15 =	vmin.f32 v15, $3.276700000e+04  }
0x303: {  	v31 =	vmul.f32 $4.096000000e+03, v31;
	v61 =	vld [tilespmem:s0+$0x144B0];
	[tilespmem:s17+$0x1C0E0] =	vst v27;
	v15 =	vtrunc.f32 v15;
	v27 =	vmin.f32 v49, $3.276700000e+04  }
0x304: {  	[tilespmem:s17+$0x1C010] =	vst v35;
	v50 =	vld.idx.msk [tilespmem:v19+s4+$0x0], $0xffff;
	v11 =	vadd.s32 $0x8000, v11;
	v51 =	vcvt.f32.s32 v15;
	v15 =	vtrunc.f32 v27  }
0x305: {  	v27 =	vld.idx.msk [tilespmem:v18+s4+$0x0], $0xffff;
	v19 =	vmul.f32 $4.096000000e+03, v45;
	v18 =	vcvt.f32.s32 v15;
	v15 =	vmax.f32 v31, $-3.276800000e+04  }
0x306: {  	v49 =	vld [tilespmem:s0+$0x14400];
	v45 =	vadd.s32 $0x8000, v12;
	v15 =	vmin.f32 v15, $3.276700000e+04;
	v26 =	vmul.f32 $4.096000000e+03, v26  }
0x307: {  	v31 =	vld [tilespmem:s0+$0x14070];
	v43 =	vmax.f32 v19, $-3.276800000e+04;
	v58 =	vadd.s32 $0x8000, v51;
	v15 =	vtrunc.f32 v15;
	[tilespmem:s7+$0x1C410] =	vst v20  }
0x308: {  	v20 =	vmax.f32 v53, $-3.276800000e+04;
	v47 =	vmul.f32 $4.096000000e+03, v61;
	v19 =	vcvt.f32.s32 v15;
	v56 =	vld.idx.msk [tilespmem:v21+s4+$0x0], $0xffff  }
0x309: {  	v15 =	vmin.f32 v43, $3.276700000e+04;
	v20 =	vmin.f32 v20, $3.276700000e+04;
	v21 =	vmax.f32 v54, $-3.276800000e+04;
	v57 =	vld.idx.msk [tilespmem:v11+s4+$0x0], $0xffff;
	[tilespmem:s17+$0x1C0F0] =	vst v50  }
0x30a: {  	v26 =	vmax.f32 v26, $-3.276800000e+04;
	v54 =	vadd.s32 $0x8000, v9;
	v11 =	vtrunc.f32 v15;
	v28 =	vld.idx.msk [tilespmem:v28+s4+$0x0], $0xffff  }
0x30b: {  	v51 =	vld [tilespmem:s0+$0x144D0];
	v9 =	vcvt.f32.s32 v29;
	v21 =	vmin.f32 v21, $3.276700000e+04;
	v15 =	vcvt.f32.s32 v11  }
0x30c: {  	[tilespmem:s17+$0x1C020] =	vst v27;
	v27 =	vld [tilespmem:s0+$0x144C0];
	v50 =	vadd.s32 $0x8000, v17;
	v11 =	vtrunc.f32 v20;
	v31 =	vmul.f32 $4.096000000e+03, v31  }
0x30d: {  	v24 =	vld.idx.msk [tilespmem:v24+s4+$0x0], $0xffff;
	v20 =	vcvt.f32.s32 v11;
	v11 =	vmin.f32 v26, $3.276700000e+04;
	v26 =	vmul.f32 $4.096000000e+03, v55;
	[tilespmem:s7+$0x1C420] =	vst v56  }
0x30e: {  	v17 =	vadd.s32 $0x8000, v40;
	v40 =	vmul.f32 $4.096000000e+03, v52;
	v21 =	vtrunc.f32 v21;
	[tilespmem:s0+$0x1C080] =	vst v57;
	v10 =	vld.idx.msk [tilespmem:v10+s4+$0x0], $0xffff  }
0x30f: {  	v11 =	vtrunc.f32 v11;
	v31 =	vmax.f32 v31, $-3.276800000e+04;
	v26 =	vmax.f32 v26, $-3.276800000e+04;
	v32 =	vld.idx.msk [tilespmem:v58+s4+$0x0], $0xffff;
	[tilespmem:s17+$0x1C480] =	vst v28  }
0x310: {  	v11 =	vcvt.f32.s32 v11;
	v56 =	vmul.f32 $4.096000000e+03, v49;
	v62 =	vmin.f32 v26, $3.276700000e+04;
	v48 =	vld.idx.msk [tilespmem:v13+s4+$0x0], $0xffff  }
0x311: {  	v4 =	vld [tilespmem:s17+$0x14450];
	v26 =	vadd.s32 $0x8000, v34;
	v55 =	vmul.f32 $4.096000000e+03, v27;
	v28 =	vmax.f32 v39, $-3.276800000e+04  }
0x312: {  	v57 =	vld [tilespmem:s0+$0x14420];
	v12 =	vtrunc.f32 v62;
	[tilespmem:s17+$0x1C030] =	vst v24;
	v13 =	vmin.f32 v28, $3.276700000e+04;
	v28 =	vmax.f32 v46, $-3.276800000e+04  }
0x313: {  	v24 =	vmin.f32 v31, $3.276700000e+04;
	v39 =	vmul.f32 $4.096000000e+03, v51;
	v53 =	vld.idx.msk [tilespmem:v45+s4+$0x0], $0xffff;
	v28 =	vmin.f32 v28, $3.276700000e+04;
	[tilespmem:s7+$0x1C430] =	vst v10  }
0x314: {  	v31 =	vmax.f32 v47, $-3.276800000e+04;
	v24 =	vtrunc.f32 v24;
	v28 =	vtrunc.f32 v28;
	[tilespmem:s0+$0x1C090] =	vst v32;
	v41 =	vld.idx.msk [tilespmem:v41+s4+$0x0], $0xffff  }
0x315: {  	v58 =	vadd.s32 $0x8000, v23;
	v10 =	vcvt.f32.s32 v28;
	v28 =	vcvt.f32.s32 v24;
	v24 =	vld.idx.msk [tilespmem:v59+s4+$0x0], $0xffff;
	[tilespmem:s17+$0x1C490] =	vst v48  }
0x316: {  	v23 =	vmax.f32 v56, $-3.276800000e+04;
	v29 =	vmin.f32 v31, $3.276700000e+04;
	v31 =	vadd.s32 $0x8000, v9;
	v37 =	vld.idx.msk [tilespmem:v50+s4+$0x0], $0xffff  }
0x317: {  	[tilespmem:s7+$0x1C4D0] =	vst v30;
	v27 =	vld [tilespmem:s0+$0x14430];
	v23 =	vmin.f32 v23, $3.276700000e+04;
	v13 =	vtrunc.f32 v13;
	v29 =	vtrunc.f32 v29  }
0x318: {  	v35 =	vmax.f32 v55, $-3.276800000e+04;
	v62 =	vtrunc.f32 v23;
	v9 =	vcvt.f32.s32 v29;
	v29 =	vld [tilespmem:s0+$0x14440];
	[tilespmem:s17+$0x1C040] =	vst v53  }
0x319: {  	v61 =	vmax.f32 v39, $-3.276800000e+04;
	v13 =	vcvt.f32.s32 v13;
	v34 =	vmul.f32 $4.096000000e+03, v57;
	v33 =	vld.idx.msk [tilespmem:v54+s4+$0x0], $0xffff;
	[tilespmem:s7+$0x1C440] =	vst v41  }
0x31a: {  	v32 =	vcvt.f32.s32 v62;
	v59 =	vmin.f32 v35, $3.276700000e+04;
	[tilespmem:s0+$0x1C0A0] =	vst v24;
	v24 =	vmin.f32 v61, $3.276700000e+04;
	v25 =	vld.idx.msk [tilespmem:v25+s4+$0x0], $0xffff  }
0x31b: {  	s19 =	simm.s32 $0x600;
	v30 =	vmax.f32 v40, $-3.276800000e+04;
	v60 =	vtrunc.f32 v59;
	v36 =	vld.idx.msk [tilespmem:v36+s4+$0x0], $0xffff;
	v24 =	vtrunc.f32 v24;
	[tilespmem:s17+$0x1C4A0] =	vst v37  }
0x31c: {  	s18 =	simm.s32 $0x300;
	s2 =	sadd.s32 s16, s14;
	s16 =	simm.s32 $0x4;
	v35 =	vadd.s32 $0x8000, v22;
	v23 =	vcvt.f32.s32 v60;
	v24 =	vcvt.f32.s32 v24;
	v22 =	vld.idx.msk [tilespmem:v58+s4+$0x0], $0xffff  }
.LBB2_7:
0x31d: {  	v14 =	vtrunc.f32 v14;
	v37 =	vmul.f32 $4.096000000e+03, v27  }
0x31e: {  	s15 =	sand.u32 $0x1800, s19;
	s20 =	sand.u32 $0x300, s18;
	s16 =	sadd.s32 $0x2, s16;
	v38 =	vld [tilespmem:s0+$0x14450];
	v27 =	vadd.s32 $0x8000, v8;
	v4 =	vmul.f32 $4.096000000e+03, v4;
	v39 =	vadd.s32 $0x8000, v7  }
0x31f: {  	v7 =	vmovc v32;
	v32 =	vadd.s32 $0x8000, v3;
	s15 =	sor.u32 s20, s15;
	p1 =	slt.u32 s16, $0x1E;
	v26 =	vld.idx.msk [tilespmem:v26+s4+$0x0], $0xffff;
	v14 =	vcvt.f32.s32 v14;
	v8 =	vmax.f32 v34, $-3.276800000e+04  }
0x320: {  	v34 =	vld [tilespmem:s15+$0x14020];
	v8 =	vmin.f32 v8, $3.276700000e+04;
	v37 =	vmax.f32 v37, $-3.276800000e+04;
	[tilespmem:s17+$0x1C050] =	vst v33;
	v33 =	vmul.f32 $4.096000000e+03, v2;
	v2 =	vmovc v29  }
0x321: {  	v41 =	vmax.f32 v4, $-3.276800000e+04;
	v29 =	vld [tilespmem:s15+$0x140C0];
	v8 =	vtrunc.f32 v8;
	v37 =	vmin.f32 v37, $3.276700000e+04;
	[tilespmem:s7+$0x1C450] =	vst v25;
	s7 =	smov.u32 s17;
	s17 =	smov.u32 s0;
	s0 =	smov.u32 s15  }
0x322: {  	v40 =	vmin.f32 v41, $3.276700000e+04;
	v8 =	vcvt.f32.s32 v8;
	v25 =	vtrunc.f32 v37;
	[tilespmem:s17+$0x1C0B0] =	vst v36;
	v35 =	vld.idx.msk [tilespmem:v35+s4+$0x0], $0xffff  }
0x323: {  	v18 =	vadd.s32 $0x8000, v18;
	v36 =	vld [tilespmem:s0+$0x140B0];
	v37 =	vcvt.f32.s32 v25;
	v25 =	vtrunc.f32 v40;
	[tilespmem:s7+$0x1C4B0] =	vst v22;
	v4 =	vmovc v38  }
0x324: {  	v3 =	vmovc v28;
	v21 =	vcvt.f32.s32 v21;
	v14 =	vadd.s32 $0x8000, v14;
	v31 =	vld.idx.msk [tilespmem:v31+s4+$0x0], $0xffff;
	v22 =	vcvt.f32.s32 v25  }
0x325: {  	v38 =	vadd.s32 $0x8000, v1;
	v1 =	vmovc v23;
	v23 =	vmax.f32 v33, $-3.276800000e+04;
	v25 =	vadd.s32 $0x8000, v5;
	v28 =	vld [tilespmem:s0+$0x14000];
	v5 =	vmovc v37  }
0x326: {  	v19 =	vadd.s32 $0x8000, v19;
	v33 =	vadd.s32 $0x8000, v0;
	v0 =	vmovc v24;
	v41 =	vmin.f32 v23, $3.276700000e+04;
	v37 =	vld [tilespmem:s0+$0x140A0]  }
0x327: {  	v40 =	vmin.f32 v6, $3.276700000e+04;
	v6 =	vmovc v30;
	v23 =	vadd.s32 $0x8000, v21;
	v21 =	vtrunc.f32 v41;
	v24 =	vld [tilespmem:s0+$0x14010]  }
0x328: {  	v34 =	vmul.f32 $4.096000000e+03, v34;
	v30 =	vld [tilespmem:s0+$0x14030];
	v36 =	vmul.f32 $4.096000000e+03, v36;
	[tilespmem:s7+$0x1C060] =	vst v35  }
0x329: {  	v20 =	vadd.s32 $0x8000, v20;
	v29 =	vmul.f32 $4.096000000e+03, v29;
	v35 =	vtrunc.f32 v40;
	v32 =	vld.idx.msk [tilespmem:v32+s4+$0x0], $0xffff  }
0x32a: {  	v21 =	vcvt.f32.s32 v21;
	v28 =	vmul.f32 $4.096000000e+03, v28;
	v36 =	vmax.f32 v36, $-3.276800000e+04;
	[tilespmem:s17+$0x1C0C0] =	vst v31;
	v31 =	vld.idx.msk [tilespmem:v38+s4+$0x0], $0xffff  }
0x32b: {  	v29 =	vmax.f32 v29, $-3.276800000e+04;
	v35 =	vcvt.f32.s32 v35;
	v37 =	vmul.f32 $4.096000000e+03, v37;
	v18 =	vld.idx.msk [tilespmem:v18+s4+$0x0], $0xffff  }
0x32c: {  	v29 =	vmin.f32 v29, $3.276700000e+04;
	v36 =	vmin.f32 v36, $3.276700000e+04;
	v28 =	vmax.f32 v28, $-3.276800000e+04;
	v38 =	vld [tilespmem:s0+$0x14080]  }
0x32d: {  	v34 =	vmax.f32 v34, $-3.276800000e+04;
	v24 =	vmul.f32 $4.096000000e+03, v24;
	v36 =	vtrunc.f32 v36;
	v40 =	vld [tilespmem:s0+$0x14090]  }
0x32e: {  	v34 =	vmin.f32 v34, $3.276700000e+04;
	v36 =	vcvt.f32.s32 v36;
	v41 =	vld [tilespmem:s0+$0x140D0];
	[tilespmem:s17+$0x1C000] =	vst v26;
	v26 =	vadd.s32 $0x8000, v35  }
0x32f: {  	v34 =	vtrunc.f32 v34;
	v30 =	vmul.f32 $4.096000000e+03, v30;
	v24 =	vmax.f32 v24, $-3.276800000e+04;
	v35 =	vld.idx.msk [tilespmem:v14+s4+$0x0], $0xffff;
	[tilespmem:s7+$0x1C070] =	vst v32  }
0x330: {  	v28 =	vmin.f32 v28, $3.276700000e+04;
	v14 =	vmin.f32 v24, $3.276700000e+04;
	v24 =	vmax.f32 v37, $-3.276800000e+04;
	v32 =	vld.idx.msk [tilespmem:v39+s4+$0x0], $0xffff;
	[tilespmem:s7+$0x1C4C0] =	vst v31  }
0x331: {  	v28 =	vtrunc.f32 v28;
	v31 =	vmin.f32 v24, $3.276700000e+04;
	v24 =	vtrunc.f32 v29;
	v29 =	vld [tilespmem:s0+$0x140E0];
	[tilespmem:s17+$0x1C0D0] =	vst v18  }
0x332: {  	v15 =	vadd.s32 $0x8000, v15;
	v18 =	vmul.f32 $4.096000000e+03, v38;
	v31 =	vtrunc.f32 v31;
	v19 =	vld.idx.msk [tilespmem:v19+s4+$0x0], $0xffff  }
0x333: {  	v37 =	vcvt.f32.s32 v28;
	v28 =	vadd.s32 $0x8000, v21;
	v21 =	vcvt.f32.s32 v34;
	v38 =	vld [tilespmem:s0+$0x140F0]  }
0x334: {  	v30 =	vmax.f32 v30, $-3.276800000e+04;
	v36 =	vadd.s32 $0x8000, v36;
	v31 =	vcvt.f32.s32 v31;
	v34 =	vld [tilespmem:s0+$0x14480]  }
0x335: {  	v30 =	vmin.f32 v30, $3.276700000e+04;
	v39 =	vmul.f32 $4.096000000e+03, v40;
	v18 =	vmax.f32 v18, $-3.276800000e+04;
	v40 =	vld [tilespmem:s0+$0x14490]  }
0x336: {  	v30 =	vtrunc.f32 v30;
	v41 =	vmul.f32 $4.096000000e+03, v41;
	v18 =	vmin.f32 v18, $3.276700000e+04;
	[tilespmem:s7+$0x1C400] =	vst v32;
	v32 =	vld.idx.msk [tilespmem:v33+s4+$0x0], $0xffff  }
0x337: {  	v30 =	vcvt.f32.s32 v30;
	v18 =	vtrunc.f32 v18;
	v33 =	vmax.f32 v39, $-3.276800000e+04;
	v26 =	vld.idx.msk [tilespmem:v26+s4+$0x0], $0xffff  }
0x338: {  	v41 =	vmax.f32 v41, $-3.276800000e+04;
	v18 =	vcvt.f32.s32 v18;
	v33 =	vmin.f32 v33, $3.276700000e+04;
	v39 =	vld [tilespmem:s0+$0x14040];
	[tilespmem:s17+$0x1C0E0] =	vst v19  }
0x339: {  	v29 =	vmul.f32 $4.096000000e+03, v29;
	v19 =	vtrunc.f32 v33;
	v33 =	vmin.f32 v41, $3.276700000e+04;
	[tilespmem:s17+$0x1C010] =	vst v35;
	v15 =	vld.idx.msk [tilespmem:v15+s4+$0x0], $0xffff  }
0x33a: {  	v35 =	vadd.s32 $0x8000, v18;
	v41 =	vcvt.f32.s32 v19;
	v18 =	vtrunc.f32 v33;
	v33 =	vld.idx.msk [tilespmem:v16+s4+$0x0], $0xffff  }
0x33b: {  	v19 =	vmul.f32 $4.096000000e+03, v38;
	v18 =	vcvt.f32.s32 v18;
	v16 =	vmax.f32 v29, $-3.276800000e+04;
	v42 =	vld [tilespmem:s0+$0x14060]  }
0x33c: {  	v34 =	vmul.f32 $4.096000000e+03, v34;
	v38 =	vmul.f32 $4.096000000e+03, v40;
	v16 =	vmin.f32 v16, $3.276700000e+04;
	v29 =	vld [tilespmem:s0+$0x14070];
	[tilespmem:s7+$0x1C4D0] =	vst v32  }
0x33d: {  	v40 =	vmax.f32 v19, $-3.276800000e+04;
	v16 =	vtrunc.f32 v16;
	v32 =	vmul.f32 $4.096000000e+03, v39;
	v39 =	vld [tilespmem:s0+$0x14050];
	[tilespmem:s7+$0x1C410] =	vst v26  }
0x33e: {  	v19 =	vcvt.f32.s32 v16;
	v16 =	vmin.f32 v40, $3.276700000e+04;
	v26 =	vmax.f32 v34, $-3.276800000e+04;
	v27 =	vld.idx.msk [tilespmem:v27+s4+$0x0], $0xffff  }
0x33f: {  	v16 =	vtrunc.f32 v16;
	v26 =	vmin.f32 v26, $3.276700000e+04;
	v34 =	vld.idx.msk [tilespmem:v35+s4+$0x0], $0xffff;
	v35 =	vmax.f32 v38, $-3.276800000e+04;
	[tilespmem:s17+$0x1C0F0] =	vst v15  }
0x340: {  	v32 =	vmax.f32 v32, $-3.276800000e+04;
	v15 =	vcvt.f32.s32 v16;
	v16 =	vtrunc.f32 v26;
	v38 =	vld.idx.msk [tilespmem:v20+s4+$0x0], $0xffff  }
0x341: {  	v31 =	vadd.s32 $0x8000, v31;
	v40 =	vadd.s32 $0x8000, v41;
	v20 =	vcvt.f32.s32 v16;
	v41 =	vld [tilespmem:s0+$0x144A0]  }
0x342: {  	v24 =	vcvt.f32.s32 v24;
	v26 =	vmin.f32 v32, $3.276700000e+04;
	v32 =	vmul.f32 $4.096000000e+03, v39;
	v39 =	vld [tilespmem:s0+$0x144B0]  }
0x343: {  	v16 =	vadd.s32 $0x8000, v21;
	v21 =	vtrunc.f32 v26;
	v26 =	vmin.f32 v35, $3.276700000e+04;
	v35 =	vld [tilespmem:s0+$0x144C0];
	[tilespmem:s17+$0x1C020] =	vst v33  }
0x344: {  	v33 =	vcvt.f32.s32 v21;
	v21 =	vtrunc.f32 v26;
	v32 =	vmax.f32 v32, $-3.276800000e+04;
	v43 =	vld.idx.msk [tilespmem:v17+s4+$0x0], $0xffff;
	[tilespmem:s7+$0x1C420] =	vst v27  }
0x345: {  	v27 =	vmul.f32 $4.096000000e+03, v42;
	v17 =	vmin.f32 v32, $3.276700000e+04;
	[tilespmem:s0+$0x1C080] =	vst v34;
	v32 =	vadd.s32 $0x8000, v11;
	v25 =	vld.idx.msk [tilespmem:v25+s4+$0x0], $0xffff  }
0x346: {  	v26 =	vadd.s32 $0x8000, v37;
	v11 =	vmovc v33;
	v34 =	vtrunc.f32 v17;
	v37 =	vld.idx.msk [tilespmem:v40+s4+$0x0], $0xffff;
	v17 =	vmul.f32 $4.096000000e+03, v41;
	[tilespmem:s17+$0x1C480] =	vst v38  }
0x347: {  	v29 =	vmul.f32 $4.096000000e+03, v29;
	v27 =	vmax.f32 v27, $-3.276800000e+04;
	v33 =	vmul.f32 $4.096000000e+03, v39;
	v23 =	vld.idx.msk [tilespmem:v23+s4+$0x0], $0xffff  }
0x348: {  	v27 =	vmin.f32 v27, $3.276700000e+04;
	v39 =	vadd.s32 $0x8000, v10;
	v38 =	vld [tilespmem:s0+$0x14400];
	v17 =	vmax.f32 v17, $-3.276800000e+04  }
0x349: {  	v10 =	vtrunc.f32 v27;
	v27 =	vmax.f32 v29, $-3.276800000e+04;
	v29 =	vmin.f32 v17, $3.276700000e+04;
	v40 =	vld [tilespmem:s0+$0x144D0]  }
0x34a: {  	v42 =	vcvt.f32.s32 v12;
	v12 =	vmovc v34;
	v17 =	vadd.s32 $0x8000, v30;
	v30 =	vcvt.f32.s32 v10;
	v41 =	vld [tilespmem:s0+$0x14410];
	[tilespmem:s17+$0x1C030] =	vst v43  }
0x34b: {  	v10 =	vmin.f32 v27, $3.276700000e+04;
	v27 =	vtrunc.f32 v29;
	v29 =	vmax.f32 v33, $-3.276800000e+04;
	v32 =	vld.idx.msk [tilespmem:v32+s4+$0x0], $0xffff;
	[tilespmem:s7+$0x1C430] =	vst v25  }
0x34c: {  	v33 =	vadd.s32 $0x8000, v42;
	v25 =	vtrunc.f32 v10;
	v10 =	vcvt.f32.s32 v27;
	[tilespmem:s0+$0x1C090] =	vst v37;
	v34 =	vld.idx.msk [tilespmem:v28+s4+$0x0], $0xffff  }
0x34d: {  	v27 =	vmin.f32 v29, $3.276700000e+04;
	v29 =	vmul.f32 $4.096000000e+03, v35;
	v28 =	vcvt.f32.s32 v25;
	v25 =	vld.idx.msk [tilespmem:v31+s4+$0x0], $0xffff;
	[tilespmem:s17+$0x1C490] =	vst v23  }
0x34e: {  	v22 =	vadd.s32 $0x8000, v22;
	v23 =	vtrunc.f32 v27;
	v35 =	vmul.f32 $4.096000000e+03, v38;
	v37 =	vld.idx.msk [tilespmem:v39+s4+$0x0], $0xffff  }
0x34f: {  	v31 =	vadd.s32 $0x8000, v24;
	v24 =	vmax.f32 v29, $-3.276800000e+04;
	v23 =	vcvt.f32.s32 v23;
	v38 =	vld [tilespmem:s0+$0x14420]  }
0x350: {  	v39 =	vmul.f32 $4.096000000e+03, v40;
	v40 =	vadd.s32 $0x8000, v9;
	v24 =	vmin.f32 v24, $3.276700000e+04;
	v27 =	vld [tilespmem:s0+$0x14430]  }
.Ltmp2:
0x351: {  	v42 =	vmax.f32 v35, $-3.276800000e+04;
	v41 =	vmul.f32 $4.096000000e+03, v41;
	v29 =	vld [tilespmem:s0+$0x14440];
	[tilespmem:s17+$0x1C040] =	vst v32;
	(pc) =	sbr.rel @p1 .LBB2_7-.Ltmp2, $4  }
0x352: {  	v24 =	vtrunc.f32 v24;
	v35 =	vmax.f32 v39, $-3.276800000e+04;
	v9 =	vmovc v23;
	v32 =	vmin.f32 v42, $3.276700000e+04;
	v33 =	vld.idx.msk [tilespmem:v33+s4+$0x0], $0xffff;
	[tilespmem:s7+$0x1C440] =	vst v34  }
0x353: {  	v23 =	vcvt.f32.s32 v24;
	v24 =	vmin.f32 v35, $3.276700000e+04;
	v32 =	vtrunc.f32 v32;
	[tilespmem:s0+$0x1C0A0] =	vst v25;
	v25 =	vld.idx.msk [tilespmem:v22+s4+$0x0], $0xffff  }
0x354: {  	v35 =	vadd.s32 $0x8000, v13;
	v13 =	vmovc v30;
	v32 =	vcvt.f32.s32 v32;
	v22 =	vtrunc.f32 v24;
	v36 =	vld.idx.msk [tilespmem:v36+s4+$0x0], $0xffff;
	[tilespmem:s17+$0x1C4A0] =	vst v37  }
0x355: {  	s18 =	sadd.s32 $0x100, s18;
	s19 =	sadd.s32 $0x200, s19;
	v30 =	vmax.f32 v41, $-3.276800000e+04;
	v34 =	vmul.f32 $4.096000000e+03, v38;
	v24 =	vcvt.f32.s32 v22;
	v22 =	vld.idx.msk [tilespmem:v40+s4+$0x0], $0xffff  }
0x356: {  	_ =	sdelay $0x1  }
0x357: {  	v14 =	vtrunc.f32 v14  }
0x358: {  	v14 =	vcvt.f32.s32 v14  }
0x359: {  	v26 =	vld.idx.msk [tilespmem:v26+s4+$0x0], $0xffff  }
0x35a: {  	v14 =	vadd.s32 $0x8000, v14;
	_ =	sdelay $0x3  }
0x35b: {  	[tilespmem:s0+$0x1C000] =	vst v26  }
0x35c: {  	v14 =	vld.idx.msk [tilespmem:v14+s4+$0x0], $0xffff;
	_ =	sdelay $0x4  }
0x35d: {  	[tilespmem:s0+$0x1C010] =	vst v14  }
0x35e: {  	v14 =	vld.idx.msk [tilespmem:v16+s4+$0x0], $0xffff;
	_ =	sdelay $0x4  }
0x35f: {  	[tilespmem:s0+$0x1C020] =	vst v14  }
0x360: {  	v14 =	vld.idx.msk [tilespmem:v17+s4+$0x0], $0xffff  }
0x361: {  	v11 =	vadd.s32 $0x8000, v11;
	_ =	sdelay $0x2  }
0x362: {  	[tilespmem:s0+$0x1C0B0] =	vst v36  }
0x363: {  	v12 =	vcvt.f32.s32 v12;
	v62 =	vld.idx.msk [tilespmem:v31+s4+$0x0], $0xffff;
	[tilespmem:s0+$0x1C030] =	vst v14  }
0x364: {  	v26 =	vadd.s32 $0x8000, v18;
	v11 =	vld.idx.msk [tilespmem:v11+s4+$0x0], $0xffff  }
0x365: {  	v12 =	vadd.s32 $0x8000, v12;
	_ =	sdelay $0x2  }
0x366: {  	[tilespmem:s0+$0x1C0C0] =	vst v62  }
0x367: {  	v14 =	vld.idx.msk [tilespmem:v26+s4+$0x0], $0xffff;
	[tilespmem:s0+$0x1C040] =	vst v11  }
0x368: {  	v31 =	vadd.s32 $0x8000, v19;
	v12 =	vld.idx.msk [tilespmem:v12+s4+$0x0], $0xffff  }
0x369: {  	v13 =	vadd.s32 $0x8000, v13;
	_ =	sdelay $0x1  }
0x36a: {  	[tilespmem:s17+$0x1C050] =	vst v33  }
0x36b: {  	v36 =	vld.idx.msk [tilespmem:v35+s4+$0x0], $0xffff;
	[tilespmem:s0+$0x1C0D0] =	vst v14  }
0x36c: {  	v3 =	vadd.s32 $0x8000, v3;
	v11 =	vld.idx.msk [tilespmem:v31+s4+$0x0], $0xffff;
	[tilespmem:s0+$0x1C050] =	vst v12  }
0x36d: {  	v38 =	vadd.s32 $0x8000, v15;
	v13 =	vld.idx.msk [tilespmem:v13+s4+$0x0], $0xffff  }
0x36e: {  	v39 =	vadd.s32 $0x8000, v28;
	_ =	sdelay $0x1  }
0x36f: {  	[tilespmem:s17+$0x1C060] =	vst v36  }
0x370: {  	v3 =	vld.idx.msk [tilespmem:v3+s4+$0x0], $0xffff;
	[tilespmem:s0+$0x1C0E0] =	vst v11  }
0x371: {  	v7 =	vadd.s32 $0x8000, v7;
	v11 =	vld.idx.msk [tilespmem:v38+s4+$0x0], $0xffff;
	[tilespmem:s0+$0x1C060] =	vst v13  }
0x372: {  	v40 =	vadd.s32 $0x8000, v20;
	v13 =	vld.idx.msk [tilespmem:v39+s4+$0x0], $0xffff  }
0x373: {  	v6 =	vmin.f32 v6, $3.276700000e+04;
	v41 =	vadd.s32 $0x8000, v32  }
0x374: {  	v6 =	vtrunc.f32 v6  }
0x375: {  	v42 =	vmin.f32 v30, $3.276700000e+04;
	v6 =	vcvt.f32.s32 v6;
	[tilespmem:s17+$0x1C070] =	vst v3  }
0x376: {  	v43 =	vcvt.f32.s32 v21;
	v3 =	vtrunc.f32 v42;
	v7 =	vld.idx.msk [tilespmem:v7+s4+$0x0], $0xffff;
	[tilespmem:s0+$0x1C0F0] =	vst v11  }
0x377: {  	v6 =	vadd.s32 $0x8000, v6;
	v3 =	vcvt.f32.s32 v3;
	v11 =	vld.idx.msk [tilespmem:v40+s4+$0x0], $0xffff;
	[tilespmem:s0+$0x1C070] =	vst v13  }
0x378: {  	v44 =	vadd.s32 $0x8000, v43;
	v13 =	vld.idx.msk [tilespmem:v41+s4+$0x0], $0xffff  }
0x379: {  	v3 =	vadd.s32 $0x8000, v3  }
0x37a: {  	v45 =	vmax.f32 v34, $-3.276800000e+04  }
0x37b: {  	[tilespmem:s17+$0x1C400] =	vst v7;
	v14 =	vmin.f32 v45, $3.276700000e+04  }
0x37c: {  	v6 =	vld.idx.msk [tilespmem:v6+s4+$0x0], $0xffff;
	v46 =	vtrunc.f32 v14;
	[tilespmem:s0+$0x1C480] =	vst v11  }
0x37d: {  	v8 =	vadd.s32 $0x8000, v8;
	v7 =	vcvt.f32.s32 v46;
	v11 =	vld.idx.msk [tilespmem:v44+s4+$0x0], $0xffff;
	[tilespmem:s0+$0x1C400] =	vst v13  }
0x37e: {  	v47 =	vmul.f32 $4.096000000e+03, v27;
	v10 =	vadd.s32 $0x8000, v10;
	v3 =	vld.idx.msk [tilespmem:v3+s4+$0x0], $0xffff  }
0x37f: {  	v7 =	vadd.s32 $0x8000, v7  }
0x380: {  	v12 =	vmax.f32 v47, $-3.276800000e+04  }
0x381: {  	[tilespmem:s17+$0x1C410] =	vst v6;
	v12 =	vmin.f32 v12, $3.276700000e+04  }
0x382: {  	v2 =	vmul.f32 $4.096000000e+03, v2;
	v8 =	vld.idx.msk [tilespmem:v8+s4+$0x0], $0xffff;
	v48 =	vtrunc.f32 v12;
	[tilespmem:s0+$0x1C490] =	vst v11  }
0x383: {  	v5 =	vadd.s32 $0x8000, v5;
	v6 =	vcvt.f32.s32 v48;
	v10 =	vld.idx.msk [tilespmem:v10+s4+$0x0], $0xffff;
	[tilespmem:s0+$0x1C410] =	vst v3  }
0x384: {  	v49 =	vadd.s32 $0x8000, v9;
	v50 =	vmul.f32 $4.096000000e+03, v29;
	v2 =	vmax.f32 v2, $-3.276800000e+04;
	v7 =	vld.idx.msk [tilespmem:v7+s4+$0x0], $0xffff  }
0x385: {  	v37 =	vld [tilespmem:s0+$0x14450];
	v2 =	vmin.f32 v2, $3.276700000e+04;
	v6 =	vadd.s32 $0x8000, v6  }
0x386: {  	v9 =	vmax.f32 v50, $-3.276800000e+04;
	v2 =	vtrunc.f32 v2  }
0x387: {  	v51 =	vmin.f32 v9, $3.276700000e+04;
	v2 =	vcvt.f32.s32 v2;
	[tilespmem:s17+$0x1C420] =	vst v8  }
0x388: {  	v4 =	vmul.f32 $4.096000000e+03, v4;
	v1 =	vadd.s32 $0x8000, v1;
	v8 =	vtrunc.f32 v51;
	v5 =	vld.idx.msk [tilespmem:v5+s4+$0x0], $0xffff;
	[tilespmem:s0+$0x1C4A0] =	vst v10  }
0x389: {  	v2 =	vadd.s32 $0x8000, v2;
	v8 =	vcvt.f32.s32 v8;
	v3 =	vld.idx.msk [tilespmem:v49+s4+$0x0], $0xffff;
	[tilespmem:s0+$0x1C420] =	vst v7  }
0x38a: {  	v53 =	vadd.s32 $0x8000, v23;
	v4 =	vmax.f32 v4, $-3.276800000e+04;
	v52 =	vmul.f32 $4.096000000e+03, v37;
	v6 =	vld.idx.msk [tilespmem:v6+s4+$0x0], $0xffff  }
0x38b: {  	v4 =	vmin.f32 v4, $3.276700000e+04;
	v8 =	vadd.s32 $0x8000, v8  }
0x38c: {  	v4 =	vtrunc.f32 v4;
	[tilespmem:s17+$0x1C4B0] =	vst v22;
	v7 =	vmax.f32 v52, $-3.276800000e+04  }
0x38d: {  	v4 =	vcvt.f32.s32 v4;
	v1 =	vld.idx.msk [tilespmem:v1+s4+$0x0], $0xffff;
	[tilespmem:s17+$0x1C430] =	vst v5;
	v54 =	vmin.f32 v7, $3.276700000e+04  }
0x38e: {  	v0 =	vadd.s32 $0x8000, v0;
	v2 =	vld.idx.msk [tilespmem:v2+s4+$0x0], $0xffff;
	[tilespmem:s0+$0x1C4B0] =	vst v3;
	v5 =	vtrunc.f32 v54  }
0x38f: {  	v55 =	vadd.s32 $0x8000, v4;
	v57 =	vld.idx.msk [tilespmem:v53+s4+$0x0], $0xffff;
	v56 =	vcvt.f32.s32 v5;
	[tilespmem:s0+$0x1C430] =	vst v6  }
0x390: {  	v58 =	vadd.s32 $0x8000, v24;
	v59 =	vld.idx.msk [tilespmem:v8+s4+$0x0], $0xffff  }
0x391: {  	v4 =	vadd.s32 $0x8000, v56  }
0x392: {  	[tilespmem:s17+$0x1C4C0] =	vst v1  }
0x393: {  	v0 =	vld.idx.msk [tilespmem:v0+s4+$0x0], $0xffff;
	[tilespmem:s17+$0x1C440] =	vst v2  }
0x394: {  	v60 =	vld.idx.msk [tilespmem:v55+s4+$0x0], $0xffff;
	[tilespmem:s0+$0x1C4C0] =	vst v57  }
0x395: {  	v61 =	vld.idx.msk [tilespmem:v58+s4+$0x0], $0xffff;
	[tilespmem:s0+$0x1C440] =	vst v59  }
0x396: {  	v62 =	vld.idx.msk [tilespmem:v4+s4+$0x0], $0xffff  }
0x397: {  	p1 =	sne.s32 s5, $0x29;
	[tilespmem:s7+$0x1C450] =	vst v25  }
.Ltmp3:
0x398: {  	[tilespmem:s17+$0x1C4D0] =	vst v0;
	(pc) =	sbr.rel @p1 .LBB2_10-.Ltmp3, $4  }
0x399: {  	[tilespmem:s17+$0x1C450] =	vst v60  }
0x39a: {  	s2 =	sshll.u32 s2, $0x5;
	[tilespmem:s0+$0x1C4D0] =	vst v61  }
0x39b: {  	s21 =	sadd.s32 s3, s2;
	[tilespmem:s0+$0x1C450] =	vst v62  }
0x39c: {  	[hbm4b:s21+s4] =	stream.linear.scatter [tilespmem:s28], [sflag:$0x7], $0x2000, $0x38;
	v63 =	vld [tilespmem:$0x0]  }
.Ltmp4:
0x39d: {  	(pc) =	sbr.rel .LBB2_11-.Ltmp4, $4  }
0x39e: {  	_ = 	snop  }
0x39f: {  	_ =	swait.ge [sflag:s29], $0x2000  }
0x3a0: {  	[sflag:s29] =	ssyncset.done $0x0  }
0x3a1: {  	[sflag:s29] =	ssyncadd.s32 $0xFFFFE000  }
.LBB2_10:
0x3a2: {  	s0 =	rddreg [dreg:$0x8]  }
0x3a3: {  	s0 =	sadd.s32 s9, s0  }
0x3a4: {  	s0 =	sshrl.u32 s0, $0x3  }
.Ltmp5:
0x3a5: {  	s2 =	simm.s32 $0x14000;
	s0 =	sadd.s32 s1, s0;
	(pc) =	sbr.rel @p0 .LBB2_12-.Ltmp5, $4  }
0x3a6: {  	[tilespmem:s2], [sflag:$0x3] =	stream.linear.gather [hbm4b:s0+s4], $0x2000, $0x38;
	v63 =	vld [tilespmem:$0x0]  }
0x3a7: {  	_ =	swait.ge [sflag:s29], $0x2000  }
0x3a8: {  	[sflag:s29] =	ssyncset.done $0x0  }
0x3a9: {  	[sflag:s29] =	ssyncadd.s32 $0xFFFFE000  }
.LBB2_11:
0x3aa: {  	_ =	swait.ge [sflag:s30], $0x2000  }
0x3ab: {  	[sflag:s30] =	ssyncset.done $0x0  }
0x3ac: {  	[sflag:s30] =	ssyncadd.s32 $0xFFFFE000  }
.LBB2_12:
0x3ad: {  	s0 =	simm.s32 $0x0  }
0x3ae: {  	s2 =	sand.u32 $0x1800, s0;
	s0 =	sand.u32 $0x300, s0  }
0x3af: {  	s7 =	sor.u32 s0, s2  }
0x3b0: {  	v0 =	vld [tilespmem:s7+$0x16020]  }
0x3b1: {  	v1 =	vld [tilespmem:s7+$0x160C0]  }
0x3b2: {  	v2 =	vld [tilespmem:s7+$0x160B0]  }
0x3b3: {  	v3 =	vld [tilespmem:s7+$0x16000]  }
0x3b4: {  	v4 =	vld [tilespmem:s7+$0x160A0]  }
0x3b5: {  	v5 =	vld [tilespmem:s7+$0x16010]  }
0x3b6: {  	v6 =	vld [tilespmem:s7+$0x16080]  }
0x3b7: {  	s18 =	simm.s32 $0x100;
	s19 =	simm.s32 $0x200;
	v7 =	vld [tilespmem:s7+$0x16030]  }
0x3b8: {  	s2 =	sand.u32 $0x1800, s19;
	s0 =	sand.u32 $0x300, s18;
	v8 =	vld [tilespmem:s7+$0x16090]  }
0x3b9: {  	v9 =	vld [tilespmem:s7+$0x160D0];
	s9 =	sor.u32 s0, s2  }
0x3ba: {  	v25 =	vld [tilespmem:s9+$0x160B0]  }
0x3bb: {  	v27 =	vld [tilespmem:s9+$0x160A0]  }
0x3bc: {  	v33 =	vld [tilespmem:s9+$0x160D0];
	v2 =	vmul.f32 $4.096000000e+03, v2  }
0x3bd: {  	v39 =	vld [tilespmem:s9+$0x164B0];
	v1 =	vmul.f32 $4.096000000e+03, v1;
	v3 =	vmul.f32 $4.096000000e+03, v3  }
0x3be: {  	v60 =	vld [tilespmem:s9+$0x16400];
	v0 =	vmul.f32 $4.096000000e+03, v0;
	v4 =	vmul.f32 $4.096000000e+03, v4  }
0x3bf: {  	v62 =	vld [tilespmem:s9+$0x16410];
	v5 =	vmul.f32 $4.096000000e+03, v5;
	v6 =	vmul.f32 $4.096000000e+03, v6  }
0x3c0: {  	v7 =	vmul.f32 $4.096000000e+03, v7;
	v8 =	vmul.f32 $4.096000000e+03, v8  }
0x3c1: {  	v9 =	vmul.f32 $4.096000000e+03, v9;
	v25 =	vmul.f32 $4.096000000e+03, v25  }
0x3c2: {  	v27 =	vmul.f32 $4.096000000e+03, v27;
	v33 =	vmul.f32 $4.096000000e+03, v33  }
0x3c3: {  	v59 =	vmul.f32 $4.096000000e+03, v39;
	v42 =	vmul.f32 $4.096000000e+03, v60  }
0x3c4: {  	v47 =	vmul.f32 $4.096000000e+03, v62;
	v2 =	vmax.f32 v2, $-3.276800000e+04;
	v1 =	vmax.f32 v1, $-3.276800000e+04  }
0x3c5: {  	v3 =	vmax.f32 v3, $-3.276800000e+04;
	v0 =	vmax.f32 v0, $-3.276800000e+04;
	v5 =	vmax.f32 v5, $-3.276800000e+04  }
0x3c6: {  	v4 =	vmax.f32 v4, $-3.276800000e+04;
	v6 =	vmax.f32 v6, $-3.276800000e+04;
	v7 =	vmax.f32 v7, $-3.276800000e+04  }
0x3c7: {  	v8 =	vmax.f32 v8, $-3.276800000e+04;
	v9 =	vmax.f32 v9, $-3.276800000e+04;
	v2 =	vmin.f32 v2, $3.276700000e+04  }
0x3c8: {  	v1 =	vmin.f32 v1, $3.276700000e+04;
	v3 =	vmin.f32 v3, $3.276700000e+04;
	v4 =	vmin.f32 v4, $3.276700000e+04  }
0x3c9: {  	v0 =	vmin.f32 v0, $3.276700000e+04;
	v2 =	vtrunc.f32 v2;
	v3 =	vtrunc.f32 v3  }
0x3ca: {  	v13 =	vld [tilespmem:s7+$0x16490];
	v7 =	vmin.f32 v7, $3.276700000e+04;
	v10 =	vtrunc.f32 v1;
	v1 =	vtrunc.f32 v4  }
0x3cb: {  	v14 =	vld [tilespmem:s7+$0x16040];
	v5 =	vmin.f32 v5, $3.276700000e+04;
	v0 =	vtrunc.f32 v0;
	v7 =	vtrunc.f32 v7  }
0x3cc: {  	s20 =	simm.s32 $0x200;
	s21 =	simm.s32 $0x400;
	v4 =	vmin.f32 v6, $3.276700000e+04;
	v5 =	vtrunc.f32 v5;
	v2 =	vcvt.f32.s32 v2  }
0x3cd: {  	s2 =	sand.u32 $0x1800, s21;
	s0 =	sand.u32 $0x300, s20;
	v8 =	vmin.f32 v8, $3.276700000e+04;
	v11 =	vcvt.f32.s32 v3;
	v3 =	vtrunc.f32 v4  }
0x3ce: {  	v12 =	vld [tilespmem:s7+$0x16480];
	s0 =	sor.u32 s0, s2;
	v25 =	vmax.f32 v25, $-3.276800000e+04;
	v0 =	vcvt.f32.s32 v0;
	v1 =	vcvt.f32.s32 v1  }
0x3cf: {  	v60 =	vld [tilespmem:s0+$0x160D0];
	v25 =	vmin.f32 v25, $3.276700000e+04;
	v15 =	vcvt.f32.s32 v7;
	v7 =	vtrunc.f32 v8  }
0x3d0: {  	v6 =	vld [tilespmem:s7+$0x160E0];
	v8 =	vmin.f32 v9, $3.276700000e+04;
	v9 =	vmul.f32 $4.096000000e+03, v13;
	v13 =	vmul.f32 $4.096000000e+03, v14  }
0x3d1: {  	v5 =	vcvt.f32.s32 v5;
	v25 =	vtrunc.f32 v25  }
0x3d2: {  	v4 =	vld [tilespmem:s7+$0x160F0];
	v3 =	vcvt.f32.s32 v3;
	v7 =	vcvt.f32.s32 v7  }
0x3d3: {  	v33 =	vmax.f32 v33, $-3.276800000e+04;
	v8 =	vtrunc.f32 v8;
	v25 =	vcvt.f32.s32 v25  }
0x3d4: {  	v14 =	vld [tilespmem:s7+$0x164A0];
	v39 =	vmul.f32 $4.096000000e+03, v60;
	v17 =	vcvt.f32.s32 v8;
	v23 =	vadd.s32 $0x8000, v11  }
0x3d5: {  	v8 =	vmul.f32 $4.096000000e+03, v12;
	v3 =	vadd.s32 $0x8000, v3;
	v6 =	vmul.f32 $4.096000000e+03, v6  }
0x3d6: {  	v12 =	vld [tilespmem:s7+$0x16050];
	v19 =	vmax.f32 v9, $-3.276800000e+04;
	v13 =	vmax.f32 v13, $-3.276800000e+04;
	v28 =	vadd.s32 $0x8000, v5  }
0x3d7: {  	v16 =	vld [tilespmem:s7+$0x16060];
	v7 =	vadd.s32 $0x8000, v7;
	v4 =	vmul.f32 $4.096000000e+03, v4;
	v6 =	vmax.f32 v6, $-3.276800000e+04  }
0x3d8: {  	v5 =	vld [tilespmem:s7+$0x16440];
	v25 =	vadd.s32 $0x8000, v25;
	v17 =	vadd.s32 $0x8000, v17;
	v6 =	vmin.f32 v6, $3.276700000e+04  }
0x3d9: {  	v14 =	vmul.f32 $4.096000000e+03, v14;
	v4 =	vmax.f32 v4, $-3.276800000e+04;
	v23 =	vld.idx.msk [tilespmem:v23+s4+$0x0], $0xffff;
	v6 =	vtrunc.f32 v6  }
0x3da: {  	v3 =	vld.idx.msk [tilespmem:v3+s4+$0x0], $0xffff;
	v4 =	vmin.f32 v4, $3.276700000e+04;
	v18 =	vcvt.f32.s32 v6;
	v6 =	vmax.f32 v8, $-3.276800000e+04  }
0x3db: {  	v31 =	vld [tilespmem:s9+$0x16090];
	v12 =	vmul.f32 $4.096000000e+03, v12;
	v4 =	vtrunc.f32 v4;
	v6 =	vmin.f32 v6, $3.276700000e+04  }
0x3dc: {  	v9 =	vcvt.f32.s32 v4;
	v4 =	vtrunc.f32 v6;
	v6 =	vadd.s32 $0x8000, v1  }
0x3dd: {  	v1 =	vmin.f32 v13, $3.276700000e+04;
	v13 =	vadd.s32 $0x8000, v2;
	v2 =	vmul.f32 $4.096000000e+03, v16  }
0x3de: {  	v21 =	vld [tilespmem:s7+$0x16070];
	v51 =	vmul.f32 $4.096000000e+03, v5;
	v18 =	vadd.s32 $0x8000, v18;
	v22 =	vcvt.f32.s32 v4;
	[tilespmem:s7+$0x1E000] =	vst v23  }
0x3df: {  	v23 =	vmax.f32 v27, $-3.276800000e+04;
	v9 =	vadd.s32 $0x8000, v9;
	[tilespmem:s7+$0x1E080] =	vst v3;
	v2 =	vmax.f32 v2, $-3.276800000e+04;
	v27 =	vld.idx.msk [tilespmem:v28+s4+$0x0], $0xffff  }
0x3e0: {  	v23 =	vmin.f32 v23, $3.276700000e+04;
	v28 =	vmul.f32 $4.096000000e+03, v31;
	v4 =	vld.idx.msk [tilespmem:v7+s4+$0x0], $0xffff;
	v7 =	vadd.s32 $0x8000, v0  }
0x3e1: {  	v0 =	vtrunc.f32 v1;
	v1 =	vmin.f32 v19, $3.276700000e+04;
	v2 =	vmin.f32 v2, $3.276700000e+04  }
0x3e2: {  	v8 =	vld [tilespmem:s7+$0x164B0];
	v3 =	vcvt.f32.s32 v0;
	v0 =	vmax.f32 v12, $-3.276800000e+04;
	v12 =	vtrunc.f32 v1  }
0x3e3: {  	v19 =	vld [tilespmem:s7+$0x16400];
	v2 =	vtrunc.f32 v2;
	v28 =	vmax.f32 v28, $-3.276800000e+04;
	v0 =	vmin.f32 v0, $3.276700000e+04  }
0x3e4: {  	v12 =	vcvt.f32.s32 v12;
	v28 =	vmin.f32 v28, $3.276700000e+04;
	v1 =	vtrunc.f32 v0  }
0x3e5: {  	v20 =	vld [tilespmem:s7+$0x164C0];
	v22 =	vadd.s32 $0x8000, v22;
	v0 =	vmul.f32 $4.096000000e+03, v21;
	v28 =	vtrunc.f32 v28  }
0x3e6: {  	v24 =	vld [tilespmem:s7+$0x16420];
	v3 =	vadd.s32 $0x8000, v3;
	v29 =	vadd.s32 $0x8000, v12;
	v28 =	vcvt.f32.s32 v28  }
0x3e7: {  	v12 =	vld [tilespmem:s9+$0x16030];
	v1 =	vcvt.f32.s32 v1;
	[tilespmem:s7+$0x1E090] =	vst v4;
	v4 =	vmul.f32 $4.096000000e+03, v8;
	v8 =	vmax.f32 v14, $-3.276800000e+04  }
0x3e8: {  	v19 =	vmul.f32 $4.096000000e+03, v19;
	v14 =	vld.idx.msk [tilespmem:v6+s4+$0x0], $0xffff;
	v6 =	vmax.f32 v0, $-3.276800000e+04;
	v8 =	vmin.f32 v8, $3.276700000e+04  }
0x3e9: {  	v16 =	vld [tilespmem:s7+$0x164D0];
	v0 =	vcvt.f32.s32 v2;
	v1 =	vadd.s32 $0x8000, v1;
	v2 =	vmin.f32 v6, $3.276700000e+04  }
0x3ea: {  	v21 =	vld [tilespmem:s7+$0x16410];
	v6 =	vtrunc.f32 v8;
	v8 =	vmax.f32 v4, $-3.276800000e+04;
	v2 =	vtrunc.f32 v2  }
0x3eb: {  	v4 =	vcvt.f32.s32 v6;
	v6 =	vmin.f32 v8, $3.276700000e+04;
	v8 =	vcvt.f32.s32 v10  }
0x3ec: {  	[tilespmem:s7+$0x1E010] =	vst v27;
	v11 =	vtrunc.f32 v6;
	v6 =	vadd.s32 $0x8000, v15;
	v15 =	vmul.f32 $4.096000000e+03, v20  }
0x3ed: {  	v7 =	vld.idx.msk [tilespmem:v7+s4+$0x0], $0xffff;
	v10 =	vcvt.f32.s32 v2;
	v12 =	vmul.f32 $4.096000000e+03, v12;
	v8 =	vadd.s32 $0x8000, v8  }
0x3ee: {  	v20 =	vld [tilespmem:s7+$0x16430];
	v2 =	vcvt.f32.s32 v11;
	[tilespmem:s7+$0x1E0A0] =	vst v14;
	v11 =	vmax.f32 v15, $-3.276800000e+04;
	v14 =	vmul.f32 $4.096000000e+03, v16  }
0x3ef: {  	v15 =	vmax.f32 v19, $-3.276800000e+04;
	v16 =	vmul.f32 $4.096000000e+03, v21;
	v19 =	vmul.f32 $4.096000000e+03, v24;
	v13 =	vld.idx.msk [tilespmem:v13+s4+$0x0], $0xffff  }
0x3f0: {  	v12 =	vmax.f32 v12, $-3.276800000e+04;
	v11 =	vmin.f32 v11, $3.276700000e+04;
	v15 =	vmin.f32 v15, $3.276700000e+04  }
0x3f1: {  	v21 =	vld [tilespmem:s9+$0x16020];
	v12 =	vmin.f32 v12, $3.276700000e+04;
	v11 =	vtrunc.f32 v11;
	v15 =	vtrunc.f32 v15  }
0x3f2: {  	v24 =	vld [tilespmem:s9+$0x160C0];
	v14 =	vmax.f32 v14, $-3.276800000e+04;
	v12 =	vtrunc.f32 v12;
	v11 =	vcvt.f32.s32 v11  }
0x3f3: {  	[tilespmem:s7+$0x1E020] =	vst v7;
	v14 =	vmin.f32 v14, $3.276700000e+04;
	v20 =	vmul.f32 $4.096000000e+03, v20;
	v35 =	vcvt.f32.s32 v12;
	v12 =	vld [tilespmem:s9+$0x16040]  }
0x3f4: {  	v19 =	vmax.f32 v19, $-3.276800000e+04;
	v15 =	vcvt.f32.s32 v15;
	v6 =	vld.idx.msk [tilespmem:v6+s4+$0x0], $0xffff;
	v14 =	vtrunc.f32 v14;
	[tilespmem:s7+$0x1E0B0] =	vst v13  }
0x3f5: {  	v13 =	vcvt.f32.s32 v14;
	v14 =	vmin.f32 v19, $3.276700000e+04;
	v19 =	vld.idx.msk [tilespmem:v8+s4+$0x0], $0xffff;
	v8 =	vmax.f32 v20, $-3.276800000e+04  }
0x3f6: {  	v21 =	vmul.f32 $4.096000000e+03, v21;
	v14 =	vtrunc.f32 v14;
	v20 =	vld [tilespmem:s9+$0x16000];
	v26 =	vmin.f32 v8, $3.276700000e+04  }
0x3f7: {  	v8 =	vcvt.f32.s32 v14;
	v14 =	vmax.f32 v16, $-3.276800000e+04;
	v16 =	vtrunc.f32 v26;
	v26 =	vld [tilespmem:s9+$0x16010]  }
0x3f8: {  	v4 =	vadd.s32 $0x8000, v4;
	v45 =	vadd.s32 $0x8000, v2;
	v24 =	vmul.f32 $4.096000000e+03, v24  }
0x3f9: {  	v15 =	vadd.s32 $0x8000, v15;
	v11 =	vadd.s32 $0x8000, v11;
	v21 =	vmax.f32 v21, $-3.276800000e+04  }
0x3fa: {  	v32 =	vmin.f32 v21, $3.276700000e+04;
	v12 =	vmul.f32 $4.096000000e+03, v12;
	[tilespmem:s7+$0x1E030] =	vst v6;
	v6 =	vmax.f32 v59, $-3.276800000e+04  }
0x3fb: {  	v6 =	vmin.f32 v6, $3.276700000e+04;
	v20 =	vmul.f32 $4.096000000e+03, v20;
	[tilespmem:s7+$0x1E0C0] =	vst v19;
	v19 =	vmax.f32 v24, $-3.276800000e+04;
	v24 =	vld [tilespmem:s9+$0x16080]  }
0x3fc: {  	v14 =	vmin.f32 v14, $3.276700000e+04;
	v16 =	vcvt.f32.s32 v16;
	v17 =	vld.idx.msk [tilespmem:v17+s4+$0x0], $0xffff;
	v26 =	vmul.f32 $4.096000000e+03, v26  }
0x3fd: {  	v6 =	vtrunc.f32 v6;
	v14 =	vtrunc.f32 v14;
	v30 =	vmax.f32 v20, $-3.276800000e+04  }
0x3fe: {  	v14 =	vcvt.f32.s32 v14;
	v20 =	vld [tilespmem:s7+$0x16450];
	v30 =	vmin.f32 v30, $3.276700000e+04;
	v26 =	vmax.f32 v26, $-3.276800000e+04  }
0x3ff: {  	v19 =	vmin.f32 v19, $3.276700000e+04;
	v21 =	vmin.f32 v26, $3.276700000e+04;
	v26 =	vtrunc.f32 v30  }
0x400: {  	v40 =	vadd.s32 $0x8000, v13;
	v30 =	vtrunc.f32 v19;
	v19 =	vmul.f32 $4.096000000e+03, v24;
	v24 =	vld [tilespmem:s9+$0x160E0]  }
0x401: {  	v12 =	vmax.f32 v12, $-3.276800000e+04;
	[tilespmem:s7+$0x1E0D0] =	vst v17;
	v17 =	vtrunc.f32 v23;
	v53 =	vcvt.f32.s32 v26;
	v26 =	vld [tilespmem:s9+$0x160F0]  }
0x402: {  	v23 =	vtrunc.f32 v32;
	v49 =	vtrunc.f32 v21;
	v21 =	vadd.s32 $0x8000, v8;
	v18 =	vld.idx.msk [tilespmem:v18+s4+$0x0], $0xffff  }
0x403: {  	v54 =	vld [tilespmem:s9+$0x16050];
	v19 =	vmax.f32 v19, $-3.276800000e+04;
	v17 =	vcvt.f32.s32 v17;
	v20 =	vmul.f32 $4.096000000e+03, v20  }
0x404: {  	v23 =	vcvt.f32.s32 v23;
	v19 =	vmin.f32 v19, $3.276700000e+04;
	v32 =	vadd.s32 $0x8000, v53  }
0x405: {  	v31 =	vld [tilespmem:s9+$0x16480];
	v19 =	vtrunc.f32 v19;
	v38 =	vadd.s32 $0x8000, v17;
	v20 =	vmax.f32 v20, $-3.276800000e+04  }
0x406: {  	v34 =	vld [tilespmem:s9+$0x16490];
	v19 =	vcvt.f32.s32 v19;
	v24 =	vmul.f32 $4.096000000e+03, v24;
	v20 =	vmin.f32 v20, $3.276700000e+04  }
0x407: {  	v17 =	vld [tilespmem:s9+$0x164A0];
	v27 =	vmul.f32 $4.096000000e+03, v26;
	v20 =	vtrunc.f32 v20;
	[tilespmem:s7+$0x1E0E0] =	vst v18;
	v18 =	vmin.f32 v33, $3.276700000e+04  }
0x408: {  	v55 =	vld [tilespmem:s9+$0x16060];
	v19 =	vadd.s32 $0x8000, v19;
	v24 =	vmax.f32 v24, $-3.276800000e+04;
	v33 =	vmul.f32 $4.096000000e+03, v54  }
0x409: {  	v44 =	vld [tilespmem:s9+$0x16420];
	v54 =	vadd.s32 $0x8000, v10;
	v18 =	vtrunc.f32 v18;
	v27 =	vmax.f32 v27, $-3.276800000e+04  }
0x40a: {  	v9 =	vld.idx.msk [tilespmem:v9+s4+$0x0], $0xffff;
	v26 =	vcvt.f32.s32 v18;
	v18 =	vmin.f32 v24, $3.276700000e+04;
	v24 =	vmul.f32 $4.096000000e+03, v31  }
0x40b: {  	v37 =	vld [tilespmem:s9+$0x16070];
	v10 =	vadd.s32 $0x8000, v16;
	v31 =	vmul.f32 $4.096000000e+03, v34;
	v36 =	vmin.f32 v27, $3.276700000e+04  }
0x40c: {  	v16 =	vld [tilespmem:s0+$0x160A0];
	v7 =	vmul.f32 $4.096000000e+03, v17;
	v18 =	vtrunc.f32 v18;
	v24 =	vmax.f32 v24, $-3.276800000e+04  }
0x40d: {  	v50 =	vld [tilespmem:s0+$0x16020];
	v27 =	vcvt.f32.s32 v18;
	v18 =	vtrunc.f32 v36;
	v31 =	vmax.f32 v31, $-3.276800000e+04  }
0x40e: {  	v7 =	vmax.f32 v7, $-3.276800000e+04;
	v36 =	vmul.f32 $4.096000000e+03, v44;
	v24 =	vmin.f32 v24, $3.276700000e+04;
	v56 =	vld.idx.msk [tilespmem:v19+s4+$0x0], $0xffff  }
0x40f: {  	v57 =	vld [tilespmem:s9+$0x164C0];
	v26 =	vadd.s32 $0x8000, v26;
	[tilespmem:s7+$0x1E0F0] =	vst v9;
	v9 =	vtrunc.f32 v24;
	v24 =	vadd.s32 $0x8000, v28  }
0x410: {  	v61 =	vld [tilespmem:s9+$0x164D0];
	v19 =	vcvt.f32.s32 v18;
	v18 =	vadd.s32 $0x8000, v23;
	v23 =	vmin.f32 v31, $3.276700000e+04  }
0x411: {  	v7 =	vmin.f32 v7, $3.276700000e+04;
	v16 =	vmul.f32 $4.096000000e+03, v16;
	v31 =	vtrunc.f32 v23;
	v22 =	vld.idx.msk [tilespmem:v22+s4+$0x0], $0xffff  }
0x412: {  	v46 =	vld [tilespmem:s9+$0x16430];
	v23 =	vmul.f32 $4.096000000e+03, v55;
	v7 =	vtrunc.f32 v7;
	v8 =	vmax.f32 v36, $-3.276800000e+04  }
0x413: {  	v52 =	vld [tilespmem:s0+$0x160C0];
	v27 =	vadd.s32 $0x8000, v27;
	v55 =	vmul.f32 $4.096000000e+03, v50;
	v28 =	vcvt.f32.s32 v9;
	[tilespmem:s9+$0x1E080] =	vst v56  }
0x414: {  	v9 =	vmin.f32 v12, $3.276700000e+04;
	v17 =	vmax.f32 v23, $-3.276800000e+04;
	v23 =	vmul.f32 $4.096000000e+03, v37;
	v58 =	vld.idx.msk [tilespmem:v24+s4+$0x0], $0xffff  }
0x415: {  	v41 =	vld [tilespmem:s0+$0x16010];
	v8 =	vmin.f32 v8, $3.276700000e+04;
	v31 =	vcvt.f32.s32 v31;
	v17 =	vmin.f32 v17, $3.276700000e+04  }
0x416: {  	v60 =	vld [tilespmem:s0+$0x164A0];
	v9 =	vtrunc.f32 v9;
	v17 =	vtrunc.f32 v17;
	v23 =	vmax.f32 v23, $-3.276800000e+04;
	[tilespmem:s7+$0x1E480] =	vst v22  }
0x417: {  	v37 =	vmul.f32 $4.096000000e+03, v46;
	v22 =	vcvt.f32.s32 v17;
	v17 =	vmin.f32 v23, $3.276700000e+04;
	v29 =	vld.idx.msk [tilespmem:v29+s4+$0x0], $0xffff  }
0x418: {  	v16 =	vmax.f32 v16, $-3.276800000e+04;
	v23 =	vtrunc.f32 v17;
	v17 =	vcvt.f32.s32 v7;
	v7 =	vld.idx.msk [tilespmem:v3+s4+$0x0], $0xffff  }
0x419: {  	v2 =	vld [tilespmem:s9+$0x16440];
	v19 =	vadd.s32 $0x8000, v19;
	v5 =	vtrunc.f32 v8;
	v12 =	vcvt.f32.s32 v9;
	[tilespmem:s9+$0x1E090] =	vst v58  }
0x41a: {  	v16 =	vmin.f32 v16, $3.276700000e+04;
	v3 =	vcvt.f32.s32 v23;
	v23 =	vcvt.f32.s32 v30;
	v30 =	vld.idx.msk [tilespmem:v38+s4+$0x0], $0xffff  }
0x41b: {  	v59 =	vld [tilespmem:s0+$0x16090];
	v9 =	vmax.f32 v33, $-3.276800000e+04;
	v33 =	vmax.f32 v42, $-3.276800000e+04;
	v8 =	vcvt.f32.s32 v5  }
0x41c: {  	v53 =	vld [tilespmem:s0+$0x160B0];
	v13 =	vadd.s32 $0x8000, v31;
	v16 =	vtrunc.f32 v16;
	v9 =	vmin.f32 v9, $3.276700000e+04;
	[tilespmem:s7+$0x1E490] =	vst v29  }
0x41d: {  	v32 =	vld.idx.msk [tilespmem:v32+s4+$0x0], $0xffff;
	v37 =	vmax.f32 v37, $-3.276800000e+04;
	v9 =	vtrunc.f32 v9;
	v29 =	vmul.f32 $4.096000000e+03, v57;
	[tilespmem:s7+$0x1E040] =	vst v7  }
0x41e: {  	v24 =	vadd.s32 $0x8000, v35;
	v43 =	vadd.s32 $0x8000, v23;
	v23 =	vcvt.f32.s32 v6;
	v48 =	vld.idx.msk [tilespmem:v1+s4+$0x0], $0xffff  }
0x41f: {  	v42 =	vld [tilespmem:s0+$0x16030];
	v6 =	vmax.f32 v29, $-3.276800000e+04;
	v29 =	vmul.f32 $4.096000000e+03, v61;
	[tilespmem:s9+$0x1E0A0] =	vst v30;
	v30 =	vadd.s32 $0x8000, v0  }
0x420: {  	v35 =	vcvt.f32.s32 v49;
	v37 =	vmin.f32 v37, $3.276700000e+04;
	v6 =	vmin.f32 v6, $3.276700000e+04;
	v25 =	vld.idx.msk [tilespmem:v25+s4+$0x0], $0xffff  }
0x421: {  	v5 =	vtrunc.f32 v37;
	v4 =	vld.idx.msk [tilespmem:v4+s4+$0x0], $0xffff;
	v6 =	vtrunc.f32 v6;
	v29 =	vmax.f32 v29, $-3.276800000e+04  }
0x422: {  	v37 =	vmul.f32 $4.096000000e+03, v53;
	v57 =	vld [tilespmem:s0+$0x16080];
	v1 =	vcvt.f32.s32 v6;
	v6 =	vmin.f32 v29, $3.276700000e+04  }
0x423: {  	v35 =	vadd.s32 $0x8000, v35;
	v29 =	vtrunc.f32 v6;
	v6 =	vmax.f32 v47, $-3.276800000e+04;
	[tilespmem:s7+$0x1E050] =	vst v48;
	v47 =	vld [tilespmem:s0+$0x16480]  }
0x424: {  	v28 =	vadd.s32 $0x8000, v28;
	v16 =	vcvt.f32.s32 v16;
	v9 =	vcvt.f32.s32 v9;
	v30 =	vld.idx.msk [tilespmem:v30+s4+$0x0], $0xffff  }
0x425: {  	v5 =	vcvt.f32.s32 v5;
	v56 =	vmax.f32 v37, $-3.276800000e+04;
	[tilespmem:s9+$0x1E0B0] =	vst v25;
	v25 =	vcvt.f32.s32 v20;
	v20 =	vld [tilespmem:s0+$0x16000]  }
0x426: {  	v62 =	vmul.f32 $4.096000000e+03, v42;
	v36 =	vmin.f32 v56, $3.276700000e+04;
	v58 =	vmul.f32 $4.096000000e+03, v41;
	[tilespmem:s7+$0x1E4A0] =	vst v4;
	v34 =	vld.idx.msk [tilespmem:v43+s4+$0x0], $0xffff  }
0x427: {  	[tilespmem:s9+$0x1E000] =	vst v32;
	v49 =	vmax.f32 v39, $-3.276800000e+04;
	v36 =	vtrunc.f32 v36;
	v0 =	vcvt.f32.s32 v29;
	v29 =	vld.idx.msk [tilespmem:v45+s4+$0x0], $0xffff  }
0x428: {  	v38 =	vmax.f32 v51, $-3.276800000e+04;
	v36 =	vcvt.f32.s32 v36;
	v7 =	vmin.f32 v33, $3.276700000e+04;
	v35 =	vld.idx.msk [tilespmem:v35+s4+$0x0], $0xffff  }
0x429: {  	v38 =	vmin.f32 v38, $3.276700000e+04;
	v33 =	vmax.f32 v55, $-3.276800000e+04;
	v7 =	vtrunc.f32 v7;
	v48 =	vld [tilespmem:s0+$0x16490];
	[tilespmem:s7+$0x1E060] =	vst v30  }
0x42a: {  	v33 =	vmin.f32 v33, $3.276700000e+04;
	v36 =	vadd.s32 $0x8000, v36;
	v7 =	vcvt.f32.s32 v7;
	v31 =	vld.idx.msk [tilespmem:v54+s4+$0x0], $0xffff  }
0x42b: {  	v55 =	vld [tilespmem:s0+$0x16050];
	v61 =	vadd.s32 $0x8000, v14;
	v14 =	vmax.f32 v58, $-3.276800000e+04;
	v20 =	vmul.f32 $4.096000000e+03, v20;
	[tilespmem:s9+$0x1E0C0] =	vst v34  }
0x42c: {  	v14 =	vmin.f32 v14, $3.276700000e+04;
	v53 =	vmul.f32 $4.096000000e+03, v47;
	v47 =	vmul.f32 $4.096000000e+03, v60;
	[tilespmem:s7+$0x1E4B0] =	vst v29;
	v26 =	vld.idx.msk [tilespmem:v26+s4+$0x0], $0xffff  }
0x42d: {  	v29 =	vmul.f32 $4.096000000e+03, v52;
	v11 =	vld.idx.msk [tilespmem:v11+s4+$0x0], $0xffff;
	v30 =	vtrunc.f32 v38;
	v20 =	vmax.f32 v20, $-3.276800000e+04  }
0x42e: {  	v4 =	vld [tilespmem:s9+$0x16450];
	v25 =	vadd.s32 $0x8000, v25;
	v30 =	vcvt.f32.s32 v30;
	v20 =	vmin.f32 v20, $3.276700000e+04  }
0x42f: {  	v45 =	vld [tilespmem:s0+$0x160F0];
	v29 =	vmax.f32 v29, $-3.276800000e+04;
	v54 =	vmul.f32 $4.096000000e+03, v48;
	v20 =	vtrunc.f32 v20;
	[tilespmem:s7+$0x1E070] =	vst v31  }
0x430: {  	v29 =	vmin.f32 v29, $3.276700000e+04;
	v34 =	vcvt.f32.s32 v20;
	v20 =	vtrunc.f32 v33;
	v15 =	vld.idx.msk [tilespmem:v15+s4+$0x0], $0xffff  }
0x431: {  	v31 =	vld [tilespmem:s0+$0x160E0];
	v46 =	vcvt.f32.s32 v20;
	v20 =	vmax.f32 v62, $-3.276800000e+04;
	[tilespmem:s9+$0x1E0D0] =	vst v26;
	v26 =	vmul.f32 $4.096000000e+03, v57  }
0x432: {  	v29 =	vtrunc.f32 v29;
	v41 =	vadd.s32 $0x8000, v30;
	[tilespmem:s7+$0x1E4C0] =	vst v11;
	v11 =	vmin.f32 v20, $3.276700000e+04;
	v27 =	vld.idx.msk [tilespmem:v27+s4+$0x0], $0xffff  }
0x433: {  	v52 =	vld [tilespmem:s0+$0x16060];
	v11 =	vtrunc.f32 v11;
	v20 =	vmax.f32 v26, $-3.276800000e+04;
	v26 =	vmul.f32 $4.096000000e+03, v59  }
0x434: {  	v30 =	vld.idx.msk [tilespmem:v40+s4+$0x0], $0xffff;
	v40 =	vcvt.f32.s32 v11;
	v59 =	vadd.s32 $0x8000, v16;
	v20 =	vmin.f32 v20, $3.276700000e+04  }
0x435: {  	v16 =	vadd.s32 $0x8000, v46;
	[tilespmem:s7+$0x1E400] =	vst v15;
	v11 =	vtrunc.f32 v20;
	v15 =	vmax.f32 v26, $-3.276800000e+04;
	v26 =	vld [tilespmem:s0+$0x16040]  }
0x436: {  	v46 =	vadd.s32 $0x8000, v12;
	v20 =	vld.idx.msk [tilespmem:v61+s4+$0x0], $0xffff;
	v11 =	vcvt.f32.s32 v11;
	v15 =	vmin.f32 v15, $3.276700000e+04  }
0x437: {  	v31 =	vmul.f32 $4.096000000e+03, v31;
	v61 =	vld [tilespmem:s0+$0x164B0];
	[tilespmem:s9+$0x1E0E0] =	vst v27;
	v15 =	vtrunc.f32 v15;
	v27 =	vmin.f32 v49, $3.276700000e+04  }
0x438: {  	[tilespmem:s9+$0x1E010] =	vst v35;
	v50 =	vld.idx.msk [tilespmem:v19+s4+$0x0], $0xffff;
	v11 =	vadd.s32 $0x8000, v11;
	v51 =	vcvt.f32.s32 v15;
	v15 =	vtrunc.f32 v27  }
0x439: {  	v27 =	vld.idx.msk [tilespmem:v18+s4+$0x0], $0xffff;
	v19 =	vmul.f32 $4.096000000e+03, v45;
	v18 =	vcvt.f32.s32 v15;
	v15 =	vmax.f32 v31, $-3.276800000e+04  }
0x43a: {  	v45 =	vmul.f32 $4.096000000e+03, v52;
	v52 =	vld [tilespmem:s0+$0x164D0];
	v15 =	vmin.f32 v15, $3.276700000e+04;
	v26 =	vmul.f32 $4.096000000e+03, v26  }
0x43b: {  	v31 =	vld [tilespmem:s0+$0x16070];
	v43 =	vmax.f32 v19, $-3.276800000e+04;
	v58 =	vadd.s32 $0x8000, v51;
	v15 =	vtrunc.f32 v15;
	[tilespmem:s7+$0x1E410] =	vst v20  }
0x43c: {  	v20 =	vmax.f32 v53, $-3.276800000e+04;
	v19 =	vcvt.f32.s32 v15;
	v15 =	vmin.f32 v43, $3.276700000e+04;
	v56 =	vld.idx.msk [tilespmem:v21+s4+$0x0], $0xffff  }
0x43d: {  	v51 =	vadd.s32 $0x8000, v17;
	v20 =	vmin.f32 v20, $3.276700000e+04;
	v57 =	vld.idx.msk [tilespmem:v11+s4+$0x0], $0xffff;
	v11 =	vtrunc.f32 v15;
	[tilespmem:s9+$0x1E0F0] =	vst v50  }
0x43e: {  	v26 =	vmax.f32 v26, $-3.276800000e+04;
	v15 =	vcvt.f32.s32 v11;
	v11 =	vtrunc.f32 v20;
	v28 =	vld.idx.msk [tilespmem:v28+s4+$0x0], $0xffff  }
0x43f: {  	v62 =	vld [tilespmem:s0+$0x164C0];
	v20 =	vcvt.f32.s32 v11;
	v11 =	vmin.f32 v26, $3.276700000e+04;
	v26 =	vmul.f32 $4.096000000e+03, v55  }
0x440: {  	v17 =	vadd.s32 $0x8000, v40;
	v48 =	vmul.f32 $4.096000000e+03, v61;
	v53 =	vld [tilespmem:s0+$0x16410];
	v21 =	vmax.f32 v54, $-3.276800000e+04;
	[tilespmem:s9+$0x1E020] =	vst v27  }
0x441: {  	v21 =	vmin.f32 v21, $3.276700000e+04;
	v27 =	vadd.s32 $0x8000, v34;
	v24 =	vld.idx.msk [tilespmem:v24+s4+$0x0], $0xffff;
	v26 =	vmax.f32 v26, $-3.276800000e+04;
	[tilespmem:s7+$0x1E420] =	vst v56  }
0x442: {  	v38 =	vmul.f32 $4.096000000e+03, v52;
	v21 =	vtrunc.f32 v21;
	v26 =	vmin.f32 v26, $3.276700000e+04;
	[tilespmem:s0+$0x1E080] =	vst v57;
	v10 =	vld.idx.msk [tilespmem:v10+s4+$0x0], $0xffff  }
0x443: {  	v31 =	vmul.f32 $4.096000000e+03, v31;
	v55 =	vadd.s32 $0x8000, v9;
	v12 =	vtrunc.f32 v26;
	v26 =	vld.idx.msk [tilespmem:v58+s4+$0x0], $0xffff;
	[tilespmem:s9+$0x1E480] =	vst v28  }
0x444: {  	v9 =	vcvt.f32.s32 v29;
	v29 =	vmul.f32 $4.096000000e+03, v62;
	v61 =	vmax.f32 v38, $-3.276800000e+04;
	v49 =	vld.idx.msk [tilespmem:v13+s4+$0x0], $0xffff  }
0x445: {  	v50 =	vld [tilespmem:s0+$0x16400];
	v11 =	vtrunc.f32 v11;
	v31 =	vmax.f32 v31, $-3.276800000e+04;
	v28 =	vmax.f32 v45, $-3.276800000e+04  }
0x446: {  	v40 =	vmul.f32 $4.096000000e+03, v53;
	v57 =	vld [tilespmem:s0+$0x16420];
	[tilespmem:s9+$0x1E030] =	vst v24;
	v13 =	vmin.f32 v28, $3.276700000e+04;
	v28 =	vmax.f32 v47, $-3.276800000e+04  }
0x447: {  	v11 =	vcvt.f32.s32 v11;
	v24 =	vmin.f32 v31, $3.276700000e+04;
	v54 =	vld.idx.msk [tilespmem:v46+s4+$0x0], $0xffff;
	v28 =	vmin.f32 v28, $3.276700000e+04;
	[tilespmem:s7+$0x1E430] =	vst v10  }
0x448: {  	v31 =	vmax.f32 v48, $-3.276800000e+04;
	v24 =	vtrunc.f32 v24;
	v28 =	vtrunc.f32 v28;
	[tilespmem:s0+$0x1E090] =	vst v26;
	v41 =	vld.idx.msk [tilespmem:v41+s4+$0x0], $0xffff  }
0x449: {  	v58 =	vmax.f32 v29, $-3.276800000e+04;
	v10 =	vcvt.f32.s32 v28;
	v28 =	vcvt.f32.s32 v24;
	v24 =	vld.idx.msk [tilespmem:v59+s4+$0x0], $0xffff;
	[tilespmem:s9+$0x1E490] =	vst v49  }
0x44a: {  	v56 =	vmul.f32 $4.096000000e+03, v50;
	v60 =	vmin.f32 v58, $3.276700000e+04;
	v26 =	vmin.f32 v31, $3.276700000e+04;
	v34 =	vld.idx.msk [tilespmem:v51+s4+$0x0], $0xffff  }
0x44b: {  	v29 =	vld [tilespmem:s0+$0x16440];
	v13 =	vtrunc.f32 v13;
	v26 =	vtrunc.f32 v26;
	v59 =	vadd.s32 $0x8000, v23  }
0x44c: {  	v31 =	vadd.s32 $0x8000, v9;
	v23 =	vmax.f32 v56, $-3.276800000e+04;
	[tilespmem:s9+$0x1E040] =	vst v54;
	v9 =	vcvt.f32.s32 v26;
	v26 =	vld [tilespmem:s0+$0x16430]  }
0x44d: {  	v32 =	vtrunc.f32 v60;
	v13 =	vcvt.f32.s32 v13;
	v23 =	vmin.f32 v23, $3.276700000e+04;
	v33 =	vld.idx.msk [tilespmem:v55+s4+$0x0], $0xffff;
	[tilespmem:s7+$0x1E440] =	vst v41  }
0x44e: {  	v62 =	vtrunc.f32 v23;
	v23 =	vcvt.f32.s32 v32;
	[tilespmem:s0+$0x1E0A0] =	vst v24;
	v24 =	vmin.f32 v61, $3.276700000e+04;
	v25 =	vld.idx.msk [tilespmem:v25+s4+$0x0], $0xffff  }
0x44f: {  	v35 =	vadd.s32 $0x8000, v22;
	v32 =	vcvt.f32.s32 v62;
	v36 =	vld.idx.msk [tilespmem:v36+s4+$0x0], $0xffff;
	v24 =	vtrunc.f32 v24;
	[tilespmem:s9+$0x1E4A0] =	vst v34  }
0x450: {  	s16 =	simm.s32 $0x300;
	s17 =	simm.s32 $0x600;
	s2 =	simm.s32 $0x4;
	[tilespmem:s7+$0x1E4D0] =	vst v30;
	v30 =	vmax.f32 v40, $-3.276800000e+04;
	v34 =	vmul.f32 $4.096000000e+03, v57;
	v24 =	vcvt.f32.s32 v24;
	v22 =	vld.idx.msk [tilespmem:v59+s4+$0x0], $0xffff  }
.LBB2_13:
0x451: {  	v14 =	vtrunc.f32 v14;
	v37 =	vmul.f32 $4.096000000e+03, v26  }
0x452: {  	s15 =	sand.u32 $0x1800, s17;
	s18 =	sand.u32 $0x300, s16;
	s2 =	sadd.s32 $0x2, s2;
	v38 =	vld [tilespmem:s0+$0x16450];
	v26 =	vadd.s32 $0x8000, v8;
	v4 =	vmul.f32 $4.096000000e+03, v4;
	v39 =	vadd.s32 $0x8000, v7  }
0x453: {  	v7 =	vmovc v32;
	v32 =	vadd.s32 $0x8000, v3;
	s15 =	sor.u32 s18, s15;
	p0 =	slt.u32 s2, $0x1E;
	v27 =	vld.idx.msk [tilespmem:v27+s4+$0x0], $0xffff;
	v14 =	vcvt.f32.s32 v14;
	v8 =	vmax.f32 v34, $-3.276800000e+04  }
0x454: {  	v34 =	vld [tilespmem:s15+$0x16020];
	v8 =	vmin.f32 v8, $3.276700000e+04;
	v37 =	vmax.f32 v37, $-3.276800000e+04;
	[tilespmem:s9+$0x1E050] =	vst v33;
	v33 =	vmul.f32 $4.096000000e+03, v2;
	v2 =	vmovc v29  }
0x455: {  	v41 =	vmax.f32 v4, $-3.276800000e+04;
	v29 =	vld [tilespmem:s15+$0x160C0];
	v8 =	vtrunc.f32 v8;
	v37 =	vmin.f32 v37, $3.276700000e+04;
	[tilespmem:s7+$0x1E450] =	vst v25;
	s7 =	smov.u32 s9;
	s9 =	smov.u32 s0;
	s0 =	smov.u32 s15  }
0x456: {  	v40 =	vmin.f32 v41, $3.276700000e+04;
	v8 =	vcvt.f32.s32 v8;
	v25 =	vtrunc.f32 v37;
	[tilespmem:s9+$0x1E0B0] =	vst v36;
	v35 =	vld.idx.msk [tilespmem:v35+s4+$0x0], $0xffff  }
0x457: {  	v18 =	vadd.s32 $0x8000, v18;
	v36 =	vld [tilespmem:s0+$0x160B0];
	v37 =	vcvt.f32.s32 v25;
	v25 =	vtrunc.f32 v40;
	[tilespmem:s7+$0x1E4B0] =	vst v22;
	v4 =	vmovc v38  }
0x458: {  	v3 =	vmovc v28;
	v21 =	vcvt.f32.s32 v21;
	v14 =	vadd.s32 $0x8000, v14;
	v31 =	vld.idx.msk [tilespmem:v31+s4+$0x0], $0xffff;
	v22 =	vcvt.f32.s32 v25  }
0x459: {  	v38 =	vadd.s32 $0x8000, v1;
	v1 =	vmovc v23;
	v23 =	vmax.f32 v33, $-3.276800000e+04;
	v25 =	vadd.s32 $0x8000, v5;
	v28 =	vld [tilespmem:s0+$0x16000];
	v5 =	vmovc v37  }
0x45a: {  	v19 =	vadd.s32 $0x8000, v19;
	v33 =	vadd.s32 $0x8000, v0;
	v0 =	vmovc v24;
	v41 =	vmin.f32 v23, $3.276700000e+04;
	v37 =	vld [tilespmem:s0+$0x160A0]  }
0x45b: {  	v40 =	vmin.f32 v6, $3.276700000e+04;
	v6 =	vmovc v30;
	v23 =	vadd.s32 $0x8000, v21;
	v21 =	vtrunc.f32 v41;
	v24 =	vld [tilespmem:s0+$0x16010]  }
0x45c: {  	v34 =	vmul.f32 $4.096000000e+03, v34;
	v30 =	vld [tilespmem:s0+$0x16030];
	v36 =	vmul.f32 $4.096000000e+03, v36;
	[tilespmem:s7+$0x1E060] =	vst v35  }
0x45d: {  	v20 =	vadd.s32 $0x8000, v20;
	v29 =	vmul.f32 $4.096000000e+03, v29;
	v35 =	vtrunc.f32 v40;
	v32 =	vld.idx.msk [tilespmem:v32+s4+$0x0], $0xffff  }
0x45e: {  	v21 =	vcvt.f32.s32 v21;
	v28 =	vmul.f32 $4.096000000e+03, v28;
	v36 =	vmax.f32 v36, $-3.276800000e+04;
	[tilespmem:s9+$0x1E0C0] =	vst v31;
	v31 =	vld.idx.msk [tilespmem:v38+s4+$0x0], $0xffff  }
0x45f: {  	v29 =	vmax.f32 v29, $-3.276800000e+04;
	v35 =	vcvt.f32.s32 v35;
	v37 =	vmul.f32 $4.096000000e+03, v37;
	v18 =	vld.idx.msk [tilespmem:v18+s4+$0x0], $0xffff  }
0x460: {  	v29 =	vmin.f32 v29, $3.276700000e+04;
	v36 =	vmin.f32 v36, $3.276700000e+04;
	v28 =	vmax.f32 v28, $-3.276800000e+04;
	v38 =	vld [tilespmem:s0+$0x16080]  }
0x461: {  	v34 =	vmax.f32 v34, $-3.276800000e+04;
	v24 =	vmul.f32 $4.096000000e+03, v24;
	v36 =	vtrunc.f32 v36;
	v40 =	vld [tilespmem:s0+$0x16090]  }
0x462: {  	v34 =	vmin.f32 v34, $3.276700000e+04;
	v36 =	vcvt.f32.s32 v36;
	v41 =	vld [tilespmem:s0+$0x160D0];
	[tilespmem:s9+$0x1E000] =	vst v27;
	v27 =	vadd.s32 $0x8000, v35  }
0x463: {  	v34 =	vtrunc.f32 v34;
	v30 =	vmul.f32 $4.096000000e+03, v30;
	v24 =	vmax.f32 v24, $-3.276800000e+04;
	v35 =	vld.idx.msk [tilespmem:v14+s4+$0x0], $0xffff;
	[tilespmem:s7+$0x1E070] =	vst v32  }
0x464: {  	v28 =	vmin.f32 v28, $3.276700000e+04;
	v14 =	vmin.f32 v24, $3.276700000e+04;
	v24 =	vmax.f32 v37, $-3.276800000e+04;
	v32 =	vld.idx.msk [tilespmem:v39+s4+$0x0], $0xffff;
	[tilespmem:s7+$0x1E4C0] =	vst v31  }
0x465: {  	v28 =	vtrunc.f32 v28;
	v31 =	vmin.f32 v24, $3.276700000e+04;
	v24 =	vtrunc.f32 v29;
	v29 =	vld [tilespmem:s0+$0x160E0];
	[tilespmem:s9+$0x1E0D0] =	vst v18  }
0x466: {  	v15 =	vadd.s32 $0x8000, v15;
	v18 =	vmul.f32 $4.096000000e+03, v38;
	v31 =	vtrunc.f32 v31;
	v19 =	vld.idx.msk [tilespmem:v19+s4+$0x0], $0xffff  }
0x467: {  	v37 =	vcvt.f32.s32 v28;
	v28 =	vadd.s32 $0x8000, v21;
	v21 =	vcvt.f32.s32 v34;
	v38 =	vld [tilespmem:s0+$0x160F0]  }
0x468: {  	v30 =	vmax.f32 v30, $-3.276800000e+04;
	v36 =	vadd.s32 $0x8000, v36;
	v31 =	vcvt.f32.s32 v31;
	v34 =	vld [tilespmem:s0+$0x16480]  }
0x469: {  	v30 =	vmin.f32 v30, $3.276700000e+04;
	v39 =	vmul.f32 $4.096000000e+03, v40;
	v18 =	vmax.f32 v18, $-3.276800000e+04;
	v40 =	vld [tilespmem:s0+$0x16490]  }
0x46a: {  	v30 =	vtrunc.f32 v30;
	v41 =	vmul.f32 $4.096000000e+03, v41;
	v18 =	vmin.f32 v18, $3.276700000e+04;
	[tilespmem:s7+$0x1E400] =	vst v32;
	v32 =	vld.idx.msk [tilespmem:v33+s4+$0x0], $0xffff  }
0x46b: {  	v30 =	vcvt.f32.s32 v30;
	v18 =	vtrunc.f32 v18;
	v33 =	vmax.f32 v39, $-3.276800000e+04;
	v27 =	vld.idx.msk [tilespmem:v27+s4+$0x0], $0xffff  }
0x46c: {  	v41 =	vmax.f32 v41, $-3.276800000e+04;
	v18 =	vcvt.f32.s32 v18;
	v33 =	vmin.f32 v33, $3.276700000e+04;
	v39 =	vld [tilespmem:s0+$0x16040];
	[tilespmem:s9+$0x1E0E0] =	vst v19  }
0x46d: {  	v29 =	vmul.f32 $4.096000000e+03, v29;
	v19 =	vtrunc.f32 v33;
	v33 =	vmin.f32 v41, $3.276700000e+04;
	[tilespmem:s9+$0x1E010] =	vst v35;
	v15 =	vld.idx.msk [tilespmem:v15+s4+$0x0], $0xffff  }
0x46e: {  	v35 =	vadd.s32 $0x8000, v18;
	v41 =	vcvt.f32.s32 v19;
	v18 =	vtrunc.f32 v33;
	v33 =	vld.idx.msk [tilespmem:v16+s4+$0x0], $0xffff  }
0x46f: {  	v19 =	vmul.f32 $4.096000000e+03, v38;
	v18 =	vcvt.f32.s32 v18;
	v16 =	vmax.f32 v29, $-3.276800000e+04;
	v42 =	vld [tilespmem:s0+$0x16060]  }
0x470: {  	v34 =	vmul.f32 $4.096000000e+03, v34;
	v38 =	vmul.f32 $4.096000000e+03, v40;
	v16 =	vmin.f32 v16, $3.276700000e+04;
	v29 =	vld [tilespmem:s0+$0x16070];
	[tilespmem:s7+$0x1E4D0] =	vst v32  }
0x471: {  	v40 =	vmax.f32 v19, $-3.276800000e+04;
	v16 =	vtrunc.f32 v16;
	v32 =	vmul.f32 $4.096000000e+03, v39;
	v39 =	vld [tilespmem:s0+$0x16050];
	[tilespmem:s7+$0x1E410] =	vst v27  }
0x472: {  	v19 =	vcvt.f32.s32 v16;
	v16 =	vmin.f32 v40, $3.276700000e+04;
	v27 =	vmax.f32 v34, $-3.276800000e+04;
	v26 =	vld.idx.msk [tilespmem:v26+s4+$0x0], $0xffff  }
0x473: {  	v16 =	vtrunc.f32 v16;
	v27 =	vmin.f32 v27, $3.276700000e+04;
	v34 =	vld.idx.msk [tilespmem:v35+s4+$0x0], $0xffff;
	v35 =	vmax.f32 v38, $-3.276800000e+04;
	[tilespmem:s9+$0x1E0F0] =	vst v15  }
0x474: {  	v32 =	vmax.f32 v32, $-3.276800000e+04;
	v15 =	vcvt.f32.s32 v16;
	v16 =	vtrunc.f32 v27;
	v38 =	vld.idx.msk [tilespmem:v20+s4+$0x0], $0xffff  }
0x475: {  	v31 =	vadd.s32 $0x8000, v31;
	v40 =	vadd.s32 $0x8000, v41;
	v20 =	vcvt.f32.s32 v16;
	v41 =	vld [tilespmem:s0+$0x164A0]  }
0x476: {  	v24 =	vcvt.f32.s32 v24;
	v27 =	vmin.f32 v32, $3.276700000e+04;
	v32 =	vmul.f32 $4.096000000e+03, v39;
	v39 =	vld [tilespmem:s0+$0x164B0]  }
0x477: {  	v16 =	vadd.s32 $0x8000, v21;
	v21 =	vtrunc.f32 v27;
	v27 =	vmin.f32 v35, $3.276700000e+04;
	v35 =	vld [tilespmem:s0+$0x164C0];
	[tilespmem:s9+$0x1E020] =	vst v33  }
0x478: {  	v33 =	vcvt.f32.s32 v21;
	v21 =	vtrunc.f32 v27;
	v32 =	vmax.f32 v32, $-3.276800000e+04;
	v43 =	vld.idx.msk [tilespmem:v17+s4+$0x0], $0xffff;
	[tilespmem:s7+$0x1E420] =	vst v26  }
0x479: {  	v26 =	vmul.f32 $4.096000000e+03, v42;
	v17 =	vmin.f32 v32, $3.276700000e+04;
	[tilespmem:s0+$0x1E080] =	vst v34;
	v32 =	vadd.s32 $0x8000, v11;
	v25 =	vld.idx.msk [tilespmem:v25+s4+$0x0], $0xffff  }
0x47a: {  	v27 =	vadd.s32 $0x8000, v37;
	v11 =	vmovc v33;
	v34 =	vtrunc.f32 v17;
	v37 =	vld.idx.msk [tilespmem:v40+s4+$0x0], $0xffff;
	v17 =	vmul.f32 $4.096000000e+03, v41;
	[tilespmem:s9+$0x1E480] =	vst v38  }
0x47b: {  	v29 =	vmul.f32 $4.096000000e+03, v29;
	v26 =	vmax.f32 v26, $-3.276800000e+04;
	v33 =	vmul.f32 $4.096000000e+03, v39;
	v23 =	vld.idx.msk [tilespmem:v23+s4+$0x0], $0xffff  }
0x47c: {  	v26 =	vmin.f32 v26, $3.276700000e+04;
	v39 =	vadd.s32 $0x8000, v10;
	v38 =	vld [tilespmem:s0+$0x16400];
	v17 =	vmax.f32 v17, $-3.276800000e+04  }
0x47d: {  	v10 =	vtrunc.f32 v26;
	v26 =	vmax.f32 v29, $-3.276800000e+04;
	v29 =	vmin.f32 v17, $3.276700000e+04;
	v40 =	vld [tilespmem:s0+$0x164D0]  }
0x47e: {  	v42 =	vcvt.f32.s32 v12;
	v12 =	vmovc v34;
	v17 =	vadd.s32 $0x8000, v30;
	v30 =	vcvt.f32.s32 v10;
	v41 =	vld [tilespmem:s0+$0x16410];
	[tilespmem:s9+$0x1E030] =	vst v43  }
0x47f: {  	v10 =	vmin.f32 v26, $3.276700000e+04;
	v26 =	vtrunc.f32 v29;
	v29 =	vmax.f32 v33, $-3.276800000e+04;
	v32 =	vld.idx.msk [tilespmem:v32+s4+$0x0], $0xffff;
	[tilespmem:s7+$0x1E430] =	vst v25  }
0x480: {  	v33 =	vadd.s32 $0x8000, v42;
	v25 =	vtrunc.f32 v10;
	v10 =	vcvt.f32.s32 v26;
	[tilespmem:s0+$0x1E090] =	vst v37;
	v34 =	vld.idx.msk [tilespmem:v28+s4+$0x0], $0xffff  }
0x481: {  	v26 =	vmin.f32 v29, $3.276700000e+04;
	v29 =	vmul.f32 $4.096000000e+03, v35;
	v28 =	vcvt.f32.s32 v25;
	v25 =	vld.idx.msk [tilespmem:v31+s4+$0x0], $0xffff;
	[tilespmem:s9+$0x1E490] =	vst v23  }
0x482: {  	v22 =	vadd.s32 $0x8000, v22;
	v23 =	vtrunc.f32 v26;
	v35 =	vmul.f32 $4.096000000e+03, v38;
	v37 =	vld.idx.msk [tilespmem:v39+s4+$0x0], $0xffff  }
0x483: {  	v31 =	vadd.s32 $0x8000, v24;
	v24 =	vmax.f32 v29, $-3.276800000e+04;
	v23 =	vcvt.f32.s32 v23;
	v38 =	vld [tilespmem:s0+$0x16420]  }
0x484: {  	v39 =	vmul.f32 $4.096000000e+03, v40;
	v40 =	vadd.s32 $0x8000, v9;
	v24 =	vmin.f32 v24, $3.276700000e+04;
	v26 =	vld [tilespmem:s0+$0x16430]  }
.Ltmp6:
0x485: {  	v42 =	vmax.f32 v35, $-3.276800000e+04;
	v41 =	vmul.f32 $4.096000000e+03, v41;
	v29 =	vld [tilespmem:s0+$0x16440];
	[tilespmem:s9+$0x1E040] =	vst v32;
	(pc) =	sbr.rel @p0 .LBB2_13-.Ltmp6, $4  }
0x486: {  	v24 =	vtrunc.f32 v24;
	v35 =	vmax.f32 v39, $-3.276800000e+04;
	v9 =	vmovc v23;
	v32 =	vmin.f32 v42, $3.276700000e+04;
	v33 =	vld.idx.msk [tilespmem:v33+s4+$0x0], $0xffff;
	[tilespmem:s7+$0x1E440] =	vst v34  }
0x487: {  	v23 =	vcvt.f32.s32 v24;
	v24 =	vmin.f32 v35, $3.276700000e+04;
	v32 =	vtrunc.f32 v32;
	[tilespmem:s0+$0x1E0A0] =	vst v25;
	v25 =	vld.idx.msk [tilespmem:v22+s4+$0x0], $0xffff  }
0x488: {  	v35 =	vadd.s32 $0x8000, v13;
	v13 =	vmovc v30;
	v32 =	vcvt.f32.s32 v32;
	v22 =	vtrunc.f32 v24;
	v36 =	vld.idx.msk [tilespmem:v36+s4+$0x0], $0xffff;
	[tilespmem:s9+$0x1E4A0] =	vst v37  }
0x489: {  	s16 =	sadd.s32 $0x100, s16;
	s17 =	sadd.s32 $0x200, s17;
	v30 =	vmax.f32 v41, $-3.276800000e+04;
	v34 =	vmul.f32 $4.096000000e+03, v38;
	v24 =	vcvt.f32.s32 v22;
	v22 =	vld.idx.msk [tilespmem:v40+s4+$0x0], $0xffff  }
0x48a: {  	_ =	sdelay $0x1  }
0x48b: {  	v14 =	vtrunc.f32 v14  }
0x48c: {  	v14 =	vcvt.f32.s32 v14  }
0x48d: {  	v27 =	vld.idx.msk [tilespmem:v27+s4+$0x0], $0xffff  }
0x48e: {  	v14 =	vadd.s32 $0x8000, v14;
	_ =	sdelay $0x3  }
0x48f: {  	[tilespmem:s0+$0x1E000] =	vst v27  }
0x490: {  	v14 =	vld.idx.msk [tilespmem:v14+s4+$0x0], $0xffff;
	_ =	sdelay $0x4  }
0x491: {  	[tilespmem:s0+$0x1E010] =	vst v14  }
0x492: {  	v14 =	vld.idx.msk [tilespmem:v16+s4+$0x0], $0xffff;
	_ =	sdelay $0x4  }
0x493: {  	[tilespmem:s0+$0x1E020] =	vst v14  }
0x494: {  	v14 =	vld.idx.msk [tilespmem:v17+s4+$0x0], $0xffff  }
0x495: {  	v11 =	vadd.s32 $0x8000, v11;
	_ =	sdelay $0x2  }
0x496: {  	[tilespmem:s0+$0x1E0B0] =	vst v36  }
0x497: {  	v12 =	vcvt.f32.s32 v12;
	v62 =	vld.idx.msk [tilespmem:v31+s4+$0x0], $0xffff;
	[tilespmem:s0+$0x1E030] =	vst v14  }
0x498: {  	v27 =	vadd.s32 $0x8000, v18;
	v11 =	vld.idx.msk [tilespmem:v11+s4+$0x0], $0xffff  }
0x499: {  	v12 =	vadd.s32 $0x8000, v12;
	_ =	sdelay $0x2  }
0x49a: {  	[tilespmem:s0+$0x1E0C0] =	vst v62  }
0x49b: {  	v14 =	vld.idx.msk [tilespmem:v27+s4+$0x0], $0xffff;
	[tilespmem:s0+$0x1E040] =	vst v11  }
0x49c: {  	v31 =	vadd.s32 $0x8000, v19;
	v12 =	vld.idx.msk [tilespmem:v12+s4+$0x0], $0xffff  }
0x49d: {  	v13 =	vadd.s32 $0x8000, v13;
	_ =	sdelay $0x1  }
0x49e: {  	[tilespmem:s9+$0x1E050] =	vst v33  }
0x49f: {  	v36 =	vld.idx.msk [tilespmem:v35+s4+$0x0], $0xffff;
	[tilespmem:s0+$0x1E0D0] =	vst v14  }
0x4a0: {  	v3 =	vadd.s32 $0x8000, v3;
	v11 =	vld.idx.msk [tilespmem:v31+s4+$0x0], $0xffff;
	[tilespmem:s0+$0x1E050] =	vst v12  }
0x4a1: {  	v38 =	vadd.s32 $0x8000, v15;
	v13 =	vld.idx.msk [tilespmem:v13+s4+$0x0], $0xffff  }
0x4a2: {  	v39 =	vadd.s32 $0x8000, v28;
	_ =	sdelay $0x1  }
0x4a3: {  	[tilespmem:s9+$0x1E060] =	vst v36  }
0x4a4: {  	v3 =	vld.idx.msk [tilespmem:v3+s4+$0x0], $0xffff;
	[tilespmem:s0+$0x1E0E0] =	vst v11  }
0x4a5: {  	v7 =	vadd.s32 $0x8000, v7;
	v11 =	vld.idx.msk [tilespmem:v38+s4+$0x0], $0xffff;
	[tilespmem:s0+$0x1E060] =	vst v13  }
0x4a6: {  	v40 =	vadd.s32 $0x8000, v20;
	v13 =	vld.idx.msk [tilespmem:v39+s4+$0x0], $0xffff  }
0x4a7: {  	v6 =	vmin.f32 v6, $3.276700000e+04;
	v41 =	vadd.s32 $0x8000, v32  }
0x4a8: {  	v6 =	vtrunc.f32 v6  }
0x4a9: {  	v42 =	vmin.f32 v30, $3.276700000e+04;
	v6 =	vcvt.f32.s32 v6;
	[tilespmem:s9+$0x1E070] =	vst v3  }
0x4aa: {  	v43 =	vcvt.f32.s32 v21;
	v3 =	vtrunc.f32 v42;
	v7 =	vld.idx.msk [tilespmem:v7+s4+$0x0], $0xffff;
	[tilespmem:s0+$0x1E0F0] =	vst v11  }
0x4ab: {  	v6 =	vadd.s32 $0x8000, v6;
	v3 =	vcvt.f32.s32 v3;
	v11 =	vld.idx.msk [tilespmem:v40+s4+$0x0], $0xffff;
	[tilespmem:s0+$0x1E070] =	vst v13  }
0x4ac: {  	v44 =	vadd.s32 $0x8000, v43;
	v13 =	vld.idx.msk [tilespmem:v41+s4+$0x0], $0xffff  }
0x4ad: {  	v3 =	vadd.s32 $0x8000, v3  }
0x4ae: {  	v45 =	vmax.f32 v34, $-3.276800000e+04  }
0x4af: {  	[tilespmem:s9+$0x1E400] =	vst v7;
	v14 =	vmin.f32 v45, $3.276700000e+04  }
0x4b0: {  	v6 =	vld.idx.msk [tilespmem:v6+s4+$0x0], $0xffff;
	v46 =	vtrunc.f32 v14;
	[tilespmem:s0+$0x1E480] =	vst v11  }
0x4b1: {  	v8 =	vadd.s32 $0x8000, v8;
	v7 =	vcvt.f32.s32 v46;
	v11 =	vld.idx.msk [tilespmem:v44+s4+$0x0], $0xffff;
	[tilespmem:s0+$0x1E400] =	vst v13  }
0x4b2: {  	v47 =	vmul.f32 $4.096000000e+03, v26;
	v10 =	vadd.s32 $0x8000, v10;
	v3 =	vld.idx.msk [tilespmem:v3+s4+$0x0], $0xffff  }
0x4b3: {  	v7 =	vadd.s32 $0x8000, v7  }
0x4b4: {  	v12 =	vmax.f32 v47, $-3.276800000e+04  }
0x4b5: {  	[tilespmem:s9+$0x1E410] =	vst v6;
	v12 =	vmin.f32 v12, $3.276700000e+04  }
0x4b6: {  	v2 =	vmul.f32 $4.096000000e+03, v2;
	v8 =	vld.idx.msk [tilespmem:v8+s4+$0x0], $0xffff;
	v48 =	vtrunc.f32 v12;
	[tilespmem:s0+$0x1E490] =	vst v11  }
0x4b7: {  	v5 =	vadd.s32 $0x8000, v5;
	v6 =	vcvt.f32.s32 v48;
	v10 =	vld.idx.msk [tilespmem:v10+s4+$0x0], $0xffff;
	[tilespmem:s0+$0x1E410] =	vst v3  }
0x4b8: {  	v49 =	vadd.s32 $0x8000, v9;
	v50 =	vmul.f32 $4.096000000e+03, v29;
	v2 =	vmax.f32 v2, $-3.276800000e+04;
	v7 =	vld.idx.msk [tilespmem:v7+s4+$0x0], $0xffff  }
0x4b9: {  	v37 =	vld [tilespmem:s0+$0x16450];
	v2 =	vmin.f32 v2, $3.276700000e+04;
	v6 =	vadd.s32 $0x8000, v6  }
0x4ba: {  	v9 =	vmax.f32 v50, $-3.276800000e+04;
	v2 =	vtrunc.f32 v2  }
0x4bb: {  	v51 =	vmin.f32 v9, $3.276700000e+04;
	v2 =	vcvt.f32.s32 v2;
	[tilespmem:s9+$0x1E420] =	vst v8  }
0x4bc: {  	v4 =	vmul.f32 $4.096000000e+03, v4;
	v1 =	vadd.s32 $0x8000, v1;
	v8 =	vtrunc.f32 v51;
	v5 =	vld.idx.msk [tilespmem:v5+s4+$0x0], $0xffff;
	[tilespmem:s0+$0x1E4A0] =	vst v10  }
0x4bd: {  	v2 =	vadd.s32 $0x8000, v2;
	v8 =	vcvt.f32.s32 v8;
	v3 =	vld.idx.msk [tilespmem:v49+s4+$0x0], $0xffff;
	[tilespmem:s0+$0x1E420] =	vst v7  }
0x4be: {  	v53 =	vadd.s32 $0x8000, v23;
	v4 =	vmax.f32 v4, $-3.276800000e+04;
	v52 =	vmul.f32 $4.096000000e+03, v37;
	v6 =	vld.idx.msk [tilespmem:v6+s4+$0x0], $0xffff  }
0x4bf: {  	v4 =	vmin.f32 v4, $3.276700000e+04;
	v8 =	vadd.s32 $0x8000, v8  }
0x4c0: {  	v4 =	vtrunc.f32 v4;
	[tilespmem:s9+$0x1E4B0] =	vst v22;
	v7 =	vmax.f32 v52, $-3.276800000e+04  }
0x4c1: {  	v4 =	vcvt.f32.s32 v4;
	v1 =	vld.idx.msk [tilespmem:v1+s4+$0x0], $0xffff;
	[tilespmem:s9+$0x1E430] =	vst v5;
	v54 =	vmin.f32 v7, $3.276700000e+04  }
0x4c2: {  	v0 =	vadd.s32 $0x8000, v0;
	v2 =	vld.idx.msk [tilespmem:v2+s4+$0x0], $0xffff;
	[tilespmem:s0+$0x1E4B0] =	vst v3;
	v5 =	vtrunc.f32 v54  }
0x4c3: {  	v55 =	vadd.s32 $0x8000, v4;
	v57 =	vld.idx.msk [tilespmem:v53+s4+$0x0], $0xffff;
	v56 =	vcvt.f32.s32 v5;
	[tilespmem:s0+$0x1E430] =	vst v6  }
0x4c4: {  	v58 =	vadd.s32 $0x8000, v24;
	v59 =	vld.idx.msk [tilespmem:v8+s4+$0x0], $0xffff  }
0x4c5: {  	v4 =	vadd.s32 $0x8000, v56  }
0x4c6: {  	[tilespmem:s9+$0x1E4C0] =	vst v1  }
0x4c7: {  	v0 =	vld.idx.msk [tilespmem:v0+s4+$0x0], $0xffff;
	[tilespmem:s9+$0x1E440] =	vst v2  }
0x4c8: {  	v60 =	vld.idx.msk [tilespmem:v55+s4+$0x0], $0xffff;
	[tilespmem:s0+$0x1E4C0] =	vst v57  }
0x4c9: {  	v61 =	vld.idx.msk [tilespmem:v58+s4+$0x0], $0xffff;
	[tilespmem:s0+$0x1E440] =	vst v59  }
0x4ca: {  	s5 =	sadd.s32 $0x1, s5;
	v62 =	vld.idx.msk [tilespmem:v4+s4+$0x0], $0xffff  }
0x4cb: {  	p0 =	sne.s32 s5, $0x2A;
	[tilespmem:s7+$0x1E450] =	vst v25  }
.Ltmp7:
0x4cc: {  	[tilespmem:s9+$0x1E4D0] =	vst v0;
	(pc) =	sbr.rel @p0 .LBB2_2-.Ltmp7, $4  }
0x4cd: {  	[tilespmem:s9+$0x1E450] =	vst v60  }
0x4ce: {  	[tilespmem:s0+$0x1E4D0] =	vst v61  }
0x4cf: {  	s21 =	sadd.s32 s3, s8;
	[tilespmem:s0+$0x1E450] =	vst v62  }
0x4d0: {  	[hbm4b:s21+s4] =	stream.linear.scatter [tilespmem:s31], [sflag:$0x8], $0x2000, $0x38;
	v63 =	vld [tilespmem:$0x0]  }
0x4d1: {  	s0 =	simm.s32 $0x5  }
0x4d2: {  	_ =	swait.ge [sflag:s0], $0x2000  }
0x4d3: {  	[sflag:s0] =	ssyncset.done $0x0  }
0x4d4: {  	s19 =	simm.s32 $0x6;
	[sflag:s0] =	ssyncadd.s32 $0xFFFFE000  }
0x4d5: {  	_ =	swait.ge [sflag:s19], $0x2000  }
0x4d6: {  	[sflag:s19] =	ssyncset.done $0x0  }
0x4d7: {  	s20 =	simm.s32 $0x7;
	[sflag:s19] =	ssyncadd.s32 $0xFFFFE000  }
0x4d8: {  	_ =	swait.ge [sflag:s20], $0x2000  }
0x4d9: {  	[sflag:s20] =	ssyncset.done $0x0  }
0x4da: {  	[sflag:s20] =	ssyncadd.s32 $0xFFFFE000  }
0x4db: {  	_ =	swait.ge [sflag:s30], $0x2000  }
0x4dc: {  	s2 =	rddreg [dreg:$0xa]  }
0x4dd: {  	s21 =	rddreg [dreg:$0x9];
	s2 =	sadd.s32 $0x1, s2  }
0x4de: {  	p0 =	sne.s32 s2, s21  }
.Ltmp8:
0x4df: {  	_ = 	snop;
	(pc) =	sbr.rel @p0 .LBB2_1-.Ltmp8, $3  }
0x4e0: {  	_ =	sdelay $0x1  }
0x4e1: {  	[sflag:s30] =	ssyncset.done $0x0  }
0x4e2: {  	[sflag:s30] =	ssyncadd.s32 $0xFFFFE000  }
0x4e3: {  	_ =	sfence.sel $0x180000  }
0x4e4: {  	[bflag:$0x0] =	sbarrier.arrive $0xFFFF  }
0x4e5: {  	_ =	strace $0x90000047  }
0x4e6: {  	s0 =	stileid.u32;
	[bflag:$0x2] =	sbarrier.arrive $0xFFFF  }
0x4e7: {  	p0 =	sne.s32 s0, $0x0;
	s0 =	rddreg [dreg:$0x3]  }
0x4e8: {  	s0 =	sadd.s32 @!p0 $0x100000, s0  }
0x4e9: {  	[sflag:s0] =	ssyncadd.tile.s32 @!p0 $0x1;
	_ =	shalt  }
.Lfunc_end2:
_tile_overlayer_lowered:
.L_overlay_start_2:
0x4ea: {  	(tag) =	ssettag $0x2  }
0x4eb: {  	s0 =	rddreg [dreg:$0x0];
	s2 =	stileid.u32  }
0x4ec: {  	s1 =	rddreg [dreg:$0x1];
	p0 =	sne.s32 s2, $0x0  }
0x4ed: {  	s3 =	rddreg [dreg:$0x2];
	[bflag:$0x3] =	sbarrier.arrive $0xFFFF;
	s2 =	simm.s32 @!p0 $0x1C09  }
0x4ee: {  	[timem:s3], [sflag:s2] =	dma.local @!p0 [hbm:s0], s1  }
0x4ef: {  	s0 =	simm.s32 @!p0 $0x9  }
0x4f0: {  	_ =	swait.ge @!p0 [sflag:s0], s1  }
0x4f1: {  	s1 =	ssub.s32 @!p0 $0x0, s1;
	[sflag:s0] =	ssyncset.done @!p0 $0x0  }
0x4f2: {  	[sflag:s0] =	ssyncadd.s32 @!p0 s1  }
0x4f3: {  	[bflag:$0x3] =	sbarrier.arrive $0xFFFF  }
0x4f4: {  	_ =	shalt  }

</sc_bundles>
